<compile_context>
chip_gen: v7x
topology: tpu7x:2x2x1
jax: 0.10.2.dev20260603
libtpu: 0.0.44.dev20260713+nightly
codegen_flags: <defaults>
</compile_context>

<pallas_src>
import functools

import jax
import jax.numpy as jnp
from jax import lax
from jax.experimental import pallas as pl
from jax.experimental.pallas import tpu as pltpu
from jax.experimental.pallas import tpu_sc as plsc

N_GENE = 10000
N_DISEASE = 10000
E = 320000
D = 128
DW = D // 2

NC = 2
NS = 16
NW = NC * NS
PW = E // NW
G = 128
NCHUNK = PW // G + 1


def _normalize_body(g_ref, d_ref, go_ref, do_ref):
    for ref, oref in ((g_ref, go_ref), (d_ref, do_ref)):
        x = ref[...]
        xn = x / jnp.sqrt(jnp.sum(x * x, axis=1, keepdims=True))
        b = jax.lax.bitcast_convert_type(xn, jnp.uint32)
        r = (b + jnp.uint32(0x7FFF) + ((b >> 16) & jnp.uint32(1))) >> 16
        oref[...] = (r[:, :DW] | (r[:, DW:] << 16)).astype(jnp.int32)


def _normalize(h_gene, h_disease):
    return pl.pallas_call(
        _normalize_body,
        out_shape=(
            jax.ShapeDtypeStruct((N_GENE, DW), jnp.int32),
            jax.ShapeDtypeStruct((N_DISEASE, DW), jnp.int32),
        ),
    )(h_gene, h_disease)


@functools.partial(
    pl.kernel,
    mesh=plsc.VectorSubcoreMesh(core_axis_name="c", subcore_axis_name="s",
                                num_cores=NC),
    out_type=jax.ShapeDtypeStruct((E,), jnp.float32),
    compiler_params=pltpu.CompilerParams(needs_layout_passes=False,
                                         use_tc_tiling_on_sc=False),
    scratch_types=[
        pltpu.VMEM((PW,), jnp.int32),
        pltpu.VMEM((PW,), jnp.int32),
        pltpu.VMEM((G, DW), jnp.int32),
        pltpu.VMEM((G, DW), jnp.int32),
        pltpu.VMEM((G, DW), jnp.int32),
        pltpu.VMEM((G, DW), jnp.int32),
        pltpu.VMEM((G, DW), jnp.int32),
        pltpu.VMEM((G, DW), jnp.int32),
        pltpu.VMEM((G, DW), jnp.int32),
        pltpu.VMEM((G, DW), jnp.int32),
        pltpu.VMEM((PW,), jnp.float32),
        pltpu.SemaphoreType.DMA,
        pltpu.SemaphoreType.DMA,
        pltpu.SemaphoreType.DMA,
        pltpu.SemaphoreType.DMA,
    ],
)
def _edge_dots(hg_hbm, hd_hbm, src_hbm, dst_hbm, out_hbm,
               src_v, dst_v, u0, v0, u1, v1, u2, v2, u3, v3, o_v,
               s0, s1, s2, s3):
    wid = lax.axis_index("s") * NC + lax.axis_index("c")
    base = pl.multiple_of(wid * PW, 8)

    pltpu.sync_copy(src_hbm.at[pl.ds(base, PW)], src_v)
    pltpu.sync_copy(dst_hbm.at[pl.ds(base, PW)], dst_v)

    iota16 = lax.iota(jnp.int32, 16)

    def issue(c, ub, vb, sem):
        off = pl.multiple_of(jnp.minimum(c * G, PW - G), 8)
        pltpu.async_copy(hg_hbm.at[src_v.at[pl.ds(off, G)]], ub, sem)
        pltpu.async_copy(hd_hbm.at[dst_v.at[pl.ds(off, G)]], vb, sem)

    def wait2(ub, vb, sem):
        pltpu.make_async_copy(hg_hbm.at[src_v.at[pl.ds(0, G)]], ub, sem).wait()
        pltpu.make_async_copy(hd_hbm.at[dst_v.at[pl.ds(0, G)]], vb, sem).wait()

    NG = G // 16

    def compute(c, ub, vb):
        off = pl.multiple_of(jnp.minimum(c * G, PW - G), 8)
        zero = jnp.zeros((16,), jnp.float32)
        rows = [iota16 + (g * 16) for g in range(NG)]

        def w_body(i, accs):
            col = (iota16 + i) & (DW - 1)
            new = []
            for g in range(NG):
                uw = plsc.load_gather(ub, [rows[g], col])
                vw = plsc.load_gather(vb, [rows[g], col])
                pw = plsc.bitcast(uw, jnp.bfloat16) * \
                    plsc.bitcast(vw, jnp.bfloat16)
                p0, p1 = plsc.unpack(pw, format=plsc.PackFormat.INTERLEAVED,
                                     preferred_element_type=jnp.float32)
                new.append((accs[g] + p0) + p1)
            return tuple(new)

        accs = lax.fori_loop(0, DW, w_body, (zero,) * NG, unroll=2)
        for g in range(NG):
            o_v[pl.ds(off + g * 16, 16)] = accs[g]

    bufs = ((u0, v0, s0), (u1, v1, s1), (u2, v2, s2), (u3, v3, s3))
    for b in range(4):
        issue(b, *bufs[b])

    def quad_body(t, _):
        c0 = 4 * t
        for b in range(4):
            c = c0 + b
            ub, vb, sb = bufs[b]
            wait2(ub, vb, sb)
            compute(c, ub, vb)

            @pl.when(c + 4 < NCHUNK)
            def _():
                issue(c + 4, ub, vb, sb)
        return 0

    NQUAD = (NCHUNK - 3) // 4
    lax.fori_loop(0, NQUAD, quad_body, 0)
    for c in range(4 * NQUAD, NCHUNK):
        ub, vb, sb = bufs[c % 4]
        wait2(ub, vb, sb)
        compute(c, ub, vb)
    pltpu.sync_copy(o_v, out_hbm.at[pl.ds(base, PW)])


def kernel(h_gene, h_disease, edge_index):
    gi, di = _normalize(h_gene, h_disease)
    src = edge_index[0].astype(jnp.int32)
    dst = edge_index[1].astype(jnp.int32)
    out = _edge_dots(gi, di, src, dst)
    return out.reshape(E, 1)

# --- scband reference (transcript-rebuilt; emitter-appended) ---
"""Pipeline reference for scband-hetero-dot-product-predictor-8332236554760 (READ-ONLY COPY).

The authoritative reference and input builder live on the scoring server;
editing this copy changes nothing except your own understanding.
"""

import jax, jax.numpy as jnp
import numpy as np

N_GENE = 10000
N_DISEASE = 10000
E = 320000
D = 128

def setup_inputs(seed: int = 0) -> dict:
    key = jax.random.key(seed)
    k1, k2, k3 = jax.random.split(key, 3)
    h_gene = jax.random.normal(k1, (N_GENE, D), dtype=jnp.float32)
    h_disease = jax.random.normal(k2, (N_DISEASE, D), dtype=jnp.float32)
    edge_index = jax.random.randint(k3, (2, E), 0, N_GENE, dtype=jnp.int64)
    return {"h_gene": h_gene, "h_disease": h_disease, "edge_index": edge_index}

def reference(h_gene, h_disease, edge_index):
    # HeteroDotProductPredictor forward on etype (gene -> disease):
    # per-node L2 norms (keepdim) for both node types
    norm_d = jnp.linalg.norm(h_disease, ord=2, axis=1, keepdims=True)  # [N_d, 1]
    norm_g = jnp.linalg.norm(h_gene, ord=2, axis=1, keepdims=True)    # [N_g, 1]
    src = edge_index[0]  # gene node ids (u)
    dst = edge_index[1]  # disease node ids (v)
    # apply_edges(fn.u_dot_v('h','h','score')) with h = raw features
    u = jnp.take(h_gene, src, axis=0)      # [E, D] gather
    v = jnp.take(h_disease, dst, axis=0)   # [E, D] gather
    _dot = jnp.sum(u * v, axis=1, keepdims=True)  # [E, 1]
    # apply_edges(fn.u_dot_v('h','h','score')) with h = per-node norms (dim 1)
    nu = jnp.take(norm_g, src, axis=0)     # [E, 1]
    nv = jnp.take(norm_d, dst, axis=0)     # [E, 1]
    _mou = jnp.sum(nu * nv, axis=1, keepdims=True)  # [E, 1]
    return _dot / _mou

if False:  # reference __main__ guard neutralized (emitter)
    out = reference(**setup_inputs())
    print(out.shape, out.dtype)

if __name__ == "__main__":
    import jax
    _d = setup_inputs()
    print(jax.jit(kernel)(*tuple(_d.values())))

</pallas_src>

<mosaic_0001>
#map = affine_map<(d0, d1) -> (0, 0)>
#map1 = affine_map<(d0, d1) -> (0)>
module attributes {stable_mosaic.version = 14 : i64} {
  func.func @_edge_dots(%arg0: i32, %arg1: i32, %arg2: memref<10000x64xi32, #tpu.memory_space<hbm>>, %arg3: memref<10000x64xi32, #tpu.memory_space<hbm>>, %arg4: memref<320000xi32, #tpu.memory_space<hbm>>, %arg5: memref<320000xi32, #tpu.memory_space<hbm>>, %arg6: memref<320000xf32, #tpu.memory_space<hbm>>, %arg7: memref<10000xi32, #tpu.memory_space<vmem>>, %arg8: memref<10000xi32, #tpu.memory_space<vmem>>, %arg9: memref<128x64xi32, #tpu.memory_space<vmem>>, %arg10: memref<128x64xi32, #tpu.memory_space<vmem>>, %arg11: memref<128x64xi32, #tpu.memory_space<vmem>>, %arg12: memref<128x64xi32, #tpu.memory_space<vmem>>, %arg13: memref<128x64xi32, #tpu.memory_space<vmem>>, %arg14: memref<128x64xi32, #tpu.memory_space<vmem>>, %arg15: memref<128x64xi32, #tpu.memory_space<vmem>>, %arg16: memref<128x64xi32, #tpu.memory_space<vmem>>, %arg17: memref<10000xf32, #tpu.memory_space<vmem>>, %arg18: memref<!tpu.dma_semaphore, #tpu.memory_space<semaphore_mem>>, %arg19: memref<!tpu.dma_semaphore, #tpu.memory_space<semaphore_mem>>, %arg20: memref<!tpu.dma_semaphore, #tpu.memory_space<semaphore_mem>>, %arg21: memref<!tpu.dma_semaphore, #tpu.memory_space<semaphore_mem>>) attributes {dimension_semantics = [#tpu.dimension_semantics<core_parallel>, #tpu.dimension_semantics<subcore_parallel>], iteration_bounds = array<i64: 2, 16>, scalar_prefetch = 0 : i64, scratch_operands = 15 : i64, tpu.core_type = #tpu.core_type<sc_vector_subcore>, window_params = [{transform_indices = #map}, {transform_indices = #map}, {transform_indices = #map1}, {transform_indices = #map1}, {transform_indices = #map1}]} {
    %mul3A = arith.constant 2 : i32
    %mul3A_0 = arith.muli %arg1, %mul3A : i32
    %add3A = arith.addi %mul3A_0, %arg0 : i32
    %mul3A_1 = arith.constant 10000 : i32
    %mul3A_2 = arith.muli %add3A, %mul3A_1 : i32
    %multiple_of3A = tpu.assume_multiple %mul3A_2, 8 : i32
    "tpu.region"() ({
      %run_scoped3A = tpu.sem_alloc : memref<!tpu.dma_semaphore, #tpu.memory_space<semaphore_mem>>
      %dma_start3A_286 = tpu.memref_slice %arg4[%multiple_of3A] : memref<320000xi32, #tpu.memory_space<hbm>> -> memref<10000xi32, #tpu.memory_space<hbm>>
      %dma_start3A_287 = tpu.memref_slice %arg4[%multiple_of3A] : memref<320000xi32, #tpu.memory_space<hbm>> -> memref<10000xi32, #tpu.memory_space<hbm>>
      tpu.enqueue_dma source(%dma_start3A_287 : memref<10000xi32, #tpu.memory_space<hbm>>) target(%arg7 : memref<10000xi32, #tpu.memory_space<vmem>>) target_semaphore(%run_scoped3A : memref<!tpu.dma_semaphore, #tpu.memory_space<semaphore_mem>>)
      %dma_wait3A_288 = tpu.memref_slice %arg4[%multiple_of3A] : memref<320000xi32, #tpu.memory_space<hbm>> -> memref<10000xi32, #tpu.memory_space<hbm>>
      %dma_wait3A_289 = tpu.memref_slice %arg4[%multiple_of3A] : memref<320000xi32, #tpu.memory_space<hbm>> -> memref<10000xi32, #tpu.memory_space<hbm>>
      tpu.wait_dma2 semaphore(%run_scoped3A : memref<!tpu.dma_semaphore, #tpu.memory_space<semaphore_mem>>) src(%dma_wait3A_289 : memref<10000xi32, #tpu.memory_space<hbm>>) dst(%arg7 : memref<10000xi32, #tpu.memory_space<vmem>>)
      tpu.yield
    }) : () -> ()
    "tpu.region"() ({
      %run_scoped3A = tpu.sem_alloc : memref<!tpu.dma_semaphore, #tpu.memory_space<semaphore_mem>>
      %dma_start3A_286 = tpu.memref_slice %arg5[%multiple_of3A] : memref<320000xi32, #tpu.memory_space<hbm>> -> memref<10000xi32, #tpu.memory_space<hbm>>
      %dma_start3A_287 = tpu.memref_slice %arg5[%multiple_of3A] : memref<320000xi32, #tpu.memory_space<hbm>> -> memref<10000xi32, #tpu.memory_space<hbm>>
      tpu.enqueue_dma source(%dma_start3A_287 : memref<10000xi32, #tpu.memory_space<hbm>>) target(%arg8 : memref<10000xi32, #tpu.memory_space<vmem>>) target_semaphore(%run_scoped3A : memref<!tpu.dma_semaphore, #tpu.memory_space<semaphore_mem>>)
      %dma_wait3A_288 = tpu.memref_slice %arg5[%multiple_of3A] : memref<320000xi32, #tpu.memory_space<hbm>> -> memref<10000xi32, #tpu.memory_space<hbm>>
      %dma_wait3A_289 = tpu.memref_slice %arg5[%multiple_of3A] : memref<320000xi32, #tpu.memory_space<hbm>> -> memref<10000xi32, #tpu.memory_space<hbm>>
      tpu.wait_dma2 semaphore(%run_scoped3A : memref<!tpu.dma_semaphore, #tpu.memory_space<semaphore_mem>>) src(%dma_wait3A_289 : memref<10000xi32, #tpu.memory_space<hbm>>) dst(%arg8 : memref<10000xi32, #tpu.memory_space<vmem>>)
      tpu.yield
    }) : () -> ()
    %iota3A = tpu.iota {dimensions = array<i32: 0>} : vector<16xi32>
    %min3A = arith.constant 0 : i32
    %min3A_3 = arith.constant 9872 : i32
    %min3A_4 = arith.minsi %min3A, %min3A_3 : i32
    %multiple_of3A_5 = tpu.assume_multiple %min3A_4, 8 : i32
    %dma_start3A = tpu.memref_slice %arg7[%multiple_of3A_5] : memref<10000xi32, #tpu.memory_space<vmem>> -> memref<128xi32, #tpu.memory_space<vmem>>
    %dma_start3A_6 = arith.constant 0 : i32
    %dma_start3A_7 = arith.constant 0 : i32
    %dma_start3A_8 = tpu.memref_slice %arg2[%dma_start3A_6, %dma_start3A_7] : memref<10000x64xi32, #tpu.memory_space<hbm>> -> memref<10000x64xi32, #tpu.memory_space<hbm>>
    tpu.enqueue_indirect_dma source(%dma_start3A_8 : memref<10000x64xi32, #tpu.memory_space<hbm>>) target(%arg9 : memref<128x64xi32, #tpu.memory_space<vmem>>) offsets(%dma_start3A : memref<128xi32, #tpu.memory_space<vmem>>) semaphore(%arg18 : memref<!tpu.dma_semaphore, #tpu.memory_space<semaphore_mem>>)
    %dma_start3A_9 = tpu.memref_slice %arg8[%multiple_of3A_5] : memref<10000xi32, #tpu.memory_space<vmem>> -> memref<128xi32, #tpu.memory_space<vmem>>
    %dma_start3A_10 = arith.constant 0 : i32
    %dma_start3A_11 = arith.constant 0 : i32
    %dma_start3A_12 = tpu.memref_slice %arg3[%dma_start3A_10, %dma_start3A_11] : memref<10000x64xi32, #tpu.memory_space<hbm>> -> memref<10000x64xi32, #tpu.memory_space<hbm>>
    tpu.enqueue_indirect_dma source(%dma_start3A_12 : memref<10000x64xi32, #tpu.memory_space<hbm>>) target(%arg10 : memref<128x64xi32, #tpu.memory_space<vmem>>) offsets(%dma_start3A_9 : memref<128xi32, #tpu.memory_space<vmem>>) semaphore(%arg18 : memref<!tpu.dma_semaphore, #tpu.memory_space<semaphore_mem>>)
    %min3A_13 = arith.constant 128 : i32
    %min3A_14 = arith.constant 9872 : i32
    %min3A_15 = arith.minsi %min3A_13, %min3A_14 : i32
    %multiple_of3A_16 = tpu.assume_multiple %min3A_15, 8 : i32
    %dma_start3A_17 = tpu.memref_slice %arg7[%multiple_of3A_16] : memref<10000xi32, #tpu.memory_space<vmem>> -> memref<128xi32, #tpu.memory_space<vmem>>
    %dma_start3A_18 = arith.constant 0 : i32
    %dma_start3A_19 = arith.constant 0 : i32
    %dma_start3A_20 = tpu.memref_slice %arg2[%dma_start3A_18, %dma_start3A_19] : memref<10000x64xi32, #tpu.memory_space<hbm>> -> memref<10000x64xi32, #tpu.memory_space<hbm>>
    tpu.enqueue_indirect_dma source(%dma_start3A_20 : memref<10000x64xi32, #tpu.memory_space<hbm>>) target(%arg11 : memref<128x64xi32, #tpu.memory_space<vmem>>) offsets(%dma_start3A_17 : memref<128xi32, #tpu.memory_space<vmem>>) semaphore(%arg19 : memref<!tpu.dma_semaphore, #tpu.memory_space<semaphore_mem>>)
    %dma_start3A_21 = tpu.memref_slice %arg8[%multiple_of3A_16] : memref<10000xi32, #tpu.memory_space<vmem>> -> memref<128xi32, #tpu.memory_space<vmem>>
    %dma_start3A_22 = arith.constant 0 : i32
    %dma_start3A_23 = arith.constant 0 : i32
    %dma_start3A_24 = tpu.memref_slice %arg3[%dma_start3A_22, %dma_start3A_23] : memref<10000x64xi32, #tpu.memory_space<hbm>> -> memref<10000x64xi32, #tpu.memory_space<hbm>>
    tpu.enqueue_indirect_dma source(%dma_start3A_24 : memref<10000x64xi32, #tpu.memory_space<hbm>>) target(%arg12 : memref<128x64xi32, #tpu.memory_space<vmem>>) offsets(%dma_start3A_21 : memref<128xi32, #tpu.memory_space<vmem>>) semaphore(%arg19 : memref<!tpu.dma_semaphore, #tpu.memory_space<semaphore_mem>>)
    %min3A_25 = arith.constant 256 : i32
    %min3A_26 = arith.constant 9872 : i32
    %min3A_27 = arith.minsi %min3A_25, %min3A_26 : i32
    %multiple_of3A_28 = tpu.assume_multiple %min3A_27, 8 : i32
    %dma_start3A_29 = tpu.memref_slice %arg7[%multiple_of3A_28] : memref<10000xi32, #tpu.memory_space<vmem>> -> memref<128xi32, #tpu.memory_space<vmem>>
    %dma_start3A_30 = arith.constant 0 : i32
    %dma_start3A_31 = arith.constant 0 : i32
    %dma_start3A_32 = tpu.memref_slice %arg2[%dma_start3A_30, %dma_start3A_31] : memref<10000x64xi32, #tpu.memory_space<hbm>> -> memref<10000x64xi32, #tpu.memory_space<hbm>>
    tpu.enqueue_indirect_dma source(%dma_start3A_32 : memref<10000x64xi32, #tpu.memory_space<hbm>>) target(%arg13 : memref<128x64xi32, #tpu.memory_space<vmem>>) offsets(%dma_start3A_29 : memref<128xi32, #tpu.memory_space<vmem>>) semaphore(%arg20 : memref<!tpu.dma_semaphore, #tpu.memory_space<semaphore_mem>>)
    %dma_start3A_33 = tpu.memref_slice %arg8[%multiple_of3A_28] : memref<10000xi32, #tpu.memory_space<vmem>> -> memref<128xi32, #tpu.memory_space<vmem>>
    %dma_start3A_34 = arith.constant 0 : i32
    %dma_start3A_35 = arith.constant 0 : i32
    %dma_start3A_36 = tpu.memref_slice %arg3[%dma_start3A_34, %dma_start3A_35] : memref<10000x64xi32, #tpu.memory_space<hbm>> -> memref<10000x64xi32, #tpu.memory_space<hbm>>
    tpu.enqueue_indirect_dma source(%dma_start3A_36 : memref<10000x64xi32, #tpu.memory_space<hbm>>) target(%arg14 : memref<128x64xi32, #tpu.memory_space<vmem>>) offsets(%dma_start3A_33 : memref<128xi32, #tpu.memory_space<vmem>>) semaphore(%arg20 : memref<!tpu.dma_semaphore, #tpu.memory_space<semaphore_mem>>)
    %min3A_37 = arith.constant 384 : i32
    %min3A_38 = arith.constant 9872 : i32
    %min3A_39 = arith.minsi %min3A_37, %min3A_38 : i32
    %multiple_of3A_40 = tpu.assume_multiple %min3A_39, 8 : i32
    %dma_start3A_41 = tpu.memref_slice %arg7[%multiple_of3A_40] : memref<10000xi32, #tpu.memory_space<vmem>> -> memref<128xi32, #tpu.memory_space<vmem>>
    %dma_start3A_42 = arith.constant 0 : i32
    %dma_start3A_43 = arith.constant 0 : i32
    %dma_start3A_44 = tpu.memref_slice %arg2[%dma_start3A_42, %dma_start3A_43] : memref<10000x64xi32, #tpu.memory_space<hbm>> -> memref<10000x64xi32, #tpu.memory_space<hbm>>
    tpu.enqueue_indirect_dma source(%dma_start3A_44 : memref<10000x64xi32, #tpu.memory_space<hbm>>) target(%arg15 : memref<128x64xi32, #tpu.memory_space<vmem>>) offsets(%dma_start3A_41 : memref<128xi32, #tpu.memory_space<vmem>>) semaphore(%arg21 : memref<!tpu.dma_semaphore, #tpu.memory_space<semaphore_mem>>)
    %dma_start3A_45 = tpu.memref_slice %arg8[%multiple_of3A_40] : memref<10000xi32, #tpu.memory_space<vmem>> -> memref<128xi32, #tpu.memory_space<vmem>>
    %dma_start3A_46 = arith.constant 0 : i32
    %dma_start3A_47 = arith.constant 0 : i32
    %dma_start3A_48 = tpu.memref_slice %arg3[%dma_start3A_46, %dma_start3A_47] : memref<10000x64xi32, #tpu.memory_space<hbm>> -> memref<10000x64xi32, #tpu.memory_space<hbm>>
    tpu.enqueue_indirect_dma source(%dma_start3A_48 : memref<10000x64xi32, #tpu.memory_space<hbm>>) target(%arg16 : memref<128x64xi32, #tpu.memory_space<vmem>>) offsets(%dma_start3A_45 : memref<128xi32, #tpu.memory_space<vmem>>) semaphore(%arg21 : memref<!tpu.dma_semaphore, #tpu.memory_space<semaphore_mem>>)
    %scan3A = arith.constant 0 : i32
    %scan3A_49 = arith.constant 0 : i32
    %scan3A_50 = arith.constant 19 : i32
    %scan3A_51 = arith.addi %scan3A_49, %scan3A_50 : i32
    %scan3A_52 = arith.constant 1 : i32
    %scan3A_53 = scf.for %scan3A_286 = %scan3A_49 to %scan3A_51 step %scan3A_52 iter_args(%scan3A_287 = %scan3A) -> (i32)  : i32 {
      %mul3A_288 = arith.constant 4 : i32
      %mul3A_289 = arith.muli %mul3A_288, %scan3A_286 : i32
      %add3A_290 = arith.constant 0 : i32
      %add3A_291 = arith.addi %mul3A_289, %add3A_290 : i32
      %dma_wait3A_292 = arith.constant 0 : i32
      %dma_wait3A_293 = tpu.memref_slice %arg7[%dma_wait3A_292] : memref<10000xi32, #tpu.memory_space<vmem>> -> memref<128xi32, #tpu.memory_space<vmem>>
      %dma_wait3A_294 = arith.constant 0 : i32
      %dma_wait3A_295 = arith.constant 0 : i32
      %dma_wait3A_296 = tpu.memref_slice %arg2[%dma_wait3A_294, %dma_wait3A_295] : memref<10000x64xi32, #tpu.memory_space<hbm>> -> memref<10000x64xi32, #tpu.memory_space<hbm>>
      tpu.wait_indirect_dma semaphore(%arg18 : memref<!tpu.dma_semaphore, #tpu.memory_space<semaphore_mem>>) src(%dma_wait3A_296 : memref<10000x64xi32, #tpu.memory_space<hbm>>) dst(%arg9 : memref<128x64xi32, #tpu.memory_space<vmem>>)
      %dma_wait3A_297 = arith.constant 0 : i32
      %dma_wait3A_298 = tpu.memref_slice %arg8[%dma_wait3A_297] : memref<10000xi32, #tpu.memory_space<vmem>> -> memref<128xi32, #tpu.memory_space<vmem>>
      %dma_wait3A_299 = arith.constant 0 : i32
      %dma_wait3A_300 = arith.constant 0 : i32
      %dma_wait3A_301 = tpu.memref_slice %arg3[%dma_wait3A_299, %dma_wait3A_300] : memref<10000x64xi32, #tpu.memory_space<hbm>> -> memref<10000x64xi32, #tpu.memory_space<hbm>>
      tpu.wait_indirect_dma semaphore(%arg18 : memref<!tpu.dma_semaphore, #tpu.memory_space<semaphore_mem>>) src(%dma_wait3A_301 : memref<10000x64xi32, #tpu.memory_space<hbm>>) dst(%arg10 : memref<128x64xi32, #tpu.memory_space<vmem>>)
      %mul3A_302 = arith.constant 128 : i32
      %mul3A_303 = arith.muli %add3A_291, %mul3A_302 : i32
      %min3A_304 = arith.constant 9872 : i32
      %min3A_305 = arith.minsi %mul3A_303, %min3A_304 : i32
      %multiple_of3A_306 = tpu.assume_multiple %min3A_305, 8 : i32
      %broadcast_in_dim3A_307 = arith.constant 0.000000e+00 : f32
      %broadcast_in_dim3A_308 = vector.broadcast %broadcast_in_dim3A_307 : f32 to vector<16xf32>
      %add3A_309 = arith.constant 0 : i32
      %add3A_310 = vector.broadcast %add3A_309 : i32 to vector<16xi32>
      %add3A_311 = arith.addi %iota3A, %add3A_310 : vector<16xi32>
      %add3A_312 = arith.constant 16 : i32
      %add3A_313 = vector.broadcast %add3A_312 : i32 to vector<16xi32>
      %add3A_314 = arith.addi %iota3A, %add3A_313 : vector<16xi32>
      %add3A_315 = arith.constant 32 : i32
      %add3A_316 = vector.broadcast %add3A_315 : i32 to vector<16xi32>
      %add3A_317 = arith.addi %iota3A, %add3A_316 : vector<16xi32>
      %add3A_318 = arith.constant 48 : i32
      %add3A_319 = vector.broadcast %add3A_318 : i32 to vector<16xi32>
      %add3A_320 = arith.addi %iota3A, %add3A_319 : vector<16xi32>
      %add3A_321 = arith.constant 64 : i32
      %add3A_322 = vector.broadcast %add3A_321 : i32 to vector<16xi32>
      %add3A_323 = arith.addi %iota3A, %add3A_322 : vector<16xi32>
      %add3A_324 = arith.constant 80 : i32
      %add3A_325 = vector.broadcast %add3A_324 : i32 to vector<16xi32>
      %add3A_326 = arith.addi %iota3A, %add3A_325 : vector<16xi32>
      %add3A_327 = arith.constant 96 : i32
      %add3A_328 = vector.broadcast %add3A_327 : i32 to vector<16xi32>
      %add3A_329 = arith.addi %iota3A, %add3A_328 : vector<16xi32>
      %add3A_330 = arith.constant 112 : i32
      %add3A_331 = vector.broadcast %add3A_330 : i32 to vector<16xi32>
      %add3A_332 = arith.addi %iota3A, %add3A_331 : vector<16xi32>
      %scan3A_333 = arith.constant 0 : i32
      %scan3A_334 = arith.constant 64 : i32
      %scan3A_335 = arith.addi %scan3A_333, %scan3A_334 : i32
      %scan3A_336 = arith.constant 2 : i32
      %scan3A_337:8 = scf.for %scan3A_640 = %scan3A_333 to %scan3A_335 step %scan3A_336 iter_args(%scan3A_641 = %broadcast_in_dim3A_308, %scan3A_642 = %broadcast_in_dim3A_308, %scan3A_643 = %broadcast_in_dim3A_308, %scan3A_644 = %broadcast_in_dim3A_308, %scan3A_645 = %broadcast_in_dim3A_308, %scan3A_646 = %broadcast_in_dim3A_308, %scan3A_647 = %broadcast_in_dim3A_308, %scan3A_648 = %broadcast_in_dim3A_308) -> (vector<16xf32>, vector<16xf32>, vector<16xf32>, vector<16xf32>, vector<16xf32>, vector<16xf32>, vector<16xf32>, vector<16xf32>)  : i32 {
        %add3A_649 = vector.broadcast %scan3A_640 : i32 to vector<16xi32>
        %add3A_650 = arith.addi %iota3A, %add3A_649 : vector<16xi32>
        %and3A = arith.constant 63 : i32
        %and3A_651 = vector.broadcast %and3A : i32 to vector<16xi32>
        %and3A_652 = arith.andi %add3A_650, %and3A_651 : vector<16xi32>
        %gather3A = tpu.vector_load_idx %arg9[%add3A_311, %and3A_652] : memref<128x64xi32, #tpu.memory_space<vmem>>[vector<16xi32>, vector<16xi32>], vector<16xi32>,
        %gather3A_653 = tpu.vector_load_idx %arg10[%add3A_311, %and3A_652] : memref<128x64xi32, #tpu.memory_space<vmem>>[vector<16xi32>, vector<16xi32>], vector<16xi32>,
        %bitcast3A = vector.bitcast %gather3A : vector<16xi32> to vector<32xbf16>
        %bitcast3A_654 = vector.bitcast %gather3A_653 : vector<16xi32> to vector<32xbf16>
        %mul3A_655 = arith.mulf %bitcast3A, %bitcast3A_654 : vector<32xbf16>
        %unpack3A = tpu.unpack_subelements %mul3A_655, 0 {pack_format = #tpu.pack_format<interleaved>} : vector<32xbf16> -> vector<16xf32>
        %unpack3A_656 = tpu.unpack_subelements %mul3A_655, 1 {pack_format = #tpu.pack_format<interleaved>} : vector<32xbf16> -> vector<16xf32>
        %add3A_657 = arith.addf %scan3A_641, %unpack3A : vector<16xf32>
        %add3A_658 = arith.addf %add3A_657, %unpack3A_656 : vector<16xf32>
        %gather3A_659 = tpu.vector_load_idx %arg9[%add3A_314, %and3A_652] : memref<128x64xi32, #tpu.memory_space<vmem>>[vector<16xi32>, vector<16xi32>], vector<16xi32>,
        %gather3A_660 = tpu.vector_load_idx %arg10[%add3A_314, %and3A_652] : memref<128x64xi32, #tpu.memory_space<vmem>>[vector<16xi32>, vector<16xi32>], vector<16xi32>,
        %bitcast3A_661 = vector.bitcast %gather3A_659 : vector<16xi32> to vector<32xbf16>
        %bitcast3A_662 = vector.bitcast %gather3A_660 : vector<16xi32> to vector<32xbf16>
        %mul3A_663 = arith.mulf %bitcast3A_661, %bitcast3A_662 : vector<32xbf16>
        %unpack3A_664 = tpu.unpack_subelements %mul3A_663, 0 {pack_format = #tpu.pack_format<interleaved>} : vector<32xbf16> -> vector<16xf32>
        %unpack3A_665 = tpu.unpack_subelements %mul3A_663, 1 {pack_format = #tpu.pack_format<interleaved>} : vector<32xbf16> -> vector<16xf32>
        %add3A_666 = arith.addf %scan3A_642, %unpack3A_664 : vector<16xf32>
        %add3A_667 = arith.addf %add3A_666, %unpack3A_665 : vector<16xf32>
        %gather3A_668 = tpu.vector_load_idx %arg9[%add3A_317, %and3A_652] : memref<128x64xi32, #tpu.memory_space<vmem>>[vector<16xi32>, vector<16xi32>], vector<16xi32>,
        %gather3A_669 = tpu.vector_load_idx %arg10[%add3A_317, %and3A_652] : memref<128x64xi32, #tpu.memory_space<vmem>>[vector<16xi32>, vector<16xi32>], vector<16xi32>,
        %bitcast3A_670 = vector.bitcast %gather3A_668 : vector<16xi32> to vector<32xbf16>
        %bitcast3A_671 = vector.bitcast %gather3A_669 : vector<16xi32> to vector<32xbf16>
        %mul3A_672 = arith.mulf %bitcast3A_670, %bitcast3A_671 : vector<32xbf16>
        %unpack3A_673 = tpu.unpack_subelements %mul3A_672, 0 {pack_format = #tpu.pack_format<interleaved>} : vector<32xbf16> -> vector<16xf32>
        %unpack3A_674 = tpu.unpack_subelements %mul3A_672, 1 {pack_format = #tpu.pack_format<interleaved>} : vector<32xbf16> -> vector<16xf32>
        %add3A_675 = arith.addf %scan3A_643, %unpack3A_673 : vector<16xf32>
        %add3A_676 = arith.addf %add3A_675, %unpack3A_674 : vector<16xf32>
        %gather3A_677 = tpu.vector_load_idx %arg9[%add3A_320, %and3A_652] : memref<128x64xi32, #tpu.memory_space<vmem>>[vector<16xi32>, vector<16xi32>], vector<16xi32>,
        %gather3A_678 = tpu.vector_load_idx %arg10[%add3A_320, %and3A_652] : memref<128x64xi32, #tpu.memory_space<vmem>>[vector<16xi32>, vector<16xi32>], vector<16xi32>,
        %bitcast3A_679 = vector.bitcast %gather3A_677 : vector<16xi32> to vector<32xbf16>
        %bitcast3A_680 = vector.bitcast %gather3A_678 : vector<16xi32> to vector<32xbf16>
        %mul3A_681 = arith.mulf %bitcast3A_679, %bitcast3A_680 : vector<32xbf16>
        %unpack3A_682 = tpu.unpack_subelements %mul3A_681, 0 {pack_format = #tpu.pack_format<interleaved>} : vector<32xbf16> -> vector<16xf32>
        %unpack3A_683 = tpu.unpack_subelements %mul3A_681, 1 {pack_format = #tpu.pack_format<interleaved>} : vector<32xbf16> -> vector<16xf32>
        %add3A_684 = arith.addf %scan3A_644, %unpack3A_682 : vector<16xf32>
        %add3A_685 = arith.addf %add3A_684, %unpack3A_683 : vector<16xf32>
        %gather3A_686 = tpu.vector_load_idx %arg9[%add3A_323, %and3A_652] : memref<128x64xi32, #tpu.memory_space<vmem>>[vector<16xi32>, vector<16xi32>], vector<16xi32>,
        %gather3A_687 = tpu.vector_load_idx %arg10[%add3A_323, %and3A_652] : memref<128x64xi32, #tpu.memory_space<vmem>>[vector<16xi32>, vector<16xi32>], vector<16xi32>,
        %bitcast3A_688 = vector.bitcast %gather3A_686 : vector<16xi32> to vector<32xbf16>
        %bitcast3A_689 = vector.bitcast %gather3A_687 : vector<16xi32> to vector<32xbf16>
        %mul3A_690 = arith.mulf %bitcast3A_688, %bitcast3A_689 : vector<32xbf16>
        %unpack3A_691 = tpu.unpack_subelements %mul3A_690, 0 {pack_format = #tpu.pack_format<interleaved>} : vector<32xbf16> -> vector<16xf32>
        %unpack3A_692 = tpu.unpack_subelements %mul3A_690, 1 {pack_format = #tpu.pack_format<interleaved>} : vector<32xbf16> -> vector<16xf32>
        %add3A_693 = arith.addf %scan3A_645, %unpack3A_691 : vector<16xf32>
        %add3A_694 = arith.addf %add3A_693, %unpack3A_692 : vector<16xf32>
        %gather3A_695 = tpu.vector_load_idx %arg9[%add3A_326, %and3A_652] : memref<128x64xi32, #tpu.memory_space<vmem>>[vector<16xi32>, vector<16xi32>], vector<16xi32>,
        %gather3A_696 = tpu.vector_load_idx %arg10[%add3A_326, %and3A_652] : memref<128x64xi32, #tpu.memory_space<vmem>>[vector<16xi32>, vector<16xi32>], vector<16xi32>,
        %bitcast3A_697 = vector.bitcast %gather3A_695 : vector<16xi32> to vector<32xbf16>
        %bitcast3A_698 = vector.bitcast %gather3A_696 : vector<16xi32> to vector<32xbf16>
        %mul3A_699 = arith.mulf %bitcast3A_697, %bitcast3A_698 : vector<32xbf16>
        %unpack3A_700 = tpu.unpack_subelements %mul3A_699, 0 {pack_format = #tpu.pack_format<interleaved>} : vector<32xbf16> -> vector<16xf32>
        %unpack3A_701 = tpu.unpack_subelements %mul3A_699, 1 {pack_format = #tpu.pack_format<interleaved>} : vector<32xbf16> -> vector<16xf32>
        %add3A_702 = arith.addf %scan3A_646, %unpack3A_700 : vector<16xf32>
        %add3A_703 = arith.addf %add3A_702, %unpack3A_701 : vector<16xf32>
        %gather3A_704 = tpu.vector_load_idx %arg9[%add3A_329, %and3A_652] : memref<128x64xi32, #tpu.memory_space<vmem>>[vector<16xi32>, vector<16xi32>], vector<16xi32>,
        %gather3A_705 = tpu.vector_load_idx %arg10[%add3A_329, %and3A_652] : memref<128x64xi32, #tpu.memory_space<vmem>>[vector<16xi32>, vector<16xi32>], vector<16xi32>,
        %bitcast3A_706 = vector.bitcast %gather3A_704 : vector<16xi32> to vector<32xbf16>
        %bitcast3A_707 = vector.bitcast %gather3A_705 : vector<16xi32> to vector<32xbf16>
        %mul3A_708 = arith.mulf %bitcast3A_706, %bitcast3A_707 : vector<32xbf16>
        %unpack3A_709 = tpu.unpack_subelements %mul3A_708, 0 {pack_format = #tpu.pack_format<interleaved>} : vector<32xbf16> -> vector<16xf32>
        %unpack3A_710 = tpu.unpack_subelements %mul3A_708, 1 {pack_format = #tpu.pack_format<interleaved>} : vector<32xbf16> -> vector<16xf32>
        %add3A_711 = arith.addf %scan3A_647, %unpack3A_709 : vector<16xf32>
        %add3A_712 = arith.addf %add3A_711, %unpack3A_710 : vector<16xf32>
        %gather3A_713 = tpu.vector_load_idx %arg9[%add3A_332, %and3A_652] : memref<128x64xi32, #tpu.memory_space<vmem>>[vector<16xi32>, vector<16xi32>], vector<16xi32>,
        %gather3A_714 = tpu.vector_load_idx %arg10[%add3A_332, %and3A_652] : memref<128x64xi32, #tpu.memory_space<vmem>>[vector<16xi32>, vector<16xi32>], vector<16xi32>,
        %bitcast3A_715 = vector.bitcast %gather3A_713 : vector<16xi32> to vector<32xbf16>
        %bitcast3A_716 = vector.bitcast %gather3A_714 : vector<16xi32> to vector<32xbf16>
        %mul3A_717 = arith.mulf %bitcast3A_715, %bitcast3A_716 : vector<32xbf16>
        %unpack3A_718 = tpu.unpack_subelements %mul3A_717, 0 {pack_format = #tpu.pack_format<interleaved>} : vector<32xbf16> -> vector<16xf32>
        %unpack3A_719 = tpu.unpack_subelements %mul3A_717, 1 {pack_format = #tpu.pack_format<interleaved>} : vector<32xbf16> -> vector<16xf32>
        %add3A_720 = arith.addf %scan3A_648, %unpack3A_718 : vector<16xf32>
        %add3A_721 = arith.addf %add3A_720, %unpack3A_719 : vector<16xf32>
        %scan3A_722 = arith.constant 1 : i32
        %scan3A_723 = arith.addi %scan3A_640, %scan3A_722 : i32
        %add3A_724 = vector.broadcast %scan3A_723 : i32 to vector<16xi32>
        %add3A_725 = arith.addi %iota3A, %add3A_724 : vector<16xi32>
        %and3A_726 = arith.constant 63 : i32
        %and3A_727 = vector.broadcast %and3A_726 : i32 to vector<16xi32>
        %and3A_728 = arith.andi %add3A_725, %and3A_727 : vector<16xi32>
        %gather3A_729 = tpu.vector_load_idx %arg9[%add3A_311, %and3A_728] : memref<128x64xi32, #tpu.memory_space<vmem>>[vector<16xi32>, vector<16xi32>], vector<16xi32>,
        %gather3A_730 = tpu.vector_load_idx %arg10[%add3A_311, %and3A_728] : memref<128x64xi32, #tpu.memory_space<vmem>>[vector<16xi32>, vector<16xi32>], vector<16xi32>,
        %bitcast3A_731 = vector.bitcast %gather3A_729 : vector<16xi32> to vector<32xbf16>
        %bitcast3A_732 = vector.bitcast %gather3A_730 : vector<16xi32> to vector<32xbf16>
        %mul3A_733 = arith.mulf %bitcast3A_731, %bitcast3A_732 : vector<32xbf16>
        %unpack3A_734 = tpu.unpack_subelements %mul3A_733, 0 {pack_format = #tpu.pack_format<interleaved>} : vector<32xbf16> -> vector<16xf32>
        %unpack3A_735 = tpu.unpack_subelements %mul3A_733, 1 {pack_format = #tpu.pack_format<interleaved>} : vector<32xbf16> -> vector<16xf32>
        %add3A_736 = arith.addf %add3A_658, %unpack3A_734 : vector<16xf32>
        %add3A_737 = arith.addf %add3A_736, %unpack3A_735 : vector<16xf32>
        %gather3A_738 = tpu.vector_load_idx %arg9[%add3A_314, %and3A_728] : memref<128x64xi32, #tpu.memory_space<vmem>>[vector<16xi32>, vector<16xi32>], vector<16xi32>,
        %gather3A_739 = tpu.vector_load_idx %arg10[%add3A_314, %and3A_728] : memref<128x64xi32, #tpu.memory_space<vmem>>[vector<16xi32>, vector<16xi32>], vector<16xi32>,
        %bitcast3A_740 = vector.bitcast %gather3A_738 : vector<16xi32> to vector<32xbf16>
        %bitcast3A_741 = vector.bitcast %gather3A_739 : vector<16xi32> to vector<32xbf16>
        %mul3A_742 = arith.mulf %bitcast3A_740, %bitcast3A_741 : vector<32xbf16>
        %unpack3A_743 = tpu.unpack_subelements %mul3A_742, 0 {pack_format = #tpu.pack_format<interleaved>} : vector<32xbf16> -> vector<16xf32>
        %unpack3A_744 = tpu.unpack_subelements %mul3A_742, 1 {pack_format = #tpu.pack_format<interleaved>} : vector<32xbf16> -> vector<16xf32>
        %add3A_745 = arith.addf %add3A_667, %unpack3A_743 : vector<16xf32>
        %add3A_746 = arith.addf %add3A_745, %unpack3A_744 : vector<16xf32>
        %gather3A_747 = tpu.vector_load_idx %arg9[%add3A_317, %and3A_728] : memref<128x64xi32, #tpu.memory_space<vmem>>[vector<16xi32>, vector<16xi32>], vector<16xi32>,
        %gather3A_748 = tpu.vector_load_idx %arg10[%add3A_317, %and3A_728] : memref<128x64xi32, #tpu.memory_space<vmem>>[vector<16xi32>, vector<16xi32>], vector<16xi32>,
        %bitcast3A_749 = vector.bitcast %gather3A_747 : vector<16xi32> to vector<32xbf16>
        %bitcast3A_750 = vector.bitcast %gather3A_748 : vector<16xi32> to vector<32xbf16>
        %mul3A_751 = arith.mulf %bitcast3A_749, %bitcast3A_750 : vector<32xbf16>
        %unpack3A_752 = tpu.unpack_subelements %mul3A_751, 0 {pack_format = #tpu.pack_format<interleaved>} : vector<32xbf16> -> vector<16xf32>
        %unpack3A_753 = tpu.unpack_subelements %mul3A_751, 1 {pack_format = #tpu.pack_format<interleaved>} : vector<32xbf16> -> vector<16xf32>
        %add3A_754 = arith.addf %add3A_676, %unpack3A_752 : vector<16xf32>
        %add3A_755 = arith.addf %add3A_754, %unpack3A_753 : vector<16xf32>
        %gather3A_756 = tpu.vector_load_idx %arg9[%add3A_320, %and3A_728] : memref<128x64xi32, #tpu.memory_space<vmem>>[vector<16xi32>, vector<16xi32>], vector<16xi32>,
        %gather3A_757 = tpu.vector_load_idx %arg10[%add3A_320, %and3A_728] : memref<128x64xi32, #tpu.memory_space<vmem>>[vector<16xi32>, vector<16xi32>], vector<16xi32>,
        %bitcast3A_758 = vector.bitcast %gather3A_756 : vector<16xi32> to vector<32xbf16>
        %bitcast3A_759 = vector.bitcast %gather3A_757 : vector<16xi32> to vector<32xbf16>
        %mul3A_760 = arith.mulf %bitcast3A_758, %bitcast3A_759 : vector<32xbf16>
        %unpack3A_761 = tpu.unpack_subelements %mul3A_760, 0 {pack_format = #tpu.pack_format<interleaved>} : vector<32xbf16> -> vector<16xf32>
        %unpack3A_762 = tpu.unpack_subelements %mul3A_760, 1 {pack_format = #tpu.pack_format<interleaved>} : vector<32xbf16> -> vector<16xf32>
        %add3A_763 = arith.addf %add3A_685, %unpack3A_761 : vector<16xf32>
        %add3A_764 = arith.addf %add3A_763, %unpack3A_762 : vector<16xf32>
        %gather3A_765 = tpu.vector_load_idx %arg9[%add3A_323, %and3A_728] : memref<128x64xi32, #tpu.memory_space<vmem>>[vector<16xi32>, vector<16xi32>], vector<16xi32>,
        %gather3A_766 = tpu.vector_load_idx %arg10[%add3A_323, %and3A_728] : memref<128x64xi32, #tpu.memory_space<vmem>>[vector<16xi32>, vector<16xi32>], vector<16xi32>,
        %bitcast3A_767 = vector.bitcast %gather3A_765 : vector<16xi32> to vector<32xbf16>
        %bitcast3A_768 = vector.bitcast %gather3A_766 : vector<16xi32> to vector<32xbf16>
        %mul3A_769 = arith.mulf %bitcast3A_767, %bitcast3A_768 : vector<32xbf16>
        %unpack3A_770 = tpu.unpack_subelements %mul3A_769, 0 {pack_format = #tpu.pack_format<interleaved>} : vector<32xbf16> -> vector<16xf32>
        %unpack3A_771 = tpu.unpack_subelements %mul3A_769, 1 {pack_format = #tpu.pack_format<interleaved>} : vector<32xbf16> -> vector<16xf32>
        %add3A_772 = arith.addf %add3A_694, %unpack3A_770 : vector<16xf32>
        %add3A_773 = arith.addf %add3A_772, %unpack3A_771 : vector<16xf32>
        %gather3A_774 = tpu.vector_load_idx %arg9[%add3A_326, %and3A_728] : memref<128x64xi32, #tpu.memory_space<vmem>>[vector<16xi32>, vector<16xi32>], vector<16xi32>,
        %gather3A_775 = tpu.vector_load_idx %arg10[%add3A_326, %and3A_728] : memref<128x64xi32, #tpu.memory_space<vmem>>[vector<16xi32>, vector<16xi32>], vector<16xi32>,
        %bitcast3A_776 = vector.bitcast %gather3A_774 : vector<16xi32> to vector<32xbf16>
        %bitcast3A_777 = vector.bitcast %gather3A_775 : vector<16xi32> to vector<32xbf16>
        %mul3A_778 = arith.mulf %bitcast3A_776, %bitcast3A_777 : vector<32xbf16>
        %unpack3A_779 = tpu.unpack_subelements %mul3A_778, 0 {pack_format = #tpu.pack_format<interleaved>} : vector<32xbf16> -> vector<16xf32>
        %unpack3A_780 = tpu.unpack_subelements %mul3A_778, 1 {pack_format = #tpu.pack_format<interleaved>} : vector<32xbf16> -> vector<16xf32>
        %add3A_781 = arith.addf %add3A_703, %unpack3A_779 : vector<16xf32>
        %add3A_782 = arith.addf %add3A_781, %unpack3A_780 : vector<16xf32>
        %gather3A_783 = tpu.vector_load_idx %arg9[%add3A_329, %and3A_728] : memref<128x64xi32, #tpu.memory_space<vmem>>[vector<16xi32>, vector<16xi32>], vector<16xi32>,
        %gather3A_784 = tpu.vector_load_idx %arg10[%add3A_329, %and3A_728] : memref<128x64xi32, #tpu.memory_space<vmem>>[vector<16xi32>, vector<16xi32>], vector<16xi32>,
        %bitcast3A_785 = vector.bitcast %gather3A_783 : vector<16xi32> to vector<32xbf16>
        %bitcast3A_786 = vector.bitcast %gather3A_784 : vector<16xi32> to vector<32xbf16>
        %mul3A_787 = arith.mulf %bitcast3A_785, %bitcast3A_786 : vector<32xbf16>
        %unpack3A_788 = tpu.unpack_subelements %mul3A_787, 0 {pack_format = #tpu.pack_format<interleaved>} : vector<32xbf16> -> vector<16xf32>
        %unpack3A_789 = tpu.unpack_subelements %mul3A_787, 1 {pack_format = #tpu.pack_format<interleaved>} : vector<32xbf16> -> vector<16xf32>
        %add3A_790 = arith.addf %add3A_712, %unpack3A_788 : vector<16xf32>
        %add3A_791 = arith.addf %add3A_790, %unpack3A_789 : vector<16xf32>
        %gather3A_792 = tpu.vector_load_idx %arg9[%add3A_332, %and3A_728] : memref<128x64xi32, #tpu.memory_space<vmem>>[vector<16xi32>, vector<16xi32>], vector<16xi32>,
        %gather3A_793 = tpu.vector_load_idx %arg10[%add3A_332, %and3A_728] : memref<128x64xi32, #tpu.memory_space<vmem>>[vector<16xi32>, vector<16xi32>], vector<16xi32>,
        %bitcast3A_794 = vector.bitcast %gather3A_792 : vector<16xi32> to vector<32xbf16>
        %bitcast3A_795 = vector.bitcast %gather3A_793 : vector<16xi32> to vector<32xbf16>
        %mul3A_796 = arith.mulf %bitcast3A_794, %bitcast3A_795 : vector<32xbf16>
        %unpack3A_797 = tpu.unpack_subelements %mul3A_796, 0 {pack_format = #tpu.pack_format<interleaved>} : vector<32xbf16> -> vector<16xf32>
        %unpack3A_798 = tpu.unpack_subelements %mul3A_796, 1 {pack_format = #tpu.pack_format<interleaved>} : vector<32xbf16> -> vector<16xf32>
        %add3A_799 = arith.addf %add3A_721, %unpack3A_797 : vector<16xf32>
        %add3A_800 = arith.addf %add3A_799, %unpack3A_798 : vector<16xf32>
        scf.yield %add3A_737, %add3A_746, %add3A_755, %add3A_764, %add3A_773, %add3A_782, %add3A_791, %add3A_800 : vector<16xf32>, vector<16xf32>, vector<16xf32>, vector<16xf32>, vector<16xf32>, vector<16xf32>, vector<16xf32>, vector<16xf32>
      }
      %scan3A_338 = arith.constant 64 : i32
      %add3A_339 = arith.constant 0 : i32
      %add3A_340 = arith.addi %multiple_of3A_306, %add3A_339 : i32
      %swap3A_341 = arith.index_cast %add3A_340 : i32 to index
      %swap3A_342 = tpu.vector_load %arg17[%swap3A_341] {strides = array<i32>} : memref<10000xf32, #tpu.memory_space<vmem>>, vector<16xf32>,
      tpu.vector_store %arg17[%swap3A_341], %scan3A_337#0 {strides = array<i32>} : memref<10000xf32, #tpu.memory_space<vmem>>, vector<16xf32>,
      %add3A_343 = arith.constant 16 : i32
      %add3A_344 = arith.addi %multiple_of3A_306, %add3A_343 : i32
      %swap3A_345 = arith.index_cast %add3A_344 : i32 to index
      %swap3A_346 = tpu.vector_load %arg17[%swap3A_345] {strides = array<i32>} : memref<10000xf32, #tpu.memory_space<vmem>>, vector<16xf32>,
      tpu.vector_store %arg17[%swap3A_345], %scan3A_337#1 {strides = array<i32>} : memref<10000xf32, #tpu.memory_space<vmem>>, vector<16xf32>,
      %add3A_347 = arith.constant 32 : i32
      %add3A_348 = arith.addi %multiple_of3A_306, %add3A_347 : i32
      %swap3A_349 = arith.index_cast %add3A_348 : i32 to index
      %swap3A_350 = tpu.vector_load %arg17[%swap3A_349] {strides = array<i32>} : memref<10000xf32, #tpu.memory_space<vmem>>, vector<16xf32>,
      tpu.vector_store %arg17[%swap3A_349], %scan3A_337#2 {strides = array<i32>} : memref<10000xf32, #tpu.memory_space<vmem>>, vector<16xf32>,
      %add3A_351 = arith.constant 48 : i32
      %add3A_352 = arith.addi %multiple_of3A_306, %add3A_351 : i32
      %swap3A_353 = arith.index_cast %add3A_352 : i32 to index
      %swap3A_354 = tpu.vector_load %arg17[%swap3A_353] {strides = array<i32>} : memref<10000xf32, #tpu.memory_space<vmem>>, vector<16xf32>,
      tpu.vector_store %arg17[%swap3A_353], %scan3A_337#3 {strides = array<i32>} : memref<10000xf32, #tpu.memory_space<vmem>>, vector<16xf32>,
      %add3A_355 = arith.constant 64 : i32
      %add3A_356 = arith.addi %multiple_of3A_306, %add3A_355 : i32
      %swap3A_357 = arith.index_cast %add3A_356 : i32 to index
      %swap3A_358 = tpu.vector_load %arg17[%swap3A_357] {strides = array<i32>} : memref<10000xf32, #tpu.memory_space<vmem>>, vector<16xf32>,
      tpu.vector_store %arg17[%swap3A_357], %scan3A_337#4 {strides = array<i32>} : memref<10000xf32, #tpu.memory_space<vmem>>, vector<16xf32>,
      %add3A_359 = arith.constant 80 : i32
      %add3A_360 = arith.addi %multiple_of3A_306, %add3A_359 : i32
      %swap3A_361 = arith.index_cast %add3A_360 : i32 to index
      %swap3A_362 = tpu.vector_load %arg17[%swap3A_361] {strides = array<i32>} : memref<10000xf32, #tpu.memory_space<vmem>>, vector<16xf32>,
      tpu.vector_store %arg17[%swap3A_361], %scan3A_337#5 {strides = array<i32>} : memref<10000xf32, #tpu.memory_space<vmem>>, vector<16xf32>,
      %add3A_363 = arith.constant 96 : i32
      %add3A_364 = arith.addi %multiple_of3A_306, %add3A_363 : i32
      %swap3A_365 = arith.index_cast %add3A_364 : i32 to index
      %swap3A_366 = tpu.vector_load %arg17[%swap3A_365] {strides = array<i32>} : memref<10000xf32, #tpu.memory_space<vmem>>, vector<16xf32>,
      tpu.vector_store %arg17[%swap3A_365], %scan3A_337#6 {strides = array<i32>} : memref<10000xf32, #tpu.memory_space<vmem>>, vector<16xf32>,
      %add3A_367 = arith.constant 112 : i32
      %add3A_368 = arith.addi %multiple_of3A_306, %add3A_367 : i32
      %swap3A_369 = arith.index_cast %add3A_368 : i32 to index
      %swap3A_370 = tpu.vector_load %arg17[%swap3A_369] {strides = array<i32>} : memref<10000xf32, #tpu.memory_space<vmem>>, vector<16xf32>,
      tpu.vector_store %arg17[%swap3A_369], %scan3A_337#7 {strides = array<i32>} : memref<10000xf32, #tpu.memory_space<vmem>>, vector<16xf32>,
      %add3A_371 = arith.constant 4 : i32
      %add3A_372 = arith.addi %add3A_291, %add3A_371 : i32
      %lt3A = arith.constant 79 : i32
      %lt3A_373 = arith.cmpi slt, %add3A_372, %lt3A : i32
      %convert_element_type3A = arith.extui %lt3A_373 : i1 to i32
      %cond3A = arith.constant 0 : i32
      %cond3A_374 = arith.cmpi ne, %convert_element_type3A, %cond3A : i32
      scf.if %cond3A_374 {
        %add3A_640 = arith.constant 4 : i32
        %add3A_641 = arith.addi %add3A_291, %add3A_640 : i32
        %mul3A_642 = arith.constant 128 : i32
        %mul3A_643 = arith.muli %add3A_641, %mul3A_642 : i32
        %min3A_644 = arith.constant 9872 : i32
        %min3A_645 = arith.minsi %mul3A_643, %min3A_644 : i32
        %multiple_of3A_646 = tpu.assume_multiple %min3A_645, 8 : i32
        %dma_start3A_647 = tpu.memref_slice %arg7[%multiple_of3A_646] : memref<10000xi32, #tpu.memory_space<vmem>> -> memref<128xi32, #tpu.memory_space<vmem>>
        %dma_start3A_648 = arith.constant 0 : i32
        %dma_start3A_649 = arith.constant 0 : i32
        %dma_start3A_650 = tpu.memref_slice %arg2[%dma_start3A_648, %dma_start3A_649] : memref<10000x64xi32, #tpu.memory_space<hbm>> -> memref<10000x64xi32, #tpu.memory_space<hbm>>
        tpu.enqueue_indirect_dma source(%dma_start3A_650 : memref<10000x64xi32, #tpu.memory_space<hbm>>) target(%arg9 : memref<128x64xi32, #tpu.memory_space<vmem>>) offsets(%dma_start3A_647 : memref<128xi32, #tpu.memory_space<vmem>>) semaphore(%arg18 : memref<!tpu.dma_semaphore, #tpu.memory_space<semaphore_mem>>)
        %dma_start3A_651 = tpu.memref_slice %arg8[%multiple_of3A_646] : memref<10000xi32, #tpu.memory_space<vmem>> -> memref<128xi32, #tpu.memory_space<vmem>>
        %dma_start3A_652 = arith.constant 0 : i32
        %dma_start3A_653 = arith.constant 0 : i32
        %dma_start3A_654 = tpu.memref_slice %arg3[%dma_start3A_652, %dma_start3A_653] : memref<10000x64xi32, #tpu.memory_space<hbm>> -> memref<10000x64xi32, #tpu.memory_space<hbm>>
        tpu.enqueue_indirect_dma source(%dma_start3A_654 : memref<10000x64xi32, #tpu.memory_space<hbm>>) target(%arg10 : memref<128x64xi32, #tpu.memory_space<vmem>>) offsets(%dma_start3A_651 : memref<128xi32, #tpu.memory_space<vmem>>) semaphore(%arg18 : memref<!tpu.dma_semaphore, #tpu.memory_space<semaphore_mem>>)
      } else {
      }
      %add3A_375 = arith.constant 1 : i32
      %add3A_376 = arith.addi %mul3A_289, %add3A_375 : i32
      %dma_wait3A_377 = arith.constant 0 : i32
      %dma_wait3A_378 = tpu.memref_slice %arg7[%dma_wait3A_377] : memref<10000xi32, #tpu.memory_space<vmem>> -> memref<128xi32, #tpu.memory_space<vmem>>
      %dma_wait3A_379 = arith.constant 0 : i32
      %dma_wait3A_380 = arith.constant 0 : i32
      %dma_wait3A_381 = tpu.memref_slice %arg2[%dma_wait3A_379, %dma_wait3A_380] : memref<10000x64xi32, #tpu.memory_space<hbm>> -> memref<10000x64xi32, #tpu.memory_space<hbm>>
      tpu.wait_indirect_dma semaphore(%arg19 : memref<!tpu.dma_semaphore, #tpu.memory_space<semaphore_mem>>) src(%dma_wait3A_381 : memref<10000x64xi32, #tpu.memory_space<hbm>>) dst(%arg11 : memref<128x64xi32, #tpu.memory_space<vmem>>)
      %dma_wait3A_382 = arith.constant 0 : i32
      %dma_wait3A_383 = tpu.memref_slice %arg8[%dma_wait3A_382] : memref<10000xi32, #tpu.memory_space<vmem>> -> memref<128xi32, #tpu.memory_space<vmem>>
      %dma_wait3A_384 = arith.constant 0 : i32
      %dma_wait3A_385 = arith.constant 0 : i32
      %dma_wait3A_386 = tpu.memref_slice %arg3[%dma_wait3A_384, %dma_wait3A_385] : memref<10000x64xi32, #tpu.memory_space<hbm>> -> memref<10000x64xi32, #tpu.memory_space<hbm>>
      tpu.wait_indirect_dma semaphore(%arg19 : memref<!tpu.dma_semaphore, #tpu.memory_space<semaphore_mem>>) src(%dma_wait3A_386 : memref<10000x64xi32, #tpu.memory_space<hbm>>) dst(%arg12 : memref<128x64xi32, #tpu.memory_space<vmem>>)
      %mul3A_387 = arith.constant 128 : i32
      %mul3A_388 = arith.muli %add3A_376, %mul3A_387 : i32
      %min3A_389 = arith.constant 9872 : i32
      %min3A_390 = arith.minsi %mul3A_388, %min3A_389 : i32
      %multiple_of3A_391 = tpu.assume_multiple %min3A_390, 8 : i32
      %broadcast_in_dim3A_392 = arith.constant 0.000000e+00 : f32
      %broadcast_in_dim3A_393 = vector.broadcast %broadcast_in_dim3A_392 : f32 to vector<16xf32>
      %add3A_394 = arith.constant 0 : i32
      %add3A_395 = vector.broadcast %add3A_394 : i32 to vector<16xi32>
      %add3A_396 = arith.addi %iota3A, %add3A_395 : vector<16xi32>
      %add3A_397 = arith.constant 16 : i32
      %add3A_398 = vector.broadcast %add3A_397 : i32 to vector<16xi32>
      %add3A_399 = arith.addi %iota3A, %add3A_398 : vector<16xi32>
      %add3A_400 = arith.constant 32 : i32
      %add3A_401 = vector.broadcast %add3A_400 : i32 to vector<16xi32>
      %add3A_402 = arith.addi %iota3A, %add3A_401 : vector<16xi32>
      %add3A_403 = arith.constant 48 : i32
      %add3A_404 = vector.broadcast %add3A_403 : i32 to vector<16xi32>
      %add3A_405 = arith.addi %iota3A, %add3A_404 : vector<16xi32>
      %add3A_406 = arith.constant 64 : i32
      %add3A_407 = vector.broadcast %add3A_406 : i32 to vector<16xi32>
      %add3A_408 = arith.addi %iota3A, %add3A_407 : vector<16xi32>
      %add3A_409 = arith.constant 80 : i32
      %add3A_410 = vector.broadcast %add3A_409 : i32 to vector<16xi32>
      %add3A_411 = arith.addi %iota3A, %add3A_410 : vector<16xi32>
      %add3A_412 = arith.constant 96 : i32
      %add3A_413 = vector.broadcast %add3A_412 : i32 to vector<16xi32>
      %add3A_414 = arith.addi %iota3A, %add3A_413 : vector<16xi32>
      %add3A_415 = arith.constant 112 : i32
      %add3A_416 = vector.broadcast %add3A_415 : i32 to vector<16xi32>
      %add3A_417 = arith.addi %iota3A, %add3A_416 : vector<16xi32>
      %scan3A_418 = arith.constant 0 : i32
      %scan3A_419 = arith.constant 64 : i32
      %scan3A_420 = arith.addi %scan3A_418, %scan3A_419 : i32
      %scan3A_421 = arith.constant 2 : i32
      %scan3A_422:8 = scf.for %scan3A_640 = %scan3A_418 to %scan3A_420 step %scan3A_421 iter_args(%scan3A_641 = %broadcast_in_dim3A_393, %scan3A_642 = %broadcast_in_dim3A_393, %scan3A_643 = %broadcast_in_dim3A_393, %scan3A_644 = %broadcast_in_dim3A_393, %scan3A_645 = %broadcast_in_dim3A_393, %scan3A_646 = %broadcast_in_dim3A_393, %scan3A_647 = %broadcast_in_dim3A_393, %scan3A_648 = %broadcast_in_dim3A_393) -> (vector<16xf32>, vector<16xf32>, vector<16xf32>, vector<16xf32>, vector<16xf32>, vector<16xf32>, vector<16xf32>, vector<16xf32>)  : i32 {
        %add3A_649 = vector.broadcast %scan3A_640 : i32 to vector<16xi32>
        %add3A_650 = arith.addi %iota3A, %add3A_649 : vector<16xi32>
        %and3A = arith.constant 63 : i32
        %and3A_651 = vector.broadcast %and3A : i32 to vector<16xi32>
        %and3A_652 = arith.andi %add3A_650, %and3A_651 : vector<16xi32>
        %gather3A = tpu.vector_load_idx %arg11[%add3A_396, %and3A_652] : memref<128x64xi32, #tpu.memory_space<vmem>>[vector<16xi32>, vector<16xi32>], vector<16xi32>,
        %gather3A_653 = tpu.vector_load_idx %arg12[%add3A_396, %and3A_652] : memref<128x64xi32, #tpu.memory_space<vmem>>[vector<16xi32>, vector<16xi32>], vector<16xi32>,
        %bitcast3A = vector.bitcast %gather3A : vector<16xi32> to vector<32xbf16>
        %bitcast3A_654 = vector.bitcast %gather3A_653 : vector<16xi32> to vector<32xbf16>
        %mul3A_655 = arith.mulf %bitcast3A, %bitcast3A_654 : vector<32xbf16>
        %unpack3A = tpu.unpack_subelements %mul3A_655, 0 {pack_format = #tpu.pack_format<interleaved>} : vector<32xbf16> -> vector<16xf32>
        %unpack3A_656 = tpu.unpack_subelements %mul3A_655, 1 {pack_format = #tpu.pack_format<interleaved>} : vector<32xbf16> -> vector<16xf32>
        %add3A_657 = arith.addf %scan3A_641, %unpack3A : vector<16xf32>
        %add3A_658 = arith.addf %add3A_657, %unpack3A_656 : vector<16xf32>
        %gather3A_659 = tpu.vector_load_idx %arg11[%add3A_399, %and3A_652] : memref<128x64xi32, #tpu.memory_space<vmem>>[vector<16xi32>, vector<16xi32>], vector<16xi32>,
        %gather3A_660 = tpu.vector_load_idx %arg12[%add3A_399, %and3A_652] : memref<128x64xi32, #tpu.memory_space<vmem>>[vector<16xi32>, vector<16xi32>], vector<16xi32>,
        %bitcast3A_661 = vector.bitcast %gather3A_659 : vector<16xi32> to vector<32xbf16>
        %bitcast3A_662 = vector.bitcast %gather3A_660 : vector<16xi32> to vector<32xbf16>
        %mul3A_663 = arith.mulf %bitcast3A_661, %bitcast3A_662 : vector<32xbf16>
        %unpack3A_664 = tpu.unpack_subelements %mul3A_663, 0 {pack_format = #tpu.pack_format<interleaved>} : vector<32xbf16> -> vector<16xf32>
        %unpack3A_665 = tpu.unpack_subelements %mul3A_663, 1 {pack_format = #tpu.pack_format<interleaved>} : vector<32xbf16> -> vector<16xf32>
        %add3A_666 = arith.addf %scan3A_642, %unpack3A_664 : vector<16xf32>
        %add3A_667 = arith.addf %add3A_666, %unpack3A_665 : vector<16xf32>
        %gather3A_668 = tpu.vector_load_idx %arg11[%add3A_402, %and3A_652] : memref<128x64xi32, #tpu.memory_space<vmem>>[vector<16xi32>, vector<16xi32>], vector<16xi32>,
        %gather3A_669 = tpu.vector_load_idx %arg12[%add3A_402, %and3A_652] : memref<128x64xi32, #tpu.memory_space<vmem>>[vector<16xi32>, vector<16xi32>], vector<16xi32>,
        %bitcast3A_670 = vector.bitcast %gather3A_668 : vector<16xi32> to vector<32xbf16>
        %bitcast3A_671 = vector.bitcast %gather3A_669 : vector<16xi32> to vector<32xbf16>
        %mul3A_672 = arith.mulf %bitcast3A_670, %bitcast3A_671 : vector<32xbf16>
        %unpack3A_673 = tpu.unpack_subelements %mul3A_672, 0 {pack_format = #tpu.pack_format<interleaved>} : vector<32xbf16> -> vector<16xf32>
        %unpack3A_674 = tpu.unpack_subelements %mul3A_672, 1 {pack_format = #tpu.pack_format<interleaved>} : vector<32xbf16> -> vector<16xf32>
        %add3A_675 = arith.addf %scan3A_643, %unpack3A_673 : vector<16xf32>
        %add3A_676 = arith.addf %add3A_675, %unpack3A_674 : vector<16xf32>
        %gather3A_677 = tpu.vector_load_idx %arg11[%add3A_405, %and3A_652] : memref<128x64xi32, #tpu.memory_space<vmem>>[vector<16xi32>, vector<16xi32>], vector<16xi32>,
        %gather3A_678 = tpu.vector_load_idx %arg12[%add3A_405, %and3A_652] : memref<128x64xi32, #tpu.memory_space<vmem>>[vector<16xi32>, vector<16xi32>], vector<16xi32>,
        %bitcast3A_679 = vector.bitcast %gather3A_677 : vector<16xi32> to vector<32xbf16>
        %bitcast3A_680 = vector.bitcast %gather3A_678 : vector<16xi32> to vector<32xbf16>
        %mul3A_681 = arith.mulf %bitcast3A_679, %bitcast3A_680 : vector<32xbf16>
        %unpack3A_682 = tpu.unpack_subelements %mul3A_681, 0 {pack_format = #tpu.pack_format<interleaved>} : vector<32xbf16> -> vector<16xf32>
        %unpack3A_683 = tpu.unpack_subelements %mul3A_681, 1 {pack_format = #tpu.pack_format<interleaved>} : vector<32xbf16> -> vector<16xf32>
        %add3A_684 = arith.addf %scan3A_644, %unpack3A_682 : vector<16xf32>
        %add3A_685 = arith.addf %add3A_684, %unpack3A_683 : vector<16xf32>
        %gather3A_686 = tpu.vector_load_idx %arg11[%add3A_408, %and3A_652] : memref<128x64xi32, #tpu.memory_space<vmem>>[vector<16xi32>, vector<16xi32>], vector<16xi32>,
        %gather3A_687 = tpu.vector_load_idx %arg12[%add3A_408, %and3A_652] : memref<128x64xi32, #tpu.memory_space<vmem>>[vector<16xi32>, vector<16xi32>], vector<16xi32>,
        %bitcast3A_688 = vector.bitcast %gather3A_686 : vector<16xi32> to vector<32xbf16>
        %bitcast3A_689 = vector.bitcast %gather3A_687 : vector<16xi32> to vector<32xbf16>
        %mul3A_690 = arith.mulf %bitcast3A_688, %bitcast3A_689 : vector<32xbf16>
        %unpack3A_691 = tpu.unpack_subelements %mul3A_690, 0 {pack_format = #tpu.pack_format<interleaved>} : vector<32xbf16> -> vector<16xf32>
        %unpack3A_692 = tpu.unpack_subelements %mul3A_690, 1 {pack_format = #tpu.pack_format<interleaved>} : vector<32xbf16> -> vector<16xf32>
        %add3A_693 = arith.addf %scan3A_645, %unpack3A_691 : vector<16xf32>
        %add3A_694 = arith.addf %add3A_693, %unpack3A_692 : vector<16xf32>
        %gather3A_695 = tpu.vector_load_idx %arg11[%add3A_411, %and3A_652] : memref<128x64xi32, #tpu.memory_space<vmem>>[vector<16xi32>, vector<16xi32>], vector<16xi32>,
        %gather3A_696 = tpu.vector_load_idx %arg12[%add3A_411, %and3A_652] : memref<128x64xi32, #tpu.memory_space<vmem>>[vector<16xi32>, vector<16xi32>], vector<16xi32>,
        %bitcast3A_697 = vector.bitcast %gather3A_695 : vector<16xi32> to vector<32xbf16>
        %bitcast3A_698 = vector.bitcast %gather3A_696 : vector<16xi32> to vector<32xbf16>
        %mul3A_699 = arith.mulf %bitcast3A_697, %bitcast3A_698 : vector<32xbf16>
        %unpack3A_700 = tpu.unpack_subelements %mul3A_699, 0 {pack_format = #tpu.pack_format<interleaved>} : vector<32xbf16> -> vector<16xf32>
        %unpack3A_701 = tpu.unpack_subelements %mul3A_699, 1 {pack_format = #tpu.pack_format<interleaved>} : vector<32xbf16> -> vector<16xf32>
        %add3A_702 = arith.addf %scan3A_646, %unpack3A_700 : vector<16xf32>
        %add3A_703 = arith.addf %add3A_702, %unpack3A_701 : vector<16xf32>
        %gather3A_704 = tpu.vector_load_idx %arg11[%add3A_414, %and3A_652] : memref<128x64xi32, #tpu.memory_space<vmem>>[vector<16xi32>, vector<16xi32>], vector<16xi32>,
        %gather3A_705 = tpu.vector_load_idx %arg12[%add3A_414, %and3A_652] : memref<128x64xi32, #tpu.memory_space<vmem>>[vector<16xi32>, vector<16xi32>], vector<16xi32>,
        %bitcast3A_706 = vector.bitcast %gather3A_704 : vector<16xi32> to vector<32xbf16>
        %bitcast3A_707 = vector.bitcast %gather3A_705 : vector<16xi32> to vector<32xbf16>
        %mul3A_708 = arith.mulf %bitcast3A_706, %bitcast3A_707 : vector<32xbf16>
        %unpack3A_709 = tpu.unpack_subelements %mul3A_708, 0 {pack_format = #tpu.pack_format<interleaved>} : vector<32xbf16> -> vector<16xf32>
        %unpack3A_710 = tpu.unpack_subelements %mul3A_708, 1 {pack_format = #tpu.pack_format<interleaved>} : vector<32xbf16> -> vector<16xf32>
        %add3A_711 = arith.addf %scan3A_647, %unpack3A_709 : vector<16xf32>
        %add3A_712 = arith.addf %add3A_711, %unpack3A_710 : vector<16xf32>
        %gather3A_713 = tpu.vector_load_idx %arg11[%add3A_417, %and3A_652] : memref<128x64xi32, #tpu.memory_space<vmem>>[vector<16xi32>, vector<16xi32>], vector<16xi32>,
        %gather3A_714 = tpu.vector_load_idx %arg12[%add3A_417, %and3A_652] : memref<128x64xi32, #tpu.memory_space<vmem>>[vector<16xi32>, vector<16xi32>], vector<16xi32>,
        %bitcast3A_715 = vector.bitcast %gather3A_713 : vector<16xi32> to vector<32xbf16>
        %bitcast3A_716 = vector.bitcast %gather3A_714 : vector<16xi32> to vector<32xbf16>
        %mul3A_717 = arith.mulf %bitcast3A_715, %bitcast3A_716 : vector<32xbf16>
        %unpack3A_718 = tpu.unpack_subelements %mul3A_717, 0 {pack_format = #tpu.pack_format<interleaved>} : vector<32xbf16> -> vector<16xf32>
        %unpack3A_719 = tpu.unpack_subelements %mul3A_717, 1 {pack_format = #tpu.pack_format<interleaved>} : vector<32xbf16> -> vector<16xf32>
        %add3A_720 = arith.addf %scan3A_648, %unpack3A_718 : vector<16xf32>
        %add3A_721 = arith.addf %add3A_720, %unpack3A_719 : vector<16xf32>
        %scan3A_722 = arith.constant 1 : i32
        %scan3A_723 = arith.addi %scan3A_640, %scan3A_722 : i32
        %add3A_724 = vector.broadcast %scan3A_723 : i32 to vector<16xi32>
        %add3A_725 = arith.addi %iota3A, %add3A_724 : vector<16xi32>
        %and3A_726 = arith.constant 63 : i32
        %and3A_727 = vector.broadcast %and3A_726 : i32 to vector<16xi32>
        %and3A_728 = arith.andi %add3A_725, %and3A_727 : vector<16xi32>
        %gather3A_729 = tpu.vector_load_idx %arg11[%add3A_396, %and3A_728] : memref<128x64xi32, #tpu.memory_space<vmem>>[vector<16xi32>, vector<16xi32>], vector<16xi32>,
        %gather3A_730 = tpu.vector_load_idx %arg12[%add3A_396, %and3A_728] : memref<128x64xi32, #tpu.memory_space<vmem>>[vector<16xi32>, vector<16xi32>], vector<16xi32>,
        %bitcast3A_731 = vector.bitcast %gather3A_729 : vector<16xi32> to vector<32xbf16>
        %bitcast3A_732 = vector.bitcast %gather3A_730 : vector<16xi32> to vector<32xbf16>
        %mul3A_733 = arith.mulf %bitcast3A_731, %bitcast3A_732 : vector<32xbf16>
        %unpack3A_734 = tpu.unpack_subelements %mul3A_733, 0 {pack_format = #tpu.pack_format<interleaved>} : vector<32xbf16> -> vector<16xf32>
        %unpack3A_735 = tpu.unpack_subelements %mul3A_733, 1 {pack_format = #tpu.pack_format<interleaved>} : vector<32xbf16> -> vector<16xf32>
        %add3A_736 = arith.addf %add3A_658, %unpack3A_734 : vector<16xf32>
        %add3A_737 = arith.addf %add3A_736, %unpack3A_735 : vector<16xf32>
        %gather3A_738 = tpu.vector_load_idx %arg11[%add3A_399, %and3A_728] : memref<128x64xi32, #tpu.memory_space<vmem>>[vector<16xi32>, vector<16xi32>], vector<16xi32>,
        %gather3A_739 = tpu.vector_load_idx %arg12[%add3A_399, %and3A_728] : memref<128x64xi32, #tpu.memory_space<vmem>>[vector<16xi32>, vector<16xi32>], vector<16xi32>,
        %bitcast3A_740 = vector.bitcast %gather3A_738 : vector<16xi32> to vector<32xbf16>
        %bitcast3A_741 = vector.bitcast %gather3A_739 : vector<16xi32> to vector<32xbf16>
        %mul3A_742 = arith.mulf %bitcast3A_740, %bitcast3A_741 : vector<32xbf16>
        %unpack3A_743 = tpu.unpack_subelements %mul3A_742, 0 {pack_format = #tpu.pack_format<interleaved>} : vector<32xbf16> -> vector<16xf32>
        %unpack3A_744 = tpu.unpack_subelements %mul3A_742, 1 {pack_format = #tpu.pack_format<interleaved>} : vector<32xbf16> -> vector<16xf32>
        %add3A_745 = arith.addf %add3A_667, %unpack3A_743 : vector<16xf32>
        %add3A_746 = arith.addf %add3A_745, %unpack3A_744 : vector<16xf32>
        %gather3A_747 = tpu.vector_load_idx %arg11[%add3A_402, %and3A_728] : memref<128x64xi32, #tpu.memory_space<vmem>>[vector<16xi32>, vector<16xi32>], vector<16xi32>,
        %gather3A_748 = tpu.vector_load_idx %arg12[%add3A_402, %and3A_728] : memref<128x64xi32, #tpu.memory_space<vmem>>[vector<16xi32>, vector<16xi32>], vector<16xi32>,
        %bitcast3A_749 = vector.bitcast %gather3A_747 : vector<16xi32> to vector<32xbf16>
        %bitcast3A_750 = vector.bitcast %gather3A_748 : vector<16xi32> to vector<32xbf16>
        %mul3A_751 = arith.mulf %bitcast3A_749, %bitcast3A_750 : vector<32xbf16>
        %unpack3A_752 = tpu.unpack_subelements %mul3A_751, 0 {pack_format = #tpu.pack_format<interleaved>} : vector<32xbf16> -> vector<16xf32>
        %unpack3A_753 = tpu.unpack_subelements %mul3A_751, 1 {pack_format = #tpu.pack_format<interleaved>} : vector<32xbf16> -> vector<16xf32>
        %add3A_754 = arith.addf %add3A_676, %unpack3A_752 : vector<16xf32>
        %add3A_755 = arith.addf %add3A_754, %unpack3A_753 : vector<16xf32>
        %gather3A_756 = tpu.vector_load_idx %arg11[%add3A_405, %and3A_728] : memref<128x64xi32, #tpu.memory_space<vmem>>[vector<16xi32>, vector<16xi32>], vector<16xi32>,
        %gather3A_757 = tpu.vector_load_idx %arg12[%add3A_405, %and3A_728] : memref<128x64xi32, #tpu.memory_space<vmem>>[vector<16xi32>, vector<16xi32>], vector<16xi32>,
        %bitcast3A_758 = vector.bitcast %gather3A_756 : vector<16xi32> to vector<32xbf16>
        %bitcast3A_759 = vector.bitcast %gather3A_757 : vector<16xi32> to vector<32xbf16>
        %mul3A_760 = arith.mulf %bitcast3A_758, %bitcast3A_759 : vector<32xbf16>
        %unpack3A_761 = tpu.unpack_subelements %mul3A_760, 0 {pack_format = #tpu.pack_format<interleaved>} : vector<32xbf16> -> vector<16xf32>
        %unpack3A_762 = tpu.unpack_subelements %mul3A_760, 1 {pack_format = #tpu.pack_format<interleaved>} : vector<32xbf16> -> vector<16xf32>
        %add3A_763 = arith.addf %add3A_685, %unpack3A_761 : vector<16xf32>
        %add3A_764 = arith.addf %add3A_763, %unpack3A_762 : vector<16xf32>
        %gather3A_765 = tpu.vector_load_idx %arg11[%add3A_408, %and3A_728] : memref<128x64xi32, #tpu.memory_space<vmem>>[vector<16xi32>, vector<16xi32>], vector<16xi32>,
        %gather3A_766 = tpu.vector_load_idx %arg12[%add3A_408, %and3A_728] : memref<128x64xi32, #tpu.memory_space<vmem>>[vector<16xi32>, vector<16xi32>], vector<16xi32>,
        %bitcast3A_767 = vector.bitcast %gather3A_765 : vector<16xi32> to vector<32xbf16>
        %bitcast3A_768 = vector.bitcast %gather3A_766 : vector<16xi32> to vector<32xbf16>
        %mul3A_769 = arith.mulf %bitcast3A_767, %bitcast3A_768 : vector<32xbf16>
        %unpack3A_770 = tpu.unpack_subelements %mul3A_769, 0 {pack_format = #tpu.pack_format<interleaved>} : vector<32xbf16> -> vector<16xf32>
        %unpack3A_771 = tpu.unpack_subelements %mul3A_769, 1 {pack_format = #tpu.pack_format<interleaved>} : vector<32xbf16> -> vector<16xf32>
        %add3A_772 = arith.addf %add3A_694, %unpack3A_770 : vector<16xf32>
        %add3A_773 = arith.addf %add3A_772, %unpack3A_771 : vector<16xf32>
        %gather3A_774 = tpu.vector_load_idx %arg11[%add3A_411, %and3A_728] : memref<128x64xi32, #tpu.memory_space<vmem>>[vector<16xi32>, vector<16xi32>], vector<16xi32>,
        %gather3A_775 = tpu.vector_load_idx %arg12[%add3A_411, %and3A_728] : memref<128x64xi32, #tpu.memory_space<vmem>>[vector<16xi32>, vector<16xi32>], vector<16xi32>,
        %bitcast3A_776 = vector.bitcast %gather3A_774 : vector<16xi32> to vector<32xbf16>
        %bitcast3A_777 = vector.bitcast %gather3A_775 : vector<16xi32> to vector<32xbf16>
        %mul3A_778 = arith.mulf %bitcast3A_776, %bitcast3A_777 : vector<32xbf16>
        %unpack3A_779 = tpu.unpack_subelements %mul3A_778, 0 {pack_format = #tpu.pack_format<interleaved>} : vector<32xbf16> -> vector<16xf32>
        %unpack3A_780 = tpu.unpack_subelements %mul3A_778, 1 {pack_format = #tpu.pack_format<interleaved>} : vector<32xbf16> -> vector<16xf32>
        %add3A_781 = arith.addf %add3A_703, %unpack3A_779 : vector<16xf32>
        %add3A_782 = arith.addf %add3A_781, %unpack3A_780 : vector<16xf32>
        %gather3A_783 = tpu.vector_load_idx %arg11[%add3A_414, %and3A_728] : memref<128x64xi32, #tpu.memory_space<vmem>>[vector<16xi32>, vector<16xi32>], vector<16xi32>,
        %gather3A_784 = tpu.vector_load_idx %arg12[%add3A_414, %and3A_728] : memref<128x64xi32, #tpu.memory_space<vmem>>[vector<16xi32>, vector<16xi32>], vector<16xi32>,
        %bitcast3A_785 = vector.bitcast %gather3A_783 : vector<16xi32> to vector<32xbf16>
        %bitcast3A_786 = vector.bitcast %gather3A_784 : vector<16xi32> to vector<32xbf16>
        %mul3A_787 = arith.mulf %bitcast3A_785, %bitcast3A_786 : vector<32xbf16>
        %unpack3A_788 = tpu.unpack_subelements %mul3A_787, 0 {pack_format = #tpu.pack_format<interleaved>} : vector<32xbf16> -> vector<16xf32>
        %unpack3A_789 = tpu.unpack_subelements %mul3A_787, 1 {pack_format = #tpu.pack_format<interleaved>} : vector<32xbf16> -> vector<16xf32>
        %add3A_790 = arith.addf %add3A_712, %unpack3A_788 : vector<16xf32>
        %add3A_791 = arith.addf %add3A_790, %unpack3A_789 : vector<16xf32>
        %gather3A_792 = tpu.vector_load_idx %arg11[%add3A_417, %and3A_728] : memref<128x64xi32, #tpu.memory_space<vmem>>[vector<16xi32>, vector<16xi32>], vector<16xi32>,
        %gather3A_793 = tpu.vector_load_idx %arg12[%add3A_417, %and3A_728] : memref<128x64xi32, #tpu.memory_space<vmem>>[vector<16xi32>, vector<16xi32>], vector<16xi32>,
        %bitcast3A_794 = vector.bitcast %gather3A_792 : vector<16xi32> to vector<32xbf16>
        %bitcast3A_795 = vector.bitcast %gather3A_793 : vector<16xi32> to vector<32xbf16>
        %mul3A_796 = arith.mulf %bitcast3A_794, %bitcast3A_795 : vector<32xbf16>
        %unpack3A_797 = tpu.unpack_subelements %mul3A_796, 0 {pack_format = #tpu.pack_format<interleaved>} : vector<32xbf16> -> vector<16xf32>
        %unpack3A_798 = tpu.unpack_subelements %mul3A_796, 1 {pack_format = #tpu.pack_format<interleaved>} : vector<32xbf16> -> vector<16xf32>
        %add3A_799 = arith.addf %add3A_721, %unpack3A_797 : vector<16xf32>
        %add3A_800 = arith.addf %add3A_799, %unpack3A_798 : vector<16xf32>
        scf.yield %add3A_737, %add3A_746, %add3A_755, %add3A_764, %add3A_773, %add3A_782, %add3A_791, %add3A_800 : vector<16xf32>, vector<16xf32>, vector<16xf32>, vector<16xf32>, vector<16xf32>, vector<16xf32>, vector<16xf32>, vector<16xf32>
      }
      %scan3A_423 = arith.constant 64 : i32
      %add3A_424 = arith.constant 0 : i32
      %add3A_425 = arith.addi %multiple_of3A_391, %add3A_424 : i32
      %swap3A_426 = arith.index_cast %add3A_425 : i32 to index
      %swap3A_427 = tpu.vector_load %arg17[%swap3A_426] {strides = array<i32>} : memref<10000xf32, #tpu.memory_space<vmem>>, vector<16xf32>,
      tpu.vector_store %arg17[%swap3A_426], %scan3A_422#0 {strides = array<i32>} : memref<10000xf32, #tpu.memory_space<vmem>>, vector<16xf32>,
      %add3A_428 = arith.constant 16 : i32
      %add3A_429 = arith.addi %multiple_of3A_391, %add3A_428 : i32
      %swap3A_430 = arith.index_cast %add3A_429 : i32 to index
      %swap3A_431 = tpu.vector_load %arg17[%swap3A_430] {strides = array<i32>} : memref<10000xf32, #tpu.memory_space<vmem>>, vector<16xf32>,
      tpu.vector_store %arg17[%swap3A_430], %scan3A_422#1 {strides = array<i32>} : memref<10000xf32, #tpu.memory_space<vmem>>, vector<16xf32>,
      %add3A_432 = arith.constant 32 : i32
      %add3A_433 = arith.addi %multiple_of3A_391, %add3A_432 : i32
      %swap3A_434 = arith.index_cast %add3A_433 : i32 to index
      %swap3A_435 = tpu.vector_load %arg17[%swap3A_434] {strides = array<i32>} : memref<10000xf32, #tpu.memory_space<vmem>>, vector<16xf32>,
      tpu.vector_store %arg17[%swap3A_434], %scan3A_422#2 {strides = array<i32>} : memref<10000xf32, #tpu.memory_space<vmem>>, vector<16xf32>,
      %add3A_436 = arith.constant 48 : i32
      %add3A_437 = arith.addi %multiple_of3A_391, %add3A_436 : i32
      %swap3A_438 = arith.index_cast %add3A_437 : i32 to index
      %swap3A_439 = tpu.vector_load %arg17[%swap3A_438] {strides = array<i32>} : memref<10000xf32, #tpu.memory_space<vmem>>, vector<16xf32>,
      tpu.vector_store %arg17[%swap3A_438], %scan3A_422#3 {strides = array<i32>} : memref<10000xf32, #tpu.memory_space<vmem>>, vector<16xf32>,
      %add3A_440 = arith.constant 64 : i32
      %add3A_441 = arith.addi %multiple_of3A_391, %add3A_440 : i32
      %swap3A_442 = arith.index_cast %add3A_441 : i32 to index
      %swap3A_443 = tpu.vector_load %arg17[%swap3A_442] {strides = array<i32>} : memref<10000xf32, #tpu.memory_space<vmem>>, vector<16xf32>,
      tpu.vector_store %arg17[%swap3A_442], %scan3A_422#4 {strides = array<i32>} : memref<10000xf32, #tpu.memory_space<vmem>>, vector<16xf32>,
      %add3A_444 = arith.constant 80 : i32
      %add3A_445 = arith.addi %multiple_of3A_391, %add3A_444 : i32
      %swap3A_446 = arith.index_cast %add3A_445 : i32 to index
      %swap3A_447 = tpu.vector_load %arg17[%swap3A_446] {strides = array<i32>} : memref<10000xf32, #tpu.memory_space<vmem>>, vector<16xf32>,
      tpu.vector_store %arg17[%swap3A_446], %scan3A_422#5 {strides = array<i32>} : memref<10000xf32, #tpu.memory_space<vmem>>, vector<16xf32>,
      %add3A_448 = arith.constant 96 : i32
      %add3A_449 = arith.addi %multiple_of3A_391, %add3A_448 : i32
      %swap3A_450 = arith.index_cast %add3A_449 : i32 to index
      %swap3A_451 = tpu.vector_load %arg17[%swap3A_450] {strides = array<i32>} : memref<10000xf32, #tpu.memory_space<vmem>>, vector<16xf32>,
      tpu.vector_store %arg17[%swap3A_450], %scan3A_422#6 {strides = array<i32>} : memref<10000xf32, #tpu.memory_space<vmem>>, vector<16xf32>,
      %add3A_452 = arith.constant 112 : i32
      %add3A_453 = arith.addi %multiple_of3A_391, %add3A_452 : i32
      %swap3A_454 = arith.index_cast %add3A_453 : i32 to index
      %swap3A_455 = tpu.vector_load %arg17[%swap3A_454] {strides = array<i32>} : memref<10000xf32, #tpu.memory_space<vmem>>, vector<16xf32>,
      tpu.vector_store %arg17[%swap3A_454], %scan3A_422#7 {strides = array<i32>} : memref<10000xf32, #tpu.memory_space<vmem>>, vector<16xf32>,
      %add3A_456 = arith.constant 4 : i32
      %add3A_457 = arith.addi %add3A_376, %add3A_456 : i32
      %lt3A_458 = arith.constant 79 : i32
      %lt3A_459 = arith.cmpi slt, %add3A_457, %lt3A_458 : i32
      %convert_element_type3A_460 = arith.extui %lt3A_459 : i1 to i32
      %cond3A_461 = arith.constant 0 : i32
      %cond3A_462 = arith.cmpi ne, %convert_element_type3A_460, %cond3A_461 : i32
      scf.if %cond3A_462 {
        %add3A_640 = arith.constant 4 : i32
        %add3A_641 = arith.addi %add3A_376, %add3A_640 : i32
        %mul3A_642 = arith.constant 128 : i32
        %mul3A_643 = arith.muli %add3A_641, %mul3A_642 : i32
        %min3A_644 = arith.constant 9872 : i32
        %min3A_645 = arith.minsi %mul3A_643, %min3A_644 : i32
        %multiple_of3A_646 = tpu.assume_multiple %min3A_645, 8 : i32
        %dma_start3A_647 = tpu.memref_slice %arg7[%multiple_of3A_646] : memref<10000xi32, #tpu.memory_space<vmem>> -> memref<128xi32, #tpu.memory_space<vmem>>
        %dma_start3A_648 = arith.constant 0 : i32
        %dma_start3A_649 = arith.constant 0 : i32
        %dma_start3A_650 = tpu.memref_slice %arg2[%dma_start3A_648, %dma_start3A_649] : memref<10000x64xi32, #tpu.memory_space<hbm>> -> memref<10000x64xi32, #tpu.memory_space<hbm>>
        tpu.enqueue_indirect_dma source(%dma_start3A_650 : memref<10000x64xi32, #tpu.memory_space<hbm>>) target(%arg11 : memref<128x64xi32, #tpu.memory_space<vmem>>) offsets(%dma_start3A_647 : memref<128xi32, #tpu.memory_space<vmem>>) semaphore(%arg19 : memref<!tpu.dma_semaphore, #tpu.memory_space<semaphore_mem>>)
        %dma_start3A_651 = tpu.memref_slice %arg8[%multiple_of3A_646] : memref<10000xi32, #tpu.memory_space<vmem>> -> memref<128xi32, #tpu.memory_space<vmem>>
        %dma_start3A_652 = arith.constant 0 : i32
        %dma_start3A_653 = arith.constant 0 : i32
        %dma_start3A_654 = tpu.memref_slice %arg3[%dma_start3A_652, %dma_start3A_653] : memref<10000x64xi32, #tpu.memory_space<hbm>> -> memref<10000x64xi32, #tpu.memory_space<hbm>>
        tpu.enqueue_indirect_dma source(%dma_start3A_654 : memref<10000x64xi32, #tpu.memory_space<hbm>>) target(%arg12 : memref<128x64xi32, #tpu.memory_space<vmem>>) offsets(%dma_start3A_651 : memref<128xi32, #tpu.memory_space<vmem>>) semaphore(%arg19 : memref<!tpu.dma_semaphore, #tpu.memory_space<semaphore_mem>>)
      } else {
      }
      %add3A_463 = arith.constant 2 : i32
      %add3A_464 = arith.addi %mul3A_289, %add3A_463 : i32
      %dma_wait3A_465 = arith.constant 0 : i32
      %dma_wait3A_466 = tpu.memref_slice %arg7[%dma_wait3A_465] : memref<10000xi32, #tpu.memory_space<vmem>> -> memref<128xi32, #tpu.memory_space<vmem>>
      %dma_wait3A_467 = arith.constant 0 : i32
      %dma_wait3A_468 = arith.constant 0 : i32
      %dma_wait3A_469 = tpu.memref_slice %arg2[%dma_wait3A_467, %dma_wait3A_468] : memref<10000x64xi32, #tpu.memory_space<hbm>> -> memref<10000x64xi32, #tpu.memory_space<hbm>>
      tpu.wait_indirect_dma semaphore(%arg20 : memref<!tpu.dma_semaphore, #tpu.memory_space<semaphore_mem>>) src(%dma_wait3A_469 : memref<10000x64xi32, #tpu.memory_space<hbm>>) dst(%arg13 : memref<128x64xi32, #tpu.memory_space<vmem>>)
      %dma_wait3A_470 = arith.constant 0 : i32
      %dma_wait3A_471 = tpu.memref_slice %arg8[%dma_wait3A_470] : memref<10000xi32, #tpu.memory_space<vmem>> -> memref<128xi32, #tpu.memory_space<vmem>>
      %dma_wait3A_472 = arith.constant 0 : i32
      %dma_wait3A_473 = arith.constant 0 : i32
      %dma_wait3A_474 = tpu.memref_slice %arg3[%dma_wait3A_472, %dma_wait3A_473] : memref<10000x64xi32, #tpu.memory_space<hbm>> -> memref<10000x64xi32, #tpu.memory_space<hbm>>
      tpu.wait_indirect_dma semaphore(%arg20 : memref<!tpu.dma_semaphore, #tpu.memory_space<semaphore_mem>>) src(%dma_wait3A_474 : memref<10000x64xi32, #tpu.memory_space<hbm>>) dst(%arg14 : memref<128x64xi32, #tpu.memory_space<vmem>>)
      %mul3A_475 = arith.constant 128 : i32
      %mul3A_476 = arith.muli %add3A_464, %mul3A_475 : i32
      %min3A_477 = arith.constant 9872 : i32
      %min3A_478 = arith.minsi %mul3A_476, %min3A_477 : i32
      %multiple_of3A_479 = tpu.assume_multiple %min3A_478, 8 : i32
      %broadcast_in_dim3A_480 = arith.constant 0.000000e+00 : f32
      %broadcast_in_dim3A_481 = vector.broadcast %broadcast_in_dim3A_480 : f32 to vector<16xf32>
      %add3A_482 = arith.constant 0 : i32
      %add3A_483 = vector.broadcast %add3A_482 : i32 to vector<16xi32>
      %add3A_484 = arith.addi %iota3A, %add3A_483 : vector<16xi32>
      %add3A_485 = arith.constant 16 : i32
      %add3A_486 = vector.broadcast %add3A_485 : i32 to vector<16xi32>
      %add3A_487 = arith.addi %iota3A, %add3A_486 : vector<16xi32>
      %add3A_488 = arith.constant 32 : i32
      %add3A_489 = vector.broadcast %add3A_488 : i32 to vector<16xi32>
      %add3A_490 = arith.addi %iota3A, %add3A_489 : vector<16xi32>
      %add3A_491 = arith.constant 48 : i32
      %add3A_492 = vector.broadcast %add3A_491 : i32 to vector<16xi32>
      %add3A_493 = arith.addi %iota3A, %add3A_492 : vector<16xi32>
      %add3A_494 = arith.constant 64 : i32
      %add3A_495 = vector.broadcast %add3A_494 : i32 to vector<16xi32>
      %add3A_496 = arith.addi %iota3A, %add3A_495 : vector<16xi32>
      %add3A_497 = arith.constant 80 : i32
      %add3A_498 = vector.broadcast %add3A_497 : i32 to vector<16xi32>
      %add3A_499 = arith.addi %iota3A, %add3A_498 : vector<16xi32>
      %add3A_500 = arith.constant 96 : i32
      %add3A_501 = vector.broadcast %add3A_500 : i32 to vector<16xi32>
      %add3A_502 = arith.addi %iota3A, %add3A_501 : vector<16xi32>
      %add3A_503 = arith.constant 112 : i32
      %add3A_504 = vector.broadcast %add3A_503 : i32 to vector<16xi32>
      %add3A_505 = arith.addi %iota3A, %add3A_504 : vector<16xi32>
      %scan3A_506 = arith.constant 0 : i32
      %scan3A_507 = arith.constant 64 : i32
      %scan3A_508 = arith.addi %scan3A_506, %scan3A_507 : i32
      %scan3A_509 = arith.constant 2 : i32
      %scan3A_510:8 = scf.for %scan3A_640 = %scan3A_506 to %scan3A_508 step %scan3A_509 iter_args(%scan3A_641 = %broadcast_in_dim3A_481, %scan3A_642 = %broadcast_in_dim3A_481, %scan3A_643 = %broadcast_in_dim3A_481, %scan3A_644 = %broadcast_in_dim3A_481, %scan3A_645 = %broadcast_in_dim3A_481, %scan3A_646 = %broadcast_in_dim3A_481, %scan3A_647 = %broadcast_in_dim3A_481, %scan3A_648 = %broadcast_in_dim3A_481) -> (vector<16xf32>, vector<16xf32>, vector<16xf32>, vector<16xf32>, vector<16xf32>, vector<16xf32>, vector<16xf32>, vector<16xf32>)  : i32 {
        %add3A_649 = vector.broadcast %scan3A_640 : i32 to vector<16xi32>
        %add3A_650 = arith.addi %iota3A, %add3A_649 : vector<16xi32>
        %and3A = arith.constant 63 : i32
        %and3A_651 = vector.broadcast %and3A : i32 to vector<16xi32>
        %and3A_652 = arith.andi %add3A_650, %and3A_651 : vector<16xi32>
        %gather3A = tpu.vector_load_idx %arg13[%add3A_484, %and3A_652] : memref<128x64xi32, #tpu.memory_space<vmem>>[vector<16xi32>, vector<16xi32>], vector<16xi32>,
        %gather3A_653 = tpu.vector_load_idx %arg14[%add3A_484, %and3A_652] : memref<128x64xi32, #tpu.memory_space<vmem>>[vector<16xi32>, vector<16xi32>], vector<16xi32>,
        %bitcast3A = vector.bitcast %gather3A : vector<16xi32> to vector<32xbf16>
        %bitcast3A_654 = vector.bitcast %gather3A_653 : vector<16xi32> to vector<32xbf16>
        %mul3A_655 = arith.mulf %bitcast3A, %bitcast3A_654 : vector<32xbf16>
        %unpack3A = tpu.unpack_subelements %mul3A_655, 0 {pack_format = #tpu.pack_format<interleaved>} : vector<32xbf16> -> vector<16xf32>
        %unpack3A_656 = tpu.unpack_subelements %mul3A_655, 1 {pack_format = #tpu.pack_format<interleaved>} : vector<32xbf16> -> vector<16xf32>
        %add3A_657 = arith.addf %scan3A_641, %unpack3A : vector<16xf32>
        %add3A_658 = arith.addf %add3A_657, %unpack3A_656 : vector<16xf32>
        %gather3A_659 = tpu.vector_load_idx %arg13[%add3A_487, %and3A_652] : memref<128x64xi32, #tpu.memory_space<vmem>>[vector<16xi32>, vector<16xi32>], vector<16xi32>,
        %gather3A_660 = tpu.vector_load_idx %arg14[%add3A_487, %and3A_652] : memref<128x64xi32, #tpu.memory_space<vmem>>[vector<16xi32>, vector<16xi32>], vector<16xi32>,
        %bitcast3A_661 = vector.bitcast %gather3A_659 : vector<16xi32> to vector<32xbf16>
        %bitcast3A_662 = vector.bitcast %gather3A_660 : vector<16xi32> to vector<32xbf16>
        %mul3A_663 = arith.mulf %bitcast3A_661, %bitcast3A_662 : vector<32xbf16>
        %unpack3A_664 = tpu.unpack_subelements %mul3A_663, 0 {pack_format = #tpu.pack_format<interleaved>} : vector<32xbf16> -> vector<16xf32>
        %unpack3A_665 = tpu.unpack_subelements %mul3A_663, 1 {pack_format = #tpu.pack_format<interleaved>} : vector<32xbf16> -> vector<16xf32>
        %add3A_666 = arith.addf %scan3A_642, %unpack3A_664 : vector<16xf32>
        %add3A_667 = arith.addf %add3A_666, %unpack3A_665 : vector<16xf32>
        %gather3A_668 = tpu.vector_load_idx %arg13[%add3A_490, %and3A_652] : memref<128x64xi32, #tpu.memory_space<vmem>>[vector<16xi32>, vector<16xi32>], vector<16xi32>,
        %gather3A_669 = tpu.vector_load_idx %arg14[%add3A_490, %and3A_652] : memref<128x64xi32, #tpu.memory_space<vmem>>[vector<16xi32>, vector<16xi32>], vector<16xi32>,
        %bitcast3A_670 = vector.bitcast %gather3A_668 : vector<16xi32> to vector<32xbf16>
        %bitcast3A_671 = vector.bitcast %gather3A_669 : vector<16xi32> to vector<32xbf16>
        %mul3A_672 = arith.mulf %bitcast3A_670, %bitcast3A_671 : vector<32xbf16>
        %unpack3A_673 = tpu.unpack_subelements %mul3A_672, 0 {pack_format = #tpu.pack_format<interleaved>} : vector<32xbf16> -> vector<16xf32>
        %unpack3A_674 = tpu.unpack_subelements %mul3A_672, 1 {pack_format = #tpu.pack_format<interleaved>} : vector<32xbf16> -> vector<16xf32>
        %add3A_675 = arith.addf %scan3A_643, %unpack3A_673 : vector<16xf32>
        %add3A_676 = arith.addf %add3A_675, %unpack3A_674 : vector<16xf32>
        %gather3A_677 = tpu.vector_load_idx %arg13[%add3A_493, %and3A_652] : memref<128x64xi32, #tpu.memory_space<vmem>>[vector<16xi32>, vector<16xi32>], vector<16xi32>,
        %gather3A_678 = tpu.vector_load_idx %arg14[%add3A_493, %and3A_652] : memref<128x64xi32, #tpu.memory_space<vmem>>[vector<16xi32>, vector<16xi32>], vector<16xi32>,
        %bitcast3A_679 = vector.bitcast %gather3A_677 : vector<16xi32> to vector<32xbf16>
        %bitcast3A_680 = vector.bitcast %gather3A_678 : vector<16xi32> to vector<32xbf16>
        %mul3A_681 = arith.mulf %bitcast3A_679, %bitcast3A_680 : vector<32xbf16>
        %unpack3A_682 = tpu.unpack_subelements %mul3A_681, 0 {pack_format = #tpu.pack_format<interleaved>} : vector<32xbf16> -> vector<16xf32>
        %unpack3A_683 = tpu.unpack_subelements %mul3A_681, 1 {pack_format = #tpu.pack_format<interleaved>} : vector<32xbf16> -> vector<16xf32>
        %add3A_684 = arith.addf %scan3A_644, %unpack3A_682 : vector<16xf32>
        %add3A_685 = arith.addf %add3A_684, %unpack3A_683 : vector<16xf32>
        %gather3A_686 = tpu.vector_load_idx %arg13[%add3A_496, %and3A_652] : memref<128x64xi32, #tpu.memory_space<vmem>>[vector<16xi32>, vector<16xi32>], vector<16xi32>,
        %gather3A_687 = tpu.vector_load_idx %arg14[%add3A_496, %and3A_652] : memref<128x64xi32, #tpu.memory_space<vmem>>[vector<16xi32>, vector<16xi32>], vector<16xi32>,
        %bitcast3A_688 = vector.bitcast %gather3A_686 : vector<16xi32> to vector<32xbf16>
        %bitcast3A_689 = vector.bitcast %gather3A_687 : vector<16xi32> to vector<32xbf16>
        %mul3A_690 = arith.mulf %bitcast3A_688, %bitcast3A_689 : vector<32xbf16>
        %unpack3A_691 = tpu.unpack_subelements %mul3A_690, 0 {pack_format = #tpu.pack_format<interleaved>} : vector<32xbf16> -> vector<16xf32>
        %unpack3A_692 = tpu.unpack_subelements %mul3A_690, 1 {pack_format = #tpu.pack_format<interleaved>} : vector<32xbf16> -> vector<16xf32>
        %add3A_693 = arith.addf %scan3A_645, %unpack3A_691 : vector<16xf32>
        %add3A_694 = arith.addf %add3A_693, %unpack3A_692 : vector<16xf32>
        %gather3A_695 = tpu.vector_load_idx %arg13[%add3A_499, %and3A_652] : memref<128x64xi32, #tpu.memory_space<vmem>>[vector<16xi32>, vector<16xi32>], vector<16xi32>,
        %gather3A_696 = tpu.vector_load_idx %arg14[%add3A_499, %and3A_652] : memref<128x64xi32, #tpu.memory_space<vmem>>[vector<16xi32>, vector<16xi32>], vector<16xi32>,
        %bitcast3A_697 = vector.bitcast %gather3A_695 : vector<16xi32> to vector<32xbf16>
        %bitcast3A_698 = vector.bitcast %gather3A_696 : vector<16xi32> to vector<32xbf16>
        %mul3A_699 = arith.mulf %bitcast3A_697, %bitcast3A_698 : vector<32xbf16>
        %unpack3A_700 = tpu.unpack_subelements %mul3A_699, 0 {pack_format = #tpu.pack_format<interleaved>} : vector<32xbf16> -> vector<16xf32>
        %unpack3A_701 = tpu.unpack_subelements %mul3A_699, 1 {pack_format = #tpu.pack_format<interleaved>} : vector<32xbf16> -> vector<16xf32>
        %add3A_702 = arith.addf %scan3A_646, %unpack3A_700 : vector<16xf32>
        %add3A_703 = arith.addf %add3A_702, %unpack3A_701 : vector<16xf32>
        %gather3A_704 = tpu.vector_load_idx %arg13[%add3A_502, %and3A_652] : memref<128x64xi32, #tpu.memory_space<vmem>>[vector<16xi32>, vector<16xi32>], vector<16xi32>,
        %gather3A_705 = tpu.vector_load_idx %arg14[%add3A_502, %and3A_652] : memref<128x64xi32, #tpu.memory_space<vmem>>[vector<16xi32>, vector<16xi32>], vector<16xi32>,
        %bitcast3A_706 = vector.bitcast %gather3A_704 : vector<16xi32> to vector<32xbf16>
        %bitcast3A_707 = vector.bitcast %gather3A_705 : vector<16xi32> to vector<32xbf16>
        %mul3A_708 = arith.mulf %bitcast3A_706, %bitcast3A_707 : vector<32xbf16>
        %unpack3A_709 = tpu.unpack_subelements %mul3A_708, 0 {pack_format = #tpu.pack_format<interleaved>} : vector<32xbf16> -> vector<16xf32>
        %unpack3A_710 = tpu.unpack_subelements %mul3A_708, 1 {pack_format = #tpu.pack_format<interleaved>} : vector<32xbf16> -> vector<16xf32>
        %add3A_711 = arith.addf %scan3A_647, %unpack3A_709 : vector<16xf32>
        %add3A_712 = arith.addf %add3A_711, %unpack3A_710 : vector<16xf32>
        %gather3A_713 = tpu.vector_load_idx %arg13[%add3A_505, %and3A_652] : memref<128x64xi32, #tpu.memory_space<vmem>>[vector<16xi32>, vector<16xi32>], vector<16xi32>,
        %gather3A_714 = tpu.vector_load_idx %arg14[%add3A_505, %and3A_652] : memref<128x64xi32, #tpu.memory_space<vmem>>[vector<16xi32>, vector<16xi32>], vector<16xi32>,
        %bitcast3A_715 = vector.bitcast %gather3A_713 : vector<16xi32> to vector<32xbf16>
        %bitcast3A_716 = vector.bitcast %gather3A_714 : vector<16xi32> to vector<32xbf16>
        %mul3A_717 = arith.mulf %bitcast3A_715, %bitcast3A_716 : vector<32xbf16>
        %unpack3A_718 = tpu.unpack_subelements %mul3A_717, 0 {pack_format = #tpu.pack_format<interleaved>} : vector<32xbf16> -> vector<16xf32>
        %unpack3A_719 = tpu.unpack_subelements %mul3A_717, 1 {pack_format = #tpu.pack_format<interleaved>} : vector<32xbf16> -> vector<16xf32>
        %add3A_720 = arith.addf %scan3A_648, %unpack3A_718 : vector<16xf32>
        %add3A_721 = arith.addf %add3A_720, %unpack3A_719 : vector<16xf32>
        %scan3A_722 = arith.constant 1 : i32
        %scan3A_723 = arith.addi %scan3A_640, %scan3A_722 : i32
        %add3A_724 = vector.broadcast %scan3A_723 : i32 to vector<16xi32>
        %add3A_725 = arith.addi %iota3A, %add3A_724 : vector<16xi32>
        %and3A_726 = arith.constant 63 : i32
        %and3A_727 = vector.broadcast %and3A_726 : i32 to vector<16xi32>
        %and3A_728 = arith.andi %add3A_725, %and3A_727 : vector<16xi32>
        %gather3A_729 = tpu.vector_load_idx %arg13[%add3A_484, %and3A_728] : memref<128x64xi32, #tpu.memory_space<vmem>>[vector<16xi32>, vector<16xi32>], vector<16xi32>,
        %gather3A_730 = tpu.vector_load_idx %arg14[%add3A_484, %and3A_728] : memref<128x64xi32, #tpu.memory_space<vmem>>[vector<16xi32>, vector<16xi32>], vector<16xi32>,
        %bitcast3A_731 = vector.bitcast %gather3A_729 : vector<16xi32> to vector<32xbf16>
        %bitcast3A_732 = vector.bitcast %gather3A_730 : vector<16xi32> to vector<32xbf16>
        %mul3A_733 = arith.mulf %bitcast3A_731, %bitcast3A_732 : vector<32xbf16>
        %unpack3A_734 = tpu.unpack_subelements %mul3A_733, 0 {pack_format = #tpu.pack_format<interleaved>} : vector<32xbf16> -> vector<16xf32>
        %unpack3A_735 = tpu.unpack_subelements %mul3A_733, 1 {pack_format = #tpu.pack_format<interleaved>} : vector<32xbf16> -> vector<16xf32>
        %add3A_736 = arith.addf %add3A_658, %unpack3A_734 : vector<16xf32>
        %add3A_737 = arith.addf %add3A_736, %unpack3A_735 : vector<16xf32>
        %gather3A_738 = tpu.vector_load_idx %arg13[%add3A_487, %and3A_728] : memref<128x64xi32, #tpu.memory_space<vmem>>[vector<16xi32>, vector<16xi32>], vector<16xi32>,
        %gather3A_739 = tpu.vector_load_idx %arg14[%add3A_487, %and3A_728] : memref<128x64xi32, #tpu.memory_space<vmem>>[vector<16xi32>, vector<16xi32>], vector<16xi32>,
        %bitcast3A_740 = vector.bitcast %gather3A_738 : vector<16xi32> to vector<32xbf16>
        %bitcast3A_741 = vector.bitcast %gather3A_739 : vector<16xi32> to vector<32xbf16>
        %mul3A_742 = arith.mulf %bitcast3A_740, %bitcast3A_741 : vector<32xbf16>
        %unpack3A_743 = tpu.unpack_subelements %mul3A_742, 0 {pack_format = #tpu.pack_format<interleaved>} : vector<32xbf16> -> vector<16xf32>
        %unpack3A_744 = tpu.unpack_subelements %mul3A_742, 1 {pack_format = #tpu.pack_format<interleaved>} : vector<32xbf16> -> vector<16xf32>
        %add3A_745 = arith.addf %add3A_667, %unpack3A_743 : vector<16xf32>
        %add3A_746 = arith.addf %add3A_745, %unpack3A_744 : vector<16xf32>
        %gather3A_747 = tpu.vector_load_idx %arg13[%add3A_490, %and3A_728] : memref<128x64xi32, #tpu.memory_space<vmem>>[vector<16xi32>, vector<16xi32>], vector<16xi32>,
        %gather3A_748 = tpu.vector_load_idx %arg14[%add3A_490, %and3A_728] : memref<128x64xi32, #tpu.memory_space<vmem>>[vector<16xi32>, vector<16xi32>], vector<16xi32>,
        %bitcast3A_749 = vector.bitcast %gather3A_747 : vector<16xi32> to vector<32xbf16>
        %bitcast3A_750 = vector.bitcast %gather3A_748 : vector<16xi32> to vector<32xbf16>
        %mul3A_751 = arith.mulf %bitcast3A_749, %bitcast3A_750 : vector<32xbf16>
        %unpack3A_752 = tpu.unpack_subelements %mul3A_751, 0 {pack_format = #tpu.pack_format<interleaved>} : vector<32xbf16> -> vector<16xf32>
        %unpack3A_753 = tpu.unpack_subelements %mul3A_751, 1 {pack_format = #tpu.pack_format<interleaved>} : vector<32xbf16> -> vector<16xf32>
        %add3A_754 = arith.addf %add3A_676, %unpack3A_752 : vector<16xf32>
        %add3A_755 = arith.addf %add3A_754, %unpack3A_753 : vector<16xf32>
        %gather3A_756 = tpu.vector_load_idx %arg13[%add3A_493, %and3A_728] : memref<128x64xi32, #tpu.memory_space<vmem>>[vector<16xi32>, vector<16xi32>], vector<16xi32>,
        %gather3A_757 = tpu.vector_load_idx %arg14[%add3A_493, %and3A_728] : memref<128x64xi32, #tpu.memory_space<vmem>>[vector<16xi32>, vector<16xi32>], vector<16xi32>,
        %bitcast3A_758 = vector.bitcast %gather3A_756 : vector<16xi32> to vector<32xbf16>
        %bitcast3A_759 = vector.bitcast %gather3A_757 : vector<16xi32> to vector<32xbf16>
        %mul3A_760 = arith.mulf %bitcast3A_758, %bitcast3A_759 : vector<32xbf16>
        %unpack3A_761 = tpu.unpack_subelements %mul3A_760, 0 {pack_format = #tpu.pack_format<interleaved>} : vector<32xbf16> -> vector<16xf32>
        %unpack3A_762 = tpu.unpack_subelements %mul3A_760, 1 {pack_format = #tpu.pack_format<interleaved>} : vector<32xbf16> -> vector<16xf32>
        %add3A_763 = arith.addf %add3A_685, %unpack3A_761 : vector<16xf32>
        %add3A_764 = arith.addf %add3A_763, %unpack3A_762 : vector<16xf32>
        %gather3A_765 = tpu.vector_load_idx %arg13[%add3A_496, %and3A_728] : memref<128x64xi32, #tpu.memory_space<vmem>>[vector<16xi32>, vector<16xi32>], vector<16xi32>,
        %gather3A_766 = tpu.vector_load_idx %arg14[%add3A_496, %and3A_728] : memref<128x64xi32, #tpu.memory_space<vmem>>[vector<16xi32>, vector<16xi32>], vector<16xi32>,
        %bitcast3A_767 = vector.bitcast %gather3A_765 : vector<16xi32> to vector<32xbf16>
        %bitcast3A_768 = vector.bitcast %gather3A_766 : vector<16xi32> to vector<32xbf16>
        %mul3A_769 = arith.mulf %bitcast3A_767, %bitcast3A_768 : vector<32xbf16>
        %unpack3A_770 = tpu.unpack_subelements %mul3A_769, 0 {pack_format = #tpu.pack_format<interleaved>} : vector<32xbf16> -> vector<16xf32>
        %unpack3A_771 = tpu.unpack_subelements %mul3A_769, 1 {pack_format = #tpu.pack_format<interleaved>} : vector<32xbf16> -> vector<16xf32>
        %add3A_772 = arith.addf %add3A_694, %unpack3A_770 : vector<16xf32>
        %add3A_773 = arith.addf %add3A_772, %unpack3A_771 : vector<16xf32>
        %gather3A_774 = tpu.vector_load_idx %arg13[%add3A_499, %and3A_728] : memref<128x64xi32, #tpu.memory_space<vmem>>[vector<16xi32>, vector<16xi32>], vector<16xi32>,
        %gather3A_775 = tpu.vector_load_idx %arg14[%add3A_499, %and3A_728] : memref<128x64xi32, #tpu.memory_space<vmem>>[vector<16xi32>, vector<16xi32>], vector<16xi32>,
        %bitcast3A_776 = vector.bitcast %gather3A_774 : vector<16xi32> to vector<32xbf16>
        %bitcast3A_777 = vector.bitcast %gather3A_775 : vector<16xi32> to vector<32xbf16>
        %mul3A_778 = arith.mulf %bitcast3A_776, %bitcast3A_777 : vector<32xbf16>
        %unpack3A_779 = tpu.unpack_subelements %mul3A_778, 0 {pack_format = #tpu.pack_format<interleaved>} : vector<32xbf16> -> vector<16xf32>
        %unpack3A_780 = tpu.unpack_subelements %mul3A_778, 1 {pack_format = #tpu.pack_format<interleaved>} : vector<32xbf16> -> vector<16xf32>
        %add3A_781 = arith.addf %add3A_703, %unpack3A_779 : vector<16xf32>
        %add3A_782 = arith.addf %add3A_781, %unpack3A_780 : vector<16xf32>
        %gather3A_783 = tpu.vector_load_idx %arg13[%add3A_502, %and3A_728] : memref<128x64xi32, #tpu.memory_space<vmem>>[vector<16xi32>, vector<16xi32>], vector<16xi32>,
        %gather3A_784 = tpu.vector_load_idx %arg14[%add3A_502, %and3A_728] : memref<128x64xi32, #tpu.memory_space<vmem>>[vector<16xi32>, vector<16xi32>], vector<16xi32>,
        %bitcast3A_785 = vector.bitcast %gather3A_783 : vector<16xi32> to vector<32xbf16>
        %bitcast3A_786 = vector.bitcast %gather3A_784 : vector<16xi32> to vector<32xbf16>
        %mul3A_787 = arith.mulf %bitcast3A_785, %bitcast3A_786 : vector<32xbf16>
        %unpack3A_788 = tpu.unpack_subelements %mul3A_787, 0 {pack_format = #tpu.pack_format<interleaved>} : vector<32xbf16> -> vector<16xf32>
        %unpack3A_789 = tpu.unpack_subelements %mul3A_787, 1 {pack_format = #tpu.pack_format<interleaved>} : vector<32xbf16> -> vector<16xf32>
        %add3A_790 = arith.addf %add3A_712, %unpack3A_788 : vector<16xf32>
        %add3A_791 = arith.addf %add3A_790, %unpack3A_789 : vector<16xf32>
        %gather3A_792 = tpu.vector_load_idx %arg13[%add3A_505, %and3A_728] : memref<128x64xi32, #tpu.memory_space<vmem>>[vector<16xi32>, vector<16xi32>], vector<16xi32>,
        %gather3A_793 = tpu.vector_load_idx %arg14[%add3A_505, %and3A_728] : memref<128x64xi32, #tpu.memory_space<vmem>>[vector<16xi32>, vector<16xi32>], vector<16xi32>,
        %bitcast3A_794 = vector.bitcast %gather3A_792 : vector<16xi32> to vector<32xbf16>
        %bitcast3A_795 = vector.bitcast %gather3A_793 : vector<16xi32> to vector<32xbf16>
        %mul3A_796 = arith.mulf %bitcast3A_794, %bitcast3A_795 : vector<32xbf16>
        %unpack3A_797 = tpu.unpack_subelements %mul3A_796, 0 {pack_format = #tpu.pack_format<interleaved>} : vector<32xbf16> -> vector<16xf32>
        %unpack3A_798 = tpu.unpack_subelements %mul3A_796, 1 {pack_format = #tpu.pack_format<interleaved>} : vector<32xbf16> -> vector<16xf32>
        %add3A_799 = arith.addf %add3A_721, %unpack3A_797 : vector<16xf32>
        %add3A_800 = arith.addf %add3A_799, %unpack3A_798 : vector<16xf32>
        scf.yield %add3A_737, %add3A_746, %add3A_755, %add3A_764, %add3A_773, %add3A_782, %add3A_791, %add3A_800 : vector<16xf32>, vector<16xf32>, vector<16xf32>, vector<16xf32>, vector<16xf32>, vector<16xf32>, vector<16xf32>, vector<16xf32>
      }
      %scan3A_511 = arith.constant 64 : i32
      %add3A_512 = arith.constant 0 : i32
      %add3A_513 = arith.addi %multiple_of3A_479, %add3A_512 : i32
      %swap3A_514 = arith.index_cast %add3A_513 : i32 to index
      %swap3A_515 = tpu.vector_load %arg17[%swap3A_514] {strides = array<i32>} : memref<10000xf32, #tpu.memory_space<vmem>>, vector<16xf32>,
      tpu.vector_store %arg17[%swap3A_514], %scan3A_510#0 {strides = array<i32>} : memref<10000xf32, #tpu.memory_space<vmem>>, vector<16xf32>,
      %add3A_516 = arith.constant 16 : i32
      %add3A_517 = arith.addi %multiple_of3A_479, %add3A_516 : i32
      %swap3A_518 = arith.index_cast %add3A_517 : i32 to index
      %swap3A_519 = tpu.vector_load %arg17[%swap3A_518] {strides = array<i32>} : memref<10000xf32, #tpu.memory_space<vmem>>, vector<16xf32>,
      tpu.vector_store %arg17[%swap3A_518], %scan3A_510#1 {strides = array<i32>} : memref<10000xf32, #tpu.memory_space<vmem>>, vector<16xf32>,
      %add3A_520 = arith.constant 32 : i32
      %add3A_521 = arith.addi %multiple_of3A_479, %add3A_520 : i32
      %swap3A_522 = arith.index_cast %add3A_521 : i32 to index
      %swap3A_523 = tpu.vector_load %arg17[%swap3A_522] {strides = array<i32>} : memref<10000xf32, #tpu.memory_space<vmem>>, vector<16xf32>,
      tpu.vector_store %arg17[%swap3A_522], %scan3A_510#2 {strides = array<i32>} : memref<10000xf32, #tpu.memory_space<vmem>>, vector<16xf32>,
      %add3A_524 = arith.constant 48 : i32
      %add3A_525 = arith.addi %multiple_of3A_479, %add3A_524 : i32
      %swap3A_526 = arith.index_cast %add3A_525 : i32 to index
      %swap3A_527 = tpu.vector_load %arg17[%swap3A_526] {strides = array<i32>} : memref<10000xf32, #tpu.memory_space<vmem>>, vector<16xf32>,
      tpu.vector_store %arg17[%swap3A_526], %scan3A_510#3 {strides = array<i32>} : memref<10000xf32, #tpu.memory_space<vmem>>, vector<16xf32>,
      %add3A_528 = arith.constant 64 : i32
      %add3A_529 = arith.addi %multiple_of3A_479, %add3A_528 : i32
      %swap3A_530 = arith.index_cast %add3A_529 : i32 to index
      %swap3A_531 = tpu.vector_load %arg17[%swap3A_530] {strides = array<i32>} : memref<10000xf32, #tpu.memory_space<vmem>>, vector<16xf32>,
      tpu.vector_store %arg17[%swap3A_530], %scan3A_510#4 {strides = array<i32>} : memref<10000xf32, #tpu.memory_space<vmem>>, vector<16xf32>,
      %add3A_532 = arith.constant 80 : i32
      %add3A_533 = arith.addi %multiple_of3A_479, %add3A_532 : i32
      %swap3A_534 = arith.index_cast %add3A_533 : i32 to index
      %swap3A_535 = tpu.vector_load %arg17[%swap3A_534] {strides = array<i32>} : memref<10000xf32, #tpu.memory_space<vmem>>, vector<16xf32>,
      tpu.vector_store %arg17[%swap3A_534], %scan3A_510#5 {strides = array<i32>} : memref<10000xf32, #tpu.memory_space<vmem>>, vector<16xf32>,
      %add3A_536 = arith.constant 96 : i32
      %add3A_537 = arith.addi %multiple_of3A_479, %add3A_536 : i32
      %swap3A_538 = arith.index_cast %add3A_537 : i32 to index
      %swap3A_539 = tpu.vector_load %arg17[%swap3A_538] {strides = array<i32>} : memref<10000xf32, #tpu.memory_space<vmem>>, vector<16xf32>,
      tpu.vector_store %arg17[%swap3A_538], %scan3A_510#6 {strides = array<i32>} : memref<10000xf32, #tpu.memory_space<vmem>>, vector<16xf32>,
      %add3A_540 = arith.constant 112 : i32
      %add3A_541 = arith.addi %multiple_of3A_479, %add3A_540 : i32
      %swap3A_542 = arith.index_cast %add3A_541 : i32 to index
      %swap3A_543 = tpu.vector_load %arg17[%swap3A_542] {strides = array<i32>} : memref<10000xf32, #tpu.memory_space<vmem>>, vector<16xf32>,
      tpu.vector_store %arg17[%swap3A_542], %scan3A_510#7 {strides = array<i32>} : memref<10000xf32, #tpu.memory_space<vmem>>, vector<16xf32>,
      %add3A_544 = arith.constant 4 : i32
      %add3A_545 = arith.addi %add3A_464, %add3A_544 : i32
      %lt3A_546 = arith.constant 79 : i32
      %lt3A_547 = arith.cmpi slt, %add3A_545, %lt3A_546 : i32
      %convert_element_type3A_548 = arith.extui %lt3A_547 : i1 to i32
      %cond3A_549 = arith.constant 0 : i32
      %cond3A_550 = arith.cmpi ne, %convert_element_type3A_548, %cond3A_549 : i32
      scf.if %cond3A_550 {
        %add3A_640 = arith.constant 4 : i32
        %add3A_641 = arith.addi %add3A_464, %add3A_640 : i32
        %mul3A_642 = arith.constant 128 : i32
        %mul3A_643 = arith.muli %add3A_641, %mul3A_642 : i32
        %min3A_644 = arith.constant 9872 : i32
        %min3A_645 = arith.minsi %mul3A_643, %min3A_644 : i32
        %multiple_of3A_646 = tpu.assume_multiple %min3A_645, 8 : i32
        %dma_start3A_647 = tpu.memref_slice %arg7[%multiple_of3A_646] : memref<10000xi32, #tpu.memory_space<vmem>> -> memref<128xi32, #tpu.memory_space<vmem>>
        %dma_start3A_648 = arith.constant 0 : i32
        %dma_start3A_649 = arith.constant 0 : i32
        %dma_start3A_650 = tpu.memref_slice %arg2[%dma_start3A_648, %dma_start3A_649] : memref<10000x64xi32, #tpu.memory_space<hbm>> -> memref<10000x64xi32, #tpu.memory_space<hbm>>
        tpu.enqueue_indirect_dma source(%dma_start3A_650 : memref<10000x64xi32, #tpu.memory_space<hbm>>) target(%arg13 : memref<128x64xi32, #tpu.memory_space<vmem>>) offsets(%dma_start3A_647 : memref<128xi32, #tpu.memory_space<vmem>>) semaphore(%arg20 : memref<!tpu.dma_semaphore, #tpu.memory_space<semaphore_mem>>)
        %dma_start3A_651 = tpu.memref_slice %arg8[%multiple_of3A_646] : memref<10000xi32, #tpu.memory_space<vmem>> -> memref<128xi32, #tpu.memory_space<vmem>>
        %dma_start3A_652 = arith.constant 0 : i32
        %dma_start3A_653 = arith.constant 0 : i32
        %dma_start3A_654 = tpu.memref_slice %arg3[%dma_start3A_652, %dma_start3A_653] : memref<10000x64xi32, #tpu.memory_space<hbm>> -> memref<10000x64xi32, #tpu.memory_space<hbm>>
        tpu.enqueue_indirect_dma source(%dma_start3A_654 : memref<10000x64xi32, #tpu.memory_space<hbm>>) target(%arg14 : memref<128x64xi32, #tpu.memory_space<vmem>>) offsets(%dma_start3A_651 : memref<128xi32, #tpu.memory_space<vmem>>) semaphore(%arg20 : memref<!tpu.dma_semaphore, #tpu.memory_space<semaphore_mem>>)
      } else {
      }
      %add3A_551 = arith.constant 3 : i32
      %add3A_552 = arith.addi %mul3A_289, %add3A_551 : i32
      %dma_wait3A_553 = arith.constant 0 : i32
      %dma_wait3A_554 = tpu.memref_slice %arg7[%dma_wait3A_553] : memref<10000xi32, #tpu.memory_space<vmem>> -> memref<128xi32, #tpu.memory_space<vmem>>
      %dma_wait3A_555 = arith.constant 0 : i32
      %dma_wait3A_556 = arith.constant 0 : i32
      %dma_wait3A_557 = tpu.memref_slice %arg2[%dma_wait3A_555, %dma_wait3A_556] : memref<10000x64xi32, #tpu.memory_space<hbm>> -> memref<10000x64xi32, #tpu.memory_space<hbm>>
      tpu.wait_indirect_dma semaphore(%arg21 : memref<!tpu.dma_semaphore, #tpu.memory_space<semaphore_mem>>) src(%dma_wait3A_557 : memref<10000x64xi32, #tpu.memory_space<hbm>>) dst(%arg15 : memref<128x64xi32, #tpu.memory_space<vmem>>)
      %dma_wait3A_558 = arith.constant 0 : i32
      %dma_wait3A_559 = tpu.memref_slice %arg8[%dma_wait3A_558] : memref<10000xi32, #tpu.memory_space<vmem>> -> memref<128xi32, #tpu.memory_space<vmem>>
      %dma_wait3A_560 = arith.constant 0 : i32
      %dma_wait3A_561 = arith.constant 0 : i32
      %dma_wait3A_562 = tpu.memref_slice %arg3[%dma_wait3A_560, %dma_wait3A_561] : memref<10000x64xi32, #tpu.memory_space<hbm>> -> memref<10000x64xi32, #tpu.memory_space<hbm>>
      tpu.wait_indirect_dma semaphore(%arg21 : memref<!tpu.dma_semaphore, #tpu.memory_space<semaphore_mem>>) src(%dma_wait3A_562 : memref<10000x64xi32, #tpu.memory_space<hbm>>) dst(%arg16 : memref<128x64xi32, #tpu.memory_space<vmem>>)
      %mul3A_563 = arith.constant 128 : i32
      %mul3A_564 = arith.muli %add3A_552, %mul3A_563 : i32
      %min3A_565 = arith.constant 9872 : i32
      %min3A_566 = arith.minsi %mul3A_564, %min3A_565 : i32
      %multiple_of3A_567 = tpu.assume_multiple %min3A_566, 8 : i32
      %broadcast_in_dim3A_568 = arith.constant 0.000000e+00 : f32
      %broadcast_in_dim3A_569 = vector.broadcast %broadcast_in_dim3A_568 : f32 to vector<16xf32>
      %add3A_570 = arith.constant 0 : i32
      %add3A_571 = vector.broadcast %add3A_570 : i32 to vector<16xi32>
      %add3A_572 = arith.addi %iota3A, %add3A_571 : vector<16xi32>
      %add3A_573 = arith.constant 16 : i32
      %add3A_574 = vector.broadcast %add3A_573 : i32 to vector<16xi32>
      %add3A_575 = arith.addi %iota3A, %add3A_574 : vector<16xi32>
      %add3A_576 = arith.constant 32 : i32
      %add3A_577 = vector.broadcast %add3A_576 : i32 to vector<16xi32>
      %add3A_578 = arith.addi %iota3A, %add3A_577 : vector<16xi32>
      %add3A_579 = arith.constant 48 : i32
      %add3A_580 = vector.broadcast %add3A_579 : i32 to vector<16xi32>
      %add3A_581 = arith.addi %iota3A, %add3A_580 : vector<16xi32>
      %add3A_582 = arith.constant 64 : i32
      %add3A_583 = vector.broadcast %add3A_582 : i32 to vector<16xi32>
      %add3A_584 = arith.addi %iota3A, %add3A_583 : vector<16xi32>
      %add3A_585 = arith.constant 80 : i32
      %add3A_586 = vector.broadcast %add3A_585 : i32 to vector<16xi32>
      %add3A_587 = arith.addi %iota3A, %add3A_586 : vector<16xi32>
      %add3A_588 = arith.constant 96 : i32
      %add3A_589 = vector.broadcast %add3A_588 : i32 to vector<16xi32>
      %add3A_590 = arith.addi %iota3A, %add3A_589 : vector<16xi32>
      %add3A_591 = arith.constant 112 : i32
      %add3A_592 = vector.broadcast %add3A_591 : i32 to vector<16xi32>
      %add3A_593 = arith.addi %iota3A, %add3A_592 : vector<16xi32>
      %scan3A_594 = arith.constant 0 : i32
      %scan3A_595 = arith.constant 64 : i32
      %scan3A_596 = arith.addi %scan3A_594, %scan3A_595 : i32
      %scan3A_597 = arith.constant 2 : i32
      %scan3A_598:8 = scf.for %scan3A_640 = %scan3A_594 to %scan3A_596 step %scan3A_597 iter_args(%scan3A_641 = %broadcast_in_dim3A_569, %scan3A_642 = %broadcast_in_dim3A_569, %scan3A_643 = %broadcast_in_dim3A_569, %scan3A_644 = %broadcast_in_dim3A_569, %scan3A_645 = %broadcast_in_dim3A_569, %scan3A_646 = %broadcast_in_dim3A_569, %scan3A_647 = %broadcast_in_dim3A_569, %scan3A_648 = %broadcast_in_dim3A_569) -> (vector<16xf32>, vector<16xf32>, vector<16xf32>, vector<16xf32>, vector<16xf32>, vector<16xf32>, vector<16xf32>, vector<16xf32>)  : i32 {
        %add3A_649 = vector.broadcast %scan3A_640 : i32 to vector<16xi32>
        %add3A_650 = arith.addi %iota3A, %add3A_649 : vector<16xi32>
        %and3A = arith.constant 63 : i32
        %and3A_651 = vector.broadcast %and3A : i32 to vector<16xi32>
        %and3A_652 = arith.andi %add3A_650, %and3A_651 : vector<16xi32>
        %gather3A = tpu.vector_load_idx %arg15[%add3A_572, %and3A_652] : memref<128x64xi32, #tpu.memory_space<vmem>>[vector<16xi32>, vector<16xi32>], vector<16xi32>,
        %gather3A_653 = tpu.vector_load_idx %arg16[%add3A_572, %and3A_652] : memref<128x64xi32, #tpu.memory_space<vmem>>[vector<16xi32>, vector<16xi32>], vector<16xi32>,
        %bitcast3A = vector.bitcast %gather3A : vector<16xi32> to vector<32xbf16>
        %bitcast3A_654 = vector.bitcast %gather3A_653 : vector<16xi32> to vector<32xbf16>
        %mul3A_655 = arith.mulf %bitcast3A, %bitcast3A_654 : vector<32xbf16>
        %unpack3A = tpu.unpack_subelements %mul3A_655, 0 {pack_format = #tpu.pack_format<interleaved>} : vector<32xbf16> -> vector<16xf32>
        %unpack3A_656 = tpu.unpack_subelements %mul3A_655, 1 {pack_format = #tpu.pack_format<interleaved>} : vector<32xbf16> -> vector<16xf32>
        %add3A_657 = arith.addf %scan3A_641, %unpack3A : vector<16xf32>
        %add3A_658 = arith.addf %add3A_657, %unpack3A_656 : vector<16xf32>
        %gather3A_659 = tpu.vector_load_idx %arg15[%add3A_575, %and3A_652] : memref<128x64xi32, #tpu.memory_space<vmem>>[vector<16xi32>, vector<16xi32>], vector<16xi32>,
        %gather3A_660 = tpu.vector_load_idx %arg16[%add3A_575, %and3A_652] : memref<128x64xi32, #tpu.memory_space<vmem>>[vector<16xi32>, vector<16xi32>], vector<16xi32>,
        %bitcast3A_661 = vector.bitcast %gather3A_659 : vector<16xi32> to vector<32xbf16>
        %bitcast3A_662 = vector.bitcast %gather3A_660 : vector<16xi32> to vector<32xbf16>
        %mul3A_663 = arith.mulf %bitcast3A_661, %bitcast3A_662 : vector<32xbf16>
        %unpack3A_664 = tpu.unpack_subelements %mul3A_663, 0 {pack_format = #tpu.pack_format<interleaved>} : vector<32xbf16> -> vector<16xf32>
        %unpack3A_665 = tpu.unpack_subelements %mul3A_663, 1 {pack_format = #tpu.pack_format<interleaved>} : vector<32xbf16> -> vector<16xf32>
        %add3A_666 = arith.addf %scan3A_642, %unpack3A_664 : vector<16xf32>
        %add3A_667 = arith.addf %add3A_666, %unpack3A_665 : vector<16xf32>
        %gather3A_668 = tpu.vector_load_idx %arg15[%add3A_578, %and3A_652] : memref<128x64xi32, #tpu.memory_space<vmem>>[vector<16xi32>, vector<16xi32>], vector<16xi32>,
        %gather3A_669 = tpu.vector_load_idx %arg16[%add3A_578, %and3A_652] : memref<128x64xi32, #tpu.memory_space<vmem>>[vector<16xi32>, vector<16xi32>], vector<16xi32>,
        %bitcast3A_670 = vector.bitcast %gather3A_668 : vector<16xi32> to vector<32xbf16>
        %bitcast3A_671 = vector.bitcast %gather3A_669 : vector<16xi32> to vector<32xbf16>
        %mul3A_672 = arith.mulf %bitcast3A_670, %bitcast3A_671 : vector<32xbf16>
        %unpack3A_673 = tpu.unpack_subelements %mul3A_672, 0 {pack_format = #tpu.pack_format<interleaved>} : vector<32xbf16> -> vector<16xf32>
        %unpack3A_674 = tpu.unpack_subelements %mul3A_672, 1 {pack_format = #tpu.pack_format<interleaved>} : vector<32xbf16> -> vector<16xf32>
        %add3A_675 = arith.addf %scan3A_643, %unpack3A_673 : vector<16xf32>
        %add3A_676 = arith.addf %add3A_675, %unpack3A_674 : vector<16xf32>
        %gather3A_677 = tpu.vector_load_idx %arg15[%add3A_581, %and3A_652] : memref<128x64xi32, #tpu.memory_space<vmem>>[vector<16xi32>, vector<16xi32>], vector<16xi32>,
        %gather3A_678 = tpu.vector_load_idx %arg16[%add3A_581, %and3A_652] : memref<128x64xi32, #tpu.memory_space<vmem>>[vector<16xi32>, vector<16xi32>], vector<16xi32>,
        %bitcast3A_679 = vector.bitcast %gather3A_677 : vector<16xi32> to vector<32xbf16>
        %bitcast3A_680 = vector.bitcast %gather3A_678 : vector<16xi32> to vector<32xbf16>
        %mul3A_681 = arith.mulf %bitcast3A_679, %bitcast3A_680 : vector<32xbf16>
        %unpack3A_682 = tpu.unpack_subelements %mul3A_681, 0 {pack_format = #tpu.pack_format<interleaved>} : vector<32xbf16> -> vector<16xf32>
        %unpack3A_683 = tpu.unpack_subelements %mul3A_681, 1 {pack_format = #tpu.pack_format<interleaved>} : vector<32xbf16> -> vector<16xf32>
        %add3A_684 = arith.addf %scan3A_644, %unpack3A_682 : vector<16xf32>
        %add3A_685 = arith.addf %add3A_684, %unpack3A_683 : vector<16xf32>
        %gather3A_686 = tpu.vector_load_idx %arg15[%add3A_584, %and3A_652] : memref<128x64xi32, #tpu.memory_space<vmem>>[vector<16xi32>, vector<16xi32>], vector<16xi32>,
        %gather3A_687 = tpu.vector_load_idx %arg16[%add3A_584, %and3A_652] : memref<128x64xi32, #tpu.memory_space<vmem>>[vector<16xi32>, vector<16xi32>], vector<16xi32>,
        %bitcast3A_688 = vector.bitcast %gather3A_686 : vector<16xi32> to vector<32xbf16>
        %bitcast3A_689 = vector.bitcast %gather3A_687 : vector<16xi32> to vector<32xbf16>
        %mul3A_690 = arith.mulf %bitcast3A_688, %bitcast3A_689 : vector<32xbf16>
        %unpack3A_691 = tpu.unpack_subelements %mul3A_690, 0 {pack_format = #tpu.pack_format<interleaved>} : vector<32xbf16> -> vector<16xf32>
        %unpack3A_692 = tpu.unpack_subelements %mul3A_690, 1 {pack_format = #tpu.pack_format<interleaved>} : vector<32xbf16> -> vector<16xf32>
        %add3A_693 = arith.addf %scan3A_645, %unpack3A_691 : vector<16xf32>
        %add3A_694 = arith.addf %add3A_693, %unpack3A_692 : vector<16xf32>
        %gather3A_695 = tpu.vector_load_idx %arg15[%add3A_587, %and3A_652] : memref<128x64xi32, #tpu.memory_space<vmem>>[vector<16xi32>, vector<16xi32>], vector<16xi32>,
        %gather3A_696 = tpu.vector_load_idx %arg16[%add3A_587, %and3A_652] : memref<128x64xi32, #tpu.memory_space<vmem>>[vector<16xi32>, vector<16xi32>], vector<16xi32>,
        %bitcast3A_697 = vector.bitcast %gather3A_695 : vector<16xi32> to vector<32xbf16>
        %bitcast3A_698 = vector.bitcast %gather3A_696 : vector<16xi32> to vector<32xbf16>
        %mul3A_699 = arith.mulf %bitcast3A_697, %bitcast3A_698 : vector<32xbf16>
        %unpack3A_700 = tpu.unpack_subelements %mul3A_699, 0 {pack_format = #tpu.pack_format<interleaved>} : vector<32xbf16> -> vector<16xf32>
        %unpack3A_701 = tpu.unpack_subelements %mul3A_699, 1 {pack_format = #tpu.pack_format<interleaved>} : vector<32xbf16> -> vector<16xf32>
        %add3A_702 = arith.addf %scan3A_646, %unpack3A_700 : vector<16xf32>
        %add3A_703 = arith.addf %add3A_702, %unpack3A_701 : vector<16xf32>
        %gather3A_704 = tpu.vector_load_idx %arg15[%add3A_590, %and3A_652] : memref<128x64xi32, #tpu.memory_space<vmem>>[vector<16xi32>, vector<16xi32>], vector<16xi32>,
        %gather3A_705 = tpu.vector_load_idx %arg16[%add3A_590, %and3A_652] : memref<128x64xi32, #tpu.memory_space<vmem>>[vector<16xi32>, vector<16xi32>], vector<16xi32>,
        %bitcast3A_706 = vector.bitcast %gather3A_704 : vector<16xi32> to vector<32xbf16>
        %bitcast3A_707 = vector.bitcast %gather3A_705 : vector<16xi32> to vector<32xbf16>
        %mul3A_708 = arith.mulf %bitcast3A_706, %bitcast3A_707 : vector<32xbf16>
        %unpack3A_709 = tpu.unpack_subelements %mul3A_708, 0 {pack_format = #tpu.pack_format<interleaved>} : vector<32xbf16> -> vector<16xf32>
        %unpack3A_710 = tpu.unpack_subelements %mul3A_708, 1 {pack_format = #tpu.pack_format<interleaved>} : vector<32xbf16> -> vector<16xf32>
        %add3A_711 = arith.addf %scan3A_647, %unpack3A_709 : vector<16xf32>
        %add3A_712 = arith.addf %add3A_711, %unpack3A_710 : vector<16xf32>
        %gather3A_713 = tpu.vector_load_idx %arg15[%add3A_593, %and3A_652] : memref<128x64xi32, #tpu.memory_space<vmem>>[vector<16xi32>, vector<16xi32>], vector<16xi32>,
        %gather3A_714 = tpu.vector_load_idx %arg16[%add3A_593, %and3A_652] : memref<128x64xi32, #tpu.memory_space<vmem>>[vector<16xi32>, vector<16xi32>], vector<16xi32>,
        %bitcast3A_715 = vector.bitcast %gather3A_713 : vector<16xi32> to vector<32xbf16>
        %bitcast3A_716 = vector.bitcast %gather3A_714 : vector<16xi32> to vector<32xbf16>
        %mul3A_717 = arith.mulf %bitcast3A_715, %bitcast3A_716 : vector<32xbf16>
        %unpack3A_718 = tpu.unpack_subelements %mul3A_717, 0 {pack_format = #tpu.pack_format<interleaved>} : vector<32xbf16> -> vector<16xf32>
        %unpack3A_719 = tpu.unpack_subelements %mul3A_717, 1 {pack_format = #tpu.pack_format<interleaved>} : vector<32xbf16> -> vector<16xf32>
        %add3A_720 = arith.addf %scan3A_648, %unpack3A_718 : vector<16xf32>
        %add3A_721 = arith.addf %add3A_720, %unpack3A_719 : vector<16xf32>
        %scan3A_722 = arith.constant 1 : i32
        %scan3A_723 = arith.addi %scan3A_640, %scan3A_722 : i32
        %add3A_724 = vector.broadcast %scan3A_723 : i32 to vector<16xi32>
        %add3A_725 = arith.addi %iota3A, %add3A_724 : vector<16xi32>
        %and3A_726 = arith.constant 63 : i32
        %and3A_727 = vector.broadcast %and3A_726 : i32 to vector<16xi32>
        %and3A_728 = arith.andi %add3A_725, %and3A_727 : vector<16xi32>
        %gather3A_729 = tpu.vector_load_idx %arg15[%add3A_572, %and3A_728] : memref<128x64xi32, #tpu.memory_space<vmem>>[vector<16xi32>, vector<16xi32>], vector<16xi32>,
        %gather3A_730 = tpu.vector_load_idx %arg16[%add3A_572, %and3A_728] : memref<128x64xi32, #tpu.memory_space<vmem>>[vector<16xi32>, vector<16xi32>], vector<16xi32>,
        %bitcast3A_731 = vector.bitcast %gather3A_729 : vector<16xi32> to vector<32xbf16>
        %bitcast3A_732 = vector.bitcast %gather3A_730 : vector<16xi32> to vector<32xbf16>
        %mul3A_733 = arith.mulf %bitcast3A_731, %bitcast3A_732 : vector<32xbf16>
        %unpack3A_734 = tpu.unpack_subelements %mul3A_733, 0 {pack_format = #tpu.pack_format<interleaved>} : vector<32xbf16> -> vector<16xf32>
        %unpack3A_735 = tpu.unpack_subelements %mul3A_733, 1 {pack_format = #tpu.pack_format<interleaved>} : vector<32xbf16> -> vector<16xf32>
        %add3A_736 = arith.addf %add3A_658, %unpack3A_734 : vector<16xf32>
        %add3A_737 = arith.addf %add3A_736, %unpack3A_735 : vector<16xf32>
        %gather3A_738 = tpu.vector_load_idx %arg15[%add3A_575, %and3A_728] : memref<128x64xi32, #tpu.memory_space<vmem>>[vector<16xi32>, vector<16xi32>], vector<16xi32>,
        %gather3A_739 = tpu.vector_load_idx %arg16[%add3A_575, %and3A_728] : memref<128x64xi32, #tpu.memory_space<vmem>>[vector<16xi32>, vector<16xi32>], vector<16xi32>,
        %bitcast3A_740 = vector.bitcast %gather3A_738 : vector<16xi32> to vector<32xbf16>
        %bitcast3A_741 = vector.bitcast %gather3A_739 : vector<16xi32> to vector<32xbf16>
        %mul3A_742 = arith.mulf %bitcast3A_740, %bitcast3A_741 : vector<32xbf16>
        %unpack3A_743 = tpu.unpack_subelements %mul3A_742, 0 {pack_format = #tpu.pack_format<interleaved>} : vector<32xbf16> -> vector<16xf32>
        %unpack3A_744 = tpu.unpack_subelements %mul3A_742, 1 {pack_format = #tpu.pack_format<interleaved>} : vector<32xbf16> -> vector<16xf32>
        %add3A_745 = arith.addf %add3A_667, %unpack3A_743 : vector<16xf32>
        %add3A_746 = arith.addf %add3A_745, %unpack3A_744 : vector<16xf32>
        %gather3A_747 = tpu.vector_load_idx %arg15[%add3A_578, %and3A_728] : memref<128x64xi32, #tpu.memory_space<vmem>>[vector<16xi32>, vector<16xi32>], vector<16xi32>,
        %gather3A_748 = tpu.vector_load_idx %arg16[%add3A_578, %and3A_728] : memref<128x64xi32, #tpu.memory_space<vmem>>[vector<16xi32>, vector<16xi32>], vector<16xi32>,
        %bitcast3A_749 = vector.bitcast %gather3A_747 : vector<16xi32> to vector<32xbf16>
        %bitcast3A_750 = vector.bitcast %gather3A_748 : vector<16xi32> to vector<32xbf16>
        %mul3A_751 = arith.mulf %bitcast3A_749, %bitcast3A_750 : vector<32xbf16>
        %unpack3A_752 = tpu.unpack_subelements %mul3A_751, 0 {pack_format = #tpu.pack_format<interleaved>} : vector<32xbf16> -> vector<16xf32>
        %unpack3A_753 = tpu.unpack_subelements %mul3A_751, 1 {pack_format = #tpu.pack_format<interleaved>} : vector<32xbf16> -> vector<16xf32>
        %add3A_754 = arith.addf %add3A_676, %unpack3A_752 : vector<16xf32>
        %add3A_755 = arith.addf %add3A_754, %unpack3A_753 : vector<16xf32>
        %gather3A_756 = tpu.vector_load_idx %arg15[%add3A_581, %and3A_728] : memref<128x64xi32, #tpu.memory_space<vmem>>[vector<16xi32>, vector<16xi32>], vector<16xi32>,
        %gather3A_757 = tpu.vector_load_idx %arg16[%add3A_581, %and3A_728] : memref<128x64xi32, #tpu.memory_space<vmem>>[vector<16xi32>, vector<16xi32>], vector<16xi32>,
        %bitcast3A_758 = vector.bitcast %gather3A_756 : vector<16xi32> to vector<32xbf16>
        %bitcast3A_759 = vector.bitcast %gather3A_757 : vector<16xi32> to vector<32xbf16>
        %mul3A_760 = arith.mulf %bitcast3A_758, %bitcast3A_759 : vector<32xbf16>
        %unpack3A_761 = tpu.unpack_subelements %mul3A_760, 0 {pack_format = #tpu.pack_format<interleaved>} : vector<32xbf16> -> vector<16xf32>
        %unpack3A_762 = tpu.unpack_subelements %mul3A_760, 1 {pack_format = #tpu.pack_format<interleaved>} : vector<32xbf16> -> vector<16xf32>
        %add3A_763 = arith.addf %add3A_685, %unpack3A_761 : vector<16xf32>
        %add3A_764 = arith.addf %add3A_763, %unpack3A_762 : vector<16xf32>
        %gather3A_765 = tpu.vector_load_idx %arg15[%add3A_584, %and3A_728] : memref<128x64xi32, #tpu.memory_space<vmem>>[vector<16xi32>, vector<16xi32>], vector<16xi32>,
        %gather3A_766 = tpu.vector_load_idx %arg16[%add3A_584, %and3A_728] : memref<128x64xi32, #tpu.memory_space<vmem>>[vector<16xi32>, vector<16xi32>], vector<16xi32>,
        %bitcast3A_767 = vector.bitcast %gather3A_765 : vector<16xi32> to vector<32xbf16>
        %bitcast3A_768 = vector.bitcast %gather3A_766 : vector<16xi32> to vector<32xbf16>
        %mul3A_769 = arith.mulf %bitcast3A_767, %bitcast3A_768 : vector<32xbf16>
        %unpack3A_770 = tpu.unpack_subelements %mul3A_769, 0 {pack_format = #tpu.pack_format<interleaved>} : vector<32xbf16> -> vector<16xf32>
        %unpack3A_771 = tpu.unpack_subelements %mul3A_769, 1 {pack_format = #tpu.pack_format<interleaved>} : vector<32xbf16> -> vector<16xf32>
        %add3A_772 = arith.addf %add3A_694, %unpack3A_770 : vector<16xf32>
        %add3A_773 = arith.addf %add3A_772, %unpack3A_771 : vector<16xf32>
        %gather3A_774 = tpu.vector_load_idx %arg15[%add3A_587, %and3A_728] : memref<128x64xi32, #tpu.memory_space<vmem>>[vector<16xi32>, vector<16xi32>], vector<16xi32>,
        %gather3A_775 = tpu.vector_load_idx %arg16[%add3A_587, %and3A_728] : memref<128x64xi32, #tpu.memory_space<vmem>>[vector<16xi32>, vector<16xi32>], vector<16xi32>,
        %bitcast3A_776 = vector.bitcast %gather3A_774 : vector<16xi32> to vector<32xbf16>
        %bitcast3A_777 = vector.bitcast %gather3A_775 : vector<16xi32> to vector<32xbf16>
        %mul3A_778 = arith.mulf %bitcast3A_776, %bitcast3A_777 : vector<32xbf16>
        %unpack3A_779 = tpu.unpack_subelements %mul3A_778, 0 {pack_format = #tpu.pack_format<interleaved>} : vector<32xbf16> -> vector<16xf32>
        %unpack3A_780 = tpu.unpack_subelements %mul3A_778, 1 {pack_format = #tpu.pack_format<interleaved>} : vector<32xbf16> -> vector<16xf32>
        %add3A_781 = arith.addf %add3A_703, %unpack3A_779 : vector<16xf32>
        %add3A_782 = arith.addf %add3A_781, %unpack3A_780 : vector<16xf32>
        %gather3A_783 = tpu.vector_load_idx %arg15[%add3A_590, %and3A_728] : memref<128x64xi32, #tpu.memory_space<vmem>>[vector<16xi32>, vector<16xi32>], vector<16xi32>,
        %gather3A_784 = tpu.vector_load_idx %arg16[%add3A_590, %and3A_728] : memref<128x64xi32, #tpu.memory_space<vmem>>[vector<16xi32>, vector<16xi32>], vector<16xi32>,
        %bitcast3A_785 = vector.bitcast %gather3A_783 : vector<16xi32> to vector<32xbf16>
        %bitcast3A_786 = vector.bitcast %gather3A_784 : vector<16xi32> to vector<32xbf16>
        %mul3A_787 = arith.mulf %bitcast3A_785, %bitcast3A_786 : vector<32xbf16>
        %unpack3A_788 = tpu.unpack_subelements %mul3A_787, 0 {pack_format = #tpu.pack_format<interleaved>} : vector<32xbf16> -> vector<16xf32>
        %unpack3A_789 = tpu.unpack_subelements %mul3A_787, 1 {pack_format = #tpu.pack_format<interleaved>} : vector<32xbf16> -> vector<16xf32>
        %add3A_790 = arith.addf %add3A_712, %unpack3A_788 : vector<16xf32>
        %add3A_791 = arith.addf %add3A_790, %unpack3A_789 : vector<16xf32>
        %gather3A_792 = tpu.vector_load_idx %arg15[%add3A_593, %and3A_728] : memref<128x64xi32, #tpu.memory_space<vmem>>[vector<16xi32>, vector<16xi32>], vector<16xi32>,
        %gather3A_793 = tpu.vector_load_idx %arg16[%add3A_593, %and3A_728] : memref<128x64xi32, #tpu.memory_space<vmem>>[vector<16xi32>, vector<16xi32>], vector<16xi32>,
        %bitcast3A_794 = vector.bitcast %gather3A_792 : vector<16xi32> to vector<32xbf16>
        %bitcast3A_795 = vector.bitcast %gather3A_793 : vector<16xi32> to vector<32xbf16>
        %mul3A_796 = arith.mulf %bitcast3A_794, %bitcast3A_795 : vector<32xbf16>
        %unpack3A_797 = tpu.unpack_subelements %mul3A_796, 0 {pack_format = #tpu.pack_format<interleaved>} : vector<32xbf16> -> vector<16xf32>
        %unpack3A_798 = tpu.unpack_subelements %mul3A_796, 1 {pack_format = #tpu.pack_format<interleaved>} : vector<32xbf16> -> vector<16xf32>
        %add3A_799 = arith.addf %add3A_721, %unpack3A_797 : vector<16xf32>
        %add3A_800 = arith.addf %add3A_799, %unpack3A_798 : vector<16xf32>
        scf.yield %add3A_737, %add3A_746, %add3A_755, %add3A_764, %add3A_773, %add3A_782, %add3A_791, %add3A_800 : vector<16xf32>, vector<16xf32>, vector<16xf32>, vector<16xf32>, vector<16xf32>, vector<16xf32>, vector<16xf32>, vector<16xf32>
      }
      %scan3A_599 = arith.constant 64 : i32
      %add3A_600 = arith.constant 0 : i32
      %add3A_601 = arith.addi %multiple_of3A_567, %add3A_600 : i32
      %swap3A_602 = arith.index_cast %add3A_601 : i32 to index
      %swap3A_603 = tpu.vector_load %arg17[%swap3A_602] {strides = array<i32>} : memref<10000xf32, #tpu.memory_space<vmem>>, vector<16xf32>,
      tpu.vector_store %arg17[%swap3A_602], %scan3A_598#0 {strides = array<i32>} : memref<10000xf32, #tpu.memory_space<vmem>>, vector<16xf32>,
      %add3A_604 = arith.constant 16 : i32
      %add3A_605 = arith.addi %multiple_of3A_567, %add3A_604 : i32
      %swap3A_606 = arith.index_cast %add3A_605 : i32 to index
      %swap3A_607 = tpu.vector_load %arg17[%swap3A_606] {strides = array<i32>} : memref<10000xf32, #tpu.memory_space<vmem>>, vector<16xf32>,
      tpu.vector_store %arg17[%swap3A_606], %scan3A_598#1 {strides = array<i32>} : memref<10000xf32, #tpu.memory_space<vmem>>, vector<16xf32>,
      %add3A_608 = arith.constant 32 : i32
      %add3A_609 = arith.addi %multiple_of3A_567, %add3A_608 : i32
      %swap3A_610 = arith.index_cast %add3A_609 : i32 to index
      %swap3A_611 = tpu.vector_load %arg17[%swap3A_610] {strides = array<i32>} : memref<10000xf32, #tpu.memory_space<vmem>>, vector<16xf32>,
      tpu.vector_store %arg17[%swap3A_610], %scan3A_598#2 {strides = array<i32>} : memref<10000xf32, #tpu.memory_space<vmem>>, vector<16xf32>,
      %add3A_612 = arith.constant 48 : i32
      %add3A_613 = arith.addi %multiple_of3A_567, %add3A_612 : i32
      %swap3A_614 = arith.index_cast %add3A_613 : i32 to index
      %swap3A_615 = tpu.vector_load %arg17[%swap3A_614] {strides = array<i32>} : memref<10000xf32, #tpu.memory_space<vmem>>, vector<16xf32>,
      tpu.vector_store %arg17[%swap3A_614], %scan3A_598#3 {strides = array<i32>} : memref<10000xf32, #tpu.memory_space<vmem>>, vector<16xf32>,
      %add3A_616 = arith.constant 64 : i32
      %add3A_617 = arith.addi %multiple_of3A_567, %add3A_616 : i32
      %swap3A_618 = arith.index_cast %add3A_617 : i32 to index
      %swap3A_619 = tpu.vector_load %arg17[%swap3A_618] {strides = array<i32>} : memref<10000xf32, #tpu.memory_space<vmem>>, vector<16xf32>,
      tpu.vector_store %arg17[%swap3A_618], %scan3A_598#4 {strides = array<i32>} : memref<10000xf32, #tpu.memory_space<vmem>>, vector<16xf32>,
      %add3A_620 = arith.constant 80 : i32
      %add3A_621 = arith.addi %multiple_of3A_567, %add3A_620 : i32
      %swap3A_622 = arith.index_cast %add3A_621 : i32 to index
      %swap3A_623 = tpu.vector_load %arg17[%swap3A_622] {strides = array<i32>} : memref<10000xf32, #tpu.memory_space<vmem>>, vector<16xf32>,
      tpu.vector_store %arg17[%swap3A_622], %scan3A_598#5 {strides = array<i32>} : memref<10000xf32, #tpu.memory_space<vmem>>, vector<16xf32>,
      %add3A_624 = arith.constant 96 : i32
      %add3A_625 = arith.addi %multiple_of3A_567, %add3A_624 : i32
      %swap3A_626 = arith.index_cast %add3A_625 : i32 to index
      %swap3A_627 = tpu.vector_load %arg17[%swap3A_626] {strides = array<i32>} : memref<10000xf32, #tpu.memory_space<vmem>>, vector<16xf32>,
      tpu.vector_store %arg17[%swap3A_626], %scan3A_598#6 {strides = array<i32>} : memref<10000xf32, #tpu.memory_space<vmem>>, vector<16xf32>,
      %add3A_628 = arith.constant 112 : i32
      %add3A_629 = arith.addi %multiple_of3A_567, %add3A_628 : i32
      %swap3A_630 = arith.index_cast %add3A_629 : i32 to index
      %swap3A_631 = tpu.vector_load %arg17[%swap3A_630] {strides = array<i32>} : memref<10000xf32, #tpu.memory_space<vmem>>, vector<16xf32>,
      tpu.vector_store %arg17[%swap3A_630], %scan3A_598#7 {strides = array<i32>} : memref<10000xf32, #tpu.memory_space<vmem>>, vector<16xf32>,
      %add3A_632 = arith.constant 4 : i32
      %add3A_633 = arith.addi %add3A_552, %add3A_632 : i32
      %lt3A_634 = arith.constant 79 : i32
      %lt3A_635 = arith.cmpi slt, %add3A_633, %lt3A_634 : i32
      %convert_element_type3A_636 = arith.extui %lt3A_635 : i1 to i32
      %cond3A_637 = arith.constant 0 : i32
      %cond3A_638 = arith.cmpi ne, %convert_element_type3A_636, %cond3A_637 : i32
      scf.if %cond3A_638 {
        %add3A_640 = arith.constant 4 : i32
        %add3A_641 = arith.addi %add3A_552, %add3A_640 : i32
        %mul3A_642 = arith.constant 128 : i32
        %mul3A_643 = arith.muli %add3A_641, %mul3A_642 : i32
        %min3A_644 = arith.constant 9872 : i32
        %min3A_645 = arith.minsi %mul3A_643, %min3A_644 : i32
        %multiple_of3A_646 = tpu.assume_multiple %min3A_645, 8 : i32
        %dma_start3A_647 = tpu.memref_slice %arg7[%multiple_of3A_646] : memref<10000xi32, #tpu.memory_space<vmem>> -> memref<128xi32, #tpu.memory_space<vmem>>
        %dma_start3A_648 = arith.constant 0 : i32
        %dma_start3A_649 = arith.constant 0 : i32
        %dma_start3A_650 = tpu.memref_slice %arg2[%dma_start3A_648, %dma_start3A_649] : memref<10000x64xi32, #tpu.memory_space<hbm>> -> memref<10000x64xi32, #tpu.memory_space<hbm>>
        tpu.enqueue_indirect_dma source(%dma_start3A_650 : memref<10000x64xi32, #tpu.memory_space<hbm>>) target(%arg15 : memref<128x64xi32, #tpu.memory_space<vmem>>) offsets(%dma_start3A_647 : memref<128xi32, #tpu.memory_space<vmem>>) semaphore(%arg21 : memref<!tpu.dma_semaphore, #tpu.memory_space<semaphore_mem>>)
        %dma_start3A_651 = tpu.memref_slice %arg8[%multiple_of3A_646] : memref<10000xi32, #tpu.memory_space<vmem>> -> memref<128xi32, #tpu.memory_space<vmem>>
        %dma_start3A_652 = arith.constant 0 : i32
        %dma_start3A_653 = arith.constant 0 : i32
        %dma_start3A_654 = tpu.memref_slice %arg3[%dma_start3A_652, %dma_start3A_653] : memref<10000x64xi32, #tpu.memory_space<hbm>> -> memref<10000x64xi32, #tpu.memory_space<hbm>>
        tpu.enqueue_indirect_dma source(%dma_start3A_654 : memref<10000x64xi32, #tpu.memory_space<hbm>>) target(%arg16 : memref<128x64xi32, #tpu.memory_space<vmem>>) offsets(%dma_start3A_651 : memref<128xi32, #tpu.memory_space<vmem>>) semaphore(%arg21 : memref<!tpu.dma_semaphore, #tpu.memory_space<semaphore_mem>>)
      } else {
      }
      %scan3A_639 = arith.constant 0 : i32
      scf.yield %scan3A_639 : i32
    }
    %scan3A_54 = arith.constant 19 : i32
    %dma_wait3A = arith.constant 0 : i32
    %dma_wait3A_55 = tpu.memref_slice %arg7[%dma_wait3A] : memref<10000xi32, #tpu.memory_space<vmem>> -> memref<128xi32, #tpu.memory_space<vmem>>
    %dma_wait3A_56 = arith.constant 0 : i32
    %dma_wait3A_57 = arith.constant 0 : i32
    %dma_wait3A_58 = tpu.memref_slice %arg2[%dma_wait3A_56, %dma_wait3A_57] : memref<10000x64xi32, #tpu.memory_space<hbm>> -> memref<10000x64xi32, #tpu.memory_space<hbm>>
    tpu.wait_indirect_dma semaphore(%arg18 : memref<!tpu.dma_semaphore, #tpu.memory_space<semaphore_mem>>) src(%dma_wait3A_58 : memref<10000x64xi32, #tpu.memory_space<hbm>>) dst(%arg9 : memref<128x64xi32, #tpu.memory_space<vmem>>)
    %dma_wait3A_59 = arith.constant 0 : i32
    %dma_wait3A_60 = tpu.memref_slice %arg8[%dma_wait3A_59] : memref<10000xi32, #tpu.memory_space<vmem>> -> memref<128xi32, #tpu.memory_space<vmem>>
    %dma_wait3A_61 = arith.constant 0 : i32
    %dma_wait3A_62 = arith.constant 0 : i32
    %dma_wait3A_63 = tpu.memref_slice %arg3[%dma_wait3A_61, %dma_wait3A_62] : memref<10000x64xi32, #tpu.memory_space<hbm>> -> memref<10000x64xi32, #tpu.memory_space<hbm>>
    tpu.wait_indirect_dma semaphore(%arg18 : memref<!tpu.dma_semaphore, #tpu.memory_space<semaphore_mem>>) src(%dma_wait3A_63 : memref<10000x64xi32, #tpu.memory_space<hbm>>) dst(%arg10 : memref<128x64xi32, #tpu.memory_space<vmem>>)
    %min3A_64 = arith.constant 9728 : i32
    %min3A_65 = arith.constant 9872 : i32
    %min3A_66 = arith.minsi %min3A_64, %min3A_65 : i32
    %multiple_of3A_67 = tpu.assume_multiple %min3A_66, 8 : i32
    %broadcast_in_dim3A = arith.constant 0.000000e+00 : f32
    %broadcast_in_dim3A_68 = vector.broadcast %broadcast_in_dim3A : f32 to vector<16xf32>
    %add3A_69 = arith.constant 0 : i32
    %add3A_70 = vector.broadcast %add3A_69 : i32 to vector<16xi32>
    %add3A_71 = arith.addi %iota3A, %add3A_70 : vector<16xi32>
    %add3A_72 = arith.constant 16 : i32
    %add3A_73 = vector.broadcast %add3A_72 : i32 to vector<16xi32>
    %add3A_74 = arith.addi %iota3A, %add3A_73 : vector<16xi32>
    %add3A_75 = arith.constant 32 : i32
    %add3A_76 = vector.broadcast %add3A_75 : i32 to vector<16xi32>
    %add3A_77 = arith.addi %iota3A, %add3A_76 : vector<16xi32>
    %add3A_78 = arith.constant 48 : i32
    %add3A_79 = vector.broadcast %add3A_78 : i32 to vector<16xi32>
    %add3A_80 = arith.addi %iota3A, %add3A_79 : vector<16xi32>
    %add3A_81 = arith.constant 64 : i32
    %add3A_82 = vector.broadcast %add3A_81 : i32 to vector<16xi32>
    %add3A_83 = arith.addi %iota3A, %add3A_82 : vector<16xi32>
    %add3A_84 = arith.constant 80 : i32
    %add3A_85 = vector.broadcast %add3A_84 : i32 to vector<16xi32>
    %add3A_86 = arith.addi %iota3A, %add3A_85 : vector<16xi32>
    %add3A_87 = arith.constant 96 : i32
    %add3A_88 = vector.broadcast %add3A_87 : i32 to vector<16xi32>
    %add3A_89 = arith.addi %iota3A, %add3A_88 : vector<16xi32>
    %add3A_90 = arith.constant 112 : i32
    %add3A_91 = vector.broadcast %add3A_90 : i32 to vector<16xi32>
    %add3A_92 = arith.addi %iota3A, %add3A_91 : vector<16xi32>
    %scan3A_93 = arith.constant 0 : i32
    %scan3A_94 = arith.constant 64 : i32
    %scan3A_95 = arith.addi %scan3A_93, %scan3A_94 : i32
    %scan3A_96 = arith.constant 2 : i32
    %scan3A_97:8 = scf.for %scan3A_286 = %scan3A_93 to %scan3A_95 step %scan3A_96 iter_args(%scan3A_287 = %broadcast_in_dim3A_68, %scan3A_288 = %broadcast_in_dim3A_68, %scan3A_289 = %broadcast_in_dim3A_68, %scan3A_290 = %broadcast_in_dim3A_68, %scan3A_291 = %broadcast_in_dim3A_68, %scan3A_292 = %broadcast_in_dim3A_68, %scan3A_293 = %broadcast_in_dim3A_68, %scan3A_294 = %broadcast_in_dim3A_68) -> (vector<16xf32>, vector<16xf32>, vector<16xf32>, vector<16xf32>, vector<16xf32>, vector<16xf32>, vector<16xf32>, vector<16xf32>)  : i32 {
      %add3A_295 = vector.broadcast %scan3A_286 : i32 to vector<16xi32>
      %add3A_296 = arith.addi %iota3A, %add3A_295 : vector<16xi32>
      %and3A = arith.constant 63 : i32
      %and3A_297 = vector.broadcast %and3A : i32 to vector<16xi32>
      %and3A_298 = arith.andi %add3A_296, %and3A_297 : vector<16xi32>
      %gather3A = tpu.vector_load_idx %arg9[%add3A_71, %and3A_298] : memref<128x64xi32, #tpu.memory_space<vmem>>[vector<16xi32>, vector<16xi32>], vector<16xi32>,
      %gather3A_299 = tpu.vector_load_idx %arg10[%add3A_71, %and3A_298] : memref<128x64xi32, #tpu.memory_space<vmem>>[vector<16xi32>, vector<16xi32>], vector<16xi32>,
      %bitcast3A = vector.bitcast %gather3A : vector<16xi32> to vector<32xbf16>
      %bitcast3A_300 = vector.bitcast %gather3A_299 : vector<16xi32> to vector<32xbf16>
      %mul3A_301 = arith.mulf %bitcast3A, %bitcast3A_300 : vector<32xbf16>
      %unpack3A = tpu.unpack_subelements %mul3A_301, 0 {pack_format = #tpu.pack_format<interleaved>} : vector<32xbf16> -> vector<16xf32>
      %unpack3A_302 = tpu.unpack_subelements %mul3A_301, 1 {pack_format = #tpu.pack_format<interleaved>} : vector<32xbf16> -> vector<16xf32>
      %add3A_303 = arith.addf %scan3A_287, %unpack3A : vector<16xf32>
      %add3A_304 = arith.addf %add3A_303, %unpack3A_302 : vector<16xf32>
      %gather3A_305 = tpu.vector_load_idx %arg9[%add3A_74, %and3A_298] : memref<128x64xi32, #tpu.memory_space<vmem>>[vector<16xi32>, vector<16xi32>], vector<16xi32>,
      %gather3A_306 = tpu.vector_load_idx %arg10[%add3A_74, %and3A_298] : memref<128x64xi32, #tpu.memory_space<vmem>>[vector<16xi32>, vector<16xi32>], vector<16xi32>,
      %bitcast3A_307 = vector.bitcast %gather3A_305 : vector<16xi32> to vector<32xbf16>
      %bitcast3A_308 = vector.bitcast %gather3A_306 : vector<16xi32> to vector<32xbf16>
      %mul3A_309 = arith.mulf %bitcast3A_307, %bitcast3A_308 : vector<32xbf16>
      %unpack3A_310 = tpu.unpack_subelements %mul3A_309, 0 {pack_format = #tpu.pack_format<interleaved>} : vector<32xbf16> -> vector<16xf32>
      %unpack3A_311 = tpu.unpack_subelements %mul3A_309, 1 {pack_format = #tpu.pack_format<interleaved>} : vector<32xbf16> -> vector<16xf32>
      %add3A_312 = arith.addf %scan3A_288, %unpack3A_310 : vector<16xf32>
      %add3A_313 = arith.addf %add3A_312, %unpack3A_311 : vector<16xf32>
      %gather3A_314 = tpu.vector_load_idx %arg9[%add3A_77, %and3A_298] : memref<128x64xi32, #tpu.memory_space<vmem>>[vector<16xi32>, vector<16xi32>], vector<16xi32>,
      %gather3A_315 = tpu.vector_load_idx %arg10[%add3A_77, %and3A_298] : memref<128x64xi32, #tpu.memory_space<vmem>>[vector<16xi32>, vector<16xi32>], vector<16xi32>,
      %bitcast3A_316 = vector.bitcast %gather3A_314 : vector<16xi32> to vector<32xbf16>
      %bitcast3A_317 = vector.bitcast %gather3A_315 : vector<16xi32> to vector<32xbf16>
      %mul3A_318 = arith.mulf %bitcast3A_316, %bitcast3A_317 : vector<32xbf16>
      %unpack3A_319 = tpu.unpack_subelements %mul3A_318, 0 {pack_format = #tpu.pack_format<interleaved>} : vector<32xbf16> -> vector<16xf32>
      %unpack3A_320 = tpu.unpack_subelements %mul3A_318, 1 {pack_format = #tpu.pack_format<interleaved>} : vector<32xbf16> -> vector<16xf32>
      %add3A_321 = arith.addf %scan3A_289, %unpack3A_319 : vector<16xf32>
      %add3A_322 = arith.addf %add3A_321, %unpack3A_320 : vector<16xf32>
      %gather3A_323 = tpu.vector_load_idx %arg9[%add3A_80, %and3A_298] : memref<128x64xi32, #tpu.memory_space<vmem>>[vector<16xi32>, vector<16xi32>], vector<16xi32>,
      %gather3A_324 = tpu.vector_load_idx %arg10[%add3A_80, %and3A_298] : memref<128x64xi32, #tpu.memory_space<vmem>>[vector<16xi32>, vector<16xi32>], vector<16xi32>,
      %bitcast3A_325 = vector.bitcast %gather3A_323 : vector<16xi32> to vector<32xbf16>
      %bitcast3A_326 = vector.bitcast %gather3A_324 : vector<16xi32> to vector<32xbf16>
      %mul3A_327 = arith.mulf %bitcast3A_325, %bitcast3A_326 : vector<32xbf16>
      %unpack3A_328 = tpu.unpack_subelements %mul3A_327, 0 {pack_format = #tpu.pack_format<interleaved>} : vector<32xbf16> -> vector<16xf32>
      %unpack3A_329 = tpu.unpack_subelements %mul3A_327, 1 {pack_format = #tpu.pack_format<interleaved>} : vector<32xbf16> -> vector<16xf32>
      %add3A_330 = arith.addf %scan3A_290, %unpack3A_328 : vector<16xf32>
      %add3A_331 = arith.addf %add3A_330, %unpack3A_329 : vector<16xf32>
      %gather3A_332 = tpu.vector_load_idx %arg9[%add3A_83, %and3A_298] : memref<128x64xi32, #tpu.memory_space<vmem>>[vector<16xi32>, vector<16xi32>], vector<16xi32>,
      %gather3A_333 = tpu.vector_load_idx %arg10[%add3A_83, %and3A_298] : memref<128x64xi32, #tpu.memory_space<vmem>>[vector<16xi32>, vector<16xi32>], vector<16xi32>,
      %bitcast3A_334 = vector.bitcast %gather3A_332 : vector<16xi32> to vector<32xbf16>
      %bitcast3A_335 = vector.bitcast %gather3A_333 : vector<16xi32> to vector<32xbf16>
      %mul3A_336 = arith.mulf %bitcast3A_334, %bitcast3A_335 : vector<32xbf16>
      %unpack3A_337 = tpu.unpack_subelements %mul3A_336, 0 {pack_format = #tpu.pack_format<interleaved>} : vector<32xbf16> -> vector<16xf32>
      %unpack3A_338 = tpu.unpack_subelements %mul3A_336, 1 {pack_format = #tpu.pack_format<interleaved>} : vector<32xbf16> -> vector<16xf32>
      %add3A_339 = arith.addf %scan3A_291, %unpack3A_337 : vector<16xf32>
      %add3A_340 = arith.addf %add3A_339, %unpack3A_338 : vector<16xf32>
      %gather3A_341 = tpu.vector_load_idx %arg9[%add3A_86, %and3A_298] : memref<128x64xi32, #tpu.memory_space<vmem>>[vector<16xi32>, vector<16xi32>], vector<16xi32>,
      %gather3A_342 = tpu.vector_load_idx %arg10[%add3A_86, %and3A_298] : memref<128x64xi32, #tpu.memory_space<vmem>>[vector<16xi32>, vector<16xi32>], vector<16xi32>,
      %bitcast3A_343 = vector.bitcast %gather3A_341 : vector<16xi32> to vector<32xbf16>
      %bitcast3A_344 = vector.bitcast %gather3A_342 : vector<16xi32> to vector<32xbf16>
      %mul3A_345 = arith.mulf %bitcast3A_343, %bitcast3A_344 : vector<32xbf16>
      %unpack3A_346 = tpu.unpack_subelements %mul3A_345, 0 {pack_format = #tpu.pack_format<interleaved>} : vector<32xbf16> -> vector<16xf32>
      %unpack3A_347 = tpu.unpack_subelements %mul3A_345, 1 {pack_format = #tpu.pack_format<interleaved>} : vector<32xbf16> -> vector<16xf32>
      %add3A_348 = arith.addf %scan3A_292, %unpack3A_346 : vector<16xf32>
      %add3A_349 = arith.addf %add3A_348, %unpack3A_347 : vector<16xf32>
      %gather3A_350 = tpu.vector_load_idx %arg9[%add3A_89, %and3A_298] : memref<128x64xi32, #tpu.memory_space<vmem>>[vector<16xi32>, vector<16xi32>], vector<16xi32>,
      %gather3A_351 = tpu.vector_load_idx %arg10[%add3A_89, %and3A_298] : memref<128x64xi32, #tpu.memory_space<vmem>>[vector<16xi32>, vector<16xi32>], vector<16xi32>,
      %bitcast3A_352 = vector.bitcast %gather3A_350 : vector<16xi32> to vector<32xbf16>
      %bitcast3A_353 = vector.bitcast %gather3A_351 : vector<16xi32> to vector<32xbf16>
      %mul3A_354 = arith.mulf %bitcast3A_352, %bitcast3A_353 : vector<32xbf16>
      %unpack3A_355 = tpu.unpack_subelements %mul3A_354, 0 {pack_format = #tpu.pack_format<interleaved>} : vector<32xbf16> -> vector<16xf32>
      %unpack3A_356 = tpu.unpack_subelements %mul3A_354, 1 {pack_format = #tpu.pack_format<interleaved>} : vector<32xbf16> -> vector<16xf32>
      %add3A_357 = arith.addf %scan3A_293, %unpack3A_355 : vector<16xf32>
      %add3A_358 = arith.addf %add3A_357, %unpack3A_356 : vector<16xf32>
      %gather3A_359 = tpu.vector_load_idx %arg9[%add3A_92, %and3A_298] : memref<128x64xi32, #tpu.memory_space<vmem>>[vector<16xi32>, vector<16xi32>], vector<16xi32>,
      %gather3A_360 = tpu.vector_load_idx %arg10[%add3A_92, %and3A_298] : memref<128x64xi32, #tpu.memory_space<vmem>>[vector<16xi32>, vector<16xi32>], vector<16xi32>,
      %bitcast3A_361 = vector.bitcast %gather3A_359 : vector<16xi32> to vector<32xbf16>
      %bitcast3A_362 = vector.bitcast %gather3A_360 : vector<16xi32> to vector<32xbf16>
      %mul3A_363 = arith.mulf %bitcast3A_361, %bitcast3A_362 : vector<32xbf16>
      %unpack3A_364 = tpu.unpack_subelements %mul3A_363, 0 {pack_format = #tpu.pack_format<interleaved>} : vector<32xbf16> -> vector<16xf32>
      %unpack3A_365 = tpu.unpack_subelements %mul3A_363, 1 {pack_format = #tpu.pack_format<interleaved>} : vector<32xbf16> -> vector<16xf32>
      %add3A_366 = arith.addf %scan3A_294, %unpack3A_364 : vector<16xf32>
      %add3A_367 = arith.addf %add3A_366, %unpack3A_365 : vector<16xf32>
      %scan3A_368 = arith.constant 1 : i32
      %scan3A_369 = arith.addi %scan3A_286, %scan3A_368 : i32
      %add3A_370 = vector.broadcast %scan3A_369 : i32 to vector<16xi32>
      %add3A_371 = arith.addi %iota3A, %add3A_370 : vector<16xi32>
      %and3A_372 = arith.constant 63 : i32
      %and3A_373 = vector.broadcast %and3A_372 : i32 to vector<16xi32>
      %and3A_374 = arith.andi %add3A_371, %and3A_373 : vector<16xi32>
      %gather3A_375 = tpu.vector_load_idx %arg9[%add3A_71, %and3A_374] : memref<128x64xi32, #tpu.memory_space<vmem>>[vector<16xi32>, vector<16xi32>], vector<16xi32>,
      %gather3A_376 = tpu.vector_load_idx %arg10[%add3A_71, %and3A_374] : memref<128x64xi32, #tpu.memory_space<vmem>>[vector<16xi32>, vector<16xi32>], vector<16xi32>,
      %bitcast3A_377 = vector.bitcast %gather3A_375 : vector<16xi32> to vector<32xbf16>
      %bitcast3A_378 = vector.bitcast %gather3A_376 : vector<16xi32> to vector<32xbf16>
      %mul3A_379 = arith.mulf %bitcast3A_377, %bitcast3A_378 : vector<32xbf16>
      %unpack3A_380 = tpu.unpack_subelements %mul3A_379, 0 {pack_format = #tpu.pack_format<interleaved>} : vector<32xbf16> -> vector<16xf32>
      %unpack3A_381 = tpu.unpack_subelements %mul3A_379, 1 {pack_format = #tpu.pack_format<interleaved>} : vector<32xbf16> -> vector<16xf32>
      %add3A_382 = arith.addf %add3A_304, %unpack3A_380 : vector<16xf32>
      %add3A_383 = arith.addf %add3A_382, %unpack3A_381 : vector<16xf32>
      %gather3A_384 = tpu.vector_load_idx %arg9[%add3A_74, %and3A_374] : memref<128x64xi32, #tpu.memory_space<vmem>>[vector<16xi32>, vector<16xi32>], vector<16xi32>,
      %gather3A_385 = tpu.vector_load_idx %arg10[%add3A_74, %and3A_374] : memref<128x64xi32, #tpu.memory_space<vmem>>[vector<16xi32>, vector<16xi32>], vector<16xi32>,
      %bitcast3A_386 = vector.bitcast %gather3A_384 : vector<16xi32> to vector<32xbf16>
      %bitcast3A_387 = vector.bitcast %gather3A_385 : vector<16xi32> to vector<32xbf16>
      %mul3A_388 = arith.mulf %bitcast3A_386, %bitcast3A_387 : vector<32xbf16>
      %unpack3A_389 = tpu.unpack_subelements %mul3A_388, 0 {pack_format = #tpu.pack_format<interleaved>} : vector<32xbf16> -> vector<16xf32>
      %unpack3A_390 = tpu.unpack_subelements %mul3A_388, 1 {pack_format = #tpu.pack_format<interleaved>} : vector<32xbf16> -> vector<16xf32>
      %add3A_391 = arith.addf %add3A_313, %unpack3A_389 : vector<16xf32>
      %add3A_392 = arith.addf %add3A_391, %unpack3A_390 : vector<16xf32>
      %gather3A_393 = tpu.vector_load_idx %arg9[%add3A_77, %and3A_374] : memref<128x64xi32, #tpu.memory_space<vmem>>[vector<16xi32>, vector<16xi32>], vector<16xi32>,
      %gather3A_394 = tpu.vector_load_idx %arg10[%add3A_77, %and3A_374] : memref<128x64xi32, #tpu.memory_space<vmem>>[vector<16xi32>, vector<16xi32>], vector<16xi32>,
      %bitcast3A_395 = vector.bitcast %gather3A_393 : vector<16xi32> to vector<32xbf16>
      %bitcast3A_396 = vector.bitcast %gather3A_394 : vector<16xi32> to vector<32xbf16>
      %mul3A_397 = arith.mulf %bitcast3A_395, %bitcast3A_396 : vector<32xbf16>
      %unpack3A_398 = tpu.unpack_subelements %mul3A_397, 0 {pack_format = #tpu.pack_format<interleaved>} : vector<32xbf16> -> vector<16xf32>
      %unpack3A_399 = tpu.unpack_subelements %mul3A_397, 1 {pack_format = #tpu.pack_format<interleaved>} : vector<32xbf16> -> vector<16xf32>
      %add3A_400 = arith.addf %add3A_322, %unpack3A_398 : vector<16xf32>
      %add3A_401 = arith.addf %add3A_400, %unpack3A_399 : vector<16xf32>
      %gather3A_402 = tpu.vector_load_idx %arg9[%add3A_80, %and3A_374] : memref<128x64xi32, #tpu.memory_space<vmem>>[vector<16xi32>, vector<16xi32>], vector<16xi32>,
      %gather3A_403 = tpu.vector_load_idx %arg10[%add3A_80, %and3A_374] : memref<128x64xi32, #tpu.memory_space<vmem>>[vector<16xi32>, vector<16xi32>], vector<16xi32>,
      %bitcast3A_404 = vector.bitcast %gather3A_402 : vector<16xi32> to vector<32xbf16>
      %bitcast3A_405 = vector.bitcast %gather3A_403 : vector<16xi32> to vector<32xbf16>
      %mul3A_406 = arith.mulf %bitcast3A_404, %bitcast3A_405 : vector<32xbf16>
      %unpack3A_407 = tpu.unpack_subelements %mul3A_406, 0 {pack_format = #tpu.pack_format<interleaved>} : vector<32xbf16> -> vector<16xf32>
      %unpack3A_408 = tpu.unpack_subelements %mul3A_406, 1 {pack_format = #tpu.pack_format<interleaved>} : vector<32xbf16> -> vector<16xf32>
      %add3A_409 = arith.addf %add3A_331, %unpack3A_407 : vector<16xf32>
      %add3A_410 = arith.addf %add3A_409, %unpack3A_408 : vector<16xf32>
      %gather3A_411 = tpu.vector_load_idx %arg9[%add3A_83, %and3A_374] : memref<128x64xi32, #tpu.memory_space<vmem>>[vector<16xi32>, vector<16xi32>], vector<16xi32>,
      %gather3A_412 = tpu.vector_load_idx %arg10[%add3A_83, %and3A_374] : memref<128x64xi32, #tpu.memory_space<vmem>>[vector<16xi32>, vector<16xi32>], vector<16xi32>,
      %bitcast3A_413 = vector.bitcast %gather3A_411 : vector<16xi32> to vector<32xbf16>
      %bitcast3A_414 = vector.bitcast %gather3A_412 : vector<16xi32> to vector<32xbf16>
      %mul3A_415 = arith.mulf %bitcast3A_413, %bitcast3A_414 : vector<32xbf16>
      %unpack3A_416 = tpu.unpack_subelements %mul3A_415, 0 {pack_format = #tpu.pack_format<interleaved>} : vector<32xbf16> -> vector<16xf32>
      %unpack3A_417 = tpu.unpack_subelements %mul3A_415, 1 {pack_format = #tpu.pack_format<interleaved>} : vector<32xbf16> -> vector<16xf32>
      %add3A_418 = arith.addf %add3A_340, %unpack3A_416 : vector<16xf32>
      %add3A_419 = arith.addf %add3A_418, %unpack3A_417 : vector<16xf32>
      %gather3A_420 = tpu.vector_load_idx %arg9[%add3A_86, %and3A_374] : memref<128x64xi32, #tpu.memory_space<vmem>>[vector<16xi32>, vector<16xi32>], vector<16xi32>,
      %gather3A_421 = tpu.vector_load_idx %arg10[%add3A_86, %and3A_374] : memref<128x64xi32, #tpu.memory_space<vmem>>[vector<16xi32>, vector<16xi32>], vector<16xi32>,
      %bitcast3A_422 = vector.bitcast %gather3A_420 : vector<16xi32> to vector<32xbf16>
      %bitcast3A_423 = vector.bitcast %gather3A_421 : vector<16xi32> to vector<32xbf16>
      %mul3A_424 = arith.mulf %bitcast3A_422, %bitcast3A_423 : vector<32xbf16>
      %unpack3A_425 = tpu.unpack_subelements %mul3A_424, 0 {pack_format = #tpu.pack_format<interleaved>} : vector<32xbf16> -> vector<16xf32>
      %unpack3A_426 = tpu.unpack_subelements %mul3A_424, 1 {pack_format = #tpu.pack_format<interleaved>} : vector<32xbf16> -> vector<16xf32>
      %add3A_427 = arith.addf %add3A_349, %unpack3A_425 : vector<16xf32>
      %add3A_428 = arith.addf %add3A_427, %unpack3A_426 : vector<16xf32>
      %gather3A_429 = tpu.vector_load_idx %arg9[%add3A_89, %and3A_374] : memref<128x64xi32, #tpu.memory_space<vmem>>[vector<16xi32>, vector<16xi32>], vector<16xi32>,
      %gather3A_430 = tpu.vector_load_idx %arg10[%add3A_89, %and3A_374] : memref<128x64xi32, #tpu.memory_space<vmem>>[vector<16xi32>, vector<16xi32>], vector<16xi32>,
      %bitcast3A_431 = vector.bitcast %gather3A_429 : vector<16xi32> to vector<32xbf16>
      %bitcast3A_432 = vector.bitcast %gather3A_430 : vector<16xi32> to vector<32xbf16>
      %mul3A_433 = arith.mulf %bitcast3A_431, %bitcast3A_432 : vector<32xbf16>
      %unpack3A_434 = tpu.unpack_subelements %mul3A_433, 0 {pack_format = #tpu.pack_format<interleaved>} : vector<32xbf16> -> vector<16xf32>
      %unpack3A_435 = tpu.unpack_subelements %mul3A_433, 1 {pack_format = #tpu.pack_format<interleaved>} : vector<32xbf16> -> vector<16xf32>
      %add3A_436 = arith.addf %add3A_358, %unpack3A_434 : vector<16xf32>
      %add3A_437 = arith.addf %add3A_436, %unpack3A_435 : vector<16xf32>
      %gather3A_438 = tpu.vector_load_idx %arg9[%add3A_92, %and3A_374] : memref<128x64xi32, #tpu.memory_space<vmem>>[vector<16xi32>, vector<16xi32>], vector<16xi32>,
      %gather3A_439 = tpu.vector_load_idx %arg10[%add3A_92, %and3A_374] : memref<128x64xi32, #tpu.memory_space<vmem>>[vector<16xi32>, vector<16xi32>], vector<16xi32>,
      %bitcast3A_440 = vector.bitcast %gather3A_438 : vector<16xi32> to vector<32xbf16>
      %bitcast3A_441 = vector.bitcast %gather3A_439 : vector<16xi32> to vector<32xbf16>
      %mul3A_442 = arith.mulf %bitcast3A_440, %bitcast3A_441 : vector<32xbf16>
      %unpack3A_443 = tpu.unpack_subelements %mul3A_442, 0 {pack_format = #tpu.pack_format<interleaved>} : vector<32xbf16> -> vector<16xf32>
      %unpack3A_444 = tpu.unpack_subelements %mul3A_442, 1 {pack_format = #tpu.pack_format<interleaved>} : vector<32xbf16> -> vector<16xf32>
      %add3A_445 = arith.addf %add3A_367, %unpack3A_443 : vector<16xf32>
      %add3A_446 = arith.addf %add3A_445, %unpack3A_444 : vector<16xf32>
      scf.yield %add3A_383, %add3A_392, %add3A_401, %add3A_410, %add3A_419, %add3A_428, %add3A_437, %add3A_446 : vector<16xf32>, vector<16xf32>, vector<16xf32>, vector<16xf32>, vector<16xf32>, vector<16xf32>, vector<16xf32>, vector<16xf32>
    }
    %scan3A_98 = arith.constant 64 : i32
    %add3A_99 = arith.constant 0 : i32
    %add3A_100 = arith.addi %multiple_of3A_67, %add3A_99 : i32
    %swap3A = arith.index_cast %add3A_100 : i32 to index
    %swap3A_101 = tpu.vector_load %arg17[%swap3A] {strides = array<i32>} : memref<10000xf32, #tpu.memory_space<vmem>>, vector<16xf32>,
    tpu.vector_store %arg17[%swap3A], %scan3A_97#0 {strides = array<i32>} : memref<10000xf32, #tpu.memory_space<vmem>>, vector<16xf32>,
    %add3A_102 = arith.constant 16 : i32
    %add3A_103 = arith.addi %multiple_of3A_67, %add3A_102 : i32
    %swap3A_104 = arith.index_cast %add3A_103 : i32 to index
    %swap3A_105 = tpu.vector_load %arg17[%swap3A_104] {strides = array<i32>} : memref<10000xf32, #tpu.memory_space<vmem>>, vector<16xf32>,
    tpu.vector_store %arg17[%swap3A_104], %scan3A_97#1 {strides = array<i32>} : memref<10000xf32, #tpu.memory_space<vmem>>, vector<16xf32>,
    %add3A_106 = arith.constant 32 : i32
    %add3A_107 = arith.addi %multiple_of3A_67, %add3A_106 : i32
    %swap3A_108 = arith.index_cast %add3A_107 : i32 to index
    %swap3A_109 = tpu.vector_load %arg17[%swap3A_108] {strides = array<i32>} : memref<10000xf32, #tpu.memory_space<vmem>>, vector<16xf32>,
    tpu.vector_store %arg17[%swap3A_108], %scan3A_97#2 {strides = array<i32>} : memref<10000xf32, #tpu.memory_space<vmem>>, vector<16xf32>,
    %add3A_110 = arith.constant 48 : i32
    %add3A_111 = arith.addi %multiple_of3A_67, %add3A_110 : i32
    %swap3A_112 = arith.index_cast %add3A_111 : i32 to index
    %swap3A_113 = tpu.vector_load %arg17[%swap3A_112] {strides = array<i32>} : memref<10000xf32, #tpu.memory_space<vmem>>, vector<16xf32>,
    tpu.vector_store %arg17[%swap3A_112], %scan3A_97#3 {strides = array<i32>} : memref<10000xf32, #tpu.memory_space<vmem>>, vector<16xf32>,
    %add3A_114 = arith.constant 64 : i32
    %add3A_115 = arith.addi %multiple_of3A_67, %add3A_114 : i32
    %swap3A_116 = arith.index_cast %add3A_115 : i32 to index
    %swap3A_117 = tpu.vector_load %arg17[%swap3A_116] {strides = array<i32>} : memref<10000xf32, #tpu.memory_space<vmem>>, vector<16xf32>,
    tpu.vector_store %arg17[%swap3A_116], %scan3A_97#4 {strides = array<i32>} : memref<10000xf32, #tpu.memory_space<vmem>>, vector<16xf32>,
    %add3A_118 = arith.constant 80 : i32
    %add3A_119 = arith.addi %multiple_of3A_67, %add3A_118 : i32
    %swap3A_120 = arith.index_cast %add3A_119 : i32 to index
    %swap3A_121 = tpu.vector_load %arg17[%swap3A_120] {strides = array<i32>} : memref<10000xf32, #tpu.memory_space<vmem>>, vector<16xf32>,
    tpu.vector_store %arg17[%swap3A_120], %scan3A_97#5 {strides = array<i32>} : memref<10000xf32, #tpu.memory_space<vmem>>, vector<16xf32>,
    %add3A_122 = arith.constant 96 : i32
    %add3A_123 = arith.addi %multiple_of3A_67, %add3A_122 : i32
    %swap3A_124 = arith.index_cast %add3A_123 : i32 to index
    %swap3A_125 = tpu.vector_load %arg17[%swap3A_124] {strides = array<i32>} : memref<10000xf32, #tpu.memory_space<vmem>>, vector<16xf32>,
    tpu.vector_store %arg17[%swap3A_124], %scan3A_97#6 {strides = array<i32>} : memref<10000xf32, #tpu.memory_space<vmem>>, vector<16xf32>,
    %add3A_126 = arith.constant 112 : i32
    %add3A_127 = arith.addi %multiple_of3A_67, %add3A_126 : i32
    %swap3A_128 = arith.index_cast %add3A_127 : i32 to index
    %swap3A_129 = tpu.vector_load %arg17[%swap3A_128] {strides = array<i32>} : memref<10000xf32, #tpu.memory_space<vmem>>, vector<16xf32>,
    tpu.vector_store %arg17[%swap3A_128], %scan3A_97#7 {strides = array<i32>} : memref<10000xf32, #tpu.memory_space<vmem>>, vector<16xf32>,
    %dma_wait3A_130 = arith.constant 0 : i32
    %dma_wait3A_131 = tpu.memref_slice %arg7[%dma_wait3A_130] : memref<10000xi32, #tpu.memory_space<vmem>> -> memref<128xi32, #tpu.memory_space<vmem>>
    %dma_wait3A_132 = arith.constant 0 : i32
    %dma_wait3A_133 = arith.constant 0 : i32
    %dma_wait3A_134 = tpu.memref_slice %arg2[%dma_wait3A_132, %dma_wait3A_133] : memref<10000x64xi32, #tpu.memory_space<hbm>> -> memref<10000x64xi32, #tpu.memory_space<hbm>>
    tpu.wait_indirect_dma semaphore(%arg19 : memref<!tpu.dma_semaphore, #tpu.memory_space<semaphore_mem>>) src(%dma_wait3A_134 : memref<10000x64xi32, #tpu.memory_space<hbm>>) dst(%arg11 : memref<128x64xi32, #tpu.memory_space<vmem>>)
    %dma_wait3A_135 = arith.constant 0 : i32
    %dma_wait3A_136 = tpu.memref_slice %arg8[%dma_wait3A_135] : memref<10000xi32, #tpu.memory_space<vmem>> -> memref<128xi32, #tpu.memory_space<vmem>>
    %dma_wait3A_137 = arith.constant 0 : i32
    %dma_wait3A_138 = arith.constant 0 : i32
    %dma_wait3A_139 = tpu.memref_slice %arg3[%dma_wait3A_137, %dma_wait3A_138] : memref<10000x64xi32, #tpu.memory_space<hbm>> -> memref<10000x64xi32, #tpu.memory_space<hbm>>
    tpu.wait_indirect_dma semaphore(%arg19 : memref<!tpu.dma_semaphore, #tpu.memory_space<semaphore_mem>>) src(%dma_wait3A_139 : memref<10000x64xi32, #tpu.memory_space<hbm>>) dst(%arg12 : memref<128x64xi32, #tpu.memory_space<vmem>>)
    %min3A_140 = arith.constant 9856 : i32
    %min3A_141 = arith.constant 9872 : i32
    %min3A_142 = arith.minsi %min3A_140, %min3A_141 : i32
    %multiple_of3A_143 = tpu.assume_multiple %min3A_142, 8 : i32
    %broadcast_in_dim3A_144 = arith.constant 0.000000e+00 : f32
    %broadcast_in_dim3A_145 = vector.broadcast %broadcast_in_dim3A_144 : f32 to vector<16xf32>
    %add3A_146 = arith.constant 0 : i32
    %add3A_147 = vector.broadcast %add3A_146 : i32 to vector<16xi32>
    %add3A_148 = arith.addi %iota3A, %add3A_147 : vector<16xi32>
    %add3A_149 = arith.constant 16 : i32
    %add3A_150 = vector.broadcast %add3A_149 : i32 to vector<16xi32>
    %add3A_151 = arith.addi %iota3A, %add3A_150 : vector<16xi32>
    %add3A_152 = arith.constant 32 : i32
    %add3A_153 = vector.broadcast %add3A_152 : i32 to vector<16xi32>
    %add3A_154 = arith.addi %iota3A, %add3A_153 : vector<16xi32>
    %add3A_155 = arith.constant 48 : i32
    %add3A_156 = vector.broadcast %add3A_155 : i32 to vector<16xi32>
    %add3A_157 = arith.addi %iota3A, %add3A_156 : vector<16xi32>
    %add3A_158 = arith.constant 64 : i32
    %add3A_159 = vector.broadcast %add3A_158 : i32 to vector<16xi32>
    %add3A_160 = arith.addi %iota3A, %add3A_159 : vector<16xi32>
    %add3A_161 = arith.constant 80 : i32
    %add3A_162 = vector.broadcast %add3A_161 : i32 to vector<16xi32>
    %add3A_163 = arith.addi %iota3A, %add3A_162 : vector<16xi32>
    %add3A_164 = arith.constant 96 : i32
    %add3A_165 = vector.broadcast %add3A_164 : i32 to vector<16xi32>
    %add3A_166 = arith.addi %iota3A, %add3A_165 : vector<16xi32>
    %add3A_167 = arith.constant 112 : i32
    %add3A_168 = vector.broadcast %add3A_167 : i32 to vector<16xi32>
    %add3A_169 = arith.addi %iota3A, %add3A_168 : vector<16xi32>
    %scan3A_170 = arith.constant 0 : i32
    %scan3A_171 = arith.constant 64 : i32
    %scan3A_172 = arith.addi %scan3A_170, %scan3A_171 : i32
    %scan3A_173 = arith.constant 2 : i32
    %scan3A_174:8 = scf.for %scan3A_286 = %scan3A_170 to %scan3A_172 step %scan3A_173 iter_args(%scan3A_287 = %broadcast_in_dim3A_145, %scan3A_288 = %broadcast_in_dim3A_145, %scan3A_289 = %broadcast_in_dim3A_145, %scan3A_290 = %broadcast_in_dim3A_145, %scan3A_291 = %broadcast_in_dim3A_145, %scan3A_292 = %broadcast_in_dim3A_145, %scan3A_293 = %broadcast_in_dim3A_145, %scan3A_294 = %broadcast_in_dim3A_145) -> (vector<16xf32>, vector<16xf32>, vector<16xf32>, vector<16xf32>, vector<16xf32>, vector<16xf32>, vector<16xf32>, vector<16xf32>)  : i32 {
      %add3A_295 = vector.broadcast %scan3A_286 : i32 to vector<16xi32>
      %add3A_296 = arith.addi %iota3A, %add3A_295 : vector<16xi32>
      %and3A = arith.constant 63 : i32
      %and3A_297 = vector.broadcast %and3A : i32 to vector<16xi32>
      %and3A_298 = arith.andi %add3A_296, %and3A_297 : vector<16xi32>
      %gather3A = tpu.vector_load_idx %arg11[%add3A_148, %and3A_298] : memref<128x64xi32, #tpu.memory_space<vmem>>[vector<16xi32>, vector<16xi32>], vector<16xi32>,
      %gather3A_299 = tpu.vector_load_idx %arg12[%add3A_148, %and3A_298] : memref<128x64xi32, #tpu.memory_space<vmem>>[vector<16xi32>, vector<16xi32>], vector<16xi32>,
      %bitcast3A = vector.bitcast %gather3A : vector<16xi32> to vector<32xbf16>
      %bitcast3A_300 = vector.bitcast %gather3A_299 : vector<16xi32> to vector<32xbf16>
      %mul3A_301 = arith.mulf %bitcast3A, %bitcast3A_300 : vector<32xbf16>
      %unpack3A = tpu.unpack_subelements %mul3A_301, 0 {pack_format = #tpu.pack_format<interleaved>} : vector<32xbf16> -> vector<16xf32>
      %unpack3A_302 = tpu.unpack_subelements %mul3A_301, 1 {pack_format = #tpu.pack_format<interleaved>} : vector<32xbf16> -> vector<16xf32>
      %add3A_303 = arith.addf %scan3A_287, %unpack3A : vector<16xf32>
      %add3A_304 = arith.addf %add3A_303, %unpack3A_302 : vector<16xf32>
      %gather3A_305 = tpu.vector_load_idx %arg11[%add3A_151, %and3A_298] : memref<128x64xi32, #tpu.memory_space<vmem>>[vector<16xi32>, vector<16xi32>], vector<16xi32>,
      %gather3A_306 = tpu.vector_load_idx %arg12[%add3A_151, %and3A_298] : memref<128x64xi32, #tpu.memory_space<vmem>>[vector<16xi32>, vector<16xi32>], vector<16xi32>,
      %bitcast3A_307 = vector.bitcast %gather3A_305 : vector<16xi32> to vector<32xbf16>
      %bitcast3A_308 = vector.bitcast %gather3A_306 : vector<16xi32> to vector<32xbf16>
      %mul3A_309 = arith.mulf %bitcast3A_307, %bitcast3A_308 : vector<32xbf16>
      %unpack3A_310 = tpu.unpack_subelements %mul3A_309, 0 {pack_format = #tpu.pack_format<interleaved>} : vector<32xbf16> -> vector<16xf32>
      %unpack3A_311 = tpu.unpack_subelements %mul3A_309, 1 {pack_format = #tpu.pack_format<interleaved>} : vector<32xbf16> -> vector<16xf32>
      %add3A_312 = arith.addf %scan3A_288, %unpack3A_310 : vector<16xf32>
      %add3A_313 = arith.addf %add3A_312, %unpack3A_311 : vector<16xf32>
      %gather3A_314 = tpu.vector_load_idx %arg11[%add3A_154, %and3A_298] : memref<128x64xi32, #tpu.memory_space<vmem>>[vector<16xi32>, vector<16xi32>], vector<16xi32>,
      %gather3A_315 = tpu.vector_load_idx %arg12[%add3A_154, %and3A_298] : memref<128x64xi32, #tpu.memory_space<vmem>>[vector<16xi32>, vector<16xi32>], vector<16xi32>,
      %bitcast3A_316 = vector.bitcast %gather3A_314 : vector<16xi32> to vector<32xbf16>
      %bitcast3A_317 = vector.bitcast %gather3A_315 : vector<16xi32> to vector<32xbf16>
      %mul3A_318 = arith.mulf %bitcast3A_316, %bitcast3A_317 : vector<32xbf16>
      %unpack3A_319 = tpu.unpack_subelements %mul3A_318, 0 {pack_format = #tpu.pack_format<interleaved>} : vector<32xbf16> -> vector<16xf32>
      %unpack3A_320 = tpu.unpack_subelements %mul3A_318, 1 {pack_format = #tpu.pack_format<interleaved>} : vector<32xbf16> -> vector<16xf32>
      %add3A_321 = arith.addf %scan3A_289, %unpack3A_319 : vector<16xf32>
      %add3A_322 = arith.addf %add3A_321, %unpack3A_320 : vector<16xf32>
      %gather3A_323 = tpu.vector_load_idx %arg11[%add3A_157, %and3A_298] : memref<128x64xi32, #tpu.memory_space<vmem>>[vector<16xi32>, vector<16xi32>], vector<16xi32>,
      %gather3A_324 = tpu.vector_load_idx %arg12[%add3A_157, %and3A_298] : memref<128x64xi32, #tpu.memory_space<vmem>>[vector<16xi32>, vector<16xi32>], vector<16xi32>,
      %bitcast3A_325 = vector.bitcast %gather3A_323 : vector<16xi32> to vector<32xbf16>
      %bitcast3A_326 = vector.bitcast %gather3A_324 : vector<16xi32> to vector<32xbf16>
      %mul3A_327 = arith.mulf %bitcast3A_325, %bitcast3A_326 : vector<32xbf16>
      %unpack3A_328 = tpu.unpack_subelements %mul3A_327, 0 {pack_format = #tpu.pack_format<interleaved>} : vector<32xbf16> -> vector<16xf32>
      %unpack3A_329 = tpu.unpack_subelements %mul3A_327, 1 {pack_format = #tpu.pack_format<interleaved>} : vector<32xbf16> -> vector<16xf32>
      %add3A_330 = arith.addf %scan3A_290, %unpack3A_328 : vector<16xf32>
      %add3A_331 = arith.addf %add3A_330, %unpack3A_329 : vector<16xf32>
      %gather3A_332 = tpu.vector_load_idx %arg11[%add3A_160, %and3A_298] : memref<128x64xi32, #tpu.memory_space<vmem>>[vector<16xi32>, vector<16xi32>], vector<16xi32>,
      %gather3A_333 = tpu.vector_load_idx %arg12[%add3A_160, %and3A_298] : memref<128x64xi32, #tpu.memory_space<vmem>>[vector<16xi32>, vector<16xi32>], vector<16xi32>,
      %bitcast3A_334 = vector.bitcast %gather3A_332 : vector<16xi32> to vector<32xbf16>
      %bitcast3A_335 = vector.bitcast %gather3A_333 : vector<16xi32> to vector<32xbf16>
      %mul3A_336 = arith.mulf %bitcast3A_334, %bitcast3A_335 : vector<32xbf16>
      %unpack3A_337 = tpu.unpack_subelements %mul3A_336, 0 {pack_format = #tpu.pack_format<interleaved>} : vector<32xbf16> -> vector<16xf32>
      %unpack3A_338 = tpu.unpack_subelements %mul3A_336, 1 {pack_format = #tpu.pack_format<interleaved>} : vector<32xbf16> -> vector<16xf32>
      %add3A_339 = arith.addf %scan3A_291, %unpack3A_337 : vector<16xf32>
      %add3A_340 = arith.addf %add3A_339, %unpack3A_338 : vector<16xf32>
      %gather3A_341 = tpu.vector_load_idx %arg11[%add3A_163, %and3A_298] : memref<128x64xi32, #tpu.memory_space<vmem>>[vector<16xi32>, vector<16xi32>], vector<16xi32>,
      %gather3A_342 = tpu.vector_load_idx %arg12[%add3A_163, %and3A_298] : memref<128x64xi32, #tpu.memory_space<vmem>>[vector<16xi32>, vector<16xi32>], vector<16xi32>,
      %bitcast3A_343 = vector.bitcast %gather3A_341 : vector<16xi32> to vector<32xbf16>
      %bitcast3A_344 = vector.bitcast %gather3A_342 : vector<16xi32> to vector<32xbf16>
      %mul3A_345 = arith.mulf %bitcast3A_343, %bitcast3A_344 : vector<32xbf16>
      %unpack3A_346 = tpu.unpack_subelements %mul3A_345, 0 {pack_format = #tpu.pack_format<interleaved>} : vector<32xbf16> -> vector<16xf32>
      %unpack3A_347 = tpu.unpack_subelements %mul3A_345, 1 {pack_format = #tpu.pack_format<interleaved>} : vector<32xbf16> -> vector<16xf32>
      %add3A_348 = arith.addf %scan3A_292, %unpack3A_346 : vector<16xf32>
      %add3A_349 = arith.addf %add3A_348, %unpack3A_347 : vector<16xf32>
      %gather3A_350 = tpu.vector_load_idx %arg11[%add3A_166, %and3A_298] : memref<128x64xi32, #tpu.memory_space<vmem>>[vector<16xi32>, vector<16xi32>], vector<16xi32>,
      %gather3A_351 = tpu.vector_load_idx %arg12[%add3A_166, %and3A_298] : memref<128x64xi32, #tpu.memory_space<vmem>>[vector<16xi32>, vector<16xi32>], vector<16xi32>,
      %bitcast3A_352 = vector.bitcast %gather3A_350 : vector<16xi32> to vector<32xbf16>
      %bitcast3A_353 = vector.bitcast %gather3A_351 : vector<16xi32> to vector<32xbf16>
      %mul3A_354 = arith.mulf %bitcast3A_352, %bitcast3A_353 : vector<32xbf16>
      %unpack3A_355 = tpu.unpack_subelements %mul3A_354, 0 {pack_format = #tpu.pack_format<interleaved>} : vector<32xbf16> -> vector<16xf32>
      %unpack3A_356 = tpu.unpack_subelements %mul3A_354, 1 {pack_format = #tpu.pack_format<interleaved>} : vector<32xbf16> -> vector<16xf32>
      %add3A_357 = arith.addf %scan3A_293, %unpack3A_355 : vector<16xf32>
      %add3A_358 = arith.addf %add3A_357, %unpack3A_356 : vector<16xf32>
      %gather3A_359 = tpu.vector_load_idx %arg11[%add3A_169, %and3A_298] : memref<128x64xi32, #tpu.memory_space<vmem>>[vector<16xi32>, vector<16xi32>], vector<16xi32>,
      %gather3A_360 = tpu.vector_load_idx %arg12[%add3A_169, %and3A_298] : memref<128x64xi32, #tpu.memory_space<vmem>>[vector<16xi32>, vector<16xi32>], vector<16xi32>,
      %bitcast3A_361 = vector.bitcast %gather3A_359 : vector<16xi32> to vector<32xbf16>
      %bitcast3A_362 = vector.bitcast %gather3A_360 : vector<16xi32> to vector<32xbf16>
      %mul3A_363 = arith.mulf %bitcast3A_361, %bitcast3A_362 : vector<32xbf16>
      %unpack3A_364 = tpu.unpack_subelements %mul3A_363, 0 {pack_format = #tpu.pack_format<interleaved>} : vector<32xbf16> -> vector<16xf32>
      %unpack3A_365 = tpu.unpack_subelements %mul3A_363, 1 {pack_format = #tpu.pack_format<interleaved>} : vector<32xbf16> -> vector<16xf32>
      %add3A_366 = arith.addf %scan3A_294, %unpack3A_364 : vector<16xf32>
      %add3A_367 = arith.addf %add3A_366, %unpack3A_365 : vector<16xf32>
      %scan3A_368 = arith.constant 1 : i32
      %scan3A_369 = arith.addi %scan3A_286, %scan3A_368 : i32
      %add3A_370 = vector.broadcast %scan3A_369 : i32 to vector<16xi32>
      %add3A_371 = arith.addi %iota3A, %add3A_370 : vector<16xi32>
      %and3A_372 = arith.constant 63 : i32
      %and3A_373 = vector.broadcast %and3A_372 : i32 to vector<16xi32>
      %and3A_374 = arith.andi %add3A_371, %and3A_373 : vector<16xi32>
      %gather3A_375 = tpu.vector_load_idx %arg11[%add3A_148, %and3A_374] : memref<128x64xi32, #tpu.memory_space<vmem>>[vector<16xi32>, vector<16xi32>], vector<16xi32>,
      %gather3A_376 = tpu.vector_load_idx %arg12[%add3A_148, %and3A_374] : memref<128x64xi32, #tpu.memory_space<vmem>>[vector<16xi32>, vector<16xi32>], vector<16xi32>,
      %bitcast3A_377 = vector.bitcast %gather3A_375 : vector<16xi32> to vector<32xbf16>
      %bitcast3A_378 = vector.bitcast %gather3A_376 : vector<16xi32> to vector<32xbf16>
      %mul3A_379 = arith.mulf %bitcast3A_377, %bitcast3A_378 : vector<32xbf16>
      %unpack3A_380 = tpu.unpack_subelements %mul3A_379, 0 {pack_format = #tpu.pack_format<interleaved>} : vector<32xbf16> -> vector<16xf32>
      %unpack3A_381 = tpu.unpack_subelements %mul3A_379, 1 {pack_format = #tpu.pack_format<interleaved>} : vector<32xbf16> -> vector<16xf32>
      %add3A_382 = arith.addf %add3A_304, %unpack3A_380 : vector<16xf32>
      %add3A_383 = arith.addf %add3A_382, %unpack3A_381 : vector<16xf32>
      %gather3A_384 = tpu.vector_load_idx %arg11[%add3A_151, %and3A_374] : memref<128x64xi32, #tpu.memory_space<vmem>>[vector<16xi32>, vector<16xi32>], vector<16xi32>,
      %gather3A_385 = tpu.vector_load_idx %arg12[%add3A_151, %and3A_374] : memref<128x64xi32, #tpu.memory_space<vmem>>[vector<16xi32>, vector<16xi32>], vector<16xi32>,
      %bitcast3A_386 = vector.bitcast %gather3A_384 : vector<16xi32> to vector<32xbf16>
      %bitcast3A_387 = vector.bitcast %gather3A_385 : vector<16xi32> to vector<32xbf16>
      %mul3A_388 = arith.mulf %bitcast3A_386, %bitcast3A_387 : vector<32xbf16>
      %unpack3A_389 = tpu.unpack_subelements %mul3A_388, 0 {pack_format = #tpu.pack_format<interleaved>} : vector<32xbf16> -> vector<16xf32>
      %unpack3A_390 = tpu.unpack_subelements %mul3A_388, 1 {pack_format = #tpu.pack_format<interleaved>} : vector<32xbf16> -> vector<16xf32>
      %add3A_391 = arith.addf %add3A_313, %unpack3A_389 : vector<16xf32>
      %add3A_392 = arith.addf %add3A_391, %unpack3A_390 : vector<16xf32>
      %gather3A_393 = tpu.vector_load_idx %arg11[%add3A_154, %and3A_374] : memref<128x64xi32, #tpu.memory_space<vmem>>[vector<16xi32>, vector<16xi32>], vector<16xi32>,
      %gather3A_394 = tpu.vector_load_idx %arg12[%add3A_154, %and3A_374] : memref<128x64xi32, #tpu.memory_space<vmem>>[vector<16xi32>, vector<16xi32>], vector<16xi32>,
      %bitcast3A_395 = vector.bitcast %gather3A_393 : vector<16xi32> to vector<32xbf16>
      %bitcast3A_396 = vector.bitcast %gather3A_394 : vector<16xi32> to vector<32xbf16>
      %mul3A_397 = arith.mulf %bitcast3A_395, %bitcast3A_396 : vector<32xbf16>
      %unpack3A_398 = tpu.unpack_subelements %mul3A_397, 0 {pack_format = #tpu.pack_format<interleaved>} : vector<32xbf16> -> vector<16xf32>
      %unpack3A_399 = tpu.unpack_subelements %mul3A_397, 1 {pack_format = #tpu.pack_format<interleaved>} : vector<32xbf16> -> vector<16xf32>
      %add3A_400 = arith.addf %add3A_322, %unpack3A_398 : vector<16xf32>
      %add3A_401 = arith.addf %add3A_400, %unpack3A_399 : vector<16xf32>
      %gather3A_402 = tpu.vector_load_idx %arg11[%add3A_157, %and3A_374] : memref<128x64xi32, #tpu.memory_space<vmem>>[vector<16xi32>, vector<16xi32>], vector<16xi32>,
      %gather3A_403 = tpu.vector_load_idx %arg12[%add3A_157, %and3A_374] : memref<128x64xi32, #tpu.memory_space<vmem>>[vector<16xi32>, vector<16xi32>], vector<16xi32>,
      %bitcast3A_404 = vector.bitcast %gather3A_402 : vector<16xi32> to vector<32xbf16>
      %bitcast3A_405 = vector.bitcast %gather3A_403 : vector<16xi32> to vector<32xbf16>
      %mul3A_406 = arith.mulf %bitcast3A_404, %bitcast3A_405 : vector<32xbf16>
      %unpack3A_407 = tpu.unpack_subelements %mul3A_406, 0 {pack_format = #tpu.pack_format<interleaved>} : vector<32xbf16> -> vector<16xf32>
      %unpack3A_408 = tpu.unpack_subelements %mul3A_406, 1 {pack_format = #tpu.pack_format<interleaved>} : vector<32xbf16> -> vector<16xf32>
      %add3A_409 = arith.addf %add3A_331, %unpack3A_407 : vector<16xf32>
      %add3A_410 = arith.addf %add3A_409, %unpack3A_408 : vector<16xf32>
      %gather3A_411 = tpu.vector_load_idx %arg11[%add3A_160, %and3A_374] : memref<128x64xi32, #tpu.memory_space<vmem>>[vector<16xi32>, vector<16xi32>], vector<16xi32>,
      %gather3A_412 = tpu.vector_load_idx %arg12[%add3A_160, %and3A_374] : memref<128x64xi32, #tpu.memory_space<vmem>>[vector<16xi32>, vector<16xi32>], vector<16xi32>,
      %bitcast3A_413 = vector.bitcast %gather3A_411 : vector<16xi32> to vector<32xbf16>
      %bitcast3A_414 = vector.bitcast %gather3A_412 : vector<16xi32> to vector<32xbf16>
      %mul3A_415 = arith.mulf %bitcast3A_413, %bitcast3A_414 : vector<32xbf16>
      %unpack3A_416 = tpu.unpack_subelements %mul3A_415, 0 {pack_format = #tpu.pack_format<interleaved>} : vector<32xbf16> -> vector<16xf32>
      %unpack3A_417 = tpu.unpack_subelements %mul3A_415, 1 {pack_format = #tpu.pack_format<interleaved>} : vector<32xbf16> -> vector<16xf32>
      %add3A_418 = arith.addf %add3A_340, %unpack3A_416 : vector<16xf32>
      %add3A_419 = arith.addf %add3A_418, %unpack3A_417 : vector<16xf32>
      %gather3A_420 = tpu.vector_load_idx %arg11[%add3A_163, %and3A_374] : memref<128x64xi32, #tpu.memory_space<vmem>>[vector<16xi32>, vector<16xi32>], vector<16xi32>,
      %gather3A_421 = tpu.vector_load_idx %arg12[%add3A_163, %and3A_374] : memref<128x64xi32, #tpu.memory_space<vmem>>[vector<16xi32>, vector<16xi32>], vector<16xi32>,
      %bitcast3A_422 = vector.bitcast %gather3A_420 : vector<16xi32> to vector<32xbf16>
      %bitcast3A_423 = vector.bitcast %gather3A_421 : vector<16xi32> to vector<32xbf16>
      %mul3A_424 = arith.mulf %bitcast3A_422, %bitcast3A_423 : vector<32xbf16>
      %unpack3A_425 = tpu.unpack_subelements %mul3A_424, 0 {pack_format = #tpu.pack_format<interleaved>} : vector<32xbf16> -> vector<16xf32>
      %unpack3A_426 = tpu.unpack_subelements %mul3A_424, 1 {pack_format = #tpu.pack_format<interleaved>} : vector<32xbf16> -> vector<16xf32>
      %add3A_427 = arith.addf %add3A_349, %unpack3A_425 : vector<16xf32>
      %add3A_428 = arith.addf %add3A_427, %unpack3A_426 : vector<16xf32>
      %gather3A_429 = tpu.vector_load_idx %arg11[%add3A_166, %and3A_374] : memref<128x64xi32, #tpu.memory_space<vmem>>[vector<16xi32>, vector<16xi32>], vector<16xi32>,
      %gather3A_430 = tpu.vector_load_idx %arg12[%add3A_166, %and3A_374] : memref<128x64xi32, #tpu.memory_space<vmem>>[vector<16xi32>, vector<16xi32>], vector<16xi32>,
      %bitcast3A_431 = vector.bitcast %gather3A_429 : vector<16xi32> to vector<32xbf16>
      %bitcast3A_432 = vector.bitcast %gather3A_430 : vector<16xi32> to vector<32xbf16>
      %mul3A_433 = arith.mulf %bitcast3A_431, %bitcast3A_432 : vector<32xbf16>
      %unpack3A_434 = tpu.unpack_subelements %mul3A_433, 0 {pack_format = #tpu.pack_format<interleaved>} : vector<32xbf16> -> vector<16xf32>
      %unpack3A_435 = tpu.unpack_subelements %mul3A_433, 1 {pack_format = #tpu.pack_format<interleaved>} : vector<32xbf16> -> vector<16xf32>
      %add3A_436 = arith.addf %add3A_358, %unpack3A_434 : vector<16xf32>
      %add3A_437 = arith.addf %add3A_436, %unpack3A_435 : vector<16xf32>
      %gather3A_438 = tpu.vector_load_idx %arg11[%add3A_169, %and3A_374] : memref<128x64xi32, #tpu.memory_space<vmem>>[vector<16xi32>, vector<16xi32>], vector<16xi32>,
      %gather3A_439 = tpu.vector_load_idx %arg12[%add3A_169, %and3A_374] : memref<128x64xi32, #tpu.memory_space<vmem>>[vector<16xi32>, vector<16xi32>], vector<16xi32>,
      %bitcast3A_440 = vector.bitcast %gather3A_438 : vector<16xi32> to vector<32xbf16>
      %bitcast3A_441 = vector.bitcast %gather3A_439 : vector<16xi32> to vector<32xbf16>
      %mul3A_442 = arith.mulf %bitcast3A_440, %bitcast3A_441 : vector<32xbf16>
      %unpack3A_443 = tpu.unpack_subelements %mul3A_442, 0 {pack_format = #tpu.pack_format<interleaved>} : vector<32xbf16> -> vector<16xf32>
      %unpack3A_444 = tpu.unpack_subelements %mul3A_442, 1 {pack_format = #tpu.pack_format<interleaved>} : vector<32xbf16> -> vector<16xf32>
      %add3A_445 = arith.addf %add3A_367, %unpack3A_443 : vector<16xf32>
      %add3A_446 = arith.addf %add3A_445, %unpack3A_444 : vector<16xf32>
      scf.yield %add3A_383, %add3A_392, %add3A_401, %add3A_410, %add3A_419, %add3A_428, %add3A_437, %add3A_446 : vector<16xf32>, vector<16xf32>, vector<16xf32>, vector<16xf32>, vector<16xf32>, vector<16xf32>, vector<16xf32>, vector<16xf32>
    }
    %scan3A_175 = arith.constant 64 : i32
    %add3A_176 = arith.constant 0 : i32
    %add3A_177 = arith.addi %multiple_of3A_143, %add3A_176 : i32
    %swap3A_178 = arith.index_cast %add3A_177 : i32 to index
    %swap3A_179 = tpu.vector_load %arg17[%swap3A_178] {strides = array<i32>} : memref<10000xf32, #tpu.memory_space<vmem>>, vector<16xf32>,
    tpu.vector_store %arg17[%swap3A_178], %scan3A_174#0 {strides = array<i32>} : memref<10000xf32, #tpu.memory_space<vmem>>, vector<16xf32>,
    %add3A_180 = arith.constant 16 : i32
    %add3A_181 = arith.addi %multiple_of3A_143, %add3A_180 : i32
    %swap3A_182 = arith.index_cast %add3A_181 : i32 to index
    %swap3A_183 = tpu.vector_load %arg17[%swap3A_182] {strides = array<i32>} : memref<10000xf32, #tpu.memory_space<vmem>>, vector<16xf32>,
    tpu.vector_store %arg17[%swap3A_182], %scan3A_174#1 {strides = array<i32>} : memref<10000xf32, #tpu.memory_space<vmem>>, vector<16xf32>,
    %add3A_184 = arith.constant 32 : i32
    %add3A_185 = arith.addi %multiple_of3A_143, %add3A_184 : i32
    %swap3A_186 = arith.index_cast %add3A_185 : i32 to index
    %swap3A_187 = tpu.vector_load %arg17[%swap3A_186] {strides = array<i32>} : memref<10000xf32, #tpu.memory_space<vmem>>, vector<16xf32>,
    tpu.vector_store %arg17[%swap3A_186], %scan3A_174#2 {strides = array<i32>} : memref<10000xf32, #tpu.memory_space<vmem>>, vector<16xf32>,
    %add3A_188 = arith.constant 48 : i32
    %add3A_189 = arith.addi %multiple_of3A_143, %add3A_188 : i32
    %swap3A_190 = arith.index_cast %add3A_189 : i32 to index
    %swap3A_191 = tpu.vector_load %arg17[%swap3A_190] {strides = array<i32>} : memref<10000xf32, #tpu.memory_space<vmem>>, vector<16xf32>,
    tpu.vector_store %arg17[%swap3A_190], %scan3A_174#3 {strides = array<i32>} : memref<10000xf32, #tpu.memory_space<vmem>>, vector<16xf32>,
    %add3A_192 = arith.constant 64 : i32
    %add3A_193 = arith.addi %multiple_of3A_143, %add3A_192 : i32
    %swap3A_194 = arith.index_cast %add3A_193 : i32 to index
    %swap3A_195 = tpu.vector_load %arg17[%swap3A_194] {strides = array<i32>} : memref<10000xf32, #tpu.memory_space<vmem>>, vector<16xf32>,
    tpu.vector_store %arg17[%swap3A_194], %scan3A_174#4 {strides = array<i32>} : memref<10000xf32, #tpu.memory_space<vmem>>, vector<16xf32>,
    %add3A_196 = arith.constant 80 : i32
    %add3A_197 = arith.addi %multiple_of3A_143, %add3A_196 : i32
    %swap3A_198 = arith.index_cast %add3A_197 : i32 to index
    %swap3A_199 = tpu.vector_load %arg17[%swap3A_198] {strides = array<i32>} : memref<10000xf32, #tpu.memory_space<vmem>>, vector<16xf32>,
    tpu.vector_store %arg17[%swap3A_198], %scan3A_174#5 {strides = array<i32>} : memref<10000xf32, #tpu.memory_space<vmem>>, vector<16xf32>,
    %add3A_200 = arith.constant 96 : i32
    %add3A_201 = arith.addi %multiple_of3A_143, %add3A_200 : i32
    %swap3A_202 = arith.index_cast %add3A_201 : i32 to index
    %swap3A_203 = tpu.vector_load %arg17[%swap3A_202] {strides = array<i32>} : memref<10000xf32, #tpu.memory_space<vmem>>, vector<16xf32>,
    tpu.vector_store %arg17[%swap3A_202], %scan3A_174#6 {strides = array<i32>} : memref<10000xf32, #tpu.memory_space<vmem>>, vector<16xf32>,
    %add3A_204 = arith.constant 112 : i32
    %add3A_205 = arith.addi %multiple_of3A_143, %add3A_204 : i32
    %swap3A_206 = arith.index_cast %add3A_205 : i32 to index
    %swap3A_207 = tpu.vector_load %arg17[%swap3A_206] {strides = array<i32>} : memref<10000xf32, #tpu.memory_space<vmem>>, vector<16xf32>,
    tpu.vector_store %arg17[%swap3A_206], %scan3A_174#7 {strides = array<i32>} : memref<10000xf32, #tpu.memory_space<vmem>>, vector<16xf32>,
    %dma_wait3A_208 = arith.constant 0 : i32
    %dma_wait3A_209 = tpu.memref_slice %arg7[%dma_wait3A_208] : memref<10000xi32, #tpu.memory_space<vmem>> -> memref<128xi32, #tpu.memory_space<vmem>>
    %dma_wait3A_210 = arith.constant 0 : i32
    %dma_wait3A_211 = arith.constant 0 : i32
    %dma_wait3A_212 = tpu.memref_slice %arg2[%dma_wait3A_210, %dma_wait3A_211] : memref<10000x64xi32, #tpu.memory_space<hbm>> -> memref<10000x64xi32, #tpu.memory_space<hbm>>
    tpu.wait_indirect_dma semaphore(%arg20 : memref<!tpu.dma_semaphore, #tpu.memory_space<semaphore_mem>>) src(%dma_wait3A_212 : memref<10000x64xi32, #tpu.memory_space<hbm>>) dst(%arg13 : memref<128x64xi32, #tpu.memory_space<vmem>>)
    %dma_wait3A_213 = arith.constant 0 : i32
    %dma_wait3A_214 = tpu.memref_slice %arg8[%dma_wait3A_213] : memref<10000xi32, #tpu.memory_space<vmem>> -> memref<128xi32, #tpu.memory_space<vmem>>
    %dma_wait3A_215 = arith.constant 0 : i32
    %dma_wait3A_216 = arith.constant 0 : i32
    %dma_wait3A_217 = tpu.memref_slice %arg3[%dma_wait3A_215, %dma_wait3A_216] : memref<10000x64xi32, #tpu.memory_space<hbm>> -> memref<10000x64xi32, #tpu.memory_space<hbm>>
    tpu.wait_indirect_dma semaphore(%arg20 : memref<!tpu.dma_semaphore, #tpu.memory_space<semaphore_mem>>) src(%dma_wait3A_217 : memref<10000x64xi32, #tpu.memory_space<hbm>>) dst(%arg14 : memref<128x64xi32, #tpu.memory_space<vmem>>)
    %min3A_218 = arith.constant 9984 : i32
    %min3A_219 = arith.constant 9872 : i32
    %min3A_220 = arith.minsi %min3A_218, %min3A_219 : i32
    %multiple_of3A_221 = tpu.assume_multiple %min3A_220, 8 : i32
    %broadcast_in_dim3A_222 = arith.constant 0.000000e+00 : f32
    %broadcast_in_dim3A_223 = vector.broadcast %broadcast_in_dim3A_222 : f32 to vector<16xf32>
    %add3A_224 = arith.constant 0 : i32
    %add3A_225 = vector.broadcast %add3A_224 : i32 to vector<16xi32>
    %add3A_226 = arith.addi %iota3A, %add3A_225 : vector<16xi32>
    %add3A_227 = arith.constant 16 : i32
    %add3A_228 = vector.broadcast %add3A_227 : i32 to vector<16xi32>
    %add3A_229 = arith.addi %iota3A, %add3A_228 : vector<16xi32>
    %add3A_230 = arith.constant 32 : i32
    %add3A_231 = vector.broadcast %add3A_230 : i32 to vector<16xi32>
    %add3A_232 = arith.addi %iota3A, %add3A_231 : vector<16xi32>
    %add3A_233 = arith.constant 48 : i32
    %add3A_234 = vector.broadcast %add3A_233 : i32 to vector<16xi32>
    %add3A_235 = arith.addi %iota3A, %add3A_234 : vector<16xi32>
    %add3A_236 = arith.constant 64 : i32
    %add3A_237 = vector.broadcast %add3A_236 : i32 to vector<16xi32>
    %add3A_238 = arith.addi %iota3A, %add3A_237 : vector<16xi32>
    %add3A_239 = arith.constant 80 : i32
    %add3A_240 = vector.broadcast %add3A_239 : i32 to vector<16xi32>
    %add3A_241 = arith.addi %iota3A, %add3A_240 : vector<16xi32>
    %add3A_242 = arith.constant 96 : i32
    %add3A_243 = vector.broadcast %add3A_242 : i32 to vector<16xi32>
    %add3A_244 = arith.addi %iota3A, %add3A_243 : vector<16xi32>
    %add3A_245 = arith.constant 112 : i32
    %add3A_246 = vector.broadcast %add3A_245 : i32 to vector<16xi32>
    %add3A_247 = arith.addi %iota3A, %add3A_246 : vector<16xi32>
    %scan3A_248 = arith.constant 0 : i32
    %scan3A_249 = arith.constant 64 : i32
    %scan3A_250 = arith.addi %scan3A_248, %scan3A_249 : i32
    %scan3A_251 = arith.constant 2 : i32
    %scan3A_252:8 = scf.for %scan3A_286 = %scan3A_248 to %scan3A_250 step %scan3A_251 iter_args(%scan3A_287 = %broadcast_in_dim3A_223, %scan3A_288 = %broadcast_in_dim3A_223, %scan3A_289 = %broadcast_in_dim3A_223, %scan3A_290 = %broadcast_in_dim3A_223, %scan3A_291 = %broadcast_in_dim3A_223, %scan3A_292 = %broadcast_in_dim3A_223, %scan3A_293 = %broadcast_in_dim3A_223, %scan3A_294 = %broadcast_in_dim3A_223) -> (vector<16xf32>, vector<16xf32>, vector<16xf32>, vector<16xf32>, vector<16xf32>, vector<16xf32>, vector<16xf32>, vector<16xf32>)  : i32 {
      %add3A_295 = vector.broadcast %scan3A_286 : i32 to vector<16xi32>
      %add3A_296 = arith.addi %iota3A, %add3A_295 : vector<16xi32>
      %and3A = arith.constant 63 : i32
      %and3A_297 = vector.broadcast %and3A : i32 to vector<16xi32>
      %and3A_298 = arith.andi %add3A_296, %and3A_297 : vector<16xi32>
      %gather3A = tpu.vector_load_idx %arg13[%add3A_226, %and3A_298] : memref<128x64xi32, #tpu.memory_space<vmem>>[vector<16xi32>, vector<16xi32>], vector<16xi32>,
      %gather3A_299 = tpu.vector_load_idx %arg14[%add3A_226, %and3A_298] : memref<128x64xi32, #tpu.memory_space<vmem>>[vector<16xi32>, vector<16xi32>], vector<16xi32>,
      %bitcast3A = vector.bitcast %gather3A : vector<16xi32> to vector<32xbf16>
      %bitcast3A_300 = vector.bitcast %gather3A_299 : vector<16xi32> to vector<32xbf16>
      %mul3A_301 = arith.mulf %bitcast3A, %bitcast3A_300 : vector<32xbf16>
      %unpack3A = tpu.unpack_subelements %mul3A_301, 0 {pack_format = #tpu.pack_format<interleaved>} : vector<32xbf16> -> vector<16xf32>
      %unpack3A_302 = tpu.unpack_subelements %mul3A_301, 1 {pack_format = #tpu.pack_format<interleaved>} : vector<32xbf16> -> vector<16xf32>
      %add3A_303 = arith.addf %scan3A_287, %unpack3A : vector<16xf32>
      %add3A_304 = arith.addf %add3A_303, %unpack3A_302 : vector<16xf32>
      %gather3A_305 = tpu.vector_load_idx %arg13[%add3A_229, %and3A_298] : memref<128x64xi32, #tpu.memory_space<vmem>>[vector<16xi32>, vector<16xi32>], vector<16xi32>,
      %gather3A_306 = tpu.vector_load_idx %arg14[%add3A_229, %and3A_298] : memref<128x64xi32, #tpu.memory_space<vmem>>[vector<16xi32>, vector<16xi32>], vector<16xi32>,
      %bitcast3A_307 = vector.bitcast %gather3A_305 : vector<16xi32> to vector<32xbf16>
      %bitcast3A_308 = vector.bitcast %gather3A_306 : vector<16xi32> to vector<32xbf16>
      %mul3A_309 = arith.mulf %bitcast3A_307, %bitcast3A_308 : vector<32xbf16>
      %unpack3A_310 = tpu.unpack_subelements %mul3A_309, 0 {pack_format = #tpu.pack_format<interleaved>} : vector<32xbf16> -> vector<16xf32>
      %unpack3A_311 = tpu.unpack_subelements %mul3A_309, 1 {pack_format = #tpu.pack_format<interleaved>} : vector<32xbf16> -> vector<16xf32>
      %add3A_312 = arith.addf %scan3A_288, %unpack3A_310 : vector<16xf32>
      %add3A_313 = arith.addf %add3A_312, %unpack3A_311 : vector<16xf32>
      %gather3A_314 = tpu.vector_load_idx %arg13[%add3A_232, %and3A_298] : memref<128x64xi32, #tpu.memory_space<vmem>>[vector<16xi32>, vector<16xi32>], vector<16xi32>,
      %gather3A_315 = tpu.vector_load_idx %arg14[%add3A_232, %and3A_298] : memref<128x64xi32, #tpu.memory_space<vmem>>[vector<16xi32>, vector<16xi32>], vector<16xi32>,
      %bitcast3A_316 = vector.bitcast %gather3A_314 : vector<16xi32> to vector<32xbf16>
      %bitcast3A_317 = vector.bitcast %gather3A_315 : vector<16xi32> to vector<32xbf16>
      %mul3A_318 = arith.mulf %bitcast3A_316, %bitcast3A_317 : vector<32xbf16>
      %unpack3A_319 = tpu.unpack_subelements %mul3A_318, 0 {pack_format = #tpu.pack_format<interleaved>} : vector<32xbf16> -> vector<16xf32>
      %unpack3A_320 = tpu.unpack_subelements %mul3A_318, 1 {pack_format = #tpu.pack_format<interleaved>} : vector<32xbf16> -> vector<16xf32>
      %add3A_321 = arith.addf %scan3A_289, %unpack3A_319 : vector<16xf32>
      %add3A_322 = arith.addf %add3A_321, %unpack3A_320 : vector<16xf32>
      %gather3A_323 = tpu.vector_load_idx %arg13[%add3A_235, %and3A_298] : memref<128x64xi32, #tpu.memory_space<vmem>>[vector<16xi32>, vector<16xi32>], vector<16xi32>,
      %gather3A_324 = tpu.vector_load_idx %arg14[%add3A_235, %and3A_298] : memref<128x64xi32, #tpu.memory_space<vmem>>[vector<16xi32>, vector<16xi32>], vector<16xi32>,
      %bitcast3A_325 = vector.bitcast %gather3A_323 : vector<16xi32> to vector<32xbf16>
      %bitcast3A_326 = vector.bitcast %gather3A_324 : vector<16xi32> to vector<32xbf16>
      %mul3A_327 = arith.mulf %bitcast3A_325, %bitcast3A_326 : vector<32xbf16>
      %unpack3A_328 = tpu.unpack_subelements %mul3A_327, 0 {pack_format = #tpu.pack_format<interleaved>} : vector<32xbf16> -> vector<16xf32>
      %unpack3A_329 = tpu.unpack_subelements %mul3A_327, 1 {pack_format = #tpu.pack_format<interleaved>} : vector<32xbf16> -> vector<16xf32>
      %add3A_330 = arith.addf %scan3A_290, %unpack3A_328 : vector<16xf32>
      %add3A_331 = arith.addf %add3A_330, %unpack3A_329 : vector<16xf32>
      %gather3A_332 = tpu.vector_load_idx %arg13[%add3A_238, %and3A_298] : memref<128x64xi32, #tpu.memory_space<vmem>>[vector<16xi32>, vector<16xi32>], vector<16xi32>,
      %gather3A_333 = tpu.vector_load_idx %arg14[%add3A_238, %and3A_298] : memref<128x64xi32, #tpu.memory_space<vmem>>[vector<16xi32>, vector<16xi32>], vector<16xi32>,
      %bitcast3A_334 = vector.bitcast %gather3A_332 : vector<16xi32> to vector<32xbf16>
      %bitcast3A_335 = vector.bitcast %gather3A_333 : vector<16xi32> to vector<32xbf16>
      %mul3A_336 = arith.mulf %bitcast3A_334, %bitcast3A_335 : vector<32xbf16>
      %unpack3A_337 = tpu.unpack_subelements %mul3A_336, 0 {pack_format = #tpu.pack_format<interleaved>} : vector<32xbf16> -> vector<16xf32>
      %unpack3A_338 = tpu.unpack_subelements %mul3A_336, 1 {pack_format = #tpu.pack_format<interleaved>} : vector<32xbf16> -> vector<16xf32>
      %add3A_339 = arith.addf %scan3A_291, %unpack3A_337 : vector<16xf32>
      %add3A_340 = arith.addf %add3A_339, %unpack3A_338 : vector<16xf32>
      %gather3A_341 = tpu.vector_load_idx %arg13[%add3A_241, %and3A_298] : memref<128x64xi32, #tpu.memory_space<vmem>>[vector<16xi32>, vector<16xi32>], vector<16xi32>,
      %gather3A_342 = tpu.vector_load_idx %arg14[%add3A_241, %and3A_298] : memref<128x64xi32, #tpu.memory_space<vmem>>[vector<16xi32>, vector<16xi32>], vector<16xi32>,
      %bitcast3A_343 = vector.bitcast %gather3A_341 : vector<16xi32> to vector<32xbf16>
      %bitcast3A_344 = vector.bitcast %gather3A_342 : vector<16xi32> to vector<32xbf16>
      %mul3A_345 = arith.mulf %bitcast3A_343, %bitcast3A_344 : vector<32xbf16>
      %unpack3A_346 = tpu.unpack_subelements %mul3A_345, 0 {pack_format = #tpu.pack_format<interleaved>} : vector<32xbf16> -> vector<16xf32>
      %unpack3A_347 = tpu.unpack_subelements %mul3A_345, 1 {pack_format = #tpu.pack_format<interleaved>} : vector<32xbf16> -> vector<16xf32>
      %add3A_348 = arith.addf %scan3A_292, %unpack3A_346 : vector<16xf32>
      %add3A_349 = arith.addf %add3A_348, %unpack3A_347 : vector<16xf32>
      %gather3A_350 = tpu.vector_load_idx %arg13[%add3A_244, %and3A_298] : memref<128x64xi32, #tpu.memory_space<vmem>>[vector<16xi32>, vector<16xi32>], vector<16xi32>,
      %gather3A_351 = tpu.vector_load_idx %arg14[%add3A_244, %and3A_298] : memref<128x64xi32, #tpu.memory_space<vmem>>[vector<16xi32>, vector<16xi32>], vector<16xi32>,
      %bitcast3A_352 = vector.bitcast %gather3A_350 : vector<16xi32> to vector<32xbf16>
      %bitcast3A_353 = vector.bitcast %gather3A_351 : vector<16xi32> to vector<32xbf16>
      %mul3A_354 = arith.mulf %bitcast3A_352, %bitcast3A_353 : vector<32xbf16>
      %unpack3A_355 = tpu.unpack_subelements %mul3A_354, 0 {pack_format = #tpu.pack_format<interleaved>} : vector<32xbf16> -> vector<16xf32>
      %unpack3A_356 = tpu.unpack_subelements %mul3A_354, 1 {pack_format = #tpu.pack_format<interleaved>} : vector<32xbf16> -> vector<16xf32>
      %add3A_357 = arith.addf %scan3A_293, %unpack3A_355 : vector<16xf32>
      %add3A_358 = arith.addf %add3A_357, %unpack3A_356 : vector<16xf32>
      %gather3A_359 = tpu.vector_load_idx %arg13[%add3A_247, %and3A_298] : memref<128x64xi32, #tpu.memory_space<vmem>>[vector<16xi32>, vector<16xi32>], vector<16xi32>,
      %gather3A_360 = tpu.vector_load_idx %arg14[%add3A_247, %and3A_298] : memref<128x64xi32, #tpu.memory_space<vmem>>[vector<16xi32>, vector<16xi32>], vector<16xi32>,
      %bitcast3A_361 = vector.bitcast %gather3A_359 : vector<16xi32> to vector<32xbf16>
      %bitcast3A_362 = vector.bitcast %gather3A_360 : vector<16xi32> to vector<32xbf16>
      %mul3A_363 = arith.mulf %bitcast3A_361, %bitcast3A_362 : vector<32xbf16>
      %unpack3A_364 = tpu.unpack_subelements %mul3A_363, 0 {pack_format = #tpu.pack_format<interleaved>} : vector<32xbf16> -> vector<16xf32>
      %unpack3A_365 = tpu.unpack_subelements %mul3A_363, 1 {pack_format = #tpu.pack_format<interleaved>} : vector<32xbf16> -> vector<16xf32>
      %add3A_366 = arith.addf %scan3A_294, %unpack3A_364 : vector<16xf32>
      %add3A_367 = arith.addf %add3A_366, %unpack3A_365 : vector<16xf32>
      %scan3A_368 = arith.constant 1 : i32
      %scan3A_369 = arith.addi %scan3A_286, %scan3A_368 : i32
      %add3A_370 = vector.broadcast %scan3A_369 : i32 to vector<16xi32>
      %add3A_371 = arith.addi %iota3A, %add3A_370 : vector<16xi32>
      %and3A_372 = arith.constant 63 : i32
      %and3A_373 = vector.broadcast %and3A_372 : i32 to vector<16xi32>
      %and3A_374 = arith.andi %add3A_371, %and3A_373 : vector<16xi32>
      %gather3A_375 = tpu.vector_load_idx %arg13[%add3A_226, %and3A_374] : memref<128x64xi32, #tpu.memory_space<vmem>>[vector<16xi32>, vector<16xi32>], vector<16xi32>,
      %gather3A_376 = tpu.vector_load_idx %arg14[%add3A_226, %and3A_374] : memref<128x64xi32, #tpu.memory_space<vmem>>[vector<16xi32>, vector<16xi32>], vector<16xi32>,
      %bitcast3A_377 = vector.bitcast %gather3A_375 : vector<16xi32> to vector<32xbf16>
      %bitcast3A_378 = vector.bitcast %gather3A_376 : vector<16xi32> to vector<32xbf16>
      %mul3A_379 = arith.mulf %bitcast3A_377, %bitcast3A_378 : vector<32xbf16>
      %unpack3A_380 = tpu.unpack_subelements %mul3A_379, 0 {pack_format = #tpu.pack_format<interleaved>} : vector<32xbf16> -> vector<16xf32>
      %unpack3A_381 = tpu.unpack_subelements %mul3A_379, 1 {pack_format = #tpu.pack_format<interleaved>} : vector<32xbf16> -> vector<16xf32>
      %add3A_382 = arith.addf %add3A_304, %unpack3A_380 : vector<16xf32>
      %add3A_383 = arith.addf %add3A_382, %unpack3A_381 : vector<16xf32>
      %gather3A_384 = tpu.vector_load_idx %arg13[%add3A_229, %and3A_374] : memref<128x64xi32, #tpu.memory_space<vmem>>[vector<16xi32>, vector<16xi32>], vector<16xi32>,
      %gather3A_385 = tpu.vector_load_idx %arg14[%add3A_229, %and3A_374] : memref<128x64xi32, #tpu.memory_space<vmem>>[vector<16xi32>, vector<16xi32>], vector<16xi32>,
      %bitcast3A_386 = vector.bitcast %gather3A_384 : vector<16xi32> to vector<32xbf16>
      %bitcast3A_387 = vector.bitcast %gather3A_385 : vector<16xi32> to vector<32xbf16>
      %mul3A_388 = arith.mulf %bitcast3A_386, %bitcast3A_387 : vector<32xbf16>
      %unpack3A_389 = tpu.unpack_subelements %mul3A_388, 0 {pack_format = #tpu.pack_format<interleaved>} : vector<32xbf16> -> vector<16xf32>
      %unpack3A_390 = tpu.unpack_subelements %mul3A_388, 1 {pack_format = #tpu.pack_format<interleaved>} : vector<32xbf16> -> vector<16xf32>
      %add3A_391 = arith.addf %add3A_313, %unpack3A_389 : vector<16xf32>
      %add3A_392 = arith.addf %add3A_391, %unpack3A_390 : vector<16xf32>
      %gather3A_393 = tpu.vector_load_idx %arg13[%add3A_232, %and3A_374] : memref<128x64xi32, #tpu.memory_space<vmem>>[vector<16xi32>, vector<16xi32>], vector<16xi32>,
      %gather3A_394 = tpu.vector_load_idx %arg14[%add3A_232, %and3A_374] : memref<128x64xi32, #tpu.memory_space<vmem>>[vector<16xi32>, vector<16xi32>], vector<16xi32>,
      %bitcast3A_395 = vector.bitcast %gather3A_393 : vector<16xi32> to vector<32xbf16>
      %bitcast3A_396 = vector.bitcast %gather3A_394 : vector<16xi32> to vector<32xbf16>
      %mul3A_397 = arith.mulf %bitcast3A_395, %bitcast3A_396 : vector<32xbf16>
      %unpack3A_398 = tpu.unpack_subelements %mul3A_397, 0 {pack_format = #tpu.pack_format<interleaved>} : vector<32xbf16> -> vector<16xf32>
      %unpack3A_399 = tpu.unpack_subelements %mul3A_397, 1 {pack_format = #tpu.pack_format<interleaved>} : vector<32xbf16> -> vector<16xf32>
      %add3A_400 = arith.addf %add3A_322, %unpack3A_398 : vector<16xf32>
      %add3A_401 = arith.addf %add3A_400, %unpack3A_399 : vector<16xf32>
      %gather3A_402 = tpu.vector_load_idx %arg13[%add3A_235, %and3A_374] : memref<128x64xi32, #tpu.memory_space<vmem>>[vector<16xi32>, vector<16xi32>], vector<16xi32>,
      %gather3A_403 = tpu.vector_load_idx %arg14[%add3A_235, %and3A_374] : memref<128x64xi32, #tpu.memory_space<vmem>>[vector<16xi32>, vector<16xi32>], vector<16xi32>,
      %bitcast3A_404 = vector.bitcast %gather3A_402 : vector<16xi32> to vector<32xbf16>
      %bitcast3A_405 = vector.bitcast %gather3A_403 : vector<16xi32> to vector<32xbf16>
      %mul3A_406 = arith.mulf %bitcast3A_404, %bitcast3A_405 : vector<32xbf16>
      %unpack3A_407 = tpu.unpack_subelements %mul3A_406, 0 {pack_format = #tpu.pack_format<interleaved>} : vector<32xbf16> -> vector<16xf32>
      %unpack3A_408 = tpu.unpack_subelements %mul3A_406, 1 {pack_format = #tpu.pack_format<interleaved>} : vector<32xbf16> -> vector<16xf32>
      %add3A_409 = arith.addf %add3A_331, %unpack3A_407 : vector<16xf32>
      %add3A_410 = arith.addf %add3A_409, %unpack3A_408 : vector<16xf32>
      %gather3A_411 = tpu.vector_load_idx %arg13[%add3A_238, %and3A_374] : memref<128x64xi32, #tpu.memory_space<vmem>>[vector<16xi32>, vector<16xi32>], vector<16xi32>,
      %gather3A_412 = tpu.vector_load_idx %arg14[%add3A_238, %and3A_374] : memref<128x64xi32, #tpu.memory_space<vmem>>[vector<16xi32>, vector<16xi32>], vector<16xi32>,
      %bitcast3A_413 = vector.bitcast %gather3A_411 : vector<16xi32> to vector<32xbf16>
      %bitcast3A_414 = vector.bitcast %gather3A_412 : vector<16xi32> to vector<32xbf16>
      %mul3A_415 = arith.mulf %bitcast3A_413, %bitcast3A_414 : vector<32xbf16>
      %unpack3A_416 = tpu.unpack_subelements %mul3A_415, 0 {pack_format = #tpu.pack_format<interleaved>} : vector<32xbf16> -> vector<16xf32>
      %unpack3A_417 = tpu.unpack_subelements %mul3A_415, 1 {pack_format = #tpu.pack_format<interleaved>} : vector<32xbf16> -> vector<16xf32>
      %add3A_418 = arith.addf %add3A_340, %unpack3A_416 : vector<16xf32>
      %add3A_419 = arith.addf %add3A_418, %unpack3A_417 : vector<16xf32>
      %gather3A_420 = tpu.vector_load_idx %arg13[%add3A_241, %and3A_374] : memref<128x64xi32, #tpu.memory_space<vmem>>[vector<16xi32>, vector<16xi32>], vector<16xi32>,
      %gather3A_421 = tpu.vector_load_idx %arg14[%add3A_241, %and3A_374] : memref<128x64xi32, #tpu.memory_space<vmem>>[vector<16xi32>, vector<16xi32>], vector<16xi32>,
      %bitcast3A_422 = vector.bitcast %gather3A_420 : vector<16xi32> to vector<32xbf16>
      %bitcast3A_423 = vector.bitcast %gather3A_421 : vector<16xi32> to vector<32xbf16>
      %mul3A_424 = arith.mulf %bitcast3A_422, %bitcast3A_423 : vector<32xbf16>
      %unpack3A_425 = tpu.unpack_subelements %mul3A_424, 0 {pack_format = #tpu.pack_format<interleaved>} : vector<32xbf16> -> vector<16xf32>
      %unpack3A_426 = tpu.unpack_subelements %mul3A_424, 1 {pack_format = #tpu.pack_format<interleaved>} : vector<32xbf16> -> vector<16xf32>
      %add3A_427 = arith.addf %add3A_349, %unpack3A_425 : vector<16xf32>
      %add3A_428 = arith.addf %add3A_427, %unpack3A_426 : vector<16xf32>
      %gather3A_429 = tpu.vector_load_idx %arg13[%add3A_244, %and3A_374] : memref<128x64xi32, #tpu.memory_space<vmem>>[vector<16xi32>, vector<16xi32>], vector<16xi32>,
      %gather3A_430 = tpu.vector_load_idx %arg14[%add3A_244, %and3A_374] : memref<128x64xi32, #tpu.memory_space<vmem>>[vector<16xi32>, vector<16xi32>], vector<16xi32>,
      %bitcast3A_431 = vector.bitcast %gather3A_429 : vector<16xi32> to vector<32xbf16>
      %bitcast3A_432 = vector.bitcast %gather3A_430 : vector<16xi32> to vector<32xbf16>
      %mul3A_433 = arith.mulf %bitcast3A_431, %bitcast3A_432 : vector<32xbf16>
      %unpack3A_434 = tpu.unpack_subelements %mul3A_433, 0 {pack_format = #tpu.pack_format<interleaved>} : vector<32xbf16> -> vector<16xf32>
      %unpack3A_435 = tpu.unpack_subelements %mul3A_433, 1 {pack_format = #tpu.pack_format<interleaved>} : vector<32xbf16> -> vector<16xf32>
      %add3A_436 = arith.addf %add3A_358, %unpack3A_434 : vector<16xf32>
      %add3A_437 = arith.addf %add3A_436, %unpack3A_435 : vector<16xf32>
      %gather3A_438 = tpu.vector_load_idx %arg13[%add3A_247, %and3A_374] : memref<128x64xi32, #tpu.memory_space<vmem>>[vector<16xi32>, vector<16xi32>], vector<16xi32>,
      %gather3A_439 = tpu.vector_load_idx %arg14[%add3A_247, %and3A_374] : memref<128x64xi32, #tpu.memory_space<vmem>>[vector<16xi32>, vector<16xi32>], vector<16xi32>,
      %bitcast3A_440 = vector.bitcast %gather3A_438 : vector<16xi32> to vector<32xbf16>
      %bitcast3A_441 = vector.bitcast %gather3A_439 : vector<16xi32> to vector<32xbf16>
      %mul3A_442 = arith.mulf %bitcast3A_440, %bitcast3A_441 : vector<32xbf16>
      %unpack3A_443 = tpu.unpack_subelements %mul3A_442, 0 {pack_format = #tpu.pack_format<interleaved>} : vector<32xbf16> -> vector<16xf32>
      %unpack3A_444 = tpu.unpack_subelements %mul3A_442, 1 {pack_format = #tpu.pack_format<interleaved>} : vector<32xbf16> -> vector<16xf32>
      %add3A_445 = arith.addf %add3A_367, %unpack3A_443 : vector<16xf32>
      %add3A_446 = arith.addf %add3A_445, %unpack3A_444 : vector<16xf32>
      scf.yield %add3A_383, %add3A_392, %add3A_401, %add3A_410, %add3A_419, %add3A_428, %add3A_437, %add3A_446 : vector<16xf32>, vector<16xf32>, vector<16xf32>, vector<16xf32>, vector<16xf32>, vector<16xf32>, vector<16xf32>, vector<16xf32>
    }
    %scan3A_253 = arith.constant 64 : i32
    %add3A_254 = arith.constant 0 : i32
    %add3A_255 = arith.addi %multiple_of3A_221, %add3A_254 : i32
    %swap3A_256 = arith.index_cast %add3A_255 : i32 to index
    %swap3A_257 = tpu.vector_load %arg17[%swap3A_256] {strides = array<i32>} : memref<10000xf32, #tpu.memory_space<vmem>>, vector<16xf32>,
    tpu.vector_store %arg17[%swap3A_256], %scan3A_252#0 {strides = array<i32>} : memref<10000xf32, #tpu.memory_space<vmem>>, vector<16xf32>,
    %add3A_258 = arith.constant 16 : i32
    %add3A_259 = arith.addi %multiple_of3A_221, %add3A_258 : i32
    %swap3A_260 = arith.index_cast %add3A_259 : i32 to index
    %swap3A_261 = tpu.vector_load %arg17[%swap3A_260] {strides = array<i32>} : memref<10000xf32, #tpu.memory_space<vmem>>, vector<16xf32>,
    tpu.vector_store %arg17[%swap3A_260], %scan3A_252#1 {strides = array<i32>} : memref<10000xf32, #tpu.memory_space<vmem>>, vector<16xf32>,
    %add3A_262 = arith.constant 32 : i32
    %add3A_263 = arith.addi %multiple_of3A_221, %add3A_262 : i32
    %swap3A_264 = arith.index_cast %add3A_263 : i32 to index
    %swap3A_265 = tpu.vector_load %arg17[%swap3A_264] {strides = array<i32>} : memref<10000xf32, #tpu.memory_space<vmem>>, vector<16xf32>,
    tpu.vector_store %arg17[%swap3A_264], %scan3A_252#2 {strides = array<i32>} : memref<10000xf32, #tpu.memory_space<vmem>>, vector<16xf32>,
    %add3A_266 = arith.constant 48 : i32
    %add3A_267 = arith.addi %multiple_of3A_221, %add3A_266 : i32
    %swap3A_268 = arith.index_cast %add3A_267 : i32 to index
    %swap3A_269 = tpu.vector_load %arg17[%swap3A_268] {strides = array<i32>} : memref<10000xf32, #tpu.memory_space<vmem>>, vector<16xf32>,
    tpu.vector_store %arg17[%swap3A_268], %scan3A_252#3 {strides = array<i32>} : memref<10000xf32, #tpu.memory_space<vmem>>, vector<16xf32>,
    %add3A_270 = arith.constant 64 : i32
    %add3A_271 = arith.addi %multiple_of3A_221, %add3A_270 : i32
    %swap3A_272 = arith.index_cast %add3A_271 : i32 to index
    %swap3A_273 = tpu.vector_load %arg17[%swap3A_272] {strides = array<i32>} : memref<10000xf32, #tpu.memory_space<vmem>>, vector<16xf32>,
    tpu.vector_store %arg17[%swap3A_272], %scan3A_252#4 {strides = array<i32>} : memref<10000xf32, #tpu.memory_space<vmem>>, vector<16xf32>,
    %add3A_274 = arith.constant 80 : i32
    %add3A_275 = arith.addi %multiple_of3A_221, %add3A_274 : i32
    %swap3A_276 = arith.index_cast %add3A_275 : i32 to index
    %swap3A_277 = tpu.vector_load %arg17[%swap3A_276] {strides = array<i32>} : memref<10000xf32, #tpu.memory_space<vmem>>, vector<16xf32>,
    tpu.vector_store %arg17[%swap3A_276], %scan3A_252#5 {strides = array<i32>} : memref<10000xf32, #tpu.memory_space<vmem>>, vector<16xf32>,
    %add3A_278 = arith.constant 96 : i32
    %add3A_279 = arith.addi %multiple_of3A_221, %add3A_278 : i32
    %swap3A_280 = arith.index_cast %add3A_279 : i32 to index
    %swap3A_281 = tpu.vector_load %arg17[%swap3A_280] {strides = array<i32>} : memref<10000xf32, #tpu.memory_space<vmem>>, vector<16xf32>,
    tpu.vector_store %arg17[%swap3A_280], %scan3A_252#6 {strides = array<i32>} : memref<10000xf32, #tpu.memory_space<vmem>>, vector<16xf32>,
    %add3A_282 = arith.constant 112 : i32
    %add3A_283 = arith.addi %multiple_of3A_221, %add3A_282 : i32
    %swap3A_284 = arith.index_cast %add3A_283 : i32 to index
    %swap3A_285 = tpu.vector_load %arg17[%swap3A_284] {strides = array<i32>} : memref<10000xf32, #tpu.memory_space<vmem>>, vector<16xf32>,
    tpu.vector_store %arg17[%swap3A_284], %scan3A_252#7 {strides = array<i32>} : memref<10000xf32, #tpu.memory_space<vmem>>, vector<16xf32>,
    "tpu.region"() ({
      %run_scoped3A = tpu.sem_alloc : memref<!tpu.dma_semaphore, #tpu.memory_space<semaphore_mem>>
      %dma_start3A_286 = tpu.memref_slice %arg6[%multiple_of3A] : memref<320000xf32, #tpu.memory_space<hbm>> -> memref<10000xf32, #tpu.memory_space<hbm>>
      %dma_start3A_287 = tpu.memref_slice %arg6[%multiple_of3A] : memref<320000xf32, #tpu.memory_space<hbm>> -> memref<10000xf32, #tpu.memory_space<hbm>>
      tpu.enqueue_dma source(%arg17 : memref<10000xf32, #tpu.memory_space<vmem>>) target(%dma_start3A_287 : memref<10000xf32, #tpu.memory_space<hbm>>) target_semaphore(%run_scoped3A : memref<!tpu.dma_semaphore, #tpu.memory_space<semaphore_mem>>)
      %dma_wait3A_288 = tpu.memref_slice %arg6[%multiple_of3A] : memref<320000xf32, #tpu.memory_space<hbm>> -> memref<10000xf32, #tpu.memory_space<hbm>>
      %dma_wait3A_289 = tpu.memref_slice %arg6[%multiple_of3A] : memref<320000xf32, #tpu.memory_space<hbm>> -> memref<10000xf32, #tpu.memory_space<hbm>>
      tpu.wait_dma2 semaphore(%run_scoped3A : memref<!tpu.dma_semaphore, #tpu.memory_space<semaphore_mem>>) src(%arg17 : memref<10000xf32, #tpu.memory_space<vmem>>) dst(%dma_wait3A_289 : memref<10000xf32, #tpu.memory_space<hbm>>)
      tpu.yield
    }) : () -> ()
    return
  }
}

module attributes {stable_mosaic.version = 14 : i64} {
  func.func @_normalize_body(%arg0: memref<10000x128xf32, #tpu.memory_space<vmem>>, %arg1: memref<10000x128xf32, #tpu.memory_space<vmem>>, %arg2: memref<10000x64xi32, #tpu.memory_space<vmem>>, %arg3: memref<10000x64xi32, #tpu.memory_space<vmem>>) attributes {dimension_semantics = [], scalar_prefetch = 0 : i64, scratch_operands = 0 : i64, tpu.core_type = #tpu.core_type<tc>} {
    %get3A = arith.constant 0 : index
    %get3A_0 = arith.constant 0 : index
    %get3A_1 = vector.load %arg0[%get3A, %get3A_0] : memref<10000x128xf32, #tpu.memory_space<vmem>>, vector<10000x128xf32>
    %mul3A = arith.mulf %get3A_1, %get3A_1 : vector<10000x128xf32>
    %reduce_sum3A = arith.constant dense<0.000000e+00> : vector<10000xf32>
    %reduce_sum3A_2 = vector.multi_reduction <add>, %mul3A, %reduce_sum3A [1] : vector<10000x128xf32> to vector<10000xf32>
    %broadcast_in_dim3A = vector.shape_cast %reduce_sum3A_2 : vector<10000xf32> to vector<10000x1xf32>
    %sqrt3A = math.sqrt %broadcast_in_dim3A : vector<10000x1xf32>
    %div3A = vector.broadcast %sqrt3A : vector<10000x1xf32> to vector<10000x128xf32>
    %div3A_3 = arith.divf %get3A_1, %div3A : vector<10000x128xf32>
    %bitcast_convert_type3A = tpu.bitcast %div3A_3 : vector<10000x128xf32> -> vector<10000x128xi32>
    %add3A = arith.constant 32767 : i32
    %add3A_4 = vector.broadcast %add3A : i32 to vector<10000x128xi32>
    %add3A_5 = arith.addi %bitcast_convert_type3A, %add3A_4 : vector<10000x128xi32>
    %shift_right_logical3A = arith.constant 16 : i32
    %shift_right_logical3A_6 = vector.broadcast %shift_right_logical3A : i32 to vector<10000x128xi32>
    %shift_right_logical3A_7 = arith.shrui %bitcast_convert_type3A, %shift_right_logical3A_6 : vector<10000x128xi32>
    %and3A = arith.constant 1 : i32
    %and3A_8 = vector.broadcast %and3A : i32 to vector<10000x128xi32>
    %and3A_9 = arith.andi %shift_right_logical3A_7, %and3A_8 : vector<10000x128xi32>
    %add3A_10 = arith.addi %add3A_5, %and3A_9 : vector<10000x128xi32>
    %shift_right_logical3A_11 = arith.constant 16 : i32
    %shift_right_logical3A_12 = vector.broadcast %shift_right_logical3A_11 : i32 to vector<10000x128xi32>
    %shift_right_logical3A_13 = arith.shrui %add3A_10, %shift_right_logical3A_12 : vector<10000x128xi32>
    %slice3A = vector.extract_strided_slice %shift_right_logical3A_13 {offsets = [0, 0], sizes = [10000, 64], strides = [1, 1]} : vector<10000x128xi32> to vector<10000x64xi32>
    %slice3A_14 = vector.extract_strided_slice %shift_right_logical3A_13 {offsets = [0, 64], sizes = [10000, 64], strides = [1, 1]} : vector<10000x128xi32> to vector<10000x64xi32>
    %shift_left3A = arith.constant 16 : i32
    %shift_left3A_15 = vector.broadcast %shift_left3A : i32 to vector<10000x64xi32>
    %shift_left3A_16 = arith.shli %slice3A_14, %shift_left3A_15 : vector<10000x64xi32>
    %or3A = arith.ori %slice3A, %shift_left3A_16 : vector<10000x64xi32>
    %swap3A = arith.constant 0 : index
    %swap3A_17 = arith.constant 0 : index
    %swap3A_18 = vector.load %arg2[%swap3A, %swap3A_17] : memref<10000x64xi32, #tpu.memory_space<vmem>>, vector<10000x64xi32>
    tpu.vector_store %arg2[%swap3A, %swap3A_17], %or3A {strides = array<i32>} : memref<10000x64xi32, #tpu.memory_space<vmem>>, vector<10000x64xi32>,
    %get3A_19 = arith.constant 0 : index
    %get3A_20 = arith.constant 0 : index
    %get3A_21 = vector.load %arg1[%get3A_19, %get3A_20] : memref<10000x128xf32, #tpu.memory_space<vmem>>, vector<10000x128xf32>
    %mul3A_22 = arith.mulf %get3A_21, %get3A_21 : vector<10000x128xf32>
    %reduce_sum3A_23 = arith.constant dense<0.000000e+00> : vector<10000xf32>
    %reduce_sum3A_24 = vector.multi_reduction <add>, %mul3A_22, %reduce_sum3A_23 [1] : vector<10000x128xf32> to vector<10000xf32>
    %broadcast_in_dim3A_25 = vector.shape_cast %reduce_sum3A_24 : vector<10000xf32> to vector<10000x1xf32>
    %sqrt3A_26 = math.sqrt %broadcast_in_dim3A_25 : vector<10000x1xf32>
    %div3A_27 = vector.broadcast %sqrt3A_26 : vector<10000x1xf32> to vector<10000x128xf32>
    %div3A_28 = arith.divf %get3A_21, %div3A_27 : vector<10000x128xf32>
    %bitcast_convert_type3A_29 = tpu.bitcast %div3A_28 : vector<10000x128xf32> -> vector<10000x128xi32>
    %add3A_30 = arith.constant 32767 : i32
    %add3A_31 = vector.broadcast %add3A_30 : i32 to vector<10000x128xi32>
    %add3A_32 = arith.addi %bitcast_convert_type3A_29, %add3A_31 : vector<10000x128xi32>
    %shift_right_logical3A_33 = arith.constant 16 : i32
    %shift_right_logical3A_34 = vector.broadcast %shift_right_logical3A_33 : i32 to vector<10000x128xi32>
    %shift_right_logical3A_35 = arith.shrui %bitcast_convert_type3A_29, %shift_right_logical3A_34 : vector<10000x128xi32>
    %and3A_36 = arith.constant 1 : i32
    %and3A_37 = vector.broadcast %and3A_36 : i32 to vector<10000x128xi32>
    %and3A_38 = arith.andi %shift_right_logical3A_35, %and3A_37 : vector<10000x128xi32>
    %add3A_39 = arith.addi %add3A_32, %and3A_38 : vector<10000x128xi32>
    %shift_right_logical3A_40 = arith.constant 16 : i32
    %shift_right_logical3A_41 = vector.broadcast %shift_right_logical3A_40 : i32 to vector<10000x128xi32>
    %shift_right_logical3A_42 = arith.shrui %add3A_39, %shift_right_logical3A_41 : vector<10000x128xi32>
    %slice3A_43 = vector.extract_strided_slice %shift_right_logical3A_42 {offsets = [0, 0], sizes = [10000, 64], strides = [1, 1]} : vector<10000x128xi32> to vector<10000x64xi32>
    %slice3A_44 = vector.extract_strided_slice %shift_right_logical3A_42 {offsets = [0, 64], sizes = [10000, 64], strides = [1, 1]} : vector<10000x128xi32> to vector<10000x64xi32>
    %shift_left3A_45 = arith.constant 16 : i32
    %shift_left3A_46 = vector.broadcast %shift_left3A_45 : i32 to vector<10000x64xi32>
    %shift_left3A_47 = arith.shli %slice3A_44, %shift_left3A_46 : vector<10000x64xi32>
    %or3A_48 = arith.ori %slice3A_43, %shift_left3A_47 : vector<10000x64xi32>
    %swap3A_49 = arith.constant 0 : index
    %swap3A_50 = arith.constant 0 : index
    %swap3A_51 = vector.load %arg3[%swap3A_49, %swap3A_50] : memref<10000x64xi32, #tpu.memory_space<vmem>>, vector<10000x64xi32>
    tpu.vector_store %arg3[%swap3A_49, %swap3A_50], %or3A_48 {strides = array<i32>} : memref<10000x64xi32, #tpu.memory_space<vmem>>, vector<10000x64xi32>,
    return
  }
}

</mosaic_0001>

<sc_bundles>
// kernel: kernel.4.cloned.1.call-start
scs
__scs_entry_jumppad:
0x0: {  	(pc) =	sbr.rel $0x88, $3  }
0x1: {  	(tag) =	ssettag $0x0;
	lr =	simm.s32 $0x1  }
0x2: {  	[smem:$0x3F9E] =	sst lr;
	_ =	strace $0xD0000000  }
0x3: {  	_ = 	snop  }
0x4: {  	_ = 	snop  }
0x5: {  	_ = 	snop  }
0x6: {  	_ = 	snop  }
0x7: {  	_ = 	snop  }
__scs_overlays_trampoline_lowered:
0x8: {  	[smem:$0x3FAD] =	sst s0  }
0x9: {  	[smem:$0x3FAE] =	sst s1  }
0xa: {  	[smem:$0x3FAF] =	sst s2  }
0xb: {  	[smem:$0x3FB0] =	sst s3  }
0xc: {  	[smem:$0x3FB1] =	sst s4  }
0xd: {  	[smem:$0x3FB2] =	sst s5  }
0xe: {  	[smem:$0x3FB3] =	sst s6  }
0xf: {  	[smem:$0x3FB4] =	sst s7  }
0x10: {  	[smem:$0x3FB5] =	sst s8  }
0x11: {  	[smem:$0x3FB6] =	sst s9;
	s0 =	simm.s32 @!p0 $0x0  }
0x12: {  	s1 =	sld [smem:$0x3F9C];
	s0 =	simm.s32 @p0 $0x1  }
0x13: {  	[smem:$0x3FB7] =	sst s0;
	s0 =	simm.s32 @!p1 $0x0  }
0x14: {  	s2 =	sld [smem:$0x3F9B];
	s0 =	simm.s32 @p1 $0x1  }
0x15: {  	[smem:$0x3FB8] =	sst s0;
	s0 =	simm.s32 @!p2 $0x0  }
0x16: {  	s3 =	sld [smem:$0x3FDB];
	s0 =	simm.s32 @p2 $0x1  }
0x17: {  	s4 =	simm.s32 $0x1BF5;
	[smem:$0x3FBA] =	sst s0  }
0x18: {  	s0 =	sld [smem:$0x3F9D];
	_ =	swait.ge [sflag:s4], $0x0  }
0x19: {  	s7 =	sld [smem:$0x3F9E]  }
0x1a: {  	s8 =	sadd.s32 $0xFFFFE003, lr  }
0x1b: {  	s9 =	sadd.s32 $0xFFFFFEF7, lr;
	s5 =	simm.s32 $0xFFFFFFFF;
	p2 =	slt.u32 s8, $0xFFFFF086  }
0x1c: {  	p1 =	slt.u32 s9, $0xF7A;
	s5 =	simm.s32 @!p2 $0x0  }
0x1d: {  	s5 =	simm.s32 @p1 $0x1;
	p0 =	seq.s32 s7, s2  }
0x1e: {  	s7 =	smul.u32 @!p0 $0xF7A, s2;
	p2 =	seq.s32 @!p0 s5, $0x0  }
0x1f: {  	s9 =	smul.u32 $0xF7A, s1;
	s8 =	simm.s32 @!p0 $0x1BF5;
	p2 =	por !p2, p0  }
0x20: {  	[sflag:s8] =	ssyncset.s32 @!p0 $0xFFFFF086;
	s6 =	sadd.s32 @!p0 s3, s7;
	s7 =	simm.s32 @!p0 $0x108  }
0x21: {  	s3 =	sadd.s32 s3, s9;
	s6 =	sadd.s32 @!p0 $0x88, s6;
	s7 =	simm.s32 @p2 $0x1082  }
0x22: {  	[simem:s7], [sflag:s8] =	dma.local @!p0 [hbm:s6], $0xF7A  }
0x23: {  	s9 =	sor.u32 $0xD0000000, s2;
	s6 =	simm.s32 $0x108;
	_ =	swait.ge @!p0 [sflag:s8], $0x0  }
0x24: {  	s3 =	sadd.s32 $0x88, s3;
	s6 =	simm.s32 @!p1 $0x1082;
	[sflag:s4] =	ssyncset.s32 $0xFFFFF086  }
0x25: {  	[simem:s6], [sflag:s4] =	dma.local [hbm:s3], $0xF7A  }
0x26: {  	[smem:$0x3F9E] =	sst s1;
	(tag) =	ssettag s2;
	_ =	strace s9  }
0x27: {  	s1 =	sld [smem:$0x3FAE]  }
0x28: {  	s2 =	sld [smem:$0x3FAF]  }
0x29: {  	s4 =	sld [smem:$0x3FB1]  }
0x2a: {  	p0 =	seq.s32 s5, $0x0;
	s5 =	sld [smem:$0x3FB2]  }
0x2b: {  	s6 =	sld [smem:$0x3FB3]  }
0x2c: {  	s7 =	sld [smem:$0x3FB4]  }
0x2d: {  	s3 =	simm.s32 $0x108;
	s8 =	sld [smem:$0x3FB5]  }
0x2e: {  	s3 =	simm.s32 @!p0 $0x1082;
	s9 =	sld [smem:$0x3FB6]  }
0x2f: {  	lr =	sadd.s32 s0, s3;
	s0 =	sld [smem:$0x3FAD]  }
0x30: {  	s3 =	sld [smem:$0x3FB0]  }
0x31: {  	[smem:$0x3FB9] =	sst s10  }
0x32: {  	s10 =	sld [smem:$0x3FB7];
	_ =	sdelay $0x3  }
0x33: {  	p0 =	seq.s32 s10, $0x1;
	s10 =	sld [smem:$0x3FB9];
	_ =	sdelay $0x3  }
0x34: {  	[smem:$0x3FB9] =	sst s10  }
0x35: {  	s10 =	sld [smem:$0x3FB8];
	_ =	sdelay $0x3  }
0x36: {  	p1 =	seq.s32 s10, $0x1;
	s10 =	sld [smem:$0x3FB9];
	_ =	sdelay $0x3  }
0x37: {  	[smem:$0x3FB9] =	sst s10  }
0x38: {  	s10 =	sld [smem:$0x3FBA]  }
0x39: {  	_ = 	snop;
	(pc) =	sbr.ind lr, $3  }
0x3a: {  	_ = 	snop  }
0x3b: {  	_ = 	snop  }
0x3c: {  	p2 =	seq.s32 s10, $0x1;
	s10 =	sld [smem:$0x3FB9]  }
0x3d: {  	_ =	shalt  }
0x3e: {  	_ =	shalt  }
0x3f: {  	_ =	shalt  }
0x40: {  	_ =	shalt  }
0x41: {  	_ =	shalt  }
0x42: {  	_ =	shalt  }
0x43: {  	_ =	shalt  }
0x44: {  	_ =	shalt  }
0x45: {  	_ =	shalt  }
0x46: {  	_ =	shalt  }
0x47: {  	_ =	shalt  }
0x48: {  	_ =	shalt  }
0x49: {  	_ =	shalt  }
0x4a: {  	_ =	shalt  }
0x4b: {  	_ =	shalt  }
0x4c: {  	_ =	shalt  }
0x4d: {  	_ =	shalt  }
0x4e: {  	_ =	shalt  }
0x4f: {  	_ =	shalt  }
0x50: {  	_ =	shalt  }
0x51: {  	_ =	shalt  }
0x52: {  	_ =	shalt  }
0x53: {  	_ =	shalt  }
0x54: {  	_ =	shalt  }
0x55: {  	_ =	shalt  }
0x56: {  	_ =	shalt  }
0x57: {  	_ =	shalt  }
0x58: {  	_ =	shalt  }
0x59: {  	_ =	shalt  }
0x5a: {  	_ =	shalt  }
0x5b: {  	_ =	shalt  }
0x5c: {  	_ =	shalt  }
0x5d: {  	_ =	shalt  }
0x5e: {  	_ =	shalt  }
0x5f: {  	_ =	shalt  }
0x60: {  	_ =	shalt  }
0x61: {  	_ =	shalt  }
0x62: {  	_ =	shalt  }
0x63: {  	_ =	shalt  }
0x64: {  	_ =	shalt  }
0x65: {  	_ =	shalt  }
0x66: {  	_ =	shalt  }
0x67: {  	_ =	shalt  }
0x68: {  	_ =	shalt  }
0x69: {  	_ =	shalt  }
0x6a: {  	_ =	shalt  }
0x6b: {  	_ =	shalt  }
0x6c: {  	_ =	shalt  }
0x6d: {  	_ =	shalt  }
0x6e: {  	_ =	shalt  }
0x6f: {  	_ =	shalt  }
0x70: {  	_ =	shalt  }
0x71: {  	_ =	shalt  }
0x72: {  	_ =	shalt  }
0x73: {  	_ =	shalt  }
0x74: {  	_ =	shalt  }
0x75: {  	_ =	shalt  }
0x76: {  	_ =	shalt  }
0x77: {  	_ =	shalt  }
0x78: {  	_ =	shalt  }
0x79: {  	_ =	shalt  }
0x7a: {  	_ =	shalt  }
0x7b: {  	_ =	shalt  }
0x7c: {  	_ =	shalt  }
0x7d: {  	_ =	shalt  }
0x7e: {  	_ =	shalt  }
0x7f: {  	_ =	shalt  }
0x80: {  	_ =	shalt  }
0x81: {  	_ =	shalt  }
0x82: {  	_ =	shalt  }
0x83: {  	_ =	shalt  }
0x84: {  	_ =	shalt  }
0x85: {  	_ =	shalt  }
0x86: {  	_ =	shalt  }
0x87: {  	_ =	shalt  }
.Lfunc_end0:
.L_simem_size_0:
called_computation_lowered:
.L_overlay_start_0:
0x88: {  	s2 =	sld [smem:$0x3FD9]  }
0x89: {  	s3 =	sld [smem:$0x3FFE];
	_ =	sdelay $0x1  }
0x8a: {  	s1 =	srdreg.scid  }
0x8b: {  	s0 =	sand.u32 $0x1, s1  }
0x8c: {  	s16 =	sshll.u32 s0, $0xA;
	s2 =	sadd.s32 s3, s2  }
0x8d: {  	s2 =	sadd.s32 s2, s16  }
0x8e: {  	[smem:$0x3FC5] =	sst s2  }
0x8f: {  	_ = 	snop  }
0x90: {  	(tm) =	ssettm $0x1  }
0x91: {  	s17 =	sld [smem:$0x3FFB];
	_ =	sdelay $0x3  }
0x92: {  	_ =	strace s17  }
0x93: {  	s2 =	sld [smem:$0x3FFC];
	_ =	sdelay $0x3  }
0x94: {  	_ =	strace s2  }
0x95: {  	s2 =	sld [smem:$0x3FFD];
	_ =	sdelay $0x3  }
0x96: {  	_ =	strace s2  }
0x97: {  	_ =	strace $0x8FFFFFFF  }
0x98: {  	s18 =	sld [smem:$0x3FDB];
	_ =	sdelay $0x1  }
0x99: {  	s19 =	simm.s32 $_scs_section_size  }
0x9a: {  	s4 =	simm.s32 $_size__tile_overlayer_lowered;
	s5 =	simm.s32 $_tile_overlayer_lowered  }
0x9b: {  	s22 =	simm.s32 $0x1BFF;
	s21 =	sshll.u32 s5, $0x1;
	s2 =	sadd.s32 s19, s18  }
0x9c: {  	s6 =	simm.s32 $0x0;
	s20 =	sshll.u32 s4, $0x1;
	s4 =	sadd.s32 s21, s2  }
0x9d: {  	[timem:s6], [sflag:s22] =	dma.local [hbm:s4], s20  }
0x9e: {  	_ =	swait.ge [sflag:s22], s20  }
0x9f: {  	s3 =	ssub.s32 $0x0, s20;
	[sflag:s22] =	ssyncset.done $0x0  }
0xa0: {  	[sflag:s22] =	ssyncadd.s32 s3;
	_ =	sdelay $0x1  }
0xa1: {  	s23 =	simm.s32 $0x1B8B  }
0xa2: {  	_ =	swait.ge [sflag:s23], $0x1  }
0xa3: {  	[sflag:s23] =	ssyncset.done $0x0  }
0xa4: {  	s25 =	simm.s32 $0x1B8E;
	s24 =	sld [smem:$0x3FFE];
	[sflag:s23] =	ssyncadd.s32 $0xFFFFFFFF  }
0xa5: {  	s26 =	simm.s32 $execute0_lowered;
	[smem:$0x3FD2] =	sst s25  }
0xa6: {  	s4 =	sshll.u32 s26, $0x1;
	_ =	strace $0x80000046;
	[dreg:$0x1] =	wrdreg $0xFFFFFFFF  }
0xa7: {  	s28 =	simm.s32 $_size_execute0_lowered;
	s2 =	sadd.s32 s2, s4;
	[dreg:$0x0] =	wrdreg $0x0  }
0xa8: {  	s4 =	sshll.u32 s28, $0x1;
	[dreg:$0x2] =	wrdreg s2  }
0xa9: {  	[dreg:$0x3] =	wrdreg s4  }
0xaa: {  	[dreg:$0x4] =	wrdreg $0xC0  }
0xab: {  	_ =	task [dreg:s6], $0x5FFFF  }
0xac: {  	[dreg:$0x1] =	wrdreg $0xFFFFFFFF  }
0xad: {  	[dreg:$0x0] =	wrdreg $0x60  }
0xae: {  	[dreg:$0x2] =	wrdreg s24  }
0xaf: {  	[dreg:$0x3] =	wrdreg $0x9  }
0xb0: {  	_ =	task.clear_ibuf [dreg:s6], $0x4FFFF;
	_ =	strace $0x90000046  }
0xb1: {  	s29 =	simm.s32 $0x9;
	_ =	strace $0x80000048  }
0xb2: {  	_ =	swait.ge [sflag:s29], $0x1  }
0xb3: {  	[sflag:s29] =	ssyncadd.s32 $0xFFFFFFFF  }
0xb4: {  	_ =	strace $0x90000048  }
0xb5: {  	_ =	sfence  }
0xb6: {  	s30 =	sld [smem:$0x0];
	_ =	sdelay $0x2  }
0xb7: {  	s31 =	sshll.u32 s1, $0xD;
	s1 =	sshrl.u32 s1, $0x2  }
0xb8: {  	s3 =	sand.u32 $0x4000, s31;
	s1 =	sadd.s32 s1, s30  }
0xb9: {  	s0 =	sor.u32 s3, s0;
	s1 =	sshll.u32 s1, $0x11  }
0xba: {  	s0 =	sor.u32 s1, s0  }
0xbb: {  	s0 =	sadd.s32 $0x8F2B, s0  }
0xbc: {  	[sflag:s0] =	ssyncadd.remote.s32 $0x1  }
0xbd: {  	_ =	sfence.sel $0xFFFF  }
0xbe: {  	[dreg:$0x0] =	wrdreg $0xFFFFFFFF;
	(pc) =	sbr.abs _section_cstart, $3  }
0xbf: {  	[dreg:$0x1] =	wrdreg $0xFFFFFFFF  }
0xc0: {  	_ =	task.clear_ibuf [dreg:s6], $0x2FFFF;
	_ =	strace $0x9FFFFFFF  }
0xc1: {  	(tm) =	ssettm $0x7FFFFFFF  }
tec
execute0_lowered:
.L_overlay_start_1:
0x0: {  	(tag) =	ssettag $0x1  }
0x1: {  	s0 =	srdreg.scid  }
0x2: {  	s2 =	stileid.u32;
	s1 =	rddreg [dreg:$0x0]  }
0x3: {  	s9 =	simm.s32 $0x5;
	s10 =	simm.s32 $0x2710;
	s11 =	simm.s32 $0x80  }
0x4: {  	s12 =	simm.s32 $0x4E20;
	s13 =	simm.s32 $0x6E20;
	s14 =	simm.s32 $0x8E20  }
0x5: {  	s16 =	simm.s32 $0xAE20;
	s18 =	simm.s32 $0xCE20;
	s20 =	simm.s32 $0xEE20  }
0x6: {  	s21 =	simm.s32 $0x180;
	s22 =	simm.s32 $0x10E20;
	s23 =	simm.s32 $0x2890  }
0x7: {  	s24 =	simm.s32 $0x12E20;
	s25 =	simm.s32 $0x1;
	s28 =	simm.s32 $0x3  }
0x8: {  	s29 =	simm.s32 $0x4;
	s30 =	simm.s32 $0x14E20;
	s31 =	simm.s32 $0x0  }
0x9: {  	v63 =	vlaneseq.u32;
	s0 =	sand.u32 $0x1, s0;
	s3 =	sshll.u32 s2, $0x1;
	s2 =	simm.s32 $0x0  }
0xa: {  	s4 =	sadd.s32 $0x400, s1;
	v1 =	vmul.u32 $0x40, v63;
	s3 =	sor.u32 s0, s3;
	s0 =	ssub.s32 $0x2, s0  }
0xb: {  	[smem:$0x7FF] =	sst s2;
	s5 =	smul.u32 $0x4E2, s3;
	s26 =	sshrl.u32 s0, $0x1  }
0xc: {  	_ =	strace $0x80000047;
	s3 =	sadd.s32 $0x13E00, s1;
	v2 =	vor.u32 $0x400, v1;
	s0 =	ssub.s32 s0, s26  }
0xd: {  	v3 =	vor.u32 $0x800, v1;
	v4 =	vor.u32 $0xC00, v1;
	v5 =	vor.u32 $0x1000, v1;
	s26 =	simm.s32 $0x2;
	s1 =	sadd.s32 s5, s1;
	s8 =	smax.u32 s0, $0x1  }
0xe: {  	v6 =	vor.u32 $0x1400, v1;
	v7 =	vor.u32 $0x1800, v1;
	v8 =	vor.u32 $0x1C00, v1;
	s5 =	sadd.s32 $0x31600, s1;
	s6 =	sadd.s32 $0x27800, s1;
	s7 =	sadd.s32 $0x3B400, s1  }
.LBB2_1:
0xf: {  	[tilespmem:s2], [sflag:$0x5] =	stream.linear.gather [hbm4b:s5+s2], $0x2710, $0x38;
	[tilespmem:$0x17530] =	vst v63  }
0x10: {  	_ =	swait.ge [sflag:s9], $0x2710  }
0x11: {  	[sflag:s9] =	ssyncset.done $0x0  }
0x12: {  	[sflag:s9] =	ssyncadd.s32 $0xFFFFD8F0  }
0x13: {  	[tilespmem:s10], [sflag:$0x5] =	stream.linear.gather [hbm4b:s6+s2], $0x2710, $0x38;
	[tilespmem:$0x17530] =	vst v63  }
0x14: {  	_ =	swait.ge [sflag:s9], $0x2710  }
0x15: {  	[sflag:s9] =	ssyncset.done $0x0  }
0x16: {  	[sflag:s9] =	ssyncadd.s32 $0xFFFFD8F0  }
0x17: {  	[tilespmem:s12], [sflag:$0x1] =	stream.indirect.gather [hbm4b:s3+s11], $0x40, s2, s11, $0xb8;
	[tilespmem:$0x17530] =	vst v63  }
0x18: {  	_ = 	snop  }
0x19: {  	[tilespmem:s13], [sflag:$0x1] =	stream.indirect.gather [hbm4b:s4+s11], $0x40, s10, s11, $0xb8;
	[tilespmem:$0x17530] =	vst v63  }
0x1a: {  	_ = 	snop  }
0x1b: {  	[tilespmem:s14], [sflag:$0x2] =	stream.indirect.gather [hbm4b:s3+s11], $0x40, s11, s11, $0xb8;
	[tilespmem:$0x17530] =	vst v63  }
0x1c: {  	s0 =	simm.s32 $0x2790  }
0x1d: {  	[tilespmem:s16], [sflag:$0x2] =	stream.indirect.gather [hbm4b:s4+s11], $0x40, s0, s11, $0xb8;
	[tilespmem:$0x17530] =	vst v63  }
0x1e: {  	s17 =	simm.s32 $0x100  }
0x1f: {  	[tilespmem:s18], [sflag:$0x3] =	stream.indirect.gather [hbm4b:s3+s11], $0x40, s17, s11, $0xb8;
	[tilespmem:$0x17530] =	vst v63  }
0x20: {  	s19 =	simm.s32 $0x2810  }
0x21: {  	[tilespmem:s20], [sflag:$0x3] =	stream.indirect.gather [hbm4b:s4+s11], $0x40, s19, s11, $0xb8;
	[tilespmem:$0x17530] =	vst v63  }
0x22: {  	_ = 	snop  }
0x23: {  	[tilespmem:s22], [sflag:$0x4] =	stream.indirect.gather [hbm4b:s3+s11], $0x40, s21, s11, $0xb8;
	[tilespmem:$0x17530] =	vst v63  }
0x24: {  	s1 =	simm.s32 $0x0  }
0x25: {  	[tilespmem:s24], [sflag:$0x4] =	stream.indirect.gather [hbm4b:s4+s11], $0x40, s23, s11, $0xb8;
	[tilespmem:$0x17530] =	vst v63  }
.LBB2_2:
0x26: {  	s0 =	simm.s32 $0x0  }
0x27: {  	v9 =	vadd.s32 s0, v63  }
0x28: {  	_ =	swait.ge [sflag:s25], $0x2000;
	v9 =	vand.u32 $0x3F, v9  }
0x29: {  	[sflag:s25] =	ssyncset.done $0x0;
	v10 =	vor.u32 v1, v9  }
0x2a: {  	[sflag:s25] =	ssyncadd.s32 $0xFFFFE000;
	v11 =	vor.u32 v2, v9  }
0x2b: {  	_ =	swait.ge [sflag:s25], $0x2000;
	v12 =	vor.u32 v3, v9  }
0x2c: {  	s15 =	simm.s32 $0x1;
	v13 =	vor.u32 v8, v9;
	[sflag:s25] =	ssyncset.done $0x0  }
0x2d: {  	v14 =	vadd.s32 s15, v63;
	v15 =	vor.u32 v7, v9;
	[sflag:s25] =	ssyncadd.s32 $0xFFFFE000  }
0x2e: {  	v14 =	vand.u32 $0x3F, v14;
	v16 =	vor.u32 v6, v9;
	v17 =	vld.idx.msk [tilespmem:v10+s12+$0x0], $0xffff  }
0x2f: {  	v19 =	vor.u32 v8, v14;
	v18 =	vld.idx.msk [tilespmem:v11+s12+$0x0], $0xffff  }
0x30: {  	v20 =	vld.idx.msk [tilespmem:v12+s12+$0x0], $0xffff  }
0x31: {  	v22 =	vor.u32 v6, v14;
	v21 =	vld.idx.msk [tilespmem:v13+s13+$0x0], $0xffff  }
0x32: {  	v23 =	vor.u32 v4, v9;
	v24 =	vld.idx.msk [tilespmem:v15+s13+$0x0], $0xffff  }
0x33: {  	v25 =	vor.u32 v7, v14;
	v26 =	vld.idx.msk [tilespmem:v16+s13+$0x0], $0xffff  }
0x34: {  	v27 =	vld.idx.msk [tilespmem:v19+s12+$0x0], $0xffff  }
0x35: {  	v28 =	vor.u32 v2, v14;
	v10 =	vld.idx.msk [tilespmem:v10+s13+$0x0], $0xffff  }
0x36: {  	v29 =	vld.idx.msk [tilespmem:v22+s13+$0x0], $0xffff  }
0x37: {  	v30 =	vld.idx.msk [tilespmem:v23+s13+$0x0], $0xffff  }
0x38: {  	v31 =	vld.idx.msk [tilespmem:v25+s13+$0x0], $0xffff  }
0x39: {  	v25 =	vld.idx.msk [tilespmem:v25+s12+$0x0], $0xffff  }
0x3a: {  	v32 =	vld.idx.msk [tilespmem:v28+s12+$0x0], $0xffff  }
0x3b: {  	v11 =	vld.idx.msk [tilespmem:v11+s13+$0x0], $0xffff  }
0x3c: {  	v13 =	vld.idx.msk [tilespmem:v13+s12+$0x0], $0xffff  }
0x3d: {  	v33 =	vor.u32 v4, v14;
	v16 =	vld.idx.msk [tilespmem:v16+s12+$0x0], $0xffff  }
0x3e: {  	v34 =	vor.u32 v1, v14;
	v35 =	vor.u32 v5, v14;
	v14 =	vor.u32 v3, v14;
	v19 =	vld.idx.msk [tilespmem:v19+s13+$0x0], $0xffff  }
0x3f: {  	v23 =	vld.idx.msk [tilespmem:v23+s12+$0x0], $0xffff  }
0x40: {  	v12 =	vld.idx.msk [tilespmem:v12+s13+$0x0], $0xffff  }
0x41: {  	v15 =	vld.idx.msk [tilespmem:v15+s12+$0x0], $0xffff  }
0x42: {  	v9 =	vor.u32 v5, v9;
	v60 =	vld.idx.msk [tilespmem:v22+s12+$0x0], $0xffff  }
0x43: {  	v44 =	vld.idx.msk [tilespmem:v14+s12+$0x0], $0xffff;
	v11 =	vmul.bf16 v11, v18  }
0x44: {  	v18 =	vld.idx.msk [tilespmem:v28+s13+$0x0], $0xffff;
	v13 =	vmul.bf16 v21, v13;
	v16 =	vmul.bf16 v26, v16  }
0x45: {  	v37 =	vmul.bf16 v31, v25;
	v40 =	vmul.bf16 v19, v27;
	v25 =	vld.idx.msk [tilespmem:v34+s13+$0x0], $0xffff  }
0x46: {  	v55 =	vimm.f32 $0.0e+00;
	s17 =	simm.s32 $0x3;
	v26 =	vmul.bf16 v30, v23;
	v31 =	vld.idx.msk [tilespmem:v34+s12+$0x0], $0xffff;
	v12 =	vmul.bf16 v12, v20  }
0x47: {  	v21 =	vadd.s32 s17, v63;
	v20 =	vld.idx.msk [tilespmem:v9+s12+$0x0], $0xffff;
	v17 =	vmul.bf16 v10, v17;
	v38 =	vmul.bf16 v24, v15  }
0x48: {  	v15 =	vld.idx.msk [tilespmem:v9+s13+$0x0], $0xffff;
	v51 =	vmul.bf16 v29, v60;
	v29 =	vand.u32 $0x3F, v21;
	v39 =	vunpack.i.u.bf16.f32 v13  }
0x49: {  	v45 =	vld.idx.msk [tilespmem:v14+s13+$0x0], $0xffff;
	v13 =	vunpack.i.l.bf16.f32 v13;
	v19 =	vunpack.i.l.bf16.f32 v11;
	v50 =	vunpack.i.u.bf16.f32 v26  }
0x4a: {  	v54 =	vor.u32 v8, v29;
	v52 =	vor.u32 v7, v29;
	v42 =	vadd.f32 v13, v55  }
0x4b: {  	s19 =	simm.s32 $0x2;
	v36 =	vld.idx.msk [tilespmem:v33+s13+$0x0], $0xffff;
	v30 =	vadd.f32 v19, v55;
	v13 =	vunpack.i.l.bf16.f32 v16;
	v16 =	vunpack.i.u.bf16.f32 v16  }
0x4c: {  	v27 =	vld.idx.msk [tilespmem:v33+s12+$0x0], $0xffff;
	v13 =	vadd.f32 v13, v55;
	v33 =	vmul.bf16 v18, v32;
	v18 =	vadd.s32 s19, v63  }
0x4d: {  	v49 =	vmul.bf16 v25, v31;
	v25 =	vunpack.i.l.bf16.f32 v26;
	v56 =	vmul.bf16 v15, v20  }
0x4e: {  	v15 =	vunpack.i.u.bf16.f32 v17;
	v32 =	vmul.bf16 v45, v44;
	v22 =	vand.u32 $0x3F, v18  }
0x4f: {  	v47 =	vadd.f32 v13, v16;
	v16 =	vunpack.i.l.bf16.f32 v17;
	v17 =	vadd.f32 v25, v55  }
0x50: {  	v41 =	vor.u32 v1, v22;
	v48 =	vor.u32 v2, v22;
	v19 =	vor.u32 v3, v22  }
0x51: {  	v46 =	vld.idx.msk [tilespmem:v35+s13+$0x0], $0xffff;
	v18 =	vor.u32 v4, v22;
	v9 =	vor.u32 v5, v22;
	v53 =	vadd.f32 v16, v55  }
0x52: {  	v35 =	vld.idx.msk [tilespmem:v35+s12+$0x0], $0xffff;
	v23 =	vor.u32 v6, v22;
	v13 =	vor.u32 v7, v22;
	v28 =	vor.u32 v8, v22  }
0x53: {  	v22 =	vmul.bf16 v36, v27;
	v25 =	vld.idx.msk [tilespmem:v54+s12+$0x0], $0xffff;
	v44 =	vadd.f32 v17, v50;
	v17 =	vadd.f32 v53, v15  }
0x54: {  	v27 =	vunpack.i.u.bf16.f32 v38;
	v62 =	vunpack.i.l.bf16.f32 v49;
	v53 =	vunpack.i.l.bf16.f32 v38;
	v38 =	vld.idx.msk [tilespmem:v52+s13+$0x0], $0xffff  }
0x55: {  	v17 =	vadd.f32 v62, v17;
	v62 =	vadd.f32 v42, v39;
	v39 =	vld.idx.msk [tilespmem:v52+s12+$0x0], $0xffff  }
0x56: {  	v42 =	vld.idx.msk [tilespmem:v54+s13+$0x0], $0xffff  }
0x57: {  	v61 =	vunpack.i.u.bf16.f32 v12;
	v12 =	vunpack.i.l.bf16.f32 v12;
	v10 =	vld.idx.msk [tilespmem:v41+s12+$0x0], $0xffff  }
0x58: {  	v46 =	vmul.bf16 v46, v35;
	v11 =	vunpack.i.u.bf16.f32 v11;
	v12 =	vadd.f32 v12, v55;
	v21 =	vld.idx.msk [tilespmem:v48+s12+$0x0], $0xffff  }
0x59: {  	v43 =	vunpack.i.l.bf16.f32 v40;
	v59 =	vunpack.i.l.bf16.f32 v51;
	v16 =	vor.u32 v6, v29;
	v14 =	vld.idx.msk [tilespmem:v19+s12+$0x0], $0xffff  }
0x5a: {  	v34 =	vadd.f32 v12, v61;
	v31 =	vunpack.i.l.bf16.f32 v37;
	v57 =	vadd.f32 v30, v11;
	v24 =	vld.idx.msk [tilespmem:v28+s13+$0x0], $0xffff  }
0x5b: {  	v11 =	vor.u32 v5, v29;
	v37 =	vunpack.i.u.bf16.f32 v37;
	v36 =	vor.u32 v2, v29;
	v12 =	vld.idx.msk [tilespmem:v13+s13+$0x0], $0xffff  }
0x5c: {  	v58 =	vunpack.i.u.bf16.f32 v49;
	v60 =	vunpack.i.l.bf16.f32 v33;
	v61 =	vunpack.i.l.bf16.f32 v56;
	v26 =	vld.idx.msk [tilespmem:v23+s13+$0x0], $0xffff  }
0x5d: {  	v49 =	vunpack.i.u.bf16.f32 v40;
	v40 =	vor.u32 v4, v29;
	v50 =	vunpack.i.u.bf16.f32 v33;
	v20 =	vld.idx.msk [tilespmem:v41+s13+$0x0], $0xffff  }
0x5e: {  	v47 =	vadd.f32 v59, v47;
	v33 =	vadd.f32 v60, v57;
	v45 =	vunpack.i.l.bf16.f32 v22;
	v15 =	vld.idx.msk [tilespmem:v16+s13+$0x0], $0xffff  }
0x5f: {  	v53 =	vadd.f32 v53, v55;
	v55 =	vadd.f32 v61, v55;
	v52 =	vunpack.i.u.bf16.f32 v56;
	v30 =	vld.idx.msk [tilespmem:v18+s13+$0x0], $0xffff  }
0x60: {  	v41 =	vunpack.i.u.bf16.f32 v51;
	v35 =	vld.idx.msk [tilespmem:v36+s12+$0x0], $0xffff;
	v51 =	vunpack.i.l.bf16.f32 v46;
	v46 =	vunpack.i.u.bf16.f32 v46  }
0x61: {  	s0 =	simm.s32 $0x4;
	v48 =	vld.idx.msk [tilespmem:v48+s13+$0x0], $0xffff;
	v17 =	vadd.f32 v17, v58;
	v54 =	vadd.f32 v43, v62;
	v43 =	vor.u32 v1, v29  }
.LBB2_3:
0x62: {  	s15 =	sadd.s32 $0x1, s0  }
0x63: {  	p0 =	slt.u32 s0, $0x3E;
	v28 =	vld.idx.msk [tilespmem:v28+s12+$0x0], $0xffff;
	v29 =	vor.u32 v3, v29;
	v56 =	vunpack.i.l.bf16.f32 v32;
	v44 =	vadd.f32 v45, v44;
	s17 =	smov.u32 s0;
	s0 =	sadd.s32 $0x2, s0  }
0x64: {  	v49 =	vadd.f32 v54, v49;
	v45 =	vadd.s32 s15, v63;
	v23 =	vld.idx.msk [tilespmem:v23+s12+$0x0], $0xffff;
	v52 =	vadd.f32 v55, v52  }
0x65: {  	v27 =	vadd.f32 v53, v27;
	v50 =	vadd.f32 v33, v50;
	v19 =	vld.idx.msk [tilespmem:v19+s13+$0x0], $0xffff  }
0x66: {  	v22 =	vunpack.i.u.bf16.f32 v22;
	v34 =	vadd.f32 v56, v34;
	v18 =	vld.idx.msk [tilespmem:v18+s12+$0x0], $0xffff;
	v33 =	vadd.f32 v51, v52  }
0x67: {  	v32 =	vunpack.i.u.bf16.f32 v32;
	v44 =	vadd.f32 v44, v22;
	v22 =	vadd.f32 v31, v27;
	v51 =	vld.idx.msk [tilespmem:v40+s13+$0x0], $0xffff  }
0x68: {  	v31 =	vadd.f32 v47, v41;
	v21 =	vmul.bf16 v48, v21;
	v27 =	vld.idx.msk [tilespmem:v36+s13+$0x0], $0xffff;
	v33 =	vadd.f32 v33, v46  }
0x69: {  	v32 =	vadd.f32 v34, v32;
	v24 =	vmul.bf16 v24, v28;
	v46 =	vadd.f32 v22, v37;
	v36 =	vld.idx.msk [tilespmem:v43+s13+$0x0], $0xffff  }
0x6a: {  	v37 =	vmul.bf16 v38, v39;
	v22 =	vmul.bf16 v26, v23;
	v38 =	vunpack.i.u.bf16.f32 v21;
	v13 =	vld.idx.msk [tilespmem:v13+s12+$0x0], $0xffff  }
0x6b: {  	v39 =	vunpack.i.u.bf16.f32 v24;
	v23 =	vunpack.i.l.bf16.f32 v24;
	v24 =	vld.idx.msk [tilespmem:v40+s12+$0x0], $0xffff;
	v40 =	vmul.bf16 v42, v25  }
0x6c: {  	v25 =	vunpack.i.l.bf16.f32 v21;
	v26 =	vmul.bf16 v30, v18;
	v42 =	vadd.f32 v23, v49;
	v30 =	vld.idx.msk [tilespmem:v43+s12+$0x0], $0xffff  }
0x6d: {  	v14 =	vmul.bf16 v19, v14;
	v18 =	vunpack.i.l.bf16.f32 v22;
	v25 =	vadd.f32 v25, v50;
	v34 =	vld.idx.msk [tilespmem:v9+s12+$0x0], $0xffff  }
0x6e: {  	v19 =	vadd.s32 s17, v63;
	v35 =	vmul.bf16 v27, v35;
	v41 =	vld.idx.msk [tilespmem:v9+s13+$0x0], $0xffff;
	v9 =	vunpack.i.u.bf16.f32 v22  }
0x6f: {  	v21 =	vand.u32 $0x3F, v19;
	v18 =	vadd.f32 v18, v31;
	v43 =	vunpack.i.l.bf16.f32 v40;
	v16 =	vld.idx.msk [tilespmem:v16+s12+$0x0], $0xffff  }
0x70: {  	v20 =	vmul.bf16 v20, v10;
	v48 =	vor.u32 v1, v21;
	v47 =	vmul.bf16 v12, v13;
	v31 =	vld.idx.msk [tilespmem:v29+s12+$0x0], $0xffff  }
0x71: {  	v55 =	vor.u32 v2, v21;
	v19 =	vor.u32 v3, v21;
	v54 =	vadd.f32 v18, v9;
	v49 =	vld.idx.msk [tilespmem:v29+s13+$0x0], $0xffff  }
0x72: {  	v23 =	vor.u32 v6, v21;
	v18 =	vor.u32 v4, v21;
	v12 =	vunpack.i.u.bf16.f32 v14  }
0x73: {  	v28 =	vor.u32 v8, v21;
	v9 =	vor.u32 v5, v21;
	v14 =	vunpack.i.l.bf16.f32 v14;
	v50 =	vld.idx.msk [tilespmem:v11+s13+$0x0], $0xffff  }
0x74: {  	v52 =	vunpack.i.u.bf16.f32 v26;
	v13 =	vor.u32 v7, v21;
	v30 =	vmul.bf16 v36, v30  }
0x75: {  	v26 =	vunpack.i.l.bf16.f32 v26;
	v22 =	vmul.bf16 v51, v24;
	v53 =	vmul.bf16 v15, v16;
	v51 =	vld.idx.msk [tilespmem:v11+s12+$0x0], $0xffff  }
0x76: {  	v29 =	vand.u32 $0x3F, v45;
	v27 =	vunpack.i.u.bf16.f32 v47;
	v11 =	vunpack.i.l.bf16.f32 v20;
	v10 =	vld.idx.msk [tilespmem:v48+s12+$0x0], $0xffff  }
0x77: {  	v0 =	vadd.f32 v42, v39;
	v56 =	vor.u32 v8, v29;
	v15 =	vadd.f32 v14, v32;
	v21 =	vld.idx.msk [tilespmem:v55+s12+$0x0], $0xffff  }
0x78: {  	v57 =	vor.u32 v7, v29;
	v58 =	vmul.bf16 v41, v34;
	v17 =	vadd.f32 v11, v17;
	v14 =	vld.idx.msk [tilespmem:v19+s12+$0x0], $0xffff  }
0x79: {  	v41 =	vunpack.i.u.bf16.f32 v20;
	v16 =	vor.u32 v6, v29;
	v34 =	vadd.f32 v15, v12;
	v24 =	vld.idx.msk [tilespmem:v28+s13+$0x0], $0xffff  }
0x7a: {  	v11 =	vadd.f32 v26, v44;
	v32 =	vmul.bf16 v49, v31;
	v31 =	vunpack.i.l.bf16.f32 v37;
	v12 =	vld.idx.msk [tilespmem:v13+s13+$0x0], $0xffff  }
0x7b: {  	v59 =	vadd.f32 v25, v38;
	v60 =	vunpack.i.u.bf16.f32 v30;
	v61 =	vunpack.i.l.bf16.f32 v53;
	v26 =	vld.idx.msk [tilespmem:v23+s13+$0x0], $0xffff  }
0x7c: {  	v62 =	vunpack.i.l.bf16.f32 v35;
	v36 =	vor.u32 v2, v29;
	v44 =	vadd.f32 v11, v52;
	v25 =	vld.idx.msk [tilespmem:v56+s12+$0x0], $0xffff  }
0x7d: {  	v38 =	vunpack.i.l.bf16.f32 v30;
	v11 =	vor.u32 v5, v29;
	v17 =	vadd.f32 v17, v41;
	v20 =	vld.idx.msk [tilespmem:v48+s13+$0x0], $0xffff  }
0x7e: {  	v45 =	vunpack.i.l.bf16.f32 v22;
	v37 =	vunpack.i.u.bf16.f32 v37;
	v48 =	vmul.bf16 v50, v51;
	v15 =	vld.idx.msk [tilespmem:v16+s13+$0x0], $0xffff  }
0x7f: {  	v47 =	vunpack.i.l.bf16.f32 v47;
	v41 =	vunpack.i.u.bf16.f32 v53;
	v17 =	vadd.f32 v38, v17;
	v30 =	vld.idx.msk [tilespmem:v18+s13+$0x0], $0xffff  }
.Ltmp0:
0x80: {  	v63 =	vunpack.i.l.bf16.f32 v58;
	v49 =	vunpack.i.u.bf16.f32 v40;
	v40 =	vor.u32 v4, v29;
	v38 =	vld.idx.msk [tilespmem:v57+s13+$0x0], $0xffff;
	(pc) =	sbr.rel @p0 .LBB2_3-.Ltmp0, $4  }
0x81: {  	v52 =	vunpack.i.u.bf16.f32 v58;
	v17 =	vadd.f32 v17, v60;
	v50 =	vunpack.i.u.bf16.f32 v35;
	v39 =	vld.idx.msk [tilespmem:v57+s12+$0x0], $0xffff  }
0x82: {  	v53 =	vadd.f32 v47, v46;
	v47 =	vadd.f32 v61, v54;
	v51 =	vunpack.i.l.bf16.f32 v48;
	v35 =	vld.idx.msk [tilespmem:v36+s12+$0x0], $0xffff  }
0x83: {  	v54 =	vadd.f32 v43, v0;
	v43 =	vor.u32 v1, v29;
	v46 =	vunpack.i.u.bf16.f32 v48;
	v42 =	vld.idx.msk [tilespmem:v56+s13+$0x0], $0xffff  }
0x84: {  	v48 =	vld.idx.msk [tilespmem:v55+s13+$0x0], $0xffff;
	v55 =	vadd.f32 v63, v33;
	v63 =	vlaneseq.u32;
	v33 =	vadd.f32 v62, v59  }
0x85: {  	_ =	sdelay $0x3  }
0x86: {  	v0 =	vld.idx.msk [tilespmem:v28+s12+$0x0], $0xffff  }
0x87: {  	v23 =	vld.idx.msk [tilespmem:v23+s12+$0x0], $0xffff  }
0x88: {  	v19 =	vld.idx.msk [tilespmem:v19+s13+$0x0], $0xffff  }
0x89: {  	v28 =	vadd.f32 v45, v44;
	v18 =	vld.idx.msk [tilespmem:v18+s12+$0x0], $0xffff  }
0x8a: {  	v29 =	vor.u32 v3, v29;
	v56 =	vadd.f32 v54, v49;
	v57 =	vunpack.i.l.bf16.f32 v32;
	v58 =	vld.idx.msk [tilespmem:v40+s13+$0x0], $0xffff  }
0x8b: {  	v27 =	vadd.f32 v53, v27;
	v22 =	vunpack.i.u.bf16.f32 v22;
	v60 =	vadd.f32 v47, v41;
	v13 =	vld.idx.msk [tilespmem:v13+s12+$0x0], $0xffff  }
0x8c: {  	v59 =	vunpack.i.u.bf16.f32 v32;
	v62 =	vld.idx.msk [tilespmem:v40+s12+$0x0], $0xffff;
	v55 =	vadd.f32 v55, v52;
	v33 =	vadd.f32 v33, v50  }
0x8d: {  	v16 =	vld.idx.msk [tilespmem:v16+s12+$0x0], $0xffff;
	v10 =	vmul.bf16 v20, v10;
	v34 =	vadd.f32 v57, v34;
	v22 =	vadd.f32 v28, v22  }
0x8e: {  	v27 =	vadd.f32 v31, v27;
	v25 =	vmul.bf16 v42, v25;
	v21 =	vmul.bf16 v48, v21  }
0x8f: {  	v44 =	vadd.f32 v51, v55;
	v0 =	vmul.bf16 v24, v0;
	v23 =	vmul.bf16 v26, v23  }
0x90: {  	v28 =	vld.idx.msk [tilespmem:v36+s13+$0x0], $0xffff;
	v32 =	vadd.f32 v34, v59;
	v26 =	vmul.bf16 v38, v39;
	v18 =	vmul.bf16 v30, v18  }
0x91: {  	v27 =	vadd.f32 v27, v37;
	v48 =	vld.idx.msk [tilespmem:v11+s13+$0x0], $0xffff;
	v14 =	vmul.bf16 v19, v14;
	v12 =	vmul.bf16 v12, v13  }
0x92: {  	v11 =	vld.idx.msk [tilespmem:v11+s12+$0x0], $0xffff;
	v31 =	vadd.f32 v44, v46;
	v47 =	vmul.bf16 v58, v62;
	v15 =	vmul.bf16 v15, v16  }
0x93: {  	v24 =	vld.idx.msk [tilespmem:v43+s13+$0x0], $0xffff;
	v16 =	vunpack.i.l.bf16.f32 v10;
	v10 =	vunpack.i.u.bf16.f32 v10;
	v42 =	vunpack.i.l.bf16.f32 v21  }
0x94: {  	v44 =	vld.idx.msk [tilespmem:v43+s12+$0x0], $0xffff;
	v21 =	vunpack.i.u.bf16.f32 v21;
	v16 =	vadd.f32 v16, v17;
	v61 =	vunpack.i.u.bf16.f32 v0  }
0x95: {  	v13 =	vld.idx.msk [tilespmem:v29+s12+$0x0], $0xffff;
	v0 =	vunpack.i.l.bf16.f32 v0;
	v33 =	vadd.f32 v42, v33;
	v45 =	vunpack.i.l.bf16.f32 v23  }
0x96: {  	v20 =	vld.idx.msk [tilespmem:v29+s13+$0x0], $0xffff;
	v19 =	vunpack.i.u.bf16.f32 v23;
	v23 =	vmul.bf16 v28, v35;
	v29 =	vunpack.i.u.bf16.f32 v18  }
0x97: {  	v30 =	vld.idx.msk [tilespmem:v9+s12+$0x0], $0xffff;
	v49 =	vunpack.i.u.bf16.f32 v12;
	v18 =	vunpack.i.l.bf16.f32 v18;
	v0 =	vadd.f32 v0, v56  }
0x98: {  	v9 =	vld.idx.msk [tilespmem:v9+s13+$0x0], $0xffff;
	v12 =	vunpack.i.l.bf16.f32 v12;
	v28 =	vadd.f32 v45, v60;
	v17 =	vadd.f32 v18, v22  }
0x99: {  	v18 =	vunpack.i.l.bf16.f32 v26;
	v10 =	vadd.f32 v16, v10;
	v16 =	vunpack.i.l.bf16.f32 v15  }
0x9a: {  	v12 =	vadd.f32 v12, v27;
	v11 =	vmul.bf16 v48, v11;
	v19 =	vadd.f32 v28, v19  }
0x9b: {  	v28 =	vunpack.i.u.bf16.f32 v14;
	v14 =	vunpack.i.l.bf16.f32 v14;
	v24 =	vmul.bf16 v24, v44  }
0x9c: {  	v13 =	vmul.bf16 v20, v13;
	v20 =	vadd.f32 v33, v21;
	v17 =	vadd.f32 v17, v29  }
0x9d: {  	v9 =	vmul.bf16 v9, v30;
	v0 =	vadd.f32 v0, v61;
	v14 =	vadd.f32 v14, v32  }
0x9e: {  	v12 =	vadd.f32 v12, v49;
	v21 =	vunpack.i.u.bf16.f32 v24;
	v22 =	vunpack.i.l.bf16.f32 v24  }
0x9f: {  	v24 =	vunpack.i.l.bf16.f32 v23;
	v14 =	vadd.f32 v14, v28;
	v28 =	vunpack.i.l.bf16.f32 v47  }
0xa0: {  	v10 =	vadd.f32 v22, v10;
	v22 =	vunpack.i.l.bf16.f32 v9;
	v9 =	vunpack.i.u.bf16.f32 v9  }
0xa1: {  	v20 =	vadd.f32 v24, v20;
	v24 =	vunpack.i.l.bf16.f32 v11;
	v22 =	vadd.f32 v22, v31  }
0xa2: {  	v10 =	vadd.f32 v10, v21;
	v21 =	vunpack.i.u.bf16.f32 v23;
	v23 =	vunpack.i.l.bf16.f32 v13  }
0xa3: {  	v17 =	vadd.f32 v28, v17;
	v13 =	vunpack.i.u.bf16.f32 v13;
	v14 =	vadd.f32 v23, v14  }
0xa4: {  	s0 =	sshll.u32 s1, $0x9;
	v9 =	vadd.f32 v22, v9;
	v20 =	vadd.f32 v20, v21;
	v21 =	vunpack.i.u.bf16.f32 v47  }
0xa5: {  	[tilespmem:s0+$0x14E20] =	vst v10;
	v10 =	vunpack.i.u.bf16.f32 v11;
	v11 =	vadd.f32 v16, v19;
	v13 =	vadd.f32 v14, v13  }
0xa6: {  	v15 =	vunpack.i.u.bf16.f32 v15;
	v9 =	vadd.f32 v24, v9;
	v14 =	vadd.f32 v17, v21;
	[tilespmem:s0+$0x14E30] =	vst v20  }
0xa7: {  	v46 =	vunpack.i.l.bf16.f32 v25;
	v12 =	vadd.f32 v18, v12;
	v11 =	vadd.f32 v11, v15;
	[tilespmem:s0+$0x14E40] =	vst v13  }
0xa8: {  	v0 =	vadd.f32 v46, v0;
	v9 =	vadd.f32 v9, v10;
	v10 =	vunpack.i.u.bf16.f32 v26;
	[tilespmem:s0+$0x14E50] =	vst v14  }
0xa9: {  	v13 =	vunpack.i.u.bf16.f32 v25;
	v10 =	vadd.f32 v12, v10;
	[tilespmem:s0+$0x14E70] =	vst v11  }
0xaa: {  	v0 =	vadd.f32 v0, v13;
	[tilespmem:s0+$0x14E60] =	vst v9  }
0xab: {  	[tilespmem:s0+$0x14E80] =	vst v10  }
0xac: {  	s15 =	sadd.s32 $0x200, s0;
	[tilespmem:s0+$0x14E90] =	vst v0  }
0xad: {  	[tilespmem:s12], [sflag:$0x1] =	stream.indirect.gather [hbm4b:s3+s11], $0x40, s15, s11, $0xb8;
	[tilespmem:$0x17530] =	vst v63  }
0xae: {  	s17 =	simm.s32 $0x0;
	s19 =	sadd.s32 $0x2910, s0  }
0xaf: {  	v0 =	vadd.s32 s17, v63;
	[tilespmem:s13], [sflag:$0x1] =	stream.indirect.gather [hbm4b:s4+s11], $0x40, s19, s11, $0xb8;
	[tilespmem:$0x17530] =	vst v63  }
0xb0: {  	v0 =	vand.u32 $0x3F, v0;
	_ =	swait.ge [sflag:s26], $0x2000  }
0xb1: {  	v10 =	vor.u32 v2, v0;
	[sflag:s26] =	ssyncset.done $0x0  }
0xb2: {  	v11 =	vor.u32 v3, v0;
	[sflag:s26] =	ssyncadd.s32 $0xFFFFE000  }
0xb3: {  	v12 =	vor.u32 v8, v0;
	_ =	swait.ge [sflag:s26], $0x2000  }
0xb4: {  	v14 =	vor.u32 v7, v0;
	[sflag:s26] =	ssyncset.done $0x0  }
0xb5: {  	v15 =	vor.u32 v6, v0;
	[sflag:s26] =	ssyncadd.s32 $0xFFFFE000  }
0xb6: {  	v22 =	vor.u32 v4, v0;
	v17 =	vld.idx.msk [tilespmem:v10+s14+$0x0], $0xffff  }
0xb7: {  	v19 =	vld.idx.msk [tilespmem:v11+s14+$0x0], $0xffff  }
0xb8: {  	v20 =	vld.idx.msk [tilespmem:v12+s16+$0x0], $0xffff  }
0xb9: {  	v23 =	vld.idx.msk [tilespmem:v14+s16+$0x0], $0xffff  }
0xba: {  	s19 =	simm.s32 $0x1;
	v25 =	vld.idx.msk [tilespmem:v15+s16+$0x0], $0xffff  }
0xbb: {  	v13 =	vadd.s32 s19, v63;
	v28 =	vld.idx.msk [tilespmem:v22+s16+$0x0], $0xffff  }
0xbc: {  	v13 =	vand.u32 $0x3F, v13;
	v10 =	vld.idx.msk [tilespmem:v10+s16+$0x0], $0xffff  }
0xbd: {  	v18 =	vor.u32 v8, v13;
	v12 =	vld.idx.msk [tilespmem:v12+s14+$0x0], $0xffff  }
0xbe: {  	v21 =	vor.u32 v6, v13;
	v15 =	vld.idx.msk [tilespmem:v15+s14+$0x0], $0xffff  }
0xbf: {  	v24 =	vor.u32 v7, v13;
	v22 =	vld.idx.msk [tilespmem:v22+s14+$0x0], $0xffff  }
0xc0: {  	v11 =	vld.idx.msk [tilespmem:v11+s16+$0x0], $0xffff  }
0xc1: {  	v14 =	vld.idx.msk [tilespmem:v14+s14+$0x0], $0xffff  }
0xc2: {  	v26 =	vld.idx.msk [tilespmem:v18+s14+$0x0], $0xffff  }
0xc3: {  	v56 =	vor.u32 v5, v13;
	v29 =	vld.idx.msk [tilespmem:v21+s16+$0x0], $0xffff  }
0xc4: {  	v30 =	vld.idx.msk [tilespmem:v24+s16+$0x0], $0xffff  }
0xc5: {  	v24 =	vld.idx.msk [tilespmem:v24+s14+$0x0], $0xffff  }
0xc6: {  	v9 =	vor.u32 v1, v0;
	v18 =	vld.idx.msk [tilespmem:v18+s16+$0x0], $0xffff  }
0xc7: {  	v21 =	vld.idx.msk [tilespmem:v21+s14+$0x0], $0xffff  }
0xc8: {  	v27 =	vor.u32 v2, v13;
	v50 =	vor.u32 v4, v13;
	v46 =	vld.idx.msk [tilespmem:v56+s16+$0x0], $0xffff  }
0xc9: {  	v51 =	vor.u32 v1, v13;
	v13 =	vor.u32 v3, v13;
	v49 =	vld.idx.msk [tilespmem:v56+s14+$0x0], $0xffff;
	v10 =	vmul.bf16 v10, v17  }
0xca: {  	v55 =	vimm.f32 $0.0e+00;
	v12 =	vmul.bf16 v20, v12;
	v15 =	vmul.bf16 v25, v15  }
0xcb: {  	s17 =	simm.s32 $0x3;
	v0 =	vor.u32 v5, v0;
	v16 =	vld.idx.msk [tilespmem:v9+s14+$0x0], $0xffff;
	v25 =	vmul.bf16 v28, v22;
	v11 =	vmul.bf16 v11, v19  }
0xcc: {  	v9 =	vld.idx.msk [tilespmem:v9+s16+$0x0], $0xffff;
	v20 =	vadd.s32 s17, v63;
	v38 =	vmul.bf16 v23, v14;
	v30 =	vmul.bf16 v30, v24  }
0xcd: {  	v31 =	vld.idx.msk [tilespmem:v27+s14+$0x0], $0xffff;
	v39 =	vmul.bf16 v18, v26;
	v60 =	vmul.bf16 v29, v21;
	v29 =	vand.u32 $0x3F, v20  }
0xce: {  	v59 =	vld.idx.msk [tilespmem:v13+s16+$0x0], $0xffff;
	v46 =	vmul.bf16 v46, v49;
	v35 =	vunpack.i.u.bf16.f32 v12;
	v12 =	vunpack.i.l.bf16.f32 v12  }
0xcf: {  	v17 =	vld.idx.msk [tilespmem:v27+s16+$0x0], $0xffff;
	v18 =	vunpack.i.l.bf16.f32 v10;
	v36 =	vunpack.i.u.bf16.f32 v10;
	v10 =	vunpack.i.l.bf16.f32 v15  }
0xd0: {  	v27 =	vld.idx.msk [tilespmem:v50+s16+$0x0], $0xffff;
	v15 =	vunpack.i.u.bf16.f32 v15;
	v58 =	vunpack.i.u.bf16.f32 v11;
	v11 =	vunpack.i.l.bf16.f32 v11  }
0xd1: {  	v22 =	vld.idx.msk [tilespmem:v51+s14+$0x0], $0xffff;
	v62 =	vunpack.i.u.bf16.f32 v25;
	v54 =	vor.u32 v8, v29;
	v20 =	vunpack.i.l.bf16.f32 v25  }
0xd2: {  	s19 =	simm.s32 $0x2;
	v24 =	vld.idx.msk [tilespmem:v51+s16+$0x0], $0xffff;
	v51 =	vor.u32 v7, v29;
	v53 =	vunpack.i.l.bf16.f32 v38;
	v40 =	vadd.f32 v12, v55  }
0xd3: {  	v12 =	vld.idx.msk [tilespmem:v50+s14+$0x0], $0xffff;
	v57 =	vadd.f32 v18, v55;
	v18 =	vadd.s32 s19, v63;
	v10 =	vadd.f32 v10, v55  }
0xd4: {  	v43 =	vunpack.i.l.bf16.f32 v39;
	v26 =	vand.u32 $0x3F, v18;
	v33 =	vmul.bf16 v17, v31;
	v17 =	vld.idx.msk [tilespmem:v0+s14+$0x0], $0xffff  }
0xd5: {  	v11 =	vadd.f32 v11, v55;
	v37 =	vunpack.i.u.bf16.f32 v30;
	v0 =	vld.idx.msk [tilespmem:v0+s16+$0x0], $0xffff;
	v41 =	vor.u32 v1, v26  }
0xd6: {  	v49 =	vunpack.i.u.bf16.f32 v39;
	v48 =	vor.u32 v2, v26;
	v47 =	vadd.f32 v10, v15;
	v15 =	vld.idx.msk [tilespmem:v13+s14+$0x0], $0xffff  }
0xd7: {  	v53 =	vadd.f32 v53, v55;
	v31 =	vmul.bf16 v9, v16;
	v19 =	vor.u32 v3, v26;
	v25 =	vld.idx.msk [tilespmem:v54+s14+$0x0], $0xffff  }
0xd8: {  	v18 =	vor.u32 v4, v26;
	v13 =	vor.u32 v7, v26;
	v28 =	vor.u32 v8, v26;
	v39 =	vld.idx.msk [tilespmem:v51+s14+$0x0], $0xffff  }
0xd9: {  	v45 =	vmul.bf16 v24, v22;
	v22 =	vmul.bf16 v27, v12;
	v27 =	vunpack.i.u.bf16.f32 v38;
	v38 =	vld.idx.msk [tilespmem:v51+s16+$0x0], $0xffff  }
0xda: {  	v23 =	vor.u32 v6, v26;
	v34 =	vadd.f32 v11, v58;
	v11 =	vadd.f32 v20, v55;
	v10 =	vld.idx.msk [tilespmem:v41+s14+$0x0], $0xffff  }
0xdb: {  	v9 =	vor.u32 v5, v26;
	v16 =	vor.u32 v6, v29;
	v56 =	vadd.f32 v57, v36;
	v21 =	vld.idx.msk [tilespmem:v48+s14+$0x0], $0xffff  }
0xdc: {  	v57 =	vunpack.i.l.bf16.f32 v60;
	v36 =	vor.u32 v2, v29;
	v44 =	vadd.f32 v11, v62;
	v14 =	vld.idx.msk [tilespmem:v19+s14+$0x0], $0xffff  }
0xdd: {  	v58 =	vunpack.i.l.bf16.f32 v33;
	v11 =	vor.u32 v5, v29;
	v12 =	vunpack.i.l.bf16.f32 v31;
	v24 =	vld.idx.msk [tilespmem:v28+s16+$0x0], $0xffff  }
0xde: {  	v50 =	vunpack.i.u.bf16.f32 v33;
	v47 =	vadd.f32 v57, v47;
	v61 =	vadd.f32 v12, v55;
	v12 =	vld.idx.msk [tilespmem:v13+s16+$0x0], $0xffff  }
0xdf: {  	v42 =	vunpack.i.u.bf16.f32 v45;
	v62 =	vunpack.i.l.bf16.f32 v45;
	v51 =	vunpack.i.l.bf16.f32 v46;
	v26 =	vld.idx.msk [tilespmem:v23+s16+$0x0], $0xffff  }
0xe0: {  	v46 =	vunpack.i.u.bf16.f32 v46;
	v0 =	vmul.bf16 v0, v17;
	v17 =	vunpack.i.u.bf16.f32 v31;
	v20 =	vld.idx.msk [tilespmem:v41+s16+$0x0], $0xffff  }
0xe1: {  	v33 =	vadd.f32 v58, v56;
	v32 =	vmul.bf16 v59, v15;
	v15 =	vld.idx.msk [tilespmem:v16+s16+$0x0], $0xffff;
	v17 =	vadd.f32 v61, v17  }
0xe2: {  	v31 =	vunpack.i.l.bf16.f32 v30;
	v45 =	vunpack.i.l.bf16.f32 v22;
	v30 =	vld.idx.msk [tilespmem:v18+s16+$0x0], $0xffff;
	v41 =	vunpack.i.u.bf16.f32 v60  }
0xe3: {  	v60 =	vadd.f32 v40, v35;
	v35 =	vld.idx.msk [tilespmem:v36+s14+$0x0], $0xffff;
	v59 =	vunpack.i.l.bf16.f32 v0;
	v17 =	vadd.f32 v62, v17  }
0xe4: {  	v40 =	vor.u32 v4, v29;
	v48 =	vld.idx.msk [tilespmem:v48+s16+$0x0], $0xffff;
	v52 =	vunpack.i.u.bf16.f32 v0;
	v55 =	vadd.f32 v59, v55  }
0xe5: {  	s15 =	simm.s32 $0x4;
	v17 =	vadd.f32 v17, v42;
	v42 =	vld.idx.msk [tilespmem:v54+s16+$0x0], $0xffff;
	v54 =	vadd.f32 v43, v60;
	v43 =	vor.u32 v1, v29  }
.LBB2_5:
0xe6: {  	s17 =	sadd.s32 $0x1, s15  }
0xe7: {  	p0 =	slt.u32 s15, $0x3E;
	v0 =	vld.idx.msk [tilespmem:v28+s14+$0x0], $0xffff;
	v28 =	vor.u32 v3, v29;
	v29 =	vunpack.i.l.bf16.f32 v32;
	v44 =	vadd.f32 v45, v44;
	s19 =	smov.u32 s15;
	s15 =	sadd.s32 $0x2, s15  }
0xe8: {  	v49 =	vadd.f32 v54, v49;
	v45 =	vadd.s32 s17, v63;
	v23 =	vld.idx.msk [tilespmem:v23+s14+$0x0], $0xffff;
	v52 =	vadd.f32 v55, v52  }
0xe9: {  	v27 =	vadd.f32 v53, v27;
	v50 =	vadd.f32 v33, v50;
	v19 =	vld.idx.msk [tilespmem:v19+s16+$0x0], $0xffff  }
0xea: {  	v22 =	vunpack.i.u.bf16.f32 v22;
	v29 =	vadd.f32 v29, v34;
	v18 =	vld.idx.msk [tilespmem:v18+s14+$0x0], $0xffff;
	v33 =	vadd.f32 v51, v52  }
0xeb: {  	v32 =	vunpack.i.u.bf16.f32 v32;
	v44 =	vadd.f32 v44, v22;
	v22 =	vadd.f32 v31, v27;
	v34 =	vld.idx.msk [tilespmem:v40+s16+$0x0], $0xffff  }
0xec: {  	v31 =	vadd.f32 v47, v41;
	v21 =	vmul.bf16 v48, v21;
	v27 =	vld.idx.msk [tilespmem:v36+s16+$0x0], $0xffff;
	v33 =	vadd.f32 v33, v46  }
0xed: {  	v32 =	vadd.f32 v29, v32;
	v0 =	vmul.bf16 v24, v0;
	v46 =	vadd.f32 v22, v37;
	v24 =	vld.idx.msk [tilespmem:v43+s16+$0x0], $0xffff  }
0xee: {  	v37 =	vmul.bf16 v38, v39;
	v22 =	vmul.bf16 v26, v23;
	v13 =	vld.idx.msk [tilespmem:v13+s14+$0x0], $0xffff  }
0xef: {  	v39 =	vunpack.i.u.bf16.f32 v0;
	v0 =	vunpack.i.l.bf16.f32 v0;
	v26 =	vld.idx.msk [tilespmem:v40+s14+$0x0], $0xffff;
	v40 =	vmul.bf16 v42, v25  }
0xf0: {  	v23 =	vunpack.i.l.bf16.f32 v21;
	v25 =	vmul.bf16 v30, v18;
	v0 =	vadd.f32 v0, v49;
	v29 =	vld.idx.msk [tilespmem:v43+s14+$0x0], $0xffff  }
0xf1: {  	v36 =	vadd.f32 v23, v50;
	v30 =	vunpack.i.u.bf16.f32 v21;
	v18 =	vunpack.i.l.bf16.f32 v22;
	v38 =	vld.idx.msk [tilespmem:v9+s14+$0x0], $0xffff  }
0xf2: {  	v14 =	vmul.bf16 v19, v14;
	v35 =	vmul.bf16 v27, v35;
	v41 =	vld.idx.msk [tilespmem:v9+s16+$0x0], $0xffff;
	v9 =	vunpack.i.u.bf16.f32 v22  }
0xf3: {  	v19 =	vadd.s32 s19, v63;
	v18 =	vadd.f32 v18, v31;
	v43 =	vunpack.i.l.bf16.f32 v40;
	v16 =	vld.idx.msk [tilespmem:v16+s14+$0x0], $0xffff  }
0xf4: {  	v20 =	vmul.bf16 v20, v10;
	v21 =	vand.u32 $0x3F, v19;
	v42 =	vmul.bf16 v12, v13;
	v31 =	vld.idx.msk [tilespmem:v28+s14+$0x0], $0xffff  }
0xf5: {  	v47 =	vor.u32 v1, v21;
	v48 =	vor.u32 v2, v21;
	v54 =	vadd.f32 v18, v9;
	v49 =	vld.idx.msk [tilespmem:v28+s16+$0x0], $0xffff  }
0xf6: {  	v19 =	vor.u32 v3, v21;
	v18 =	vor.u32 v4, v21;
	v12 =	vunpack.i.u.bf16.f32 v14  }
0xf7: {  	v23 =	vor.u32 v6, v21;
	v9 =	vor.u32 v5, v21;
	v14 =	vunpack.i.l.bf16.f32 v14;
	v50 =	vld.idx.msk [tilespmem:v11+s16+$0x0], $0xffff  }
0xf8: {  	v13 =	vor.u32 v7, v21;
	v28 =	vor.u32 v8, v21;
	v51 =	vmul.bf16 v24, v29  }
0xf9: {  	v52 =	vunpack.i.u.bf16.f32 v25;
	v22 =	vmul.bf16 v34, v26;
	v55 =	vmul.bf16 v15, v16;
	v53 =	vld.idx.msk [tilespmem:v11+s14+$0x0], $0xffff  }
0xfa: {  	v29 =	vand.u32 $0x3F, v45;
	v27 =	vunpack.i.u.bf16.f32 v42;
	v11 =	vunpack.i.l.bf16.f32 v20;
	v10 =	vld.idx.msk [tilespmem:v47+s14+$0x0], $0xffff  }
0xfb: {  	v25 =	vunpack.i.l.bf16.f32 v25;
	v56 =	vor.u32 v8, v29;
	v15 =	vadd.f32 v14, v32;
	v21 =	vld.idx.msk [tilespmem:v48+s14+$0x0], $0xffff  }
0xfc: {  	v57 =	vor.u32 v7, v29;
	v58 =	vmul.bf16 v41, v38;
	v17 =	vadd.f32 v11, v17;
	v14 =	vld.idx.msk [tilespmem:v19+s14+$0x0], $0xffff  }
0xfd: {  	v38 =	vunpack.i.u.bf16.f32 v20;
	v16 =	vor.u32 v6, v29;
	v34 =	vadd.f32 v15, v12;
	v24 =	vld.idx.msk [tilespmem:v28+s16+$0x0], $0xffff  }
0xfe: {  	v11 =	vadd.f32 v25, v44;
	v32 =	vmul.bf16 v49, v31;
	v31 =	vunpack.i.l.bf16.f32 v37;
	v12 =	vld.idx.msk [tilespmem:v13+s16+$0x0], $0xffff  }
0xff: {  	v59 =	vadd.f32 v36, v30;
	v60 =	vunpack.i.u.bf16.f32 v51;
	v61 =	vunpack.i.l.bf16.f32 v55;
	v26 =	vld.idx.msk [tilespmem:v23+s16+$0x0], $0xffff  }
0x100: {  	v62 =	vunpack.i.l.bf16.f32 v35;
	v36 =	vor.u32 v2, v29;
	v44 =	vadd.f32 v11, v52;
	v25 =	vld.idx.msk [tilespmem:v56+s14+$0x0], $0xffff  }
0x101: {  	v11 =	vor.u32 v5, v29;
	v17 =	vadd.f32 v17, v38;
	v38 =	vunpack.i.l.bf16.f32 v51;
	v20 =	vld.idx.msk [tilespmem:v47+s16+$0x0], $0xffff  }
0x102: {  	v45 =	vunpack.i.l.bf16.f32 v22;
	v37 =	vunpack.i.u.bf16.f32 v37;
	v47 =	vmul.bf16 v50, v53;
	v15 =	vld.idx.msk [tilespmem:v16+s16+$0x0], $0xffff  }
0x103: {  	v42 =	vunpack.i.l.bf16.f32 v42;
	v41 =	vunpack.i.u.bf16.f32 v55;
	v17 =	vadd.f32 v38, v17;
	v30 =	vld.idx.msk [tilespmem:v18+s16+$0x0], $0xffff  }
.Ltmp1:
0x104: {  	v0 =	vadd.f32 v0, v39;
	v55 =	vunpack.i.l.bf16.f32 v58;
	v49 =	vunpack.i.u.bf16.f32 v40;
	v38 =	vld.idx.msk [tilespmem:v57+s16+$0x0], $0xffff;
	(pc) =	sbr.rel @p0 .LBB2_5-.Ltmp1, $4  }
0x105: {  	v52 =	vunpack.i.u.bf16.f32 v58;
	v17 =	vadd.f32 v17, v60;
	v50 =	vunpack.i.u.bf16.f32 v35;
	v39 =	vld.idx.msk [tilespmem:v57+s14+$0x0], $0xffff  }
0x106: {  	v40 =	vor.u32 v4, v29;
	v53 =	vadd.f32 v42, v46;
	v51 =	vunpack.i.l.bf16.f32 v47;
	v35 =	vld.idx.msk [tilespmem:v36+s14+$0x0], $0xffff  }
0x107: {  	v46 =	vunpack.i.u.bf16.f32 v47;
	v47 =	vadd.f32 v61, v54;
	v54 =	vadd.f32 v43, v0;
	v42 =	vld.idx.msk [tilespmem:v56+s16+$0x0], $0xffff  }
0x108: {  	v55 =	vadd.f32 v55, v33;
	v33 =	vadd.f32 v62, v59;
	v43 =	vor.u32 v1, v29;
	v48 =	vld.idx.msk [tilespmem:v48+s16+$0x0], $0xffff  }
0x109: {  	_ =	sdelay $0x3  }
0x10a: {  	v0 =	vld.idx.msk [tilespmem:v28+s14+$0x0], $0xffff  }
0x10b: {  	v23 =	vld.idx.msk [tilespmem:v23+s14+$0x0], $0xffff  }
0x10c: {  	v19 =	vld.idx.msk [tilespmem:v19+s16+$0x0], $0xffff  }
0x10d: {  	v28 =	vadd.f32 v45, v44;
	v18 =	vld.idx.msk [tilespmem:v18+s14+$0x0], $0xffff  }
0x10e: {  	v29 =	vor.u32 v3, v29;
	v56 =	vadd.f32 v54, v49;
	v57 =	vunpack.i.l.bf16.f32 v32;
	v58 =	vld.idx.msk [tilespmem:v40+s16+$0x0], $0xffff  }
0x10f: {  	v27 =	vadd.f32 v53, v27;
	v22 =	vunpack.i.u.bf16.f32 v22;
	v60 =	vadd.f32 v47, v41;
	v13 =	vld.idx.msk [tilespmem:v13+s14+$0x0], $0xffff  }
0x110: {  	v59 =	vunpack.i.u.bf16.f32 v32;
	v62 =	vld.idx.msk [tilespmem:v40+s14+$0x0], $0xffff;
	v55 =	vadd.f32 v55, v52;
	v33 =	vadd.f32 v33, v50  }
0x111: {  	v16 =	vld.idx.msk [tilespmem:v16+s14+$0x0], $0xffff;
	v10 =	vmul.bf16 v20, v10;
	v34 =	vadd.f32 v57, v34;
	v22 =	vadd.f32 v28, v22  }
0x112: {  	v27 =	vadd.f32 v31, v27;
	v25 =	vmul.bf16 v42, v25;
	v21 =	vmul.bf16 v48, v21  }
0x113: {  	v44 =	vadd.f32 v51, v55;
	v0 =	vmul.bf16 v24, v0;
	v23 =	vmul.bf16 v26, v23  }
0x114: {  	v28 =	vld.idx.msk [tilespmem:v36+s16+$0x0], $0xffff;
	v32 =	vadd.f32 v34, v59;
	v26 =	vmul.bf16 v38, v39;
	v18 =	vmul.bf16 v30, v18  }
0x115: {  	v27 =	vadd.f32 v27, v37;
	v48 =	vld.idx.msk [tilespmem:v11+s16+$0x0], $0xffff;
	v14 =	vmul.bf16 v19, v14;
	v12 =	vmul.bf16 v12, v13  }
0x116: {  	v11 =	vld.idx.msk [tilespmem:v11+s14+$0x0], $0xffff;
	v31 =	vadd.f32 v44, v46;
	v47 =	vmul.bf16 v58, v62;
	v15 =	vmul.bf16 v15, v16  }
0x117: {  	v24 =	vld.idx.msk [tilespmem:v43+s16+$0x0], $0xffff;
	v16 =	vunpack.i.l.bf16.f32 v10;
	v10 =	vunpack.i.u.bf16.f32 v10;
	v42 =	vunpack.i.l.bf16.f32 v21  }
0x118: {  	v44 =	vld.idx.msk [tilespmem:v43+s14+$0x0], $0xffff;
	v21 =	vunpack.i.u.bf16.f32 v21;
	v16 =	vadd.f32 v16, v17;
	v61 =	vunpack.i.u.bf16.f32 v0  }
0x119: {  	v13 =	vld.idx.msk [tilespmem:v29+s14+$0x0], $0xffff;
	v0 =	vunpack.i.l.bf16.f32 v0;
	v33 =	vadd.f32 v42, v33;
	v45 =	vunpack.i.l.bf16.f32 v23  }
0x11a: {  	v20 =	vld.idx.msk [tilespmem:v29+s16+$0x0], $0xffff;
	v19 =	vunpack.i.u.bf16.f32 v23;
	v23 =	vmul.bf16 v28, v35;
	v29 =	vunpack.i.u.bf16.f32 v18  }
0x11b: {  	v30 =	vld.idx.msk [tilespmem:v9+s14+$0x0], $0xffff;
	v49 =	vunpack.i.u.bf16.f32 v12;
	v18 =	vunpack.i.l.bf16.f32 v18;
	v0 =	vadd.f32 v0, v56  }
0x11c: {  	v9 =	vld.idx.msk [tilespmem:v9+s16+$0x0], $0xffff;
	v12 =	vunpack.i.l.bf16.f32 v12;
	v28 =	vadd.f32 v45, v60;
	v17 =	vadd.f32 v18, v22  }
0x11d: {  	v18 =	vunpack.i.l.bf16.f32 v26;
	v10 =	vadd.f32 v16, v10;
	v16 =	vunpack.i.l.bf16.f32 v15  }
0x11e: {  	v12 =	vadd.f32 v12, v27;
	v11 =	vmul.bf16 v48, v11;
	v19 =	vadd.f32 v28, v19  }
0x11f: {  	v28 =	vunpack.i.u.bf16.f32 v14;
	v14 =	vunpack.i.l.bf16.f32 v14;
	v24 =	vmul.bf16 v24, v44  }
0x120: {  	v13 =	vmul.bf16 v20, v13;
	v20 =	vadd.f32 v33, v21;
	v17 =	vadd.f32 v17, v29  }
0x121: {  	v9 =	vmul.bf16 v9, v30;
	v0 =	vadd.f32 v0, v61;
	v14 =	vadd.f32 v14, v32  }
0x122: {  	v12 =	vadd.f32 v12, v49;
	v21 =	vunpack.i.u.bf16.f32 v24;
	v22 =	vunpack.i.l.bf16.f32 v24  }
0x123: {  	v24 =	vunpack.i.l.bf16.f32 v23;
	v14 =	vadd.f32 v14, v28;
	v28 =	vunpack.i.l.bf16.f32 v47  }
0x124: {  	v10 =	vadd.f32 v22, v10;
	v22 =	vunpack.i.l.bf16.f32 v9;
	v9 =	vunpack.i.u.bf16.f32 v9  }
0x125: {  	v20 =	vadd.f32 v24, v20;
	v24 =	vunpack.i.l.bf16.f32 v11;
	v22 =	vadd.f32 v22, v31  }
0x126: {  	v10 =	vadd.f32 v10, v21;
	v21 =	vunpack.i.u.bf16.f32 v23;
	v23 =	vunpack.i.l.bf16.f32 v13  }
0x127: {  	v17 =	vadd.f32 v28, v17;
	v13 =	vunpack.i.u.bf16.f32 v13;
	v14 =	vadd.f32 v23, v14  }
0x128: {  	v9 =	vadd.f32 v22, v9;
	v20 =	vadd.f32 v20, v21;
	v21 =	vunpack.i.u.bf16.f32 v47  }
0x129: {  	[tilespmem:s0+$0x14EA0] =	vst v10;
	v10 =	vunpack.i.u.bf16.f32 v11;
	v11 =	vadd.f32 v16, v19;
	v13 =	vadd.f32 v14, v13  }
0x12a: {  	v15 =	vunpack.i.u.bf16.f32 v15;
	v9 =	vadd.f32 v24, v9;
	v14 =	vadd.f32 v17, v21;
	[tilespmem:s0+$0x14EB0] =	vst v20  }
0x12b: {  	v46 =	vunpack.i.l.bf16.f32 v25;
	v12 =	vadd.f32 v18, v12;
	v11 =	vadd.f32 v11, v15;
	[tilespmem:s0+$0x14EC0] =	vst v13  }
0x12c: {  	v0 =	vadd.f32 v46, v0;
	v9 =	vadd.f32 v9, v10;
	v10 =	vunpack.i.u.bf16.f32 v26;
	[tilespmem:s0+$0x14ED0] =	vst v14  }
0x12d: {  	v13 =	vunpack.i.u.bf16.f32 v25;
	v10 =	vadd.f32 v12, v10;
	[tilespmem:s0+$0x14EF0] =	vst v11  }
0x12e: {  	v0 =	vadd.f32 v0, v13;
	[tilespmem:s0+$0x14EE0] =	vst v9  }
0x12f: {  	[tilespmem:s0+$0x14F00] =	vst v10  }
0x130: {  	s15 =	sadd.s32 $0x280, s0;
	[tilespmem:s0+$0x14F10] =	vst v0  }
0x131: {  	[tilespmem:s14], [sflag:$0x2] =	stream.indirect.gather [hbm4b:s3+s11], $0x40, s15, s11, $0xb8;
	[tilespmem:$0x17530] =	vst v63  }
0x132: {  	s19 =	sadd.s32 $0x2990, s0;
	s17 =	simm.s32 $0x0  }
0x133: {  	v0 =	vadd.s32 s17, v63;
	[tilespmem:s16], [sflag:$0x2] =	stream.indirect.gather [hbm4b:s4+s11], $0x40, s19, s11, $0xb8;
	[tilespmem:$0x17530] =	vst v63  }
0x134: {  	v0 =	vand.u32 $0x3F, v0;
	_ =	swait.ge [sflag:s28], $0x2000  }
0x135: {  	v10 =	vor.u32 v2, v0;
	[sflag:s28] =	ssyncset.done $0x0  }
0x136: {  	v11 =	vor.u32 v3, v0;
	[sflag:s28] =	ssyncadd.s32 $0xFFFFE000  }
0x137: {  	v12 =	vor.u32 v8, v0;
	_ =	swait.ge [sflag:s28], $0x2000  }
0x138: {  	v14 =	vor.u32 v7, v0;
	[sflag:s28] =	ssyncset.done $0x0  }
0x139: {  	v15 =	vor.u32 v6, v0;
	[sflag:s28] =	ssyncadd.s32 $0xFFFFE000  }
0x13a: {  	v22 =	vor.u32 v4, v0;
	v17 =	vld.idx.msk [tilespmem:v10+s18+$0x0], $0xffff  }
0x13b: {  	v19 =	vld.idx.msk [tilespmem:v11+s18+$0x0], $0xffff  }
0x13c: {  	v20 =	vld.idx.msk [tilespmem:v12+s20+$0x0], $0xffff  }
0x13d: {  	v23 =	vld.idx.msk [tilespmem:v14+s20+$0x0], $0xffff  }
0x13e: {  	s19 =	simm.s32 $0x1;
	v25 =	vld.idx.msk [tilespmem:v15+s20+$0x0], $0xffff  }
0x13f: {  	v13 =	vadd.s32 s19, v63;
	v28 =	vld.idx.msk [tilespmem:v22+s20+$0x0], $0xffff  }
0x140: {  	v13 =	vand.u32 $0x3F, v13;
	v10 =	vld.idx.msk [tilespmem:v10+s20+$0x0], $0xffff  }
0x141: {  	v18 =	vor.u32 v8, v13;
	v12 =	vld.idx.msk [tilespmem:v12+s18+$0x0], $0xffff  }
0x142: {  	v21 =	vor.u32 v6, v13;
	v15 =	vld.idx.msk [tilespmem:v15+s18+$0x0], $0xffff  }
0x143: {  	v24 =	vor.u32 v7, v13;
	v22 =	vld.idx.msk [tilespmem:v22+s18+$0x0], $0xffff  }
0x144: {  	v11 =	vld.idx.msk [tilespmem:v11+s20+$0x0], $0xffff  }
0x145: {  	v14 =	vld.idx.msk [tilespmem:v14+s18+$0x0], $0xffff  }
0x146: {  	v26 =	vld.idx.msk [tilespmem:v18+s18+$0x0], $0xffff  }
0x147: {  	v56 =	vor.u32 v5, v13;
	v29 =	vld.idx.msk [tilespmem:v21+s20+$0x0], $0xffff  }
0x148: {  	v30 =	vld.idx.msk [tilespmem:v24+s20+$0x0], $0xffff  }
0x149: {  	v24 =	vld.idx.msk [tilespmem:v24+s18+$0x0], $0xffff  }
0x14a: {  	v9 =	vor.u32 v1, v0;
	v18 =	vld.idx.msk [tilespmem:v18+s20+$0x0], $0xffff  }
0x14b: {  	v21 =	vld.idx.msk [tilespmem:v21+s18+$0x0], $0xffff  }
0x14c: {  	v27 =	vor.u32 v2, v13;
	v50 =	vor.u32 v4, v13;
	v46 =	vld.idx.msk [tilespmem:v56+s20+$0x0], $0xffff  }
0x14d: {  	v51 =	vor.u32 v1, v13;
	v13 =	vor.u32 v3, v13;
	v49 =	vld.idx.msk [tilespmem:v56+s18+$0x0], $0xffff;
	v10 =	vmul.bf16 v10, v17  }
0x14e: {  	v55 =	vimm.f32 $0.0e+00;
	v12 =	vmul.bf16 v20, v12;
	v15 =	vmul.bf16 v25, v15  }
0x14f: {  	s17 =	simm.s32 $0x3;
	v0 =	vor.u32 v5, v0;
	v16 =	vld.idx.msk [tilespmem:v9+s18+$0x0], $0xffff;
	v25 =	vmul.bf16 v28, v22;
	v11 =	vmul.bf16 v11, v19  }
0x150: {  	v9 =	vld.idx.msk [tilespmem:v9+s20+$0x0], $0xffff;
	v20 =	vadd.s32 s17, v63;
	v38 =	vmul.bf16 v23, v14;
	v30 =	vmul.bf16 v30, v24  }
0x151: {  	v31 =	vld.idx.msk [tilespmem:v27+s18+$0x0], $0xffff;
	v39 =	vmul.bf16 v18, v26;
	v60 =	vmul.bf16 v29, v21;
	v29 =	vand.u32 $0x3F, v20  }
0x152: {  	v59 =	vld.idx.msk [tilespmem:v13+s20+$0x0], $0xffff;
	v46 =	vmul.bf16 v46, v49;
	v35 =	vunpack.i.u.bf16.f32 v12;
	v12 =	vunpack.i.l.bf16.f32 v12  }
0x153: {  	v17 =	vld.idx.msk [tilespmem:v27+s20+$0x0], $0xffff;
	v18 =	vunpack.i.l.bf16.f32 v10;
	v36 =	vunpack.i.u.bf16.f32 v10;
	v10 =	vunpack.i.l.bf16.f32 v15  }
0x154: {  	v27 =	vld.idx.msk [tilespmem:v50+s20+$0x0], $0xffff;
	v15 =	vunpack.i.u.bf16.f32 v15;
	v58 =	vunpack.i.u.bf16.f32 v11;
	v11 =	vunpack.i.l.bf16.f32 v11  }
0x155: {  	v22 =	vld.idx.msk [tilespmem:v51+s18+$0x0], $0xffff;
	v62 =	vunpack.i.u.bf16.f32 v25;
	v54 =	vor.u32 v8, v29;
	v20 =	vunpack.i.l.bf16.f32 v25  }
0x156: {  	s19 =	simm.s32 $0x2;
	v24 =	vld.idx.msk [tilespmem:v51+s20+$0x0], $0xffff;
	v51 =	vor.u32 v7, v29;
	v53 =	vunpack.i.l.bf16.f32 v38;
	v40 =	vadd.f32 v12, v55  }
0x157: {  	v12 =	vld.idx.msk [tilespmem:v50+s18+$0x0], $0xffff;
	v57 =	vadd.f32 v18, v55;
	v18 =	vadd.s32 s19, v63;
	v10 =	vadd.f32 v10, v55  }
0x158: {  	v43 =	vunpack.i.l.bf16.f32 v39;
	v26 =	vand.u32 $0x3F, v18;
	v33 =	vmul.bf16 v17, v31;
	v17 =	vld.idx.msk [tilespmem:v0+s18+$0x0], $0xffff  }
0x159: {  	v11 =	vadd.f32 v11, v55;
	v37 =	vunpack.i.u.bf16.f32 v30;
	v0 =	vld.idx.msk [tilespmem:v0+s20+$0x0], $0xffff;
	v41 =	vor.u32 v1, v26  }
0x15a: {  	v49 =	vunpack.i.u.bf16.f32 v39;
	v48 =	vor.u32 v2, v26;
	v47 =	vadd.f32 v10, v15;
	v15 =	vld.idx.msk [tilespmem:v13+s18+$0x0], $0xffff  }
0x15b: {  	v53 =	vadd.f32 v53, v55;
	v31 =	vmul.bf16 v9, v16;
	v19 =	vor.u32 v3, v26;
	v25 =	vld.idx.msk [tilespmem:v54+s18+$0x0], $0xffff  }
0x15c: {  	v18 =	vor.u32 v4, v26;
	v13 =	vor.u32 v7, v26;
	v28 =	vor.u32 v8, v26;
	v39 =	vld.idx.msk [tilespmem:v51+s18+$0x0], $0xffff  }
0x15d: {  	v45 =	vmul.bf16 v24, v22;
	v22 =	vmul.bf16 v27, v12;
	v27 =	vunpack.i.u.bf16.f32 v38;
	v38 =	vld.idx.msk [tilespmem:v51+s20+$0x0], $0xffff  }
0x15e: {  	v23 =	vor.u32 v6, v26;
	v34 =	vadd.f32 v11, v58;
	v11 =	vadd.f32 v20, v55;
	v10 =	vld.idx.msk [tilespmem:v41+s18+$0x0], $0xffff  }
0x15f: {  	v9 =	vor.u32 v5, v26;
	v16 =	vor.u32 v6, v29;
	v56 =	vadd.f32 v57, v36;
	v21 =	vld.idx.msk [tilespmem:v48+s18+$0x0], $0xffff  }
0x160: {  	v57 =	vunpack.i.l.bf16.f32 v60;
	v36 =	vor.u32 v2, v29;
	v44 =	vadd.f32 v11, v62;
	v14 =	vld.idx.msk [tilespmem:v19+s18+$0x0], $0xffff  }
0x161: {  	v58 =	vunpack.i.l.bf16.f32 v33;
	v11 =	vor.u32 v5, v29;
	v12 =	vunpack.i.l.bf16.f32 v31;
	v24 =	vld.idx.msk [tilespmem:v28+s20+$0x0], $0xffff  }
0x162: {  	v50 =	vunpack.i.u.bf16.f32 v33;
	v47 =	vadd.f32 v57, v47;
	v61 =	vadd.f32 v12, v55;
	v12 =	vld.idx.msk [tilespmem:v13+s20+$0x0], $0xffff  }
0x163: {  	v42 =	vunpack.i.u.bf16.f32 v45;
	v62 =	vunpack.i.l.bf16.f32 v45;
	v51 =	vunpack.i.l.bf16.f32 v46;
	v26 =	vld.idx.msk [tilespmem:v23+s20+$0x0], $0xffff  }
0x164: {  	v46 =	vunpack.i.u.bf16.f32 v46;
	v0 =	vmul.bf16 v0, v17;
	v17 =	vunpack.i.u.bf16.f32 v31;
	v20 =	vld.idx.msk [tilespmem:v41+s20+$0x0], $0xffff  }
0x165: {  	v33 =	vadd.f32 v58, v56;
	v32 =	vmul.bf16 v59, v15;
	v15 =	vld.idx.msk [tilespmem:v16+s20+$0x0], $0xffff;
	v17 =	vadd.f32 v61, v17  }
0x166: {  	v31 =	vunpack.i.l.bf16.f32 v30;
	v45 =	vunpack.i.l.bf16.f32 v22;
	v30 =	vld.idx.msk [tilespmem:v18+s20+$0x0], $0xffff;
	v41 =	vunpack.i.u.bf16.f32 v60  }
0x167: {  	v60 =	vadd.f32 v40, v35;
	v35 =	vld.idx.msk [tilespmem:v36+s18+$0x0], $0xffff;
	v59 =	vunpack.i.l.bf16.f32 v0;
	v17 =	vadd.f32 v62, v17  }
0x168: {  	v40 =	vor.u32 v4, v29;
	v48 =	vld.idx.msk [tilespmem:v48+s20+$0x0], $0xffff;
	v52 =	vunpack.i.u.bf16.f32 v0;
	v55 =	vadd.f32 v59, v55  }
0x169: {  	s15 =	simm.s32 $0x4;
	v17 =	vadd.f32 v17, v42;
	v42 =	vld.idx.msk [tilespmem:v54+s20+$0x0], $0xffff;
	v54 =	vadd.f32 v43, v60;
	v43 =	vor.u32 v1, v29  }
.LBB2_7:
0x16a: {  	s17 =	sadd.s32 $0x1, s15  }
0x16b: {  	p0 =	slt.u32 s15, $0x3E;
	v0 =	vld.idx.msk [tilespmem:v28+s18+$0x0], $0xffff;
	v28 =	vor.u32 v3, v29;
	v29 =	vunpack.i.l.bf16.f32 v32;
	v44 =	vadd.f32 v45, v44;
	s19 =	smov.u32 s15;
	s15 =	sadd.s32 $0x2, s15  }
0x16c: {  	v49 =	vadd.f32 v54, v49;
	v45 =	vadd.s32 s17, v63;
	v23 =	vld.idx.msk [tilespmem:v23+s18+$0x0], $0xffff;
	v52 =	vadd.f32 v55, v52  }
0x16d: {  	v27 =	vadd.f32 v53, v27;
	v50 =	vadd.f32 v33, v50;
	v19 =	vld.idx.msk [tilespmem:v19+s20+$0x0], $0xffff  }
0x16e: {  	v22 =	vunpack.i.u.bf16.f32 v22;
	v29 =	vadd.f32 v29, v34;
	v18 =	vld.idx.msk [tilespmem:v18+s18+$0x0], $0xffff;
	v33 =	vadd.f32 v51, v52  }
0x16f: {  	v32 =	vunpack.i.u.bf16.f32 v32;
	v44 =	vadd.f32 v44, v22;
	v22 =	vadd.f32 v31, v27;
	v34 =	vld.idx.msk [tilespmem:v40+s20+$0x0], $0xffff  }
0x170: {  	v31 =	vadd.f32 v47, v41;
	v21 =	vmul.bf16 v48, v21;
	v27 =	vld.idx.msk [tilespmem:v36+s20+$0x0], $0xffff;
	v33 =	vadd.f32 v33, v46  }
0x171: {  	v32 =	vadd.f32 v29, v32;
	v0 =	vmul.bf16 v24, v0;
	v46 =	vadd.f32 v22, v37;
	v24 =	vld.idx.msk [tilespmem:v43+s20+$0x0], $0xffff  }
0x172: {  	v37 =	vmul.bf16 v38, v39;
	v22 =	vmul.bf16 v26, v23;
	v13 =	vld.idx.msk [tilespmem:v13+s18+$0x0], $0xffff  }
0x173: {  	v39 =	vunpack.i.u.bf16.f32 v0;
	v0 =	vunpack.i.l.bf16.f32 v0;
	v26 =	vld.idx.msk [tilespmem:v40+s18+$0x0], $0xffff;
	v40 =	vmul.bf16 v42, v25  }
0x174: {  	v23 =	vunpack.i.l.bf16.f32 v21;
	v25 =	vmul.bf16 v30, v18;
	v0 =	vadd.f32 v0, v49;
	v29 =	vld.idx.msk [tilespmem:v43+s18+$0x0], $0xffff  }
0x175: {  	v36 =	vadd.f32 v23, v50;
	v30 =	vunpack.i.u.bf16.f32 v21;
	v18 =	vunpack.i.l.bf16.f32 v22;
	v38 =	vld.idx.msk [tilespmem:v9+s18+$0x0], $0xffff  }
0x176: {  	v14 =	vmul.bf16 v19, v14;
	v35 =	vmul.bf16 v27, v35;
	v41 =	vld.idx.msk [tilespmem:v9+s20+$0x0], $0xffff;
	v9 =	vunpack.i.u.bf16.f32 v22  }
0x177: {  	v19 =	vadd.s32 s19, v63;
	v18 =	vadd.f32 v18, v31;
	v43 =	vunpack.i.l.bf16.f32 v40;
	v16 =	vld.idx.msk [tilespmem:v16+s18+$0x0], $0xffff  }
0x178: {  	v20 =	vmul.bf16 v20, v10;
	v21 =	vand.u32 $0x3F, v19;
	v42 =	vmul.bf16 v12, v13;
	v31 =	vld.idx.msk [tilespmem:v28+s18+$0x0], $0xffff  }
0x179: {  	v47 =	vor.u32 v1, v21;
	v48 =	vor.u32 v2, v21;
	v54 =	vadd.f32 v18, v9;
	v49 =	vld.idx.msk [tilespmem:v28+s20+$0x0], $0xffff  }
0x17a: {  	v19 =	vor.u32 v3, v21;
	v18 =	vor.u32 v4, v21;
	v12 =	vunpack.i.u.bf16.f32 v14  }
0x17b: {  	v23 =	vor.u32 v6, v21;
	v9 =	vor.u32 v5, v21;
	v14 =	vunpack.i.l.bf16.f32 v14;
	v50 =	vld.idx.msk [tilespmem:v11+s20+$0x0], $0xffff  }
0x17c: {  	v13 =	vor.u32 v7, v21;
	v28 =	vor.u32 v8, v21;
	v51 =	vmul.bf16 v24, v29  }
0x17d: {  	v52 =	vunpack.i.u.bf16.f32 v25;
	v22 =	vmul.bf16 v34, v26;
	v55 =	vmul.bf16 v15, v16;
	v53 =	vld.idx.msk [tilespmem:v11+s18+$0x0], $0xffff  }
0x17e: {  	v29 =	vand.u32 $0x3F, v45;
	v27 =	vunpack.i.u.bf16.f32 v42;
	v11 =	vunpack.i.l.bf16.f32 v20;
	v10 =	vld.idx.msk [tilespmem:v47+s18+$0x0], $0xffff  }
0x17f: {  	v25 =	vunpack.i.l.bf16.f32 v25;
	v56 =	vor.u32 v8, v29;
	v15 =	vadd.f32 v14, v32;
	v21 =	vld.idx.msk [tilespmem:v48+s18+$0x0], $0xffff  }
0x180: {  	v57 =	vor.u32 v7, v29;
	v58 =	vmul.bf16 v41, v38;
	v17 =	vadd.f32 v11, v17;
	v14 =	vld.idx.msk [tilespmem:v19+s18+$0x0], $0xffff  }
0x181: {  	v38 =	vunpack.i.u.bf16.f32 v20;
	v16 =	vor.u32 v6, v29;
	v34 =	vadd.f32 v15, v12;
	v24 =	vld.idx.msk [tilespmem:v28+s20+$0x0], $0xffff  }
0x182: {  	v11 =	vadd.f32 v25, v44;
	v32 =	vmul.bf16 v49, v31;
	v31 =	vunpack.i.l.bf16.f32 v37;
	v12 =	vld.idx.msk [tilespmem:v13+s20+$0x0], $0xffff  }
0x183: {  	v59 =	vadd.f32 v36, v30;
	v60 =	vunpack.i.u.bf16.f32 v51;
	v61 =	vunpack.i.l.bf16.f32 v55;
	v26 =	vld.idx.msk [tilespmem:v23+s20+$0x0], $0xffff  }
0x184: {  	v62 =	vunpack.i.l.bf16.f32 v35;
	v36 =	vor.u32 v2, v29;
	v44 =	vadd.f32 v11, v52;
	v25 =	vld.idx.msk [tilespmem:v56+s18+$0x0], $0xffff  }
0x185: {  	v11 =	vor.u32 v5, v29;
	v17 =	vadd.f32 v17, v38;
	v38 =	vunpack.i.l.bf16.f32 v51;
	v20 =	vld.idx.msk [tilespmem:v47+s20+$0x0], $0xffff  }
0x186: {  	v45 =	vunpack.i.l.bf16.f32 v22;
	v37 =	vunpack.i.u.bf16.f32 v37;
	v47 =	vmul.bf16 v50, v53;
	v15 =	vld.idx.msk [tilespmem:v16+s20+$0x0], $0xffff  }
0x187: {  	v42 =	vunpack.i.l.bf16.f32 v42;
	v41 =	vunpack.i.u.bf16.f32 v55;
	v17 =	vadd.f32 v38, v17;
	v30 =	vld.idx.msk [tilespmem:v18+s20+$0x0], $0xffff  }
.Ltmp2:
0x188: {  	v0 =	vadd.f32 v0, v39;
	v55 =	vunpack.i.l.bf16.f32 v58;
	v49 =	vunpack.i.u.bf16.f32 v40;
	v38 =	vld.idx.msk [tilespmem:v57+s20+$0x0], $0xffff;
	(pc) =	sbr.rel @p0 .LBB2_7-.Ltmp2, $4  }
0x189: {  	v52 =	vunpack.i.u.bf16.f32 v58;
	v17 =	vadd.f32 v17, v60;
	v50 =	vunpack.i.u.bf16.f32 v35;
	v39 =	vld.idx.msk [tilespmem:v57+s18+$0x0], $0xffff  }
0x18a: {  	v40 =	vor.u32 v4, v29;
	v53 =	vadd.f32 v42, v46;
	v51 =	vunpack.i.l.bf16.f32 v47;
	v35 =	vld.idx.msk [tilespmem:v36+s18+$0x0], $0xffff  }
0x18b: {  	v46 =	vunpack.i.u.bf16.f32 v47;
	v47 =	vadd.f32 v61, v54;
	v54 =	vadd.f32 v43, v0;
	v42 =	vld.idx.msk [tilespmem:v56+s20+$0x0], $0xffff  }
0x18c: {  	v55 =	vadd.f32 v55, v33;
	v33 =	vadd.f32 v62, v59;
	v43 =	vor.u32 v1, v29;
	v48 =	vld.idx.msk [tilespmem:v48+s20+$0x0], $0xffff  }
0x18d: {  	_ =	sdelay $0x3  }
0x18e: {  	v0 =	vld.idx.msk [tilespmem:v28+s18+$0x0], $0xffff  }
0x18f: {  	v23 =	vld.idx.msk [tilespmem:v23+s18+$0x0], $0xffff  }
0x190: {  	v19 =	vld.idx.msk [tilespmem:v19+s20+$0x0], $0xffff  }
0x191: {  	v28 =	vadd.f32 v45, v44;
	v18 =	vld.idx.msk [tilespmem:v18+s18+$0x0], $0xffff  }
0x192: {  	v29 =	vor.u32 v3, v29;
	v56 =	vadd.f32 v54, v49;
	v57 =	vunpack.i.l.bf16.f32 v32;
	v58 =	vld.idx.msk [tilespmem:v40+s20+$0x0], $0xffff  }
0x193: {  	v27 =	vadd.f32 v53, v27;
	v22 =	vunpack.i.u.bf16.f32 v22;
	v60 =	vadd.f32 v47, v41;
	v13 =	vld.idx.msk [tilespmem:v13+s18+$0x0], $0xffff  }
0x194: {  	v59 =	vunpack.i.u.bf16.f32 v32;
	v62 =	vld.idx.msk [tilespmem:v40+s18+$0x0], $0xffff;
	v55 =	vadd.f32 v55, v52;
	v33 =	vadd.f32 v33, v50  }
0x195: {  	v16 =	vld.idx.msk [tilespmem:v16+s18+$0x0], $0xffff;
	v10 =	vmul.bf16 v20, v10;
	v34 =	vadd.f32 v57, v34;
	v22 =	vadd.f32 v28, v22  }
0x196: {  	v27 =	vadd.f32 v31, v27;
	v25 =	vmul.bf16 v42, v25;
	v21 =	vmul.bf16 v48, v21  }
0x197: {  	v44 =	vadd.f32 v51, v55;
	v0 =	vmul.bf16 v24, v0;
	v23 =	vmul.bf16 v26, v23  }
0x198: {  	v28 =	vld.idx.msk [tilespmem:v36+s20+$0x0], $0xffff;
	v32 =	vadd.f32 v34, v59;
	v26 =	vmul.bf16 v38, v39;
	v18 =	vmul.bf16 v30, v18  }
0x199: {  	v27 =	vadd.f32 v27, v37;
	v48 =	vld.idx.msk [tilespmem:v11+s20+$0x0], $0xffff;
	v14 =	vmul.bf16 v19, v14;
	v12 =	vmul.bf16 v12, v13  }
0x19a: {  	v11 =	vld.idx.msk [tilespmem:v11+s18+$0x0], $0xffff;
	v31 =	vadd.f32 v44, v46;
	v47 =	vmul.bf16 v58, v62;
	v15 =	vmul.bf16 v15, v16  }
0x19b: {  	v24 =	vld.idx.msk [tilespmem:v43+s20+$0x0], $0xffff;
	v16 =	vunpack.i.l.bf16.f32 v10;
	v10 =	vunpack.i.u.bf16.f32 v10;
	v42 =	vunpack.i.l.bf16.f32 v21  }
0x19c: {  	v44 =	vld.idx.msk [tilespmem:v43+s18+$0x0], $0xffff;
	v21 =	vunpack.i.u.bf16.f32 v21;
	v16 =	vadd.f32 v16, v17;
	v61 =	vunpack.i.u.bf16.f32 v0  }
0x19d: {  	v13 =	vld.idx.msk [tilespmem:v29+s18+$0x0], $0xffff;
	v0 =	vunpack.i.l.bf16.f32 v0;
	v33 =	vadd.f32 v42, v33;
	v45 =	vunpack.i.l.bf16.f32 v23  }
0x19e: {  	v20 =	vld.idx.msk [tilespmem:v29+s20+$0x0], $0xffff;
	v19 =	vunpack.i.u.bf16.f32 v23;
	v23 =	vmul.bf16 v28, v35;
	v29 =	vunpack.i.u.bf16.f32 v18  }
0x19f: {  	v30 =	vld.idx.msk [tilespmem:v9+s18+$0x0], $0xffff;
	v49 =	vunpack.i.u.bf16.f32 v12;
	v18 =	vunpack.i.l.bf16.f32 v18;
	v0 =	vadd.f32 v0, v56  }
0x1a0: {  	v9 =	vld.idx.msk [tilespmem:v9+s20+$0x0], $0xffff;
	v12 =	vunpack.i.l.bf16.f32 v12;
	v28 =	vadd.f32 v45, v60;
	v17 =	vadd.f32 v18, v22  }
0x1a1: {  	v18 =	vunpack.i.l.bf16.f32 v26;
	v10 =	vadd.f32 v16, v10;
	v16 =	vunpack.i.l.bf16.f32 v15  }
0x1a2: {  	v12 =	vadd.f32 v12, v27;
	v11 =	vmul.bf16 v48, v11;
	v19 =	vadd.f32 v28, v19  }
0x1a3: {  	v28 =	vunpack.i.u.bf16.f32 v14;
	v14 =	vunpack.i.l.bf16.f32 v14;
	v24 =	vmul.bf16 v24, v44  }
0x1a4: {  	v13 =	vmul.bf16 v20, v13;
	v20 =	vadd.f32 v33, v21;
	v17 =	vadd.f32 v17, v29  }
0x1a5: {  	v9 =	vmul.bf16 v9, v30;
	v0 =	vadd.f32 v0, v61;
	v14 =	vadd.f32 v14, v32  }
0x1a6: {  	v12 =	vadd.f32 v12, v49;
	v21 =	vunpack.i.u.bf16.f32 v24;
	v22 =	vunpack.i.l.bf16.f32 v24  }
0x1a7: {  	v24 =	vunpack.i.l.bf16.f32 v23;
	v14 =	vadd.f32 v14, v28;
	v28 =	vunpack.i.l.bf16.f32 v47  }
0x1a8: {  	v10 =	vadd.f32 v22, v10;
	v22 =	vunpack.i.l.bf16.f32 v9;
	v9 =	vunpack.i.u.bf16.f32 v9  }
0x1a9: {  	v20 =	vadd.f32 v24, v20;
	v24 =	vunpack.i.l.bf16.f32 v11;
	v22 =	vadd.f32 v22, v31  }
0x1aa: {  	v10 =	vadd.f32 v10, v21;
	v21 =	vunpack.i.u.bf16.f32 v23;
	v23 =	vunpack.i.l.bf16.f32 v13  }
0x1ab: {  	v17 =	vadd.f32 v28, v17;
	v13 =	vunpack.i.u.bf16.f32 v13;
	v14 =	vadd.f32 v23, v14  }
0x1ac: {  	v9 =	vadd.f32 v22, v9;
	v20 =	vadd.f32 v20, v21;
	v21 =	vunpack.i.u.bf16.f32 v47  }
0x1ad: {  	[tilespmem:s0+$0x14F20] =	vst v10;
	v10 =	vunpack.i.u.bf16.f32 v11;
	v11 =	vadd.f32 v16, v19;
	v13 =	vadd.f32 v14, v13  }
0x1ae: {  	v15 =	vunpack.i.u.bf16.f32 v15;
	v9 =	vadd.f32 v24, v9;
	v14 =	vadd.f32 v17, v21;
	[tilespmem:s0+$0x14F30] =	vst v20  }
0x1af: {  	v46 =	vunpack.i.l.bf16.f32 v25;
	v12 =	vadd.f32 v18, v12;
	v11 =	vadd.f32 v11, v15;
	[tilespmem:s0+$0x14F40] =	vst v13  }
0x1b0: {  	v0 =	vadd.f32 v46, v0;
	v9 =	vadd.f32 v9, v10;
	v10 =	vunpack.i.u.bf16.f32 v26;
	[tilespmem:s0+$0x14F50] =	vst v14  }
0x1b1: {  	v13 =	vunpack.i.u.bf16.f32 v25;
	v10 =	vadd.f32 v12, v10;
	[tilespmem:s0+$0x14F70] =	vst v11  }
0x1b2: {  	v0 =	vadd.f32 v0, v13;
	[tilespmem:s0+$0x14F60] =	vst v9  }
0x1b3: {  	s15 =	smin.u32 s0, $0x2390;
	[tilespmem:s0+$0x14F80] =	vst v10  }
0x1b4: {  	s17 =	sadd.s32 $0x300, s15;
	[tilespmem:s0+$0x14F90] =	vst v0  }
0x1b5: {  	[tilespmem:s18], [sflag:$0x3] =	stream.indirect.gather [hbm4b:s3+s11], $0x40, s17, s11, $0xb8;
	[tilespmem:$0x17530] =	vst v63  }
0x1b6: {  	s19 =	simm.s32 $0x0;
	s15 =	sadd.s32 $0x2A10, s15  }
0x1b7: {  	v0 =	vadd.s32 s19, v63;
	[tilespmem:s20], [sflag:$0x3] =	stream.indirect.gather [hbm4b:s4+s11], $0x40, s15, s11, $0xb8;
	[tilespmem:$0x17530] =	vst v63  }
0x1b8: {  	v0 =	vand.u32 $0x3F, v0;
	_ =	swait.ge [sflag:s29], $0x2000  }
0x1b9: {  	v10 =	vor.u32 v2, v0;
	[sflag:s29] =	ssyncset.done $0x0  }
0x1ba: {  	v11 =	vor.u32 v3, v0;
	[sflag:s29] =	ssyncadd.s32 $0xFFFFE000  }
0x1bb: {  	s19 =	simm.s32 $0x1;
	v12 =	vor.u32 v8, v0;
	_ =	swait.ge [sflag:s29], $0x2000  }
0x1bc: {  	v13 =	vadd.s32 s19, v63;
	v14 =	vor.u32 v7, v0;
	[sflag:s29] =	ssyncset.done $0x0  }
0x1bd: {  	v15 =	vor.u32 v6, v0;
	v13 =	vand.u32 $0x3F, v13;
	[sflag:s29] =	ssyncadd.s32 $0xFFFFE000  }
0x1be: {  	v18 =	vor.u32 v8, v13;
	v17 =	vld.idx.msk [tilespmem:v10+s22+$0x0], $0xffff  }
0x1bf: {  	v21 =	vor.u32 v6, v13;
	v19 =	vld.idx.msk [tilespmem:v11+s22+$0x0], $0xffff  }
0x1c0: {  	v22 =	vor.u32 v4, v0;
	v20 =	vld.idx.msk [tilespmem:v12+s24+$0x0], $0xffff  }
0x1c1: {  	v24 =	vor.u32 v7, v13;
	v23 =	vld.idx.msk [tilespmem:v14+s24+$0x0], $0xffff  }
0x1c2: {  	v25 =	vld.idx.msk [tilespmem:v15+s24+$0x0], $0xffff  }
0x1c3: {  	v26 =	vld.idx.msk [tilespmem:v18+s22+$0x0], $0xffff  }
0x1c4: {  	v29 =	vld.idx.msk [tilespmem:v21+s24+$0x0], $0xffff  }
0x1c5: {  	v28 =	vld.idx.msk [tilespmem:v22+s24+$0x0], $0xffff  }
0x1c6: {  	v30 =	vld.idx.msk [tilespmem:v24+s24+$0x0], $0xffff  }
0x1c7: {  	v24 =	vld.idx.msk [tilespmem:v24+s22+$0x0], $0xffff  }
0x1c8: {  	v10 =	vld.idx.msk [tilespmem:v10+s24+$0x0], $0xffff  }
0x1c9: {  	v12 =	vld.idx.msk [tilespmem:v12+s22+$0x0], $0xffff  }
0x1ca: {  	v15 =	vld.idx.msk [tilespmem:v15+s22+$0x0], $0xffff  }
0x1cb: {  	v56 =	vor.u32 v5, v13;
	v18 =	vld.idx.msk [tilespmem:v18+s24+$0x0], $0xffff  }
0x1cc: {  	v22 =	vld.idx.msk [tilespmem:v22+s22+$0x0], $0xffff  }
0x1cd: {  	v11 =	vld.idx.msk [tilespmem:v11+s24+$0x0], $0xffff  }
0x1ce: {  	v14 =	vld.idx.msk [tilespmem:v14+s22+$0x0], $0xffff  }
0x1cf: {  	v9 =	vor.u32 v1, v0;
	v21 =	vld.idx.msk [tilespmem:v21+s22+$0x0], $0xffff  }
0x1d0: {  	v46 =	vld.idx.msk [tilespmem:v56+s24+$0x0], $0xffff  }
0x1d1: {  	v27 =	vor.u32 v2, v13;
	v50 =	vor.u32 v4, v13;
	v51 =	vor.u32 v1, v13;
	v49 =	vld.idx.msk [tilespmem:v56+s22+$0x0], $0xffff  }
0x1d2: {  	v13 =	vor.u32 v3, v13;
	v10 =	vmul.bf16 v10, v17;
	v12 =	vmul.bf16 v20, v12  }
0x1d3: {  	v15 =	vmul.bf16 v25, v15;
	v30 =	vmul.bf16 v30, v24  }
0x1d4: {  	v55 =	vimm.f32 $0.0e+00;
	v16 =	vld.idx.msk [tilespmem:v9+s22+$0x0], $0xffff;
	v39 =	vmul.bf16 v18, v26;
	v25 =	vmul.bf16 v28, v22  }
0x1d5: {  	s17 =	simm.s32 $0x3;
	v0 =	vor.u32 v5, v0;
	v9 =	vld.idx.msk [tilespmem:v9+s24+$0x0], $0xffff;
	v11 =	vmul.bf16 v11, v19;
	v38 =	vmul.bf16 v23, v14  }
0x1d6: {  	v31 =	vld.idx.msk [tilespmem:v27+s22+$0x0], $0xffff;
	v20 =	vadd.s32 s17, v63;
	v60 =	vmul.bf16 v29, v21;
	v46 =	vmul.bf16 v46, v49  }
0x1d7: {  	v59 =	vld.idx.msk [tilespmem:v13+s24+$0x0], $0xffff;
	v29 =	vand.u32 $0x3F, v20;
	v35 =	vunpack.i.u.bf16.f32 v12;
	v12 =	vunpack.i.l.bf16.f32 v12  }
0x1d8: {  	v17 =	vld.idx.msk [tilespmem:v27+s24+$0x0], $0xffff;
	v18 =	vunpack.i.l.bf16.f32 v10;
	v36 =	vunpack.i.u.bf16.f32 v10;
	v10 =	vunpack.i.l.bf16.f32 v15  }
0x1d9: {  	v27 =	vld.idx.msk [tilespmem:v50+s24+$0x0], $0xffff;
	v15 =	vunpack.i.u.bf16.f32 v15;
	v43 =	vunpack.i.l.bf16.f32 v39;
	v58 =	vunpack.i.u.bf16.f32 v11  }
0x1da: {  	v24 =	vld.idx.msk [tilespmem:v51+s24+$0x0], $0xffff;
	v11 =	vunpack.i.l.bf16.f32 v11;
	v62 =	vunpack.i.u.bf16.f32 v25;
	v54 =	vor.u32 v8, v29  }
0x1db: {  	s19 =	simm.s32 $0x2;
	v22 =	vld.idx.msk [tilespmem:v51+s22+$0x0], $0xffff;
	v20 =	vunpack.i.l.bf16.f32 v25;
	v51 =	vor.u32 v7, v29;
	v37 =	vunpack.i.u.bf16.f32 v30  }
0x1dc: {  	v40 =	vadd.f32 v12, v55;
	v12 =	vld.idx.msk [tilespmem:v50+s22+$0x0], $0xffff;
	v57 =	vadd.f32 v18, v55;
	v18 =	vadd.s32 s19, v63  }
0x1dd: {  	v10 =	vadd.f32 v10, v55;
	v26 =	vand.u32 $0x3F, v18;
	v33 =	vmul.bf16 v17, v31;
	v17 =	vld.idx.msk [tilespmem:v0+s22+$0x0], $0xffff  }
0x1de: {  	v53 =	vunpack.i.l.bf16.f32 v38;
	v49 =	vunpack.i.u.bf16.f32 v39;
	v0 =	vld.idx.msk [tilespmem:v0+s24+$0x0], $0xffff;
	v41 =	vor.u32 v1, v26  }
0x1df: {  	v11 =	vadd.f32 v11, v55;
	v48 =	vor.u32 v2, v26;
	v47 =	vadd.f32 v10, v15;
	v15 =	vld.idx.msk [tilespmem:v13+s22+$0x0], $0xffff  }
0x1e0: {  	v53 =	vadd.f32 v53, v55;
	v31 =	vmul.bf16 v9, v16;
	v19 =	vor.u32 v3, v26;
	v25 =	vld.idx.msk [tilespmem:v54+s22+$0x0], $0xffff  }
0x1e1: {  	v18 =	vor.u32 v4, v26;
	v13 =	vor.u32 v7, v26;
	v28 =	vor.u32 v8, v26;
	v39 =	vld.idx.msk [tilespmem:v51+s22+$0x0], $0xffff  }
0x1e2: {  	v45 =	vmul.bf16 v24, v22;
	v22 =	vmul.bf16 v27, v12;
	v27 =	vunpack.i.u.bf16.f32 v38;
	v38 =	vld.idx.msk [tilespmem:v51+s24+$0x0], $0xffff  }
0x1e3: {  	v9 =	vor.u32 v5, v26;
	v23 =	vor.u32 v6, v26;
	v34 =	vadd.f32 v11, v58;
	v10 =	vld.idx.msk [tilespmem:v41+s22+$0x0], $0xffff  }
0x1e4: {  	v16 =	vor.u32 v6, v29;
	v11 =	vadd.f32 v20, v55;
	v56 =	vadd.f32 v57, v36;
	v21 =	vld.idx.msk [tilespmem:v48+s22+$0x0], $0xffff  }
0x1e5: {  	v57 =	vunpack.i.l.bf16.f32 v60;
	v36 =	vor.u32 v2, v29;
	v42 =	vunpack.i.u.bf16.f32 v45;
	v14 =	vld.idx.msk [tilespmem:v19+s22+$0x0], $0xffff  }
0x1e6: {  	v44 =	vadd.f32 v11, v62;
	v58 =	vunpack.i.l.bf16.f32 v33;
	v12 =	vunpack.i.l.bf16.f32 v31;
	v24 =	vld.idx.msk [tilespmem:v28+s24+$0x0], $0xffff  }
0x1e7: {  	v11 =	vor.u32 v5, v29;
	v62 =	vunpack.i.l.bf16.f32 v45;
	v61 =	vadd.f32 v12, v55;
	v12 =	vld.idx.msk [tilespmem:v13+s24+$0x0], $0xffff  }
0x1e8: {  	v50 =	vunpack.i.u.bf16.f32 v33;
	v47 =	vadd.f32 v57, v47;
	v51 =	vunpack.i.l.bf16.f32 v46;
	v26 =	vld.idx.msk [tilespmem:v23+s24+$0x0], $0xffff  }
0x1e9: {  	v46 =	vunpack.i.u.bf16.f32 v46;
	v0 =	vmul.bf16 v0, v17;
	v17 =	vunpack.i.u.bf16.f32 v31;
	v20 =	vld.idx.msk [tilespmem:v41+s24+$0x0], $0xffff  }
0x1ea: {  	v33 =	vadd.f32 v58, v56;
	v32 =	vmul.bf16 v59, v15;
	v15 =	vld.idx.msk [tilespmem:v16+s24+$0x0], $0xffff;
	v17 =	vadd.f32 v61, v17  }
0x1eb: {  	v31 =	vunpack.i.l.bf16.f32 v30;
	v45 =	vunpack.i.l.bf16.f32 v22;
	v30 =	vld.idx.msk [tilespmem:v18+s24+$0x0], $0xffff;
	v41 =	vunpack.i.u.bf16.f32 v60  }
0x1ec: {  	v60 =	vadd.f32 v40, v35;
	v35 =	vld.idx.msk [tilespmem:v36+s22+$0x0], $0xffff;
	v59 =	vunpack.i.l.bf16.f32 v0;
	v17 =	vadd.f32 v62, v17  }
0x1ed: {  	v40 =	vor.u32 v4, v29;
	v48 =	vld.idx.msk [tilespmem:v48+s24+$0x0], $0xffff;
	v52 =	vunpack.i.u.bf16.f32 v0;
	v55 =	vadd.f32 v59, v55  }
0x1ee: {  	s15 =	simm.s32 $0x4;
	v17 =	vadd.f32 v17, v42;
	v42 =	vld.idx.msk [tilespmem:v54+s24+$0x0], $0xffff;
	v54 =	vadd.f32 v43, v60;
	v43 =	vor.u32 v1, v29  }
.LBB2_9:
0x1ef: {  	s17 =	sadd.s32 $0x1, s15  }
0x1f0: {  	p0 =	slt.u32 s15, $0x3E;
	v0 =	vld.idx.msk [tilespmem:v28+s22+$0x0], $0xffff;
	v28 =	vor.u32 v3, v29;
	v29 =	vunpack.i.l.bf16.f32 v32;
	v44 =	vadd.f32 v45, v44;
	s19 =	smov.u32 s15;
	s15 =	sadd.s32 $0x2, s15  }
0x1f1: {  	v49 =	vadd.f32 v54, v49;
	v45 =	vadd.s32 s17, v63;
	v23 =	vld.idx.msk [tilespmem:v23+s22+$0x0], $0xffff;
	v52 =	vadd.f32 v55, v52  }
0x1f2: {  	v27 =	vadd.f32 v53, v27;
	v50 =	vadd.f32 v33, v50;
	v19 =	vld.idx.msk [tilespmem:v19+s24+$0x0], $0xffff  }
0x1f3: {  	v22 =	vunpack.i.u.bf16.f32 v22;
	v29 =	vadd.f32 v29, v34;
	v18 =	vld.idx.msk [tilespmem:v18+s22+$0x0], $0xffff;
	v33 =	vadd.f32 v51, v52  }
0x1f4: {  	v32 =	vunpack.i.u.bf16.f32 v32;
	v44 =	vadd.f32 v44, v22;
	v22 =	vadd.f32 v31, v27;
	v34 =	vld.idx.msk [tilespmem:v40+s24+$0x0], $0xffff  }
0x1f5: {  	v31 =	vadd.f32 v47, v41;
	v21 =	vmul.bf16 v48, v21;
	v27 =	vld.idx.msk [tilespmem:v36+s24+$0x0], $0xffff;
	v33 =	vadd.f32 v33, v46  }
0x1f6: {  	v32 =	vadd.f32 v29, v32;
	v0 =	vmul.bf16 v24, v0;
	v46 =	vadd.f32 v22, v37;
	v24 =	vld.idx.msk [tilespmem:v43+s24+$0x0], $0xffff  }
0x1f7: {  	v37 =	vmul.bf16 v38, v39;
	v22 =	vmul.bf16 v26, v23;
	v13 =	vld.idx.msk [tilespmem:v13+s22+$0x0], $0xffff  }
0x1f8: {  	v39 =	vunpack.i.u.bf16.f32 v0;
	v0 =	vunpack.i.l.bf16.f32 v0;
	v26 =	vld.idx.msk [tilespmem:v40+s22+$0x0], $0xffff;
	v40 =	vmul.bf16 v42, v25  }
0x1f9: {  	v23 =	vunpack.i.l.bf16.f32 v21;
	v25 =	vmul.bf16 v30, v18;
	v0 =	vadd.f32 v0, v49;
	v29 =	vld.idx.msk [tilespmem:v43+s22+$0x0], $0xffff  }
0x1fa: {  	v36 =	vadd.f32 v23, v50;
	v30 =	vunpack.i.u.bf16.f32 v21;
	v18 =	vunpack.i.l.bf16.f32 v22;
	v38 =	vld.idx.msk [tilespmem:v9+s22+$0x0], $0xffff  }
0x1fb: {  	v14 =	vmul.bf16 v19, v14;
	v35 =	vmul.bf16 v27, v35;
	v41 =	vld.idx.msk [tilespmem:v9+s24+$0x0], $0xffff;
	v9 =	vunpack.i.u.bf16.f32 v22  }
0x1fc: {  	v19 =	vadd.s32 s19, v63;
	v18 =	vadd.f32 v18, v31;
	v43 =	vunpack.i.l.bf16.f32 v40;
	v16 =	vld.idx.msk [tilespmem:v16+s22+$0x0], $0xffff  }
0x1fd: {  	v20 =	vmul.bf16 v20, v10;
	v21 =	vand.u32 $0x3F, v19;
	v42 =	vmul.bf16 v12, v13;
	v31 =	vld.idx.msk [tilespmem:v28+s22+$0x0], $0xffff  }
0x1fe: {  	v47 =	vor.u32 v1, v21;
	v48 =	vor.u32 v2, v21;
	v54 =	vadd.f32 v18, v9;
	v49 =	vld.idx.msk [tilespmem:v28+s24+$0x0], $0xffff  }
0x1ff: {  	v19 =	vor.u32 v3, v21;
	v18 =	vor.u32 v4, v21;
	v12 =	vunpack.i.u.bf16.f32 v14  }
0x200: {  	v23 =	vor.u32 v6, v21;
	v9 =	vor.u32 v5, v21;
	v14 =	vunpack.i.l.bf16.f32 v14;
	v50 =	vld.idx.msk [tilespmem:v11+s24+$0x0], $0xffff  }
0x201: {  	v13 =	vor.u32 v7, v21;
	v28 =	vor.u32 v8, v21;
	v51 =	vmul.bf16 v24, v29  }
0x202: {  	v52 =	vunpack.i.u.bf16.f32 v25;
	v22 =	vmul.bf16 v34, v26;
	v55 =	vmul.bf16 v15, v16;
	v53 =	vld.idx.msk [tilespmem:v11+s22+$0x0], $0xffff  }
0x203: {  	v29 =	vand.u32 $0x3F, v45;
	v27 =	vunpack.i.u.bf16.f32 v42;
	v11 =	vunpack.i.l.bf16.f32 v20;
	v10 =	vld.idx.msk [tilespmem:v47+s22+$0x0], $0xffff  }
0x204: {  	v25 =	vunpack.i.l.bf16.f32 v25;
	v56 =	vor.u32 v8, v29;
	v15 =	vadd.f32 v14, v32;
	v21 =	vld.idx.msk [tilespmem:v48+s22+$0x0], $0xffff  }
0x205: {  	v57 =	vor.u32 v7, v29;
	v58 =	vmul.bf16 v41, v38;
	v17 =	vadd.f32 v11, v17;
	v14 =	vld.idx.msk [tilespmem:v19+s22+$0x0], $0xffff  }
0x206: {  	v38 =	vunpack.i.u.bf16.f32 v20;
	v16 =	vor.u32 v6, v29;
	v34 =	vadd.f32 v15, v12;
	v24 =	vld.idx.msk [tilespmem:v28+s24+$0x0], $0xffff  }
0x207: {  	v11 =	vadd.f32 v25, v44;
	v32 =	vmul.bf16 v49, v31;
	v31 =	vunpack.i.l.bf16.f32 v37;
	v12 =	vld.idx.msk [tilespmem:v13+s24+$0x0], $0xffff  }
0x208: {  	v59 =	vadd.f32 v36, v30;
	v60 =	vunpack.i.u.bf16.f32 v51;
	v61 =	vunpack.i.l.bf16.f32 v55;
	v26 =	vld.idx.msk [tilespmem:v23+s24+$0x0], $0xffff  }
0x209: {  	v62 =	vunpack.i.l.bf16.f32 v35;
	v36 =	vor.u32 v2, v29;
	v44 =	vadd.f32 v11, v52;
	v25 =	vld.idx.msk [tilespmem:v56+s22+$0x0], $0xffff  }
0x20a: {  	v11 =	vor.u32 v5, v29;
	v17 =	vadd.f32 v17, v38;
	v38 =	vunpack.i.l.bf16.f32 v51;
	v20 =	vld.idx.msk [tilespmem:v47+s24+$0x0], $0xffff  }
0x20b: {  	v45 =	vunpack.i.l.bf16.f32 v22;
	v37 =	vunpack.i.u.bf16.f32 v37;
	v47 =	vmul.bf16 v50, v53;
	v15 =	vld.idx.msk [tilespmem:v16+s24+$0x0], $0xffff  }
0x20c: {  	v42 =	vunpack.i.l.bf16.f32 v42;
	v41 =	vunpack.i.u.bf16.f32 v55;
	v17 =	vadd.f32 v38, v17;
	v30 =	vld.idx.msk [tilespmem:v18+s24+$0x0], $0xffff  }
.Ltmp3:
0x20d: {  	v0 =	vadd.f32 v0, v39;
	v55 =	vunpack.i.l.bf16.f32 v58;
	v49 =	vunpack.i.u.bf16.f32 v40;
	v38 =	vld.idx.msk [tilespmem:v57+s24+$0x0], $0xffff;
	(pc) =	sbr.rel @p0 .LBB2_9-.Ltmp3, $4  }
0x20e: {  	v52 =	vunpack.i.u.bf16.f32 v58;
	v17 =	vadd.f32 v17, v60;
	v50 =	vunpack.i.u.bf16.f32 v35;
	v39 =	vld.idx.msk [tilespmem:v57+s22+$0x0], $0xffff  }
0x20f: {  	v40 =	vor.u32 v4, v29;
	v53 =	vadd.f32 v42, v46;
	v51 =	vunpack.i.l.bf16.f32 v47;
	v35 =	vld.idx.msk [tilespmem:v36+s22+$0x0], $0xffff  }
0x210: {  	v46 =	vunpack.i.u.bf16.f32 v47;
	v47 =	vadd.f32 v61, v54;
	v54 =	vadd.f32 v43, v0;
	v42 =	vld.idx.msk [tilespmem:v56+s24+$0x0], $0xffff  }
0x211: {  	v55 =	vadd.f32 v55, v33;
	v33 =	vadd.f32 v62, v59;
	v43 =	vor.u32 v1, v29;
	v48 =	vld.idx.msk [tilespmem:v48+s24+$0x0], $0xffff  }
0x212: {  	_ =	sdelay $0x3  }
0x213: {  	v0 =	vld.idx.msk [tilespmem:v28+s22+$0x0], $0xffff  }
0x214: {  	v23 =	vld.idx.msk [tilespmem:v23+s22+$0x0], $0xffff  }
0x215: {  	v19 =	vld.idx.msk [tilespmem:v19+s24+$0x0], $0xffff  }
0x216: {  	v18 =	vld.idx.msk [tilespmem:v18+s22+$0x0], $0xffff  }
0x217: {  	v61 =	vadd.f32 v54, v49;
	v49 =	vld.idx.msk [tilespmem:v40+s24+$0x0], $0xffff  }
0x218: {  	v27 =	vadd.f32 v53, v27;
	v53 =	vld.idx.msk [tilespmem:v43+s24+$0x0], $0xffff  }
0x219: {  	v59 =	vadd.f32 v45, v44;
	v29 =	vor.u32 v3, v29;
	v13 =	vld.idx.msk [tilespmem:v13+s22+$0x0], $0xffff  }
0x21a: {  	v62 =	vunpack.i.l.bf16.f32 v32;
	v22 =	vunpack.i.u.bf16.f32 v22;
	v54 =	vld.idx.msk [tilespmem:v40+s22+$0x0], $0xffff;
	v60 =	vadd.f32 v55, v52  }
0x21b: {  	v56 =	vld.idx.msk [tilespmem:v43+s22+$0x0], $0xffff;
	v10 =	vmul.bf16 v20, v10;
	v33 =	vadd.f32 v33, v50;
	v34 =	vadd.f32 v62, v34  }
0x21c: {  	v57 =	vld.idx.msk [tilespmem:v9+s22+$0x0], $0xffff;
	v50 =	vunpack.i.u.bf16.f32 v32;
	v52 =	vadd.f32 v47, v41;
	v22 =	vadd.f32 v59, v22  }
0x21d: {  	v16 =	vld.idx.msk [tilespmem:v16+s22+$0x0], $0xffff;
	v27 =	vadd.f32 v31, v27;
	v45 =	vunpack.i.l.bf16.f32 v10;
	v10 =	vunpack.i.u.bf16.f32 v10  }
0x21e: {  	v9 =	vld.idx.msk [tilespmem:v9+s24+$0x0], $0xffff;
	v44 =	vadd.f32 v51, v60;
	v25 =	vmul.bf16 v42, v25;
	v21 =	vmul.bf16 v48, v21  }
0x21f: {  	v32 =	vadd.f32 v34, v50;
	v0 =	vmul.bf16 v24, v0;
	v23 =	vmul.bf16 v26, v23  }
0x220: {  	v27 =	vadd.f32 v27, v37;
	v26 =	vmul.bf16 v38, v39;
	v18 =	vmul.bf16 v30, v18  }
0x221: {  	v31 =	vadd.f32 v44, v46;
	v14 =	vmul.bf16 v19, v14;
	v12 =	vmul.bf16 v12, v13  }
0x222: {  	v62 =	vunpack.i.l.bf16.f32 v25;
	v24 =	vmul.bf16 v53, v56;
	v44 =	vmul.bf16 v49, v54  }
0x223: {  	v15 =	vmul.bf16 v15, v16;
	v16 =	vadd.f32 v45, v17;
	v9 =	vmul.bf16 v9, v57  }
0x224: {  	v55 =	vunpack.i.l.bf16.f32 v21;
	v21 =	vunpack.i.u.bf16.f32 v21;
	v34 =	vunpack.i.u.bf16.f32 v0  }
0x225: {  	v0 =	vunpack.i.l.bf16.f32 v0;
	v33 =	vadd.f32 v55, v33;
	v58 =	vunpack.i.l.bf16.f32 v23  }
0x226: {  	v51 =	vld.idx.msk [tilespmem:v36+s24+$0x0], $0xffff;
	v59 =	vunpack.i.u.bf16.f32 v23;
	v42 =	vunpack.i.u.bf16.f32 v14;
	v14 =	vunpack.i.l.bf16.f32 v14  }
0x227: {  	v40 =	vld.idx.msk [tilespmem:v29+s22+$0x0], $0xffff;
	v43 =	vunpack.i.u.bf16.f32 v18;
	v47 =	vunpack.i.u.bf16.f32 v12;
	v18 =	vunpack.i.l.bf16.f32 v18  }
0x228: {  	v41 =	vld.idx.msk [tilespmem:v29+s24+$0x0], $0xffff;
	v49 =	vunpack.i.l.bf16.f32 v26;
	v10 =	vadd.f32 v16, v10;
	v53 =	vunpack.i.l.bf16.f32 v24  }
0x229: {  	v46 =	vld.idx.msk [tilespmem:v11+s24+$0x0], $0xffff;
	v55 =	vunpack.i.l.bf16.f32 v44;
	v12 =	vunpack.i.l.bf16.f32 v12;
	v56 =	vunpack.i.l.bf16.f32 v9  }
0x22a: {  	v11 =	vld.idx.msk [tilespmem:v11+s22+$0x0], $0xffff;
	v9 =	vunpack.i.u.bf16.f32 v9;
	v0 =	vadd.f32 v0, v61;
	v61 =	vadd.f32 v58, v52  }
0x22b: {  	v60 =	vmul.bf16 v51, v35;
	v14 =	vadd.f32 v14, v32;
	v48 =	vadd.f32 v18, v22  }
0x22c: {  	v51 =	vunpack.i.u.bf16.f32 v24;
	v12 =	vadd.f32 v12, v27;
	v22 =	vadd.f32 v56, v31  }
0x22d: {  	v52 =	vunpack.i.l.bf16.f32 v15;
	v50 =	vadd.f32 v33, v21;
	v10 =	vadd.f32 v53, v10  }
0x22e: {  	v19 =	vadd.f32 v61, v59;
	v14 =	vadd.f32 v14, v42;
	v13 =	vmul.bf16 v41, v40  }
0x22f: {  	v17 =	vadd.f32 v48, v43;
	v54 =	vunpack.i.l.bf16.f32 v60;
	v11 =	vmul.bf16 v46, v11  }
0x230: {  	v0 =	vadd.f32 v0, v34;
	v57 =	vunpack.i.u.bf16.f32 v60;
	v9 =	vadd.f32 v22, v9  }
0x231: {  	v12 =	vadd.f32 v12, v47;
	v60 =	vunpack.i.u.bf16.f32 v44;
	v20 =	vadd.f32 v54, v50  }
0x232: {  	v10 =	vadd.f32 v10, v51;
	v58 =	vunpack.i.l.bf16.f32 v13;
	v17 =	vadd.f32 v55, v17  }
0x233: {  	v59 =	vunpack.i.l.bf16.f32 v11;
	v0 =	vadd.f32 v62, v0;
	v20 =	vadd.f32 v20, v57  }
0x234: {  	v62 =	vunpack.i.u.bf16.f32 v25;
	v14 =	vadd.f32 v58, v14;
	[tilespmem:s0+$0x14FA0] =	vst v10;
	v61 =	vadd.f32 v17, v60  }
0x235: {  	v13 =	vunpack.i.u.bf16.f32 v13;
	v9 =	vadd.f32 v59, v9;
	v0 =	vadd.f32 v0, v62;
	[tilespmem:s0+$0x14FB0] =	vst v20  }
0x236: {  	p0 =	seq.s32 s1, $0x12;
	v10 =	vunpack.i.u.bf16.f32 v11;
	v11 =	vadd.f32 v52, v19;
	v13 =	vadd.f32 v14, v13;
	[tilespmem:s0+$0x14FD0] =	vst v61  }
.Ltmp4:
0x237: {  	v15 =	vunpack.i.u.bf16.f32 v15;
	v12 =	vadd.f32 v49, v12;
	v9 =	vadd.f32 v9, v10;
	[tilespmem:s0+$0x15010] =	vst v0;
	(pc) =	sbr.rel @p0 .LBB2_12-.Ltmp4, $4  }
0x238: {  	v10 =	vunpack.i.u.bf16.f32 v26;
	v11 =	vadd.f32 v11, v15;
	[tilespmem:s0+$0x14FC0] =	vst v13  }
0x239: {  	v10 =	vadd.f32 v12, v10;
	[tilespmem:s0+$0x14FE0] =	vst v9  }
0x23a: {  	[tilespmem:s0+$0x14FF0] =	vst v11  }
0x23b: {  	[tilespmem:s0+$0x15000] =	vst v10  }
.Ltmp5:
0x23c: {  	s0 =	smin.u32 s0, $0x2310;
	(pc) =	sbr.rel .LBB2_2-.Ltmp5, $4  }
0x23d: {  	s15 =	sadd.s32 $0x380, s0  }
0x23e: {  	[tilespmem:s22], [sflag:$0x4] =	stream.indirect.gather [hbm4b:s3+s11], $0x40, s15, s11, $0xb8;
	[tilespmem:$0x17530] =	vst v63  }
0x23f: {  	s1 =	sadd.s32 $0x1, s1;
	s0 =	sadd.s32 $0x2A90, s0  }
0x240: {  	[tilespmem:s24], [sflag:$0x4] =	stream.indirect.gather [hbm4b:s4+s11], $0x40, s0, s11, $0xb8;
	[tilespmem:$0x17530] =	vst v63  }
.LBB2_12:
0x241: {  	s0 =	simm.s32 $0x0  }
0x242: {  	v0 =	vadd.s32 s0, v63  }
0x243: {  	_ =	swait.ge [sflag:s25], $0x2000;
	v0 =	vand.u32 $0x3F, v0  }
0x244: {  	[sflag:s25] =	ssyncset.done $0x0;
	v10 =	vor.u32 v2, v0  }
0x245: {  	[sflag:s25] =	ssyncadd.s32 $0xFFFFE000;
	v11 =	vor.u32 v3, v0  }
0x246: {  	s15 =	simm.s32 $0x1;
	_ =	swait.ge [sflag:s25], $0x2000;
	v12 =	vor.u32 v8, v0  }
0x247: {  	v13 =	vadd.s32 s15, v63;
	v14 =	vor.u32 v7, v0;
	[sflag:s25] =	ssyncset.done $0x0  }
0x248: {  	v13 =	vand.u32 $0x3F, v13;
	v15 =	vor.u32 v6, v0;
	[sflag:s25] =	ssyncadd.s32 $0xFFFFE000  }
0x249: {  	v18 =	vor.u32 v8, v13;
	v17 =	vld.idx.msk [tilespmem:v10+s12+$0x0], $0xffff  }
0x24a: {  	v21 =	vor.u32 v6, v13;
	v19 =	vld.idx.msk [tilespmem:v11+s12+$0x0], $0xffff  }
0x24b: {  	v22 =	vor.u32 v4, v0;
	v20 =	vld.idx.msk [tilespmem:v12+s13+$0x0], $0xffff  }
0x24c: {  	v24 =	vor.u32 v7, v13;
	v23 =	vld.idx.msk [tilespmem:v14+s13+$0x0], $0xffff  }
0x24d: {  	v25 =	vld.idx.msk [tilespmem:v15+s13+$0x0], $0xffff  }
0x24e: {  	v26 =	vld.idx.msk [tilespmem:v18+s12+$0x0], $0xffff  }
0x24f: {  	v29 =	vld.idx.msk [tilespmem:v21+s13+$0x0], $0xffff  }
0x250: {  	v28 =	vld.idx.msk [tilespmem:v22+s13+$0x0], $0xffff  }
0x251: {  	v30 =	vld.idx.msk [tilespmem:v24+s13+$0x0], $0xffff  }
0x252: {  	v24 =	vld.idx.msk [tilespmem:v24+s12+$0x0], $0xffff  }
0x253: {  	v10 =	vld.idx.msk [tilespmem:v10+s13+$0x0], $0xffff  }
0x254: {  	v12 =	vld.idx.msk [tilespmem:v12+s12+$0x0], $0xffff  }
0x255: {  	v15 =	vld.idx.msk [tilespmem:v15+s12+$0x0], $0xffff  }
0x256: {  	v34 =	vor.u32 v5, v13;
	v18 =	vld.idx.msk [tilespmem:v18+s13+$0x0], $0xffff  }
0x257: {  	v22 =	vld.idx.msk [tilespmem:v22+s12+$0x0], $0xffff  }
0x258: {  	v11 =	vld.idx.msk [tilespmem:v11+s13+$0x0], $0xffff  }
0x259: {  	v14 =	vld.idx.msk [tilespmem:v14+s12+$0x0], $0xffff  }
0x25a: {  	v9 =	vor.u32 v1, v0;
	v21 =	vld.idx.msk [tilespmem:v21+s12+$0x0], $0xffff  }
0x25b: {  	v46 =	vld.idx.msk [tilespmem:v34+s13+$0x0], $0xffff  }
0x25c: {  	v27 =	vor.u32 v2, v13;
	v32 =	vor.u32 v4, v13;
	v33 =	vor.u32 v1, v13;
	v49 =	vld.idx.msk [tilespmem:v34+s12+$0x0], $0xffff  }
0x25d: {  	v13 =	vor.u32 v3, v13;
	v10 =	vmul.bf16 v10, v17;
	v12 =	vmul.bf16 v20, v12  }
0x25e: {  	v15 =	vmul.bf16 v25, v15;
	v30 =	vmul.bf16 v30, v24  }
0x25f: {  	v55 =	vimm.f32 $0.0e+00;
	v16 =	vld.idx.msk [tilespmem:v9+s12+$0x0], $0xffff;
	v39 =	vmul.bf16 v18, v26;
	v25 =	vmul.bf16 v28, v22  }
0x260: {  	s17 =	simm.s32 $0x3;
	v0 =	vor.u32 v5, v0;
	v9 =	vld.idx.msk [tilespmem:v9+s13+$0x0], $0xffff;
	v11 =	vmul.bf16 v11, v19;
	v38 =	vmul.bf16 v23, v14  }
0x261: {  	v31 =	vld.idx.msk [tilespmem:v27+s12+$0x0], $0xffff;
	v20 =	vadd.s32 s17, v63;
	v50 =	vmul.bf16 v29, v21;
	v46 =	vmul.bf16 v46, v49  }
0x262: {  	v42 =	vld.idx.msk [tilespmem:v13+s13+$0x0], $0xffff;
	v29 =	vand.u32 $0x3F, v20;
	v35 =	vunpack.i.u.bf16.f32 v12;
	v12 =	vunpack.i.l.bf16.f32 v12  }
0x263: {  	v17 =	vld.idx.msk [tilespmem:v27+s13+$0x0], $0xffff;
	v18 =	vunpack.i.l.bf16.f32 v10;
	v36 =	vunpack.i.u.bf16.f32 v10;
	v10 =	vunpack.i.l.bf16.f32 v15  }
0x264: {  	v27 =	vld.idx.msk [tilespmem:v32+s13+$0x0], $0xffff;
	v15 =	vunpack.i.u.bf16.f32 v15;
	v43 =	vunpack.i.l.bf16.f32 v39;
	v61 =	vunpack.i.u.bf16.f32 v11  }
0x265: {  	v24 =	vld.idx.msk [tilespmem:v33+s13+$0x0], $0xffff;
	v11 =	vunpack.i.l.bf16.f32 v11;
	v44 =	vunpack.i.u.bf16.f32 v25;
	v54 =	vor.u32 v8, v29  }
0x266: {  	s19 =	simm.s32 $0x2;
	v22 =	vld.idx.msk [tilespmem:v33+s12+$0x0], $0xffff;
	v20 =	vunpack.i.l.bf16.f32 v25;
	v51 =	vor.u32 v7, v29;
	v57 =	vunpack.i.l.bf16.f32 v50  }
0x267: {  	v40 =	vadd.f32 v12, v55;
	v12 =	vld.idx.msk [tilespmem:v32+s12+$0x0], $0xffff;
	v37 =	vadd.f32 v18, v55;
	v18 =	vadd.s32 s19, v63  }
0x268: {  	v10 =	vadd.f32 v10, v55;
	v26 =	vand.u32 $0x3F, v18;
	v33 =	vmul.bf16 v17, v31;
	v17 =	vld.idx.msk [tilespmem:v0+s12+$0x0], $0xffff  }
0x269: {  	v53 =	vunpack.i.l.bf16.f32 v38;
	v49 =	vunpack.i.u.bf16.f32 v39;
	v0 =	vld.idx.msk [tilespmem:v0+s13+$0x0], $0xffff;
	v41 =	vor.u32 v1, v26  }
0x26a: {  	v11 =	vadd.f32 v11, v55;
	v48 =	vor.u32 v2, v26;
	v47 =	vadd.f32 v10, v15;
	v15 =	vld.idx.msk [tilespmem:v13+s12+$0x0], $0xffff  }
0x26b: {  	v53 =	vadd.f32 v53, v55;
	v31 =	vmul.bf16 v9, v16;
	v19 =	vor.u32 v3, v26;
	v25 =	vld.idx.msk [tilespmem:v54+s12+$0x0], $0xffff  }
0x26c: {  	v18 =	vor.u32 v4, v26;
	v13 =	vor.u32 v7, v26;
	v28 =	vor.u32 v8, v26;
	v39 =	vld.idx.msk [tilespmem:v51+s12+$0x0], $0xffff  }
0x26d: {  	v45 =	vmul.bf16 v24, v22;
	v22 =	vmul.bf16 v27, v12;
	v27 =	vunpack.i.u.bf16.f32 v38;
	v38 =	vld.idx.msk [tilespmem:v51+s13+$0x0], $0xffff  }
0x26e: {  	v9 =	vor.u32 v5, v26;
	v23 =	vor.u32 v6, v26;
	v34 =	vadd.f32 v11, v61;
	v10 =	vld.idx.msk [tilespmem:v41+s12+$0x0], $0xffff  }
0x26f: {  	v16 =	vor.u32 v6, v29;
	v11 =	vadd.f32 v20, v55;
	v56 =	vadd.f32 v37, v36;
	v21 =	vld.idx.msk [tilespmem:v48+s12+$0x0], $0xffff  }
0x270: {  	v36 =	vor.u32 v2, v29;
	v37 =	vunpack.i.u.bf16.f32 v30;
	v60 =	vadd.f32 v40, v35;
	v14 =	vld.idx.msk [tilespmem:v19+s12+$0x0], $0xffff  }
0x271: {  	v40 =	vor.u32 v4, v29;
	v44 =	vadd.f32 v11, v44;
	v12 =	vunpack.i.l.bf16.f32 v31;
	v24 =	vld.idx.msk [tilespmem:v28+s13+$0x0], $0xffff  }
0x272: {  	v58 =	vunpack.i.l.bf16.f32 v33;
	v11 =	vor.u32 v5, v29;
	v52 =	vadd.f32 v12, v55;
	v12 =	vld.idx.msk [tilespmem:v13+s13+$0x0], $0xffff  }
0x273: {  	v62 =	vunpack.i.l.bf16.f32 v45;
	v47 =	vadd.f32 v57, v47;
	v51 =	vunpack.i.l.bf16.f32 v46;
	v26 =	vld.idx.msk [tilespmem:v23+s13+$0x0], $0xffff  }
0x274: {  	v46 =	vunpack.i.u.bf16.f32 v46;
	v0 =	vmul.bf16 v0, v17;
	v17 =	vunpack.i.u.bf16.f32 v31;
	v20 =	vld.idx.msk [tilespmem:v41+s13+$0x0], $0xffff  }
0x275: {  	v32 =	vmul.bf16 v42, v15;
	v31 =	vunpack.i.l.bf16.f32 v30;
	v15 =	vld.idx.msk [tilespmem:v16+s13+$0x0], $0xffff;
	v17 =	vadd.f32 v52, v17  }
0x276: {  	v42 =	vunpack.i.u.bf16.f32 v45;
	v45 =	vunpack.i.l.bf16.f32 v22;
	v30 =	vld.idx.msk [tilespmem:v18+s13+$0x0], $0xffff;
	v41 =	vunpack.i.u.bf16.f32 v50  }
0x277: {  	v50 =	vunpack.i.u.bf16.f32 v33;
	v35 =	vld.idx.msk [tilespmem:v36+s12+$0x0], $0xffff;
	v59 =	vunpack.i.l.bf16.f32 v0;
	v17 =	vadd.f32 v62, v17  }
0x278: {  	v48 =	vld.idx.msk [tilespmem:v48+s13+$0x0], $0xffff;
	v33 =	vadd.f32 v58, v56;
	v52 =	vunpack.i.u.bf16.f32 v0;
	v55 =	vadd.f32 v59, v55  }
0x279: {  	s0 =	simm.s32 $0x4;
	v17 =	vadd.f32 v17, v42;
	v42 =	vld.idx.msk [tilespmem:v54+s13+$0x0], $0xffff;
	v54 =	vadd.f32 v43, v60;
	v43 =	vor.u32 v1, v29  }
.LBB2_13:
0x27a: {  	s1 =	sadd.s32 $0x1, s0  }
0x27b: {  	p0 =	slt.u32 s0, $0x3E;
	v0 =	vld.idx.msk [tilespmem:v28+s12+$0x0], $0xffff;
	v28 =	vor.u32 v3, v29;
	v29 =	vunpack.i.l.bf16.f32 v32;
	v44 =	vadd.f32 v45, v44;
	s15 =	smov.u32 s0;
	s0 =	sadd.s32 $0x2, s0  }
0x27c: {  	v49 =	vadd.f32 v54, v49;
	v45 =	vadd.s32 s1, v63;
	v23 =	vld.idx.msk [tilespmem:v23+s12+$0x0], $0xffff;
	v52 =	vadd.f32 v55, v52  }
0x27d: {  	v27 =	vadd.f32 v53, v27;
	v50 =	vadd.f32 v33, v50;
	v19 =	vld.idx.msk [tilespmem:v19+s13+$0x0], $0xffff  }
0x27e: {  	v22 =	vunpack.i.u.bf16.f32 v22;
	v29 =	vadd.f32 v29, v34;
	v18 =	vld.idx.msk [tilespmem:v18+s12+$0x0], $0xffff;
	v33 =	vadd.f32 v51, v52  }
0x27f: {  	v32 =	vunpack.i.u.bf16.f32 v32;
	v44 =	vadd.f32 v44, v22;
	v22 =	vadd.f32 v31, v27;
	v34 =	vld.idx.msk [tilespmem:v40+s13+$0x0], $0xffff  }
0x280: {  	v31 =	vadd.f32 v47, v41;
	v21 =	vmul.bf16 v48, v21;
	v27 =	vld.idx.msk [tilespmem:v36+s13+$0x0], $0xffff;
	v33 =	vadd.f32 v33, v46  }
0x281: {  	v32 =	vadd.f32 v29, v32;
	v0 =	vmul.bf16 v24, v0;
	v46 =	vadd.f32 v22, v37;
	v24 =	vld.idx.msk [tilespmem:v43+s13+$0x0], $0xffff  }
0x282: {  	v37 =	vmul.bf16 v38, v39;
	v22 =	vmul.bf16 v26, v23;
	v13 =	vld.idx.msk [tilespmem:v13+s12+$0x0], $0xffff  }
0x283: {  	v39 =	vunpack.i.u.bf16.f32 v0;
	v0 =	vunpack.i.l.bf16.f32 v0;
	v26 =	vld.idx.msk [tilespmem:v40+s12+$0x0], $0xffff;
	v40 =	vmul.bf16 v42, v25  }
0x284: {  	v23 =	vunpack.i.l.bf16.f32 v21;
	v25 =	vmul.bf16 v30, v18;
	v0 =	vadd.f32 v0, v49;
	v29 =	vld.idx.msk [tilespmem:v43+s12+$0x0], $0xffff  }
0x285: {  	v36 =	vadd.f32 v23, v50;
	v30 =	vunpack.i.u.bf16.f32 v21;
	v18 =	vunpack.i.l.bf16.f32 v22;
	v38 =	vld.idx.msk [tilespmem:v9+s12+$0x0], $0xffff  }
0x286: {  	v14 =	vmul.bf16 v19, v14;
	v35 =	vmul.bf16 v27, v35;
	v41 =	vld.idx.msk [tilespmem:v9+s13+$0x0], $0xffff;
	v9 =	vunpack.i.u.bf16.f32 v22  }
0x287: {  	v19 =	vadd.s32 s15, v63;
	v18 =	vadd.f32 v18, v31;
	v43 =	vunpack.i.l.bf16.f32 v40;
	v16 =	vld.idx.msk [tilespmem:v16+s12+$0x0], $0xffff  }
0x288: {  	v20 =	vmul.bf16 v20, v10;
	v21 =	vand.u32 $0x3F, v19;
	v42 =	vmul.bf16 v12, v13;
	v31 =	vld.idx.msk [tilespmem:v28+s12+$0x0], $0xffff  }
0x289: {  	v47 =	vor.u32 v1, v21;
	v48 =	vor.u32 v2, v21;
	v54 =	vadd.f32 v18, v9;
	v49 =	vld.idx.msk [tilespmem:v28+s13+$0x0], $0xffff  }
0x28a: {  	v19 =	vor.u32 v3, v21;
	v18 =	vor.u32 v4, v21;
	v12 =	vunpack.i.u.bf16.f32 v14  }
0x28b: {  	v23 =	vor.u32 v6, v21;
	v9 =	vor.u32 v5, v21;
	v14 =	vunpack.i.l.bf16.f32 v14;
	v50 =	vld.idx.msk [tilespmem:v11+s13+$0x0], $0xffff  }
0x28c: {  	v13 =	vor.u32 v7, v21;
	v28 =	vor.u32 v8, v21;
	v51 =	vmul.bf16 v24, v29  }
0x28d: {  	v52 =	vunpack.i.u.bf16.f32 v25;
	v22 =	vmul.bf16 v34, v26;
	v55 =	vmul.bf16 v15, v16;
	v53 =	vld.idx.msk [tilespmem:v11+s12+$0x0], $0xffff  }
0x28e: {  	v29 =	vand.u32 $0x3F, v45;
	v27 =	vunpack.i.u.bf16.f32 v42;
	v11 =	vunpack.i.l.bf16.f32 v20;
	v10 =	vld.idx.msk [tilespmem:v47+s12+$0x0], $0xffff  }
0x28f: {  	v25 =	vunpack.i.l.bf16.f32 v25;
	v56 =	vor.u32 v8, v29;
	v15 =	vadd.f32 v14, v32;
	v21 =	vld.idx.msk [tilespmem:v48+s12+$0x0], $0xffff  }
0x290: {  	v57 =	vor.u32 v7, v29;
	v58 =	vmul.bf16 v41, v38;
	v17 =	vadd.f32 v11, v17;
	v14 =	vld.idx.msk [tilespmem:v19+s12+$0x0], $0xffff  }
0x291: {  	v38 =	vunpack.i.u.bf16.f32 v20;
	v16 =	vor.u32 v6, v29;
	v34 =	vadd.f32 v15, v12;
	v24 =	vld.idx.msk [tilespmem:v28+s13+$0x0], $0xffff  }
0x292: {  	v11 =	vadd.f32 v25, v44;
	v32 =	vmul.bf16 v49, v31;
	v31 =	vunpack.i.l.bf16.f32 v37;
	v12 =	vld.idx.msk [tilespmem:v13+s13+$0x0], $0xffff  }
0x293: {  	v59 =	vadd.f32 v36, v30;
	v60 =	vunpack.i.u.bf16.f32 v51;
	v61 =	vunpack.i.l.bf16.f32 v55;
	v26 =	vld.idx.msk [tilespmem:v23+s13+$0x0], $0xffff  }
0x294: {  	v62 =	vunpack.i.l.bf16.f32 v35;
	v36 =	vor.u32 v2, v29;
	v44 =	vadd.f32 v11, v52;
	v25 =	vld.idx.msk [tilespmem:v56+s12+$0x0], $0xffff  }
0x295: {  	v11 =	vor.u32 v5, v29;
	v17 =	vadd.f32 v17, v38;
	v38 =	vunpack.i.l.bf16.f32 v51;
	v20 =	vld.idx.msk [tilespmem:v47+s13+$0x0], $0xffff  }
0x296: {  	v45 =	vunpack.i.l.bf16.f32 v22;
	v37 =	vunpack.i.u.bf16.f32 v37;
	v47 =	vmul.bf16 v50, v53;
	v15 =	vld.idx.msk [tilespmem:v16+s13+$0x0], $0xffff  }
0x297: {  	v42 =	vunpack.i.l.bf16.f32 v42;
	v41 =	vunpack.i.u.bf16.f32 v55;
	v17 =	vadd.f32 v38, v17;
	v30 =	vld.idx.msk [tilespmem:v18+s13+$0x0], $0xffff  }
.Ltmp6:
0x298: {  	v0 =	vadd.f32 v0, v39;
	v55 =	vunpack.i.l.bf16.f32 v58;
	v49 =	vunpack.i.u.bf16.f32 v40;
	v38 =	vld.idx.msk [tilespmem:v57+s13+$0x0], $0xffff;
	(pc) =	sbr.rel @p0 .LBB2_13-.Ltmp6, $4  }
0x299: {  	v52 =	vunpack.i.u.bf16.f32 v58;
	v17 =	vadd.f32 v17, v60;
	v50 =	vunpack.i.u.bf16.f32 v35;
	v39 =	vld.idx.msk [tilespmem:v57+s12+$0x0], $0xffff  }
0x29a: {  	v40 =	vor.u32 v4, v29;
	v53 =	vadd.f32 v42, v46;
	v51 =	vunpack.i.l.bf16.f32 v47;
	v35 =	vld.idx.msk [tilespmem:v36+s12+$0x0], $0xffff  }
0x29b: {  	v46 =	vunpack.i.u.bf16.f32 v47;
	v47 =	vadd.f32 v61, v54;
	v54 =	vadd.f32 v43, v0;
	v42 =	vld.idx.msk [tilespmem:v56+s13+$0x0], $0xffff  }
0x29c: {  	v55 =	vadd.f32 v55, v33;
	v33 =	vadd.f32 v62, v59;
	v43 =	vor.u32 v1, v29;
	v48 =	vld.idx.msk [tilespmem:v48+s13+$0x0], $0xffff  }
0x29d: {  	_ =	sdelay $0x3  }
0x29e: {  	v0 =	vld.idx.msk [tilespmem:v28+s12+$0x0], $0xffff  }
0x29f: {  	v23 =	vld.idx.msk [tilespmem:v23+s12+$0x0], $0xffff  }
0x2a0: {  	v19 =	vld.idx.msk [tilespmem:v19+s13+$0x0], $0xffff  }
0x2a1: {  	v28 =	vadd.f32 v45, v44;
	v18 =	vld.idx.msk [tilespmem:v18+s12+$0x0], $0xffff  }
0x2a2: {  	v29 =	vor.u32 v3, v29;
	v56 =	vadd.f32 v54, v49;
	v57 =	vunpack.i.l.bf16.f32 v32;
	v58 =	vld.idx.msk [tilespmem:v40+s13+$0x0], $0xffff  }
0x2a3: {  	v27 =	vadd.f32 v53, v27;
	v22 =	vunpack.i.u.bf16.f32 v22;
	v60 =	vadd.f32 v47, v41;
	v13 =	vld.idx.msk [tilespmem:v13+s12+$0x0], $0xffff  }
0x2a4: {  	v59 =	vunpack.i.u.bf16.f32 v32;
	v62 =	vld.idx.msk [tilespmem:v40+s12+$0x0], $0xffff;
	v55 =	vadd.f32 v55, v52;
	v33 =	vadd.f32 v33, v50  }
0x2a5: {  	v16 =	vld.idx.msk [tilespmem:v16+s12+$0x0], $0xffff;
	v10 =	vmul.bf16 v20, v10;
	v34 =	vadd.f32 v57, v34;
	v22 =	vadd.f32 v28, v22  }
0x2a6: {  	v27 =	vadd.f32 v31, v27;
	v25 =	vmul.bf16 v42, v25;
	v21 =	vmul.bf16 v48, v21  }
0x2a7: {  	v44 =	vadd.f32 v51, v55;
	v0 =	vmul.bf16 v24, v0;
	v23 =	vmul.bf16 v26, v23  }
0x2a8: {  	v28 =	vld.idx.msk [tilespmem:v36+s13+$0x0], $0xffff;
	v32 =	vadd.f32 v34, v59;
	v26 =	vmul.bf16 v38, v39;
	v18 =	vmul.bf16 v30, v18  }
0x2a9: {  	v27 =	vadd.f32 v27, v37;
	v48 =	vld.idx.msk [tilespmem:v11+s13+$0x0], $0xffff;
	v14 =	vmul.bf16 v19, v14;
	v12 =	vmul.bf16 v12, v13  }
0x2aa: {  	v11 =	vld.idx.msk [tilespmem:v11+s12+$0x0], $0xffff;
	v31 =	vadd.f32 v44, v46;
	v47 =	vmul.bf16 v58, v62;
	v15 =	vmul.bf16 v15, v16  }
0x2ab: {  	v24 =	vld.idx.msk [tilespmem:v43+s13+$0x0], $0xffff;
	v16 =	vunpack.i.l.bf16.f32 v10;
	v10 =	vunpack.i.u.bf16.f32 v10;
	v42 =	vunpack.i.l.bf16.f32 v21  }
0x2ac: {  	v44 =	vld.idx.msk [tilespmem:v43+s12+$0x0], $0xffff;
	v21 =	vunpack.i.u.bf16.f32 v21;
	v16 =	vadd.f32 v16, v17;
	v61 =	vunpack.i.u.bf16.f32 v0  }
0x2ad: {  	v13 =	vld.idx.msk [tilespmem:v29+s12+$0x0], $0xffff;
	v0 =	vunpack.i.l.bf16.f32 v0;
	v33 =	vadd.f32 v42, v33;
	v45 =	vunpack.i.l.bf16.f32 v23  }
0x2ae: {  	v20 =	vld.idx.msk [tilespmem:v29+s13+$0x0], $0xffff;
	v19 =	vunpack.i.u.bf16.f32 v23;
	v23 =	vmul.bf16 v28, v35;
	v29 =	vunpack.i.u.bf16.f32 v18  }
0x2af: {  	v30 =	vld.idx.msk [tilespmem:v9+s12+$0x0], $0xffff;
	v49 =	vunpack.i.u.bf16.f32 v12;
	v18 =	vunpack.i.l.bf16.f32 v18;
	v0 =	vadd.f32 v0, v56  }
0x2b0: {  	v9 =	vld.idx.msk [tilespmem:v9+s13+$0x0], $0xffff;
	v12 =	vunpack.i.l.bf16.f32 v12;
	v28 =	vadd.f32 v45, v60;
	v17 =	vadd.f32 v18, v22  }
0x2b1: {  	v18 =	vunpack.i.l.bf16.f32 v26;
	v10 =	vadd.f32 v16, v10;
	v16 =	vunpack.i.l.bf16.f32 v15  }
0x2b2: {  	v12 =	vadd.f32 v12, v27;
	v11 =	vmul.bf16 v48, v11;
	v19 =	vadd.f32 v28, v19  }
0x2b3: {  	v28 =	vunpack.i.u.bf16.f32 v14;
	v14 =	vunpack.i.l.bf16.f32 v14;
	v24 =	vmul.bf16 v24, v44  }
0x2b4: {  	v13 =	vmul.bf16 v20, v13;
	v20 =	vadd.f32 v33, v21;
	v17 =	vadd.f32 v17, v29  }
0x2b5: {  	v9 =	vmul.bf16 v9, v30;
	v0 =	vadd.f32 v0, v61;
	v14 =	vadd.f32 v14, v32  }
0x2b6: {  	v12 =	vadd.f32 v12, v49;
	v21 =	vunpack.i.u.bf16.f32 v24;
	v22 =	vunpack.i.l.bf16.f32 v24  }
0x2b7: {  	v24 =	vunpack.i.l.bf16.f32 v23;
	v14 =	vadd.f32 v14, v28;
	v28 =	vunpack.i.l.bf16.f32 v47  }
0x2b8: {  	v10 =	vadd.f32 v22, v10;
	v22 =	vunpack.i.l.bf16.f32 v9;
	v9 =	vunpack.i.u.bf16.f32 v9  }
0x2b9: {  	v20 =	vadd.f32 v24, v20;
	v24 =	vunpack.i.l.bf16.f32 v11;
	v22 =	vadd.f32 v22, v31  }
0x2ba: {  	v10 =	vadd.f32 v10, v21;
	v21 =	vunpack.i.u.bf16.f32 v23;
	v23 =	vunpack.i.l.bf16.f32 v13  }
0x2bb: {  	v17 =	vadd.f32 v28, v17;
	v13 =	vunpack.i.u.bf16.f32 v13;
	v14 =	vadd.f32 v23, v14  }
0x2bc: {  	v9 =	vadd.f32 v22, v9;
	v20 =	vadd.f32 v20, v21;
	v21 =	vunpack.i.u.bf16.f32 v47  }
0x2bd: {  	[tilespmem:$0x17420] =	vst v10;
	v10 =	vunpack.i.u.bf16.f32 v11;
	v11 =	vadd.f32 v16, v19;
	v13 =	vadd.f32 v14, v13  }
0x2be: {  	v15 =	vunpack.i.u.bf16.f32 v15;
	v9 =	vadd.f32 v24, v9;
	v14 =	vadd.f32 v17, v21;
	[tilespmem:$0x17430] =	vst v20  }
0x2bf: {  	v46 =	vunpack.i.l.bf16.f32 v25;
	v12 =	vadd.f32 v18, v12;
	v11 =	vadd.f32 v11, v15;
	[tilespmem:$0x17440] =	vst v13  }
0x2c0: {  	v0 =	vadd.f32 v46, v0;
	v9 =	vadd.f32 v9, v10;
	v10 =	vunpack.i.u.bf16.f32 v26;
	[tilespmem:$0x17450] =	vst v14  }
0x2c1: {  	v13 =	vunpack.i.u.bf16.f32 v25;
	v10 =	vadd.f32 v12, v10;
	[tilespmem:$0x17470] =	vst v11  }
0x2c2: {  	v0 =	vadd.f32 v0, v13;
	[tilespmem:$0x17460] =	vst v9  }
0x2c3: {  	s0 =	simm.s32 $0x0;
	[tilespmem:$0x17480] =	vst v10  }
0x2c4: {  	[tilespmem:$0x17490] =	vst v0;
	v0 =	vadd.s32 s0, v63  }
0x2c5: {  	_ =	swait.ge [sflag:s26], $0x2000;
	v0 =	vand.u32 $0x3F, v0  }
0x2c6: {  	[sflag:s26] =	ssyncset.done $0x0;
	v10 =	vor.u32 v2, v0  }
0x2c7: {  	v11 =	vor.u32 v3, v0;
	[sflag:s26] =	ssyncadd.s32 $0xFFFFE000  }
0x2c8: {  	s15 =	simm.s32 $0x1;
	v12 =	vor.u32 v8, v0;
	_ =	swait.ge [sflag:s26], $0x2000  }
0x2c9: {  	v13 =	vadd.s32 s15, v63;
	v14 =	vor.u32 v7, v0;
	[sflag:s26] =	ssyncset.done $0x0  }
0x2ca: {  	v13 =	vand.u32 $0x3F, v13;
	v15 =	vor.u32 v6, v0;
	[sflag:s26] =	ssyncadd.s32 $0xFFFFE000  }
0x2cb: {  	v18 =	vor.u32 v8, v13;
	v17 =	vld.idx.msk [tilespmem:v10+s14+$0x0], $0xffff  }
0x2cc: {  	v21 =	vor.u32 v6, v13;
	v19 =	vld.idx.msk [tilespmem:v11+s14+$0x0], $0xffff  }
0x2cd: {  	v22 =	vor.u32 v4, v0;
	v20 =	vld.idx.msk [tilespmem:v12+s16+$0x0], $0xffff  }
0x2ce: {  	v24 =	vor.u32 v7, v13;
	v23 =	vld.idx.msk [tilespmem:v14+s16+$0x0], $0xffff  }
0x2cf: {  	v25 =	vld.idx.msk [tilespmem:v15+s16+$0x0], $0xffff  }
0x2d0: {  	v26 =	vld.idx.msk [tilespmem:v18+s14+$0x0], $0xffff  }
0x2d1: {  	v29 =	vld.idx.msk [tilespmem:v21+s16+$0x0], $0xffff  }
0x2d2: {  	v28 =	vld.idx.msk [tilespmem:v22+s16+$0x0], $0xffff  }
0x2d3: {  	v30 =	vld.idx.msk [tilespmem:v24+s16+$0x0], $0xffff  }
0x2d4: {  	v24 =	vld.idx.msk [tilespmem:v24+s14+$0x0], $0xffff  }
0x2d5: {  	v10 =	vld.idx.msk [tilespmem:v10+s16+$0x0], $0xffff  }
0x2d6: {  	v12 =	vld.idx.msk [tilespmem:v12+s14+$0x0], $0xffff  }
0x2d7: {  	v15 =	vld.idx.msk [tilespmem:v15+s14+$0x0], $0xffff  }
0x2d8: {  	v56 =	vor.u32 v5, v13;
	v18 =	vld.idx.msk [tilespmem:v18+s16+$0x0], $0xffff  }
0x2d9: {  	v22 =	vld.idx.msk [tilespmem:v22+s14+$0x0], $0xffff  }
0x2da: {  	v11 =	vld.idx.msk [tilespmem:v11+s16+$0x0], $0xffff  }
0x2db: {  	v14 =	vld.idx.msk [tilespmem:v14+s14+$0x0], $0xffff  }
0x2dc: {  	v9 =	vor.u32 v1, v0;
	v21 =	vld.idx.msk [tilespmem:v21+s14+$0x0], $0xffff  }
0x2dd: {  	v46 =	vld.idx.msk [tilespmem:v56+s16+$0x0], $0xffff  }
0x2de: {  	v27 =	vor.u32 v2, v13;
	v50 =	vor.u32 v4, v13;
	v51 =	vor.u32 v1, v13;
	v49 =	vld.idx.msk [tilespmem:v56+s14+$0x0], $0xffff  }
0x2df: {  	v13 =	vor.u32 v3, v13;
	v10 =	vmul.bf16 v10, v17;
	v12 =	vmul.bf16 v20, v12  }
0x2e0: {  	v15 =	vmul.bf16 v25, v15;
	v30 =	vmul.bf16 v30, v24  }
0x2e1: {  	v55 =	vimm.f32 $0.0e+00;
	v16 =	vld.idx.msk [tilespmem:v9+s14+$0x0], $0xffff;
	v39 =	vmul.bf16 v18, v26;
	v25 =	vmul.bf16 v28, v22  }
0x2e2: {  	s17 =	simm.s32 $0x3;
	v0 =	vor.u32 v5, v0;
	v9 =	vld.idx.msk [tilespmem:v9+s16+$0x0], $0xffff;
	v11 =	vmul.bf16 v11, v19;
	v38 =	vmul.bf16 v23, v14  }
0x2e3: {  	v31 =	vld.idx.msk [tilespmem:v27+s14+$0x0], $0xffff;
	v20 =	vadd.s32 s17, v63;
	v60 =	vmul.bf16 v29, v21;
	v46 =	vmul.bf16 v46, v49  }
0x2e4: {  	v59 =	vld.idx.msk [tilespmem:v13+s16+$0x0], $0xffff;
	v29 =	vand.u32 $0x3F, v20;
	v35 =	vunpack.i.u.bf16.f32 v12;
	v12 =	vunpack.i.l.bf16.f32 v12  }
0x2e5: {  	v17 =	vld.idx.msk [tilespmem:v27+s16+$0x0], $0xffff;
	v18 =	vunpack.i.l.bf16.f32 v10;
	v36 =	vunpack.i.u.bf16.f32 v10;
	v10 =	vunpack.i.l.bf16.f32 v15  }
0x2e6: {  	v27 =	vld.idx.msk [tilespmem:v50+s16+$0x0], $0xffff;
	v15 =	vunpack.i.u.bf16.f32 v15;
	v43 =	vunpack.i.l.bf16.f32 v39;
	v58 =	vunpack.i.u.bf16.f32 v11  }
0x2e7: {  	v24 =	vld.idx.msk [tilespmem:v51+s16+$0x0], $0xffff;
	v11 =	vunpack.i.l.bf16.f32 v11;
	v62 =	vunpack.i.u.bf16.f32 v25;
	v54 =	vor.u32 v8, v29  }
0x2e8: {  	s19 =	simm.s32 $0x2;
	v22 =	vld.idx.msk [tilespmem:v51+s14+$0x0], $0xffff;
	v20 =	vunpack.i.l.bf16.f32 v25;
	v51 =	vor.u32 v7, v29;
	v37 =	vunpack.i.u.bf16.f32 v30  }
0x2e9: {  	v40 =	vadd.f32 v12, v55;
	v12 =	vld.idx.msk [tilespmem:v50+s14+$0x0], $0xffff;
	v57 =	vadd.f32 v18, v55;
	v18 =	vadd.s32 s19, v63  }
0x2ea: {  	v10 =	vadd.f32 v10, v55;
	v26 =	vand.u32 $0x3F, v18;
	v33 =	vmul.bf16 v17, v31;
	v17 =	vld.idx.msk [tilespmem:v0+s14+$0x0], $0xffff  }
0x2eb: {  	v53 =	vunpack.i.l.bf16.f32 v38;
	v49 =	vunpack.i.u.bf16.f32 v39;
	v0 =	vld.idx.msk [tilespmem:v0+s16+$0x0], $0xffff;
	v41 =	vor.u32 v1, v26  }
0x2ec: {  	v11 =	vadd.f32 v11, v55;
	v48 =	vor.u32 v2, v26;
	v47 =	vadd.f32 v10, v15;
	v15 =	vld.idx.msk [tilespmem:v13+s14+$0x0], $0xffff  }
0x2ed: {  	v53 =	vadd.f32 v53, v55;
	v31 =	vmul.bf16 v9, v16;
	v19 =	vor.u32 v3, v26;
	v25 =	vld.idx.msk [tilespmem:v54+s14+$0x0], $0xffff  }
0x2ee: {  	v18 =	vor.u32 v4, v26;
	v13 =	vor.u32 v7, v26;
	v28 =	vor.u32 v8, v26;
	v39 =	vld.idx.msk [tilespmem:v51+s14+$0x0], $0xffff  }
0x2ef: {  	v45 =	vmul.bf16 v24, v22;
	v22 =	vmul.bf16 v27, v12;
	v27 =	vunpack.i.u.bf16.f32 v38;
	v38 =	vld.idx.msk [tilespmem:v51+s16+$0x0], $0xffff  }
0x2f0: {  	v9 =	vor.u32 v5, v26;
	v23 =	vor.u32 v6, v26;
	v34 =	vadd.f32 v11, v58;
	v10 =	vld.idx.msk [tilespmem:v41+s14+$0x0], $0xffff  }
0x2f1: {  	v16 =	vor.u32 v6, v29;
	v11 =	vadd.f32 v20, v55;
	v56 =	vadd.f32 v57, v36;
	v21 =	vld.idx.msk [tilespmem:v48+s14+$0x0], $0xffff  }
0x2f2: {  	v57 =	vunpack.i.l.bf16.f32 v60;
	v36 =	vor.u32 v2, v29;
	v42 =	vunpack.i.u.bf16.f32 v45;
	v14 =	vld.idx.msk [tilespmem:v19+s14+$0x0], $0xffff  }
0x2f3: {  	v44 =	vadd.f32 v11, v62;
	v58 =	vunpack.i.l.bf16.f32 v33;
	v12 =	vunpack.i.l.bf16.f32 v31;
	v24 =	vld.idx.msk [tilespmem:v28+s16+$0x0], $0xffff  }
0x2f4: {  	v11 =	vor.u32 v5, v29;
	v62 =	vunpack.i.l.bf16.f32 v45;
	v61 =	vadd.f32 v12, v55;
	v12 =	vld.idx.msk [tilespmem:v13+s16+$0x0], $0xffff  }
0x2f5: {  	v50 =	vunpack.i.u.bf16.f32 v33;
	v47 =	vadd.f32 v57, v47;
	v51 =	vunpack.i.l.bf16.f32 v46;
	v26 =	vld.idx.msk [tilespmem:v23+s16+$0x0], $0xffff  }
0x2f6: {  	v46 =	vunpack.i.u.bf16.f32 v46;
	v0 =	vmul.bf16 v0, v17;
	v17 =	vunpack.i.u.bf16.f32 v31;
	v20 =	vld.idx.msk [tilespmem:v41+s16+$0x0], $0xffff  }
0x2f7: {  	v33 =	vadd.f32 v58, v56;
	v32 =	vmul.bf16 v59, v15;
	v15 =	vld.idx.msk [tilespmem:v16+s16+$0x0], $0xffff;
	v17 =	vadd.f32 v61, v17  }
0x2f8: {  	v31 =	vunpack.i.l.bf16.f32 v30;
	v45 =	vunpack.i.l.bf16.f32 v22;
	v30 =	vld.idx.msk [tilespmem:v18+s16+$0x0], $0xffff;
	v41 =	vunpack.i.u.bf16.f32 v60  }
0x2f9: {  	v60 =	vadd.f32 v40, v35;
	v35 =	vld.idx.msk [tilespmem:v36+s14+$0x0], $0xffff;
	v59 =	vunpack.i.l.bf16.f32 v0;
	v17 =	vadd.f32 v62, v17  }
0x2fa: {  	v40 =	vor.u32 v4, v29;
	v48 =	vld.idx.msk [tilespmem:v48+s16+$0x0], $0xffff;
	v52 =	vunpack.i.u.bf16.f32 v0;
	v55 =	vadd.f32 v59, v55  }
0x2fb: {  	s0 =	simm.s32 $0x4;
	v17 =	vadd.f32 v17, v42;
	v42 =	vld.idx.msk [tilespmem:v54+s16+$0x0], $0xffff;
	v54 =	vadd.f32 v43, v60;
	v43 =	vor.u32 v1, v29  }
.LBB2_15:
0x2fc: {  	s1 =	sadd.s32 $0x1, s0  }
0x2fd: {  	p0 =	slt.u32 s0, $0x3E;
	v0 =	vld.idx.msk [tilespmem:v28+s14+$0x0], $0xffff;
	v28 =	vor.u32 v3, v29;
	v29 =	vunpack.i.l.bf16.f32 v32;
	v44 =	vadd.f32 v45, v44;
	s15 =	smov.u32 s0;
	s0 =	sadd.s32 $0x2, s0  }
0x2fe: {  	v49 =	vadd.f32 v54, v49;
	v45 =	vadd.s32 s1, v63;
	v23 =	vld.idx.msk [tilespmem:v23+s14+$0x0], $0xffff;
	v52 =	vadd.f32 v55, v52  }
0x2ff: {  	v27 =	vadd.f32 v53, v27;
	v50 =	vadd.f32 v33, v50;
	v19 =	vld.idx.msk [tilespmem:v19+s16+$0x0], $0xffff  }
0x300: {  	v22 =	vunpack.i.u.bf16.f32 v22;
	v29 =	vadd.f32 v29, v34;
	v18 =	vld.idx.msk [tilespmem:v18+s14+$0x0], $0xffff;
	v33 =	vadd.f32 v51, v52  }
0x301: {  	v32 =	vunpack.i.u.bf16.f32 v32;
	v44 =	vadd.f32 v44, v22;
	v22 =	vadd.f32 v31, v27;
	v34 =	vld.idx.msk [tilespmem:v40+s16+$0x0], $0xffff  }
0x302: {  	v31 =	vadd.f32 v47, v41;
	v21 =	vmul.bf16 v48, v21;
	v27 =	vld.idx.msk [tilespmem:v36+s16+$0x0], $0xffff;
	v33 =	vadd.f32 v33, v46  }
0x303: {  	v32 =	vadd.f32 v29, v32;
	v0 =	vmul.bf16 v24, v0;
	v46 =	vadd.f32 v22, v37;
	v24 =	vld.idx.msk [tilespmem:v43+s16+$0x0], $0xffff  }
0x304: {  	v37 =	vmul.bf16 v38, v39;
	v22 =	vmul.bf16 v26, v23;
	v13 =	vld.idx.msk [tilespmem:v13+s14+$0x0], $0xffff  }
0x305: {  	v39 =	vunpack.i.u.bf16.f32 v0;
	v0 =	vunpack.i.l.bf16.f32 v0;
	v26 =	vld.idx.msk [tilespmem:v40+s14+$0x0], $0xffff;
	v40 =	vmul.bf16 v42, v25  }
0x306: {  	v23 =	vunpack.i.l.bf16.f32 v21;
	v25 =	vmul.bf16 v30, v18;
	v0 =	vadd.f32 v0, v49;
	v29 =	vld.idx.msk [tilespmem:v43+s14+$0x0], $0xffff  }
0x307: {  	v36 =	vadd.f32 v23, v50;
	v30 =	vunpack.i.u.bf16.f32 v21;
	v18 =	vunpack.i.l.bf16.f32 v22;
	v38 =	vld.idx.msk [tilespmem:v9+s14+$0x0], $0xffff  }
0x308: {  	v14 =	vmul.bf16 v19, v14;
	v35 =	vmul.bf16 v27, v35;
	v41 =	vld.idx.msk [tilespmem:v9+s16+$0x0], $0xffff;
	v9 =	vunpack.i.u.bf16.f32 v22  }
0x309: {  	v19 =	vadd.s32 s15, v63;
	v18 =	vadd.f32 v18, v31;
	v43 =	vunpack.i.l.bf16.f32 v40;
	v16 =	vld.idx.msk [tilespmem:v16+s14+$0x0], $0xffff  }
0x30a: {  	v20 =	vmul.bf16 v20, v10;
	v21 =	vand.u32 $0x3F, v19;
	v42 =	vmul.bf16 v12, v13;
	v31 =	vld.idx.msk [tilespmem:v28+s14+$0x0], $0xffff  }
0x30b: {  	v47 =	vor.u32 v1, v21;
	v48 =	vor.u32 v2, v21;
	v54 =	vadd.f32 v18, v9;
	v49 =	vld.idx.msk [tilespmem:v28+s16+$0x0], $0xffff  }
0x30c: {  	v19 =	vor.u32 v3, v21;
	v18 =	vor.u32 v4, v21;
	v12 =	vunpack.i.u.bf16.f32 v14  }
0x30d: {  	v23 =	vor.u32 v6, v21;
	v9 =	vor.u32 v5, v21;
	v14 =	vunpack.i.l.bf16.f32 v14;
	v50 =	vld.idx.msk [tilespmem:v11+s16+$0x0], $0xffff  }
0x30e: {  	v13 =	vor.u32 v7, v21;
	v28 =	vor.u32 v8, v21;
	v51 =	vmul.bf16 v24, v29  }
0x30f: {  	v52 =	vunpack.i.u.bf16.f32 v25;
	v22 =	vmul.bf16 v34, v26;
	v55 =	vmul.bf16 v15, v16;
	v53 =	vld.idx.msk [tilespmem:v11+s14+$0x0], $0xffff  }
0x310: {  	v29 =	vand.u32 $0x3F, v45;
	v27 =	vunpack.i.u.bf16.f32 v42;
	v11 =	vunpack.i.l.bf16.f32 v20;
	v10 =	vld.idx.msk [tilespmem:v47+s14+$0x0], $0xffff  }
0x311: {  	v25 =	vunpack.i.l.bf16.f32 v25;
	v56 =	vor.u32 v8, v29;
	v15 =	vadd.f32 v14, v32;
	v21 =	vld.idx.msk [tilespmem:v48+s14+$0x0], $0xffff  }
0x312: {  	v57 =	vor.u32 v7, v29;
	v58 =	vmul.bf16 v41, v38;
	v17 =	vadd.f32 v11, v17;
	v14 =	vld.idx.msk [tilespmem:v19+s14+$0x0], $0xffff  }
0x313: {  	v38 =	vunpack.i.u.bf16.f32 v20;
	v16 =	vor.u32 v6, v29;
	v34 =	vadd.f32 v15, v12;
	v24 =	vld.idx.msk [tilespmem:v28+s16+$0x0], $0xffff  }
0x314: {  	v11 =	vadd.f32 v25, v44;
	v32 =	vmul.bf16 v49, v31;
	v31 =	vunpack.i.l.bf16.f32 v37;
	v12 =	vld.idx.msk [tilespmem:v13+s16+$0x0], $0xffff  }
0x315: {  	v59 =	vadd.f32 v36, v30;
	v60 =	vunpack.i.u.bf16.f32 v51;
	v61 =	vunpack.i.l.bf16.f32 v55;
	v26 =	vld.idx.msk [tilespmem:v23+s16+$0x0], $0xffff  }
0x316: {  	v62 =	vunpack.i.l.bf16.f32 v35;
	v36 =	vor.u32 v2, v29;
	v44 =	vadd.f32 v11, v52;
	v25 =	vld.idx.msk [tilespmem:v56+s14+$0x0], $0xffff  }
0x317: {  	v11 =	vor.u32 v5, v29;
	v17 =	vadd.f32 v17, v38;
	v38 =	vunpack.i.l.bf16.f32 v51;
	v20 =	vld.idx.msk [tilespmem:v47+s16+$0x0], $0xffff  }
0x318: {  	v45 =	vunpack.i.l.bf16.f32 v22;
	v37 =	vunpack.i.u.bf16.f32 v37;
	v47 =	vmul.bf16 v50, v53;
	v15 =	vld.idx.msk [tilespmem:v16+s16+$0x0], $0xffff  }
0x319: {  	v42 =	vunpack.i.l.bf16.f32 v42;
	v41 =	vunpack.i.u.bf16.f32 v55;
	v17 =	vadd.f32 v38, v17;
	v30 =	vld.idx.msk [tilespmem:v18+s16+$0x0], $0xffff  }
.Ltmp7:
0x31a: {  	v0 =	vadd.f32 v0, v39;
	v55 =	vunpack.i.l.bf16.f32 v58;
	v49 =	vunpack.i.u.bf16.f32 v40;
	v38 =	vld.idx.msk [tilespmem:v57+s16+$0x0], $0xffff;
	(pc) =	sbr.rel @p0 .LBB2_15-.Ltmp7, $4  }
0x31b: {  	v52 =	vunpack.i.u.bf16.f32 v58;
	v17 =	vadd.f32 v17, v60;
	v50 =	vunpack.i.u.bf16.f32 v35;
	v39 =	vld.idx.msk [tilespmem:v57+s14+$0x0], $0xffff  }
0x31c: {  	v40 =	vor.u32 v4, v29;
	v53 =	vadd.f32 v42, v46;
	v51 =	vunpack.i.l.bf16.f32 v47;
	v35 =	vld.idx.msk [tilespmem:v36+s14+$0x0], $0xffff  }
0x31d: {  	v46 =	vunpack.i.u.bf16.f32 v47;
	v47 =	vadd.f32 v61, v54;
	v54 =	vadd.f32 v43, v0;
	v42 =	vld.idx.msk [tilespmem:v56+s16+$0x0], $0xffff  }
0x31e: {  	v55 =	vadd.f32 v55, v33;
	v33 =	vadd.f32 v62, v59;
	v43 =	vor.u32 v1, v29;
	v48 =	vld.idx.msk [tilespmem:v48+s16+$0x0], $0xffff  }
0x31f: {  	_ =	sdelay $0x3  }
0x320: {  	v0 =	vld.idx.msk [tilespmem:v28+s14+$0x0], $0xffff  }
0x321: {  	v23 =	vld.idx.msk [tilespmem:v23+s14+$0x0], $0xffff  }
0x322: {  	v19 =	vld.idx.msk [tilespmem:v19+s16+$0x0], $0xffff  }
0x323: {  	v28 =	vadd.f32 v45, v44;
	v18 =	vld.idx.msk [tilespmem:v18+s14+$0x0], $0xffff  }
0x324: {  	v29 =	vor.u32 v3, v29;
	v56 =	vadd.f32 v54, v49;
	v57 =	vunpack.i.l.bf16.f32 v32;
	v58 =	vld.idx.msk [tilespmem:v40+s16+$0x0], $0xffff  }
0x325: {  	v27 =	vadd.f32 v53, v27;
	v22 =	vunpack.i.u.bf16.f32 v22;
	v60 =	vadd.f32 v47, v41;
	v13 =	vld.idx.msk [tilespmem:v13+s14+$0x0], $0xffff  }
0x326: {  	v59 =	vunpack.i.u.bf16.f32 v32;
	v62 =	vld.idx.msk [tilespmem:v40+s14+$0x0], $0xffff;
	v55 =	vadd.f32 v55, v52;
	v33 =	vadd.f32 v33, v50  }
0x327: {  	v16 =	vld.idx.msk [tilespmem:v16+s14+$0x0], $0xffff;
	v10 =	vmul.bf16 v20, v10;
	v34 =	vadd.f32 v57, v34;
	v22 =	vadd.f32 v28, v22  }
0x328: {  	v27 =	vadd.f32 v31, v27;
	v25 =	vmul.bf16 v42, v25;
	v21 =	vmul.bf16 v48, v21  }
0x329: {  	v44 =	vadd.f32 v51, v55;
	v0 =	vmul.bf16 v24, v0;
	v23 =	vmul.bf16 v26, v23  }
0x32a: {  	v28 =	vld.idx.msk [tilespmem:v36+s16+$0x0], $0xffff;
	v32 =	vadd.f32 v34, v59;
	v26 =	vmul.bf16 v38, v39;
	v18 =	vmul.bf16 v30, v18  }
0x32b: {  	v27 =	vadd.f32 v27, v37;
	v48 =	vld.idx.msk [tilespmem:v11+s16+$0x0], $0xffff;
	v14 =	vmul.bf16 v19, v14;
	v12 =	vmul.bf16 v12, v13  }
0x32c: {  	v11 =	vld.idx.msk [tilespmem:v11+s14+$0x0], $0xffff;
	v31 =	vadd.f32 v44, v46;
	v47 =	vmul.bf16 v58, v62;
	v15 =	vmul.bf16 v15, v16  }
0x32d: {  	v24 =	vld.idx.msk [tilespmem:v43+s16+$0x0], $0xffff;
	v16 =	vunpack.i.l.bf16.f32 v10;
	v10 =	vunpack.i.u.bf16.f32 v10;
	v42 =	vunpack.i.l.bf16.f32 v21  }
0x32e: {  	v44 =	vld.idx.msk [tilespmem:v43+s14+$0x0], $0xffff;
	v21 =	vunpack.i.u.bf16.f32 v21;
	v16 =	vadd.f32 v16, v17;
	v61 =	vunpack.i.u.bf16.f32 v0  }
0x32f: {  	v13 =	vld.idx.msk [tilespmem:v29+s14+$0x0], $0xffff;
	v0 =	vunpack.i.l.bf16.f32 v0;
	v33 =	vadd.f32 v42, v33;
	v45 =	vunpack.i.l.bf16.f32 v23  }
0x330: {  	v20 =	vld.idx.msk [tilespmem:v29+s16+$0x0], $0xffff;
	v19 =	vunpack.i.u.bf16.f32 v23;
	v23 =	vmul.bf16 v28, v35;
	v29 =	vunpack.i.u.bf16.f32 v18  }
0x331: {  	v30 =	vld.idx.msk [tilespmem:v9+s14+$0x0], $0xffff;
	v49 =	vunpack.i.u.bf16.f32 v12;
	v18 =	vunpack.i.l.bf16.f32 v18;
	v0 =	vadd.f32 v0, v56  }
0x332: {  	v9 =	vld.idx.msk [tilespmem:v9+s16+$0x0], $0xffff;
	v12 =	vunpack.i.l.bf16.f32 v12;
	v28 =	vadd.f32 v45, v60;
	v17 =	vadd.f32 v18, v22  }
0x333: {  	v18 =	vunpack.i.l.bf16.f32 v26;
	v10 =	vadd.f32 v16, v10;
	v16 =	vunpack.i.l.bf16.f32 v15  }
0x334: {  	v12 =	vadd.f32 v12, v27;
	v11 =	vmul.bf16 v48, v11;
	v19 =	vadd.f32 v28, v19  }
0x335: {  	v28 =	vunpack.i.u.bf16.f32 v14;
	v14 =	vunpack.i.l.bf16.f32 v14;
	v24 =	vmul.bf16 v24, v44  }
0x336: {  	v13 =	vmul.bf16 v20, v13;
	v20 =	vadd.f32 v33, v21;
	v17 =	vadd.f32 v17, v29  }
0x337: {  	v9 =	vmul.bf16 v9, v30;
	v0 =	vadd.f32 v0, v61;
	v14 =	vadd.f32 v14, v32  }
0x338: {  	v12 =	vadd.f32 v12, v49;
	v21 =	vunpack.i.u.bf16.f32 v24;
	v22 =	vunpack.i.l.bf16.f32 v24  }
0x339: {  	v24 =	vunpack.i.l.bf16.f32 v23;
	v14 =	vadd.f32 v14, v28;
	v28 =	vunpack.i.l.bf16.f32 v47  }
0x33a: {  	v10 =	vadd.f32 v22, v10;
	v22 =	vunpack.i.l.bf16.f32 v9;
	v9 =	vunpack.i.u.bf16.f32 v9  }
0x33b: {  	v20 =	vadd.f32 v24, v20;
	v24 =	vunpack.i.l.bf16.f32 v11;
	v22 =	vadd.f32 v22, v31  }
0x33c: {  	v10 =	vadd.f32 v10, v21;
	v21 =	vunpack.i.u.bf16.f32 v23;
	v23 =	vunpack.i.l.bf16.f32 v13  }
0x33d: {  	v17 =	vadd.f32 v28, v17;
	v13 =	vunpack.i.u.bf16.f32 v13;
	v14 =	vadd.f32 v23, v14  }
0x33e: {  	v9 =	vadd.f32 v22, v9;
	v20 =	vadd.f32 v20, v21;
	v21 =	vunpack.i.u.bf16.f32 v47  }
0x33f: {  	[tilespmem:$0x174A0] =	vst v10;
	v10 =	vunpack.i.u.bf16.f32 v11;
	v11 =	vadd.f32 v16, v19;
	v13 =	vadd.f32 v14, v13  }
0x340: {  	v15 =	vunpack.i.u.bf16.f32 v15;
	v9 =	vadd.f32 v24, v9;
	v14 =	vadd.f32 v17, v21;
	[tilespmem:$0x174B0] =	vst v20  }
0x341: {  	v46 =	vunpack.i.l.bf16.f32 v25;
	v12 =	vadd.f32 v18, v12;
	v11 =	vadd.f32 v11, v15;
	[tilespmem:$0x174C0] =	vst v13  }
0x342: {  	v0 =	vadd.f32 v46, v0;
	v9 =	vadd.f32 v9, v10;
	v10 =	vunpack.i.u.bf16.f32 v26;
	[tilespmem:$0x174D0] =	vst v14  }
0x343: {  	v13 =	vunpack.i.u.bf16.f32 v25;
	v10 =	vadd.f32 v12, v10;
	[tilespmem:$0x174F0] =	vst v11  }
0x344: {  	v0 =	vadd.f32 v0, v13;
	[tilespmem:$0x174E0] =	vst v9  }
0x345: {  	s0 =	simm.s32 $0x0;
	[tilespmem:$0x17500] =	vst v10  }
0x346: {  	[tilespmem:$0x17510] =	vst v0;
	v0 =	vadd.s32 s0, v63  }
0x347: {  	_ =	swait.ge [sflag:s28], $0x2000;
	v0 =	vand.u32 $0x3F, v0  }
0x348: {  	[sflag:s28] =	ssyncset.done $0x0;
	v10 =	vor.u32 v2, v0  }
0x349: {  	v11 =	vor.u32 v3, v0;
	[sflag:s28] =	ssyncadd.s32 $0xFFFFE000  }
0x34a: {  	s15 =	simm.s32 $0x1;
	v12 =	vor.u32 v8, v0;
	_ =	swait.ge [sflag:s28], $0x2000  }
0x34b: {  	v13 =	vadd.s32 s15, v63;
	v14 =	vor.u32 v7, v0;
	[sflag:s28] =	ssyncset.done $0x0  }
0x34c: {  	v13 =	vand.u32 $0x3F, v13;
	v15 =	vor.u32 v6, v0;
	[sflag:s28] =	ssyncadd.s32 $0xFFFFE000  }
0x34d: {  	v18 =	vor.u32 v8, v13;
	v17 =	vld.idx.msk [tilespmem:v10+s18+$0x0], $0xffff  }
0x34e: {  	v21 =	vor.u32 v6, v13;
	v19 =	vld.idx.msk [tilespmem:v11+s18+$0x0], $0xffff  }
0x34f: {  	v22 =	vor.u32 v4, v0;
	v20 =	vld.idx.msk [tilespmem:v12+s20+$0x0], $0xffff  }
0x350: {  	v24 =	vor.u32 v7, v13;
	v23 =	vld.idx.msk [tilespmem:v14+s20+$0x0], $0xffff  }
0x351: {  	v25 =	vld.idx.msk [tilespmem:v15+s20+$0x0], $0xffff  }
0x352: {  	v26 =	vld.idx.msk [tilespmem:v18+s18+$0x0], $0xffff  }
0x353: {  	v29 =	vld.idx.msk [tilespmem:v21+s20+$0x0], $0xffff  }
0x354: {  	v28 =	vld.idx.msk [tilespmem:v22+s20+$0x0], $0xffff  }
0x355: {  	v30 =	vld.idx.msk [tilespmem:v24+s20+$0x0], $0xffff  }
0x356: {  	v24 =	vld.idx.msk [tilespmem:v24+s18+$0x0], $0xffff  }
0x357: {  	v10 =	vld.idx.msk [tilespmem:v10+s20+$0x0], $0xffff  }
0x358: {  	v12 =	vld.idx.msk [tilespmem:v12+s18+$0x0], $0xffff  }
0x359: {  	v15 =	vld.idx.msk [tilespmem:v15+s18+$0x0], $0xffff  }
0x35a: {  	v56 =	vor.u32 v5, v13;
	v18 =	vld.idx.msk [tilespmem:v18+s20+$0x0], $0xffff  }
0x35b: {  	v22 =	vld.idx.msk [tilespmem:v22+s18+$0x0], $0xffff  }
0x35c: {  	v11 =	vld.idx.msk [tilespmem:v11+s20+$0x0], $0xffff  }
0x35d: {  	v14 =	vld.idx.msk [tilespmem:v14+s18+$0x0], $0xffff  }
0x35e: {  	v9 =	vor.u32 v1, v0;
	v21 =	vld.idx.msk [tilespmem:v21+s18+$0x0], $0xffff  }
0x35f: {  	v46 =	vld.idx.msk [tilespmem:v56+s20+$0x0], $0xffff  }
0x360: {  	v27 =	vor.u32 v2, v13;
	v50 =	vor.u32 v4, v13;
	v51 =	vor.u32 v1, v13;
	v49 =	vld.idx.msk [tilespmem:v56+s18+$0x0], $0xffff  }
0x361: {  	v13 =	vor.u32 v3, v13;
	v10 =	vmul.bf16 v10, v17;
	v12 =	vmul.bf16 v20, v12  }
0x362: {  	v15 =	vmul.bf16 v25, v15;
	v30 =	vmul.bf16 v30, v24  }
0x363: {  	v55 =	vimm.f32 $0.0e+00;
	v16 =	vld.idx.msk [tilespmem:v9+s18+$0x0], $0xffff;
	v39 =	vmul.bf16 v18, v26;
	v25 =	vmul.bf16 v28, v22  }
0x364: {  	s17 =	simm.s32 $0x3;
	v0 =	vor.u32 v5, v0;
	v9 =	vld.idx.msk [tilespmem:v9+s20+$0x0], $0xffff;
	v11 =	vmul.bf16 v11, v19;
	v38 =	vmul.bf16 v23, v14  }
0x365: {  	v31 =	vld.idx.msk [tilespmem:v27+s18+$0x0], $0xffff;
	v20 =	vadd.s32 s17, v63;
	v60 =	vmul.bf16 v29, v21;
	v46 =	vmul.bf16 v46, v49  }
0x366: {  	v59 =	vld.idx.msk [tilespmem:v13+s20+$0x0], $0xffff;
	v29 =	vand.u32 $0x3F, v20;
	v35 =	vunpack.i.u.bf16.f32 v12;
	v12 =	vunpack.i.l.bf16.f32 v12  }
0x367: {  	v17 =	vld.idx.msk [tilespmem:v27+s20+$0x0], $0xffff;
	v18 =	vunpack.i.l.bf16.f32 v10;
	v36 =	vunpack.i.u.bf16.f32 v10;
	v10 =	vunpack.i.l.bf16.f32 v15  }
0x368: {  	v27 =	vld.idx.msk [tilespmem:v50+s20+$0x0], $0xffff;
	v15 =	vunpack.i.u.bf16.f32 v15;
	v43 =	vunpack.i.l.bf16.f32 v39;
	v58 =	vunpack.i.u.bf16.f32 v11  }
0x369: {  	v24 =	vld.idx.msk [tilespmem:v51+s20+$0x0], $0xffff;
	v11 =	vunpack.i.l.bf16.f32 v11;
	v62 =	vunpack.i.u.bf16.f32 v25;
	v54 =	vor.u32 v8, v29  }
0x36a: {  	s19 =	simm.s32 $0x2;
	v22 =	vld.idx.msk [tilespmem:v51+s18+$0x0], $0xffff;
	v20 =	vunpack.i.l.bf16.f32 v25;
	v51 =	vor.u32 v7, v29;
	v37 =	vunpack.i.u.bf16.f32 v30  }
0x36b: {  	v40 =	vadd.f32 v12, v55;
	v12 =	vld.idx.msk [tilespmem:v50+s18+$0x0], $0xffff;
	v57 =	vadd.f32 v18, v55;
	v18 =	vadd.s32 s19, v63  }
0x36c: {  	v10 =	vadd.f32 v10, v55;
	v26 =	vand.u32 $0x3F, v18;
	v33 =	vmul.bf16 v17, v31;
	v17 =	vld.idx.msk [tilespmem:v0+s18+$0x0], $0xffff  }
0x36d: {  	v53 =	vunpack.i.l.bf16.f32 v38;
	v49 =	vunpack.i.u.bf16.f32 v39;
	v0 =	vld.idx.msk [tilespmem:v0+s20+$0x0], $0xffff;
	v41 =	vor.u32 v1, v26  }
0x36e: {  	v11 =	vadd.f32 v11, v55;
	v48 =	vor.u32 v2, v26;
	v47 =	vadd.f32 v10, v15;
	v15 =	vld.idx.msk [tilespmem:v13+s18+$0x0], $0xffff  }
0x36f: {  	v53 =	vadd.f32 v53, v55;
	v31 =	vmul.bf16 v9, v16;
	v19 =	vor.u32 v3, v26;
	v25 =	vld.idx.msk [tilespmem:v54+s18+$0x0], $0xffff  }
0x370: {  	v18 =	vor.u32 v4, v26;
	v13 =	vor.u32 v7, v26;
	v28 =	vor.u32 v8, v26;
	v39 =	vld.idx.msk [tilespmem:v51+s18+$0x0], $0xffff  }
0x371: {  	v45 =	vmul.bf16 v24, v22;
	v22 =	vmul.bf16 v27, v12;
	v27 =	vunpack.i.u.bf16.f32 v38;
	v38 =	vld.idx.msk [tilespmem:v51+s20+$0x0], $0xffff  }
0x372: {  	v9 =	vor.u32 v5, v26;
	v23 =	vor.u32 v6, v26;
	v34 =	vadd.f32 v11, v58;
	v10 =	vld.idx.msk [tilespmem:v41+s18+$0x0], $0xffff  }
0x373: {  	v16 =	vor.u32 v6, v29;
	v11 =	vadd.f32 v20, v55;
	v56 =	vadd.f32 v57, v36;
	v21 =	vld.idx.msk [tilespmem:v48+s18+$0x0], $0xffff  }
0x374: {  	v57 =	vunpack.i.l.bf16.f32 v60;
	v36 =	vor.u32 v2, v29;
	v42 =	vunpack.i.u.bf16.f32 v45;
	v14 =	vld.idx.msk [tilespmem:v19+s18+$0x0], $0xffff  }
0x375: {  	v44 =	vadd.f32 v11, v62;
	v58 =	vunpack.i.l.bf16.f32 v33;
	v12 =	vunpack.i.l.bf16.f32 v31;
	v24 =	vld.idx.msk [tilespmem:v28+s20+$0x0], $0xffff  }
0x376: {  	v11 =	vor.u32 v5, v29;
	v62 =	vunpack.i.l.bf16.f32 v45;
	v61 =	vadd.f32 v12, v55;
	v12 =	vld.idx.msk [tilespmem:v13+s20+$0x0], $0xffff  }
0x377: {  	v50 =	vunpack.i.u.bf16.f32 v33;
	v47 =	vadd.f32 v57, v47;
	v51 =	vunpack.i.l.bf16.f32 v46;
	v26 =	vld.idx.msk [tilespmem:v23+s20+$0x0], $0xffff  }
0x378: {  	v46 =	vunpack.i.u.bf16.f32 v46;
	v0 =	vmul.bf16 v0, v17;
	v17 =	vunpack.i.u.bf16.f32 v31;
	v20 =	vld.idx.msk [tilespmem:v41+s20+$0x0], $0xffff  }
0x379: {  	v33 =	vadd.f32 v58, v56;
	v32 =	vmul.bf16 v59, v15;
	v15 =	vld.idx.msk [tilespmem:v16+s20+$0x0], $0xffff;
	v17 =	vadd.f32 v61, v17  }
0x37a: {  	v31 =	vunpack.i.l.bf16.f32 v30;
	v45 =	vunpack.i.l.bf16.f32 v22;
	v30 =	vld.idx.msk [tilespmem:v18+s20+$0x0], $0xffff;
	v41 =	vunpack.i.u.bf16.f32 v60  }
0x37b: {  	v60 =	vadd.f32 v40, v35;
	v35 =	vld.idx.msk [tilespmem:v36+s18+$0x0], $0xffff;
	v59 =	vunpack.i.l.bf16.f32 v0;
	v17 =	vadd.f32 v62, v17  }
0x37c: {  	v40 =	vor.u32 v4, v29;
	v48 =	vld.idx.msk [tilespmem:v48+s20+$0x0], $0xffff;
	v52 =	vunpack.i.u.bf16.f32 v0;
	v55 =	vadd.f32 v59, v55  }
0x37d: {  	s0 =	simm.s32 $0x4;
	v17 =	vadd.f32 v17, v42;
	v42 =	vld.idx.msk [tilespmem:v54+s20+$0x0], $0xffff;
	v54 =	vadd.f32 v43, v60;
	v43 =	vor.u32 v1, v29  }
.LBB2_17:
0x37e: {  	s1 =	sadd.s32 $0x1, s0  }
0x37f: {  	p0 =	slt.u32 s0, $0x3E;
	v0 =	vld.idx.msk [tilespmem:v28+s18+$0x0], $0xffff;
	v28 =	vor.u32 v3, v29;
	v29 =	vunpack.i.l.bf16.f32 v32;
	v44 =	vadd.f32 v45, v44;
	s15 =	smov.u32 s0;
	s0 =	sadd.s32 $0x2, s0  }
0x380: {  	v49 =	vadd.f32 v54, v49;
	v45 =	vadd.s32 s1, v63;
	v23 =	vld.idx.msk [tilespmem:v23+s18+$0x0], $0xffff;
	v52 =	vadd.f32 v55, v52  }
0x381: {  	v27 =	vadd.f32 v53, v27;
	v50 =	vadd.f32 v33, v50;
	v19 =	vld.idx.msk [tilespmem:v19+s20+$0x0], $0xffff  }
0x382: {  	v22 =	vunpack.i.u.bf16.f32 v22;
	v29 =	vadd.f32 v29, v34;
	v18 =	vld.idx.msk [tilespmem:v18+s18+$0x0], $0xffff;
	v33 =	vadd.f32 v51, v52  }
0x383: {  	v32 =	vunpack.i.u.bf16.f32 v32;
	v44 =	vadd.f32 v44, v22;
	v22 =	vadd.f32 v31, v27;
	v34 =	vld.idx.msk [tilespmem:v40+s20+$0x0], $0xffff  }
0x384: {  	v31 =	vadd.f32 v47, v41;
	v21 =	vmul.bf16 v48, v21;
	v27 =	vld.idx.msk [tilespmem:v36+s20+$0x0], $0xffff;
	v33 =	vadd.f32 v33, v46  }
0x385: {  	v32 =	vadd.f32 v29, v32;
	v0 =	vmul.bf16 v24, v0;
	v46 =	vadd.f32 v22, v37;
	v24 =	vld.idx.msk [tilespmem:v43+s20+$0x0], $0xffff  }
0x386: {  	v37 =	vmul.bf16 v38, v39;
	v22 =	vmul.bf16 v26, v23;
	v13 =	vld.idx.msk [tilespmem:v13+s18+$0x0], $0xffff  }
0x387: {  	v39 =	vunpack.i.u.bf16.f32 v0;
	v0 =	vunpack.i.l.bf16.f32 v0;
	v26 =	vld.idx.msk [tilespmem:v40+s18+$0x0], $0xffff;
	v40 =	vmul.bf16 v42, v25  }
0x388: {  	v23 =	vunpack.i.l.bf16.f32 v21;
	v25 =	vmul.bf16 v30, v18;
	v0 =	vadd.f32 v0, v49;
	v29 =	vld.idx.msk [tilespmem:v43+s18+$0x0], $0xffff  }
0x389: {  	v36 =	vadd.f32 v23, v50;
	v30 =	vunpack.i.u.bf16.f32 v21;
	v18 =	vunpack.i.l.bf16.f32 v22;
	v38 =	vld.idx.msk [tilespmem:v9+s18+$0x0], $0xffff  }
0x38a: {  	v14 =	vmul.bf16 v19, v14;
	v35 =	vmul.bf16 v27, v35;
	v41 =	vld.idx.msk [tilespmem:v9+s20+$0x0], $0xffff;
	v9 =	vunpack.i.u.bf16.f32 v22  }
0x38b: {  	v19 =	vadd.s32 s15, v63;
	v18 =	vadd.f32 v18, v31;
	v43 =	vunpack.i.l.bf16.f32 v40;
	v16 =	vld.idx.msk [tilespmem:v16+s18+$0x0], $0xffff  }
0x38c: {  	v20 =	vmul.bf16 v20, v10;
	v21 =	vand.u32 $0x3F, v19;
	v42 =	vmul.bf16 v12, v13;
	v31 =	vld.idx.msk [tilespmem:v28+s18+$0x0], $0xffff  }
0x38d: {  	v47 =	vor.u32 v1, v21;
	v48 =	vor.u32 v2, v21;
	v54 =	vadd.f32 v18, v9;
	v49 =	vld.idx.msk [tilespmem:v28+s20+$0x0], $0xffff  }
0x38e: {  	v19 =	vor.u32 v3, v21;
	v18 =	vor.u32 v4, v21;
	v12 =	vunpack.i.u.bf16.f32 v14  }
0x38f: {  	v23 =	vor.u32 v6, v21;
	v9 =	vor.u32 v5, v21;
	v14 =	vunpack.i.l.bf16.f32 v14;
	v50 =	vld.idx.msk [tilespmem:v11+s20+$0x0], $0xffff  }
0x390: {  	v13 =	vor.u32 v7, v21;
	v28 =	vor.u32 v8, v21;
	v51 =	vmul.bf16 v24, v29  }
0x391: {  	v52 =	vunpack.i.u.bf16.f32 v25;
	v22 =	vmul.bf16 v34, v26;
	v55 =	vmul.bf16 v15, v16;
	v53 =	vld.idx.msk [tilespmem:v11+s18+$0x0], $0xffff  }
0x392: {  	v29 =	vand.u32 $0x3F, v45;
	v27 =	vunpack.i.u.bf16.f32 v42;
	v11 =	vunpack.i.l.bf16.f32 v20;
	v10 =	vld.idx.msk [tilespmem:v47+s18+$0x0], $0xffff  }
0x393: {  	v25 =	vunpack.i.l.bf16.f32 v25;
	v56 =	vor.u32 v8, v29;
	v15 =	vadd.f32 v14, v32;
	v21 =	vld.idx.msk [tilespmem:v48+s18+$0x0], $0xffff  }
0x394: {  	v57 =	vor.u32 v7, v29;
	v58 =	vmul.bf16 v41, v38;
	v17 =	vadd.f32 v11, v17;
	v14 =	vld.idx.msk [tilespmem:v19+s18+$0x0], $0xffff  }
0x395: {  	v38 =	vunpack.i.u.bf16.f32 v20;
	v16 =	vor.u32 v6, v29;
	v34 =	vadd.f32 v15, v12;
	v24 =	vld.idx.msk [tilespmem:v28+s20+$0x0], $0xffff  }
0x396: {  	v11 =	vadd.f32 v25, v44;
	v32 =	vmul.bf16 v49, v31;
	v31 =	vunpack.i.l.bf16.f32 v37;
	v12 =	vld.idx.msk [tilespmem:v13+s20+$0x0], $0xffff  }
0x397: {  	v59 =	vadd.f32 v36, v30;
	v60 =	vunpack.i.u.bf16.f32 v51;
	v61 =	vunpack.i.l.bf16.f32 v55;
	v26 =	vld.idx.msk [tilespmem:v23+s20+$0x0], $0xffff  }
0x398: {  	v62 =	vunpack.i.l.bf16.f32 v35;
	v36 =	vor.u32 v2, v29;
	v44 =	vadd.f32 v11, v52;
	v25 =	vld.idx.msk [tilespmem:v56+s18+$0x0], $0xffff  }
0x399: {  	v11 =	vor.u32 v5, v29;
	v17 =	vadd.f32 v17, v38;
	v38 =	vunpack.i.l.bf16.f32 v51;
	v20 =	vld.idx.msk [tilespmem:v47+s20+$0x0], $0xffff  }
0x39a: {  	v45 =	vunpack.i.l.bf16.f32 v22;
	v37 =	vunpack.i.u.bf16.f32 v37;
	v47 =	vmul.bf16 v50, v53;
	v15 =	vld.idx.msk [tilespmem:v16+s20+$0x0], $0xffff  }
0x39b: {  	v42 =	vunpack.i.l.bf16.f32 v42;
	v41 =	vunpack.i.u.bf16.f32 v55;
	v17 =	vadd.f32 v38, v17;
	v30 =	vld.idx.msk [tilespmem:v18+s20+$0x0], $0xffff  }
.Ltmp8:
0x39c: {  	v0 =	vadd.f32 v0, v39;
	v55 =	vunpack.i.l.bf16.f32 v58;
	v49 =	vunpack.i.u.bf16.f32 v40;
	v38 =	vld.idx.msk [tilespmem:v57+s20+$0x0], $0xffff;
	(pc) =	sbr.rel @p0 .LBB2_17-.Ltmp8, $4  }
0x39d: {  	v52 =	vunpack.i.u.bf16.f32 v58;
	v17 =	vadd.f32 v17, v60;
	v50 =	vunpack.i.u.bf16.f32 v35;
	v39 =	vld.idx.msk [tilespmem:v57+s18+$0x0], $0xffff  }
0x39e: {  	v40 =	vor.u32 v4, v29;
	v53 =	vadd.f32 v42, v46;
	v51 =	vunpack.i.l.bf16.f32 v47;
	v35 =	vld.idx.msk [tilespmem:v36+s18+$0x0], $0xffff  }
0x39f: {  	v46 =	vunpack.i.u.bf16.f32 v47;
	v47 =	vadd.f32 v61, v54;
	v54 =	vadd.f32 v43, v0;
	v42 =	vld.idx.msk [tilespmem:v56+s20+$0x0], $0xffff  }
0x3a0: {  	v55 =	vadd.f32 v55, v33;
	v33 =	vadd.f32 v62, v59;
	v43 =	vor.u32 v1, v29;
	v48 =	vld.idx.msk [tilespmem:v48+s20+$0x0], $0xffff  }
0x3a1: {  	_ =	sdelay $0x3  }
0x3a2: {  	v0 =	vld.idx.msk [tilespmem:v28+s18+$0x0], $0xffff  }
0x3a3: {  	v23 =	vld.idx.msk [tilespmem:v23+s18+$0x0], $0xffff  }
0x3a4: {  	v19 =	vld.idx.msk [tilespmem:v19+s20+$0x0], $0xffff  }
0x3a5: {  	v18 =	vld.idx.msk [tilespmem:v18+s18+$0x0], $0xffff  }
0x3a6: {  	v61 =	vadd.f32 v54, v49;
	v49 =	vld.idx.msk [tilespmem:v40+s20+$0x0], $0xffff  }
0x3a7: {  	v27 =	vadd.f32 v53, v27;
	v53 =	vld.idx.msk [tilespmem:v43+s20+$0x0], $0xffff  }
0x3a8: {  	v59 =	vadd.f32 v45, v44;
	v29 =	vor.u32 v3, v29;
	v13 =	vld.idx.msk [tilespmem:v13+s18+$0x0], $0xffff  }
0x3a9: {  	v62 =	vunpack.i.l.bf16.f32 v32;
	v22 =	vunpack.i.u.bf16.f32 v22;
	v54 =	vld.idx.msk [tilespmem:v40+s18+$0x0], $0xffff;
	v60 =	vadd.f32 v55, v52  }
0x3aa: {  	v56 =	vld.idx.msk [tilespmem:v43+s18+$0x0], $0xffff;
	v10 =	vmul.bf16 v20, v10;
	v33 =	vadd.f32 v33, v50;
	v34 =	vadd.f32 v62, v34  }
0x3ab: {  	v57 =	vld.idx.msk [tilespmem:v9+s18+$0x0], $0xffff;
	v50 =	vunpack.i.u.bf16.f32 v32;
	v52 =	vadd.f32 v47, v41;
	v22 =	vadd.f32 v59, v22  }
0x3ac: {  	v16 =	vld.idx.msk [tilespmem:v16+s18+$0x0], $0xffff;
	v27 =	vadd.f32 v31, v27;
	v45 =	vunpack.i.l.bf16.f32 v10;
	v10 =	vunpack.i.u.bf16.f32 v10  }
0x3ad: {  	v9 =	vld.idx.msk [tilespmem:v9+s20+$0x0], $0xffff;
	v44 =	vadd.f32 v51, v60;
	v25 =	vmul.bf16 v42, v25;
	v21 =	vmul.bf16 v48, v21  }
0x3ae: {  	v32 =	vadd.f32 v34, v50;
	v0 =	vmul.bf16 v24, v0;
	v23 =	vmul.bf16 v26, v23  }
0x3af: {  	v27 =	vadd.f32 v27, v37;
	v26 =	vmul.bf16 v38, v39;
	v18 =	vmul.bf16 v30, v18  }
0x3b0: {  	v31 =	vadd.f32 v44, v46;
	v14 =	vmul.bf16 v19, v14;
	v12 =	vmul.bf16 v12, v13  }
0x3b1: {  	v62 =	vunpack.i.l.bf16.f32 v25;
	v24 =	vmul.bf16 v53, v56;
	v44 =	vmul.bf16 v49, v54  }
0x3b2: {  	v15 =	vmul.bf16 v15, v16;
	v16 =	vadd.f32 v45, v17;
	v9 =	vmul.bf16 v9, v57  }
0x3b3: {  	v55 =	vunpack.i.l.bf16.f32 v21;
	v21 =	vunpack.i.u.bf16.f32 v21;
	v34 =	vunpack.i.u.bf16.f32 v0  }
0x3b4: {  	v0 =	vunpack.i.l.bf16.f32 v0;
	v33 =	vadd.f32 v55, v33;
	v58 =	vunpack.i.l.bf16.f32 v23  }
0x3b5: {  	v51 =	vld.idx.msk [tilespmem:v36+s20+$0x0], $0xffff;
	v59 =	vunpack.i.u.bf16.f32 v23;
	v42 =	vunpack.i.u.bf16.f32 v14;
	v14 =	vunpack.i.l.bf16.f32 v14  }
0x3b6: {  	v40 =	vld.idx.msk [tilespmem:v29+s18+$0x0], $0xffff;
	v43 =	vunpack.i.u.bf16.f32 v18;
	v47 =	vunpack.i.u.bf16.f32 v12;
	v18 =	vunpack.i.l.bf16.f32 v18  }
0x3b7: {  	v41 =	vld.idx.msk [tilespmem:v29+s20+$0x0], $0xffff;
	v49 =	vunpack.i.l.bf16.f32 v26;
	v10 =	vadd.f32 v16, v10;
	v53 =	vunpack.i.l.bf16.f32 v24  }
0x3b8: {  	v46 =	vld.idx.msk [tilespmem:v11+s20+$0x0], $0xffff;
	v55 =	vunpack.i.l.bf16.f32 v44;
	v12 =	vunpack.i.l.bf16.f32 v12;
	v56 =	vunpack.i.l.bf16.f32 v9  }
0x3b9: {  	v11 =	vld.idx.msk [tilespmem:v11+s18+$0x0], $0xffff;
	v9 =	vunpack.i.u.bf16.f32 v9;
	v0 =	vadd.f32 v0, v61;
	v61 =	vadd.f32 v58, v52  }
0x3ba: {  	v60 =	vmul.bf16 v51, v35;
	v14 =	vadd.f32 v14, v32;
	v48 =	vadd.f32 v18, v22  }
0x3bb: {  	v51 =	vunpack.i.u.bf16.f32 v24;
	v12 =	vadd.f32 v12, v27;
	v22 =	vadd.f32 v56, v31  }
0x3bc: {  	v52 =	vunpack.i.l.bf16.f32 v15;
	v50 =	vadd.f32 v33, v21;
	v10 =	vadd.f32 v53, v10  }
0x3bd: {  	v19 =	vadd.f32 v61, v59;
	v14 =	vadd.f32 v14, v42;
	v13 =	vmul.bf16 v41, v40  }
0x3be: {  	v17 =	vadd.f32 v48, v43;
	v54 =	vunpack.i.l.bf16.f32 v60;
	v11 =	vmul.bf16 v46, v11  }
0x3bf: {  	v0 =	vadd.f32 v0, v34;
	v57 =	vunpack.i.u.bf16.f32 v60;
	v9 =	vadd.f32 v22, v9  }
0x3c0: {  	v12 =	vadd.f32 v12, v47;
	v60 =	vunpack.i.u.bf16.f32 v44;
	v20 =	vadd.f32 v54, v50  }
0x3c1: {  	v10 =	vadd.f32 v10, v51;
	v58 =	vunpack.i.l.bf16.f32 v13;
	v17 =	vadd.f32 v55, v17  }
0x3c2: {  	v59 =	vunpack.i.l.bf16.f32 v11;
	v0 =	vadd.f32 v62, v0;
	v20 =	vadd.f32 v20, v57  }
0x3c3: {  	v62 =	vunpack.i.u.bf16.f32 v25;
	v14 =	vadd.f32 v58, v14;
	[tilespmem:$0x174B0] =	vst v10;
	v61 =	vadd.f32 v17, v60  }
0x3c4: {  	v13 =	vunpack.i.u.bf16.f32 v13;
	v9 =	vadd.f32 v59, v9;
	v0 =	vadd.f32 v0, v62;
	[tilespmem:$0x174C0] =	vst v20  }
0x3c5: {  	v10 =	vunpack.i.u.bf16.f32 v11;
	v11 =	vadd.f32 v52, v19;
	v13 =	vadd.f32 v14, v13;
	[tilespmem:$0x174E0] =	vst v61  }
0x3c6: {  	v15 =	vunpack.i.u.bf16.f32 v15;
	v12 =	vadd.f32 v49, v12;
	v9 =	vadd.f32 v9, v10;
	[tilespmem:$0x17520] =	vst v0  }
0x3c7: {  	v10 =	vunpack.i.u.bf16.f32 v26;
	v11 =	vadd.f32 v11, v15;
	[tilespmem:$0x174D0] =	vst v13  }
0x3c8: {  	s31 =	sadd.s32 $0x1, s31;
	v10 =	vadd.f32 v12, v10;
	[tilespmem:$0x174F0] =	vst v9  }
0x3c9: {  	p0 =	sne.s32 s31, s8;
	[tilespmem:$0x17500] =	vst v11  }
.Ltmp9:
0x3ca: {  	[tilespmem:$0x17510] =	vst v10;
	(pc) =	sbr.rel @p0 .LBB2_1-.Ltmp9, $4  }
0x3cb: {  	[hbm4b:s7+s2] =	stream.linear.scatter [tilespmem:s30], [sflag:$0x5], $0x2710, $0x38;
	[tilespmem:$0x17530] =	vst v63  }
0x3cc: {  	_ =	swait.ge [sflag:s9], $0x2710  }
0x3cd: {  	[sflag:s9] =	ssyncset.done $0x0  }
0x3ce: {  	[sflag:s9] =	ssyncadd.s32 $0xFFFFD8F0  }
0x3cf: {  	_ =	sfence.sel $0x180000  }
0x3d0: {  	[bflag:$0x0] =	sbarrier.arrive $0xFFFF  }
0x3d1: {  	_ =	strace $0x90000047  }
0x3d2: {  	s0 =	stileid.u32;
	[bflag:$0x2] =	sbarrier.arrive $0xFFFF  }
0x3d3: {  	p0 =	sne.s32 s0, $0x0;
	s0 =	rddreg [dreg:$0x1]  }
0x3d4: {  	s0 =	sadd.s32 @!p0 $0x100000, s0  }
0x3d5: {  	[sflag:s0] =	ssyncadd.tile.s32 @!p0 $0x1;
	_ =	shalt  }
.Lfunc_end2:
_tile_overlayer_lowered:
.L_overlay_start_2:
0x3d6: {  	(tag) =	ssettag $0x2  }
0x3d7: {  	s0 =	rddreg [dreg:$0x0];
	s2 =	stileid.u32  }
0x3d8: {  	s1 =	rddreg [dreg:$0x1];
	p0 =	sne.s32 s2, $0x0  }
0x3d9: {  	s3 =	rddreg [dreg:$0x2];
	[bflag:$0x3] =	sbarrier.arrive $0xFFFF;
	s2 =	simm.s32 @!p0 $0x1C05  }
0x3da: {  	[timem:s3], [sflag:s2] =	dma.local @!p0 [hbm:s0], s1  }
0x3db: {  	s0 =	simm.s32 @!p0 $0x5  }
0x3dc: {  	_ =	swait.ge @!p0 [sflag:s0], s1  }
0x3dd: {  	s1 =	ssub.s32 @!p0 $0x0, s1;
	[sflag:s0] =	ssyncset.done @!p0 $0x0  }
0x3de: {  	[sflag:s0] =	ssyncadd.s32 @!p0 s1  }
0x3df: {  	[bflag:$0x3] =	sbarrier.arrive $0xFFFF  }
0x3e0: {  	_ =	shalt  }

</sc_bundles>
